<compile_context>
chip_gen: v7x
topology: tpu7x:2x2x1
jax: 0.10.2.dev20260603
libtpu: 0.0.44.dev20260713+nightly
codegen_flags: <defaults>
</compile_context>

<pallas_src>
import functools

import jax
import jax.numpy as jnp
from jax import lax
from jax.experimental import pallas as pl
from jax.experimental.pallas import tpu as pltpu
from jax.experimental.pallas import tpu_sc as plsc

NC, NS = 2, 16
CH = 128
PAD_ROWS = 128


BATCH = 16


def _sc_scatter(x, src1, dst2):
    N, D = x.shape
    W = NC * NS
    nch = src1.shape[0] // CH // W
    NA = N + PAD_ROWS
    rpw = (N // NS) // 8 * 8
    r_last_extra = N - NS * rpw

    mesh = plsc.VectorSubcoreMesh(core_axis_name="c", subcore_axis_name="s")

    @functools.partial(
        pl.kernel,
        mesh=mesh,
        out_type=jax.ShapeDtypeStruct((NC, NA, D), jnp.float32),
        scratch_types=[
            pltpu.VMEM((2, BATCH * CH), jnp.int32),
            pltpu.VMEM((2 * BATCH, CH), jnp.int32),
            pltpu.VMEM((CH, D), jnp.float32),
            pltpu.VMEM((CH, D), jnp.float32),
            pltpu.VMEM_SHARED((NA, D), jnp.float32),
            pltpu.SemaphoreType.DMA,
            pltpu.SemaphoreType.DMA,
            pltpu.SemaphoreType.DMA,
            pltpu.SemaphoreType.DMA,
        ],
    )
    def k(x_hbm, src_hbm, dst_hbm, out_hbm, sbuf, dbuf, rows0, rows1,
          agg_sh, sem0, sem1, semi0, semi1):
        c = lax.axis_index("c")
        s = lax.axis_index("s")
        w = c * NS + s
        off_e = pl.multiple_of(w * nch * CH, 8)
        off_r = pl.multiple_of(w * nch, 8)

        @pl.loop(0, CH)
        def _(i):
            for j in range(D // 16):
                rows0.at[pl.ds(i, 1), pl.ds(j * 16, 16)][...] = (
                    jnp.zeros((1, 16), jnp.float32))

        row0 = pl.multiple_of(s * rpw, 8)

        def zero_rows(nrows, base_row):
            o = 0
            while o < nrows:
                n = min(CH, nrows - o)
                pltpu.sync_copy(rows0.at[pl.ds(0, n)] if n < CH else rows0,
                                agg_sh.at[pl.ds(pl.multiple_of(base_row + o, 8),
                                                n)])
                o += n

        zero_rows(rpw, row0)

        @pl.when(s == NS - 1)
        def _():
            zero_rows(r_last_extra, row0 + rpw)
        plsc.subcore_barrier()

        nb = nch // BATCH

        def fetch_idx(b, half, sem):
            pltpu.async_copy(
                src_hbm.at[pl.ds(pl.multiple_of(off_e + b * (BATCH * CH), 8),
                                 BATCH * CH)], sbuf.at[half], sem)
            pltpu.async_copy(
                dst_hbm.at[pl.ds(pl.multiple_of(off_r + b * BATCH, 8),
                                 BATCH)],
                dbuf.at[pl.ds(pl.multiple_of(half * BATCH, 8), BATCH)], sem)

        def wait_idx(half, sem):
            pltpu.make_async_copy(
                src_hbm.at[pl.ds(0, BATCH * CH)], sbuf.at[half], sem).wait()
            pltpu.make_async_copy(
                dst_hbm.at[pl.ds(0, BATCH)],
                dbuf.at[pl.ds(pl.multiple_of(half * BATCH, 8), BATCH)],
                sem).wait()

        fetch_idx(0, 0, semi0)

        def process(b, half, sem_mine, sem_other):
            @pl.when(b + 1 < nb)
            def _():
                fetch_idx(b + 1, 1 - half, sem_other)
            wait_idx(half, sem_mine)

            sb = sbuf.at[half]
            bufs = (rows0, sem0), (rows1, sem1)
            g = pltpu.async_copy(x_hbm.at[sb.at[pl.ds(0, CH)]], rows0,
                                 sem0)
            for j in range(BATCH):
                cur, _ = bufs[j % 2]
                g_cur = g
                if j + 1 < BATCH:
                    nxt, nsem = bufs[(j + 1) % 2]
                    g = pltpu.async_copy(
                        x_hbm.at[sb.at[pl.ds((j + 1) * CH, CH)]], nxt,
                        nsem)
                g_cur.wait()
                pltpu.sync_copy(cur, agg_sh.at[dbuf.at[half * BATCH + j]],
                                add=True)

        @pl.loop(0, nb // 2)
        def _(bb):
            process(bb * 2, 0, semi0, semi1)
            process(bb * 2 + 1, 1, semi1, semi0)

        if nb % 2:
            process(nb - 1, 0, semi0, semi1)

        plsc.subcore_barrier()
        pltpu.sync_copy(agg_sh.at[pl.ds(row0, rpw)],
                        out_hbm.at[c].at[pl.ds(row0, rpw)])

        @pl.when(s == NS - 1)
        def _():
            off2 = pl.multiple_of(row0 + rpw, 8)
            pltpu.sync_copy(agg_sh.at[pl.ds(off2, r_last_extra)],
                            out_hbm.at[c].at[pl.ds(off2, r_last_extra)])

    return k(x, src1, dst2)


def _mlp_body(x_ref, agg_ref, w1_ref, b1_ref, g_ref, be_ref, mu_ref,
              var_ref, w2_ref, b2_ref, eps_ref, o_ref):
    eps = eps_ref[0, 0]
    h = (1.0 + eps) * x_ref[...] + agg_ref[0] + agg_ref[1]
    h = lax.dot_general(h, w1_ref[...], (((1,), (1,)), ((), ())),
                        preferred_element_type=jnp.float32)
    h = h + b1_ref[...]
    scale = g_ref[...] * lax.rsqrt(var_ref[...] + 1e-5)
    h = (h - mu_ref[...]) * scale + be_ref[...]
    h = jnp.maximum(h, 0.0)
    h = lax.dot_general(h, w2_ref[...], (((1,), (1,)), ((), ())),
                        preferred_element_type=jnp.float32)
    o_ref[...] = h + b2_ref[...]


def kernel(x, edge_index, W1, b1, gamma, beta, running_mean, running_var,
           W2, b2, eps):
    N, D = x.shape
    E = edge_index.shape[1]
    W = NC * NS

    cpw = -(-E // (W * CH))
    cpw = -(-cpw // BATCH) * BATCH
    e_pad = W * cpw * CH - E
    src = edge_index[0]
    dst = edge_index[1]
    if e_pad:
        src = jnp.concatenate(
            [src, jnp.arange(e_pad, dtype=jnp.int32) % jnp.int32(N)])
        dst = jnp.concatenate(
            [dst, N + (jnp.arange(e_pad, dtype=jnp.int32) % PAD_ROWS)])
    agg2 = _sc_scatter(x, src, dst.reshape(-1, CH))

    R = 2000
    vec = lambda v: v.reshape(1, D)
    full = lambda shp: pl.BlockSpec(shp, lambda i: tuple(0 for _ in shp))
    out = pl.pallas_call(
        _mlp_body,
        grid=(N // R,),
        in_specs=[
            pl.BlockSpec((R, D), lambda i: (i, 0)),
            pl.BlockSpec((NC, R, D), lambda i: (0, i, 0)),
            full((D, D)),
            full((1, D)),
            full((1, D)),
            full((1, D)),
            full((1, D)),
            full((1, D)),
            full((D, D)),
            full((1, D)),
            pl.BlockSpec(memory_space=pltpu.SMEM),
        ],
        out_specs=pl.BlockSpec((R, D), lambda i: (i, 0)),
        out_shape=jax.ShapeDtypeStruct((N, D), jnp.float32),
    )(x, agg2, W1, vec(b1), vec(gamma), vec(beta), vec(running_mean),
      vec(running_var), W2, vec(b2), eps.reshape(1, 1))
    return out

# --- scband reference (transcript-rebuilt; emitter-appended) ---
"""Pipeline reference for scband-ginlayer-73478300500080 (READ-ONLY COPY).

The authoritative reference and input builder live on the scoring server;
editing this copy changes nothing except your own understanding.
"""

import jax, jax.numpy as jnp
import numpy as np

N, D, E = 10000, 128, 320000

def setup_inputs(seed: int = 0) -> dict:
    key = jax.random.key(seed)
    ks = jax.random.split(key, 8)
    x = jax.random.normal(ks[0], (N, D), dtype=jnp.float32)
    edge_index = jax.random.randint(ks[1], (2, E), 0, N, dtype=jnp.int32)
    s = 1.0 / np.sqrt(D)
    W1 = jax.random.uniform(ks[2], (D, D), jnp.float32, -s, s)
    b1 = jax.random.uniform(ks[3], (D,), jnp.float32, -s, s)
    gamma = jnp.ones((D,), jnp.float32)
    beta = jnp.zeros((D,), jnp.float32)
    running_mean = jnp.zeros((D,), jnp.float32)
    running_var = jnp.ones((D,), jnp.float32)
    W2 = jax.random.uniform(ks[4], (D, D), jnp.float32, -s, s)
    b2 = jax.random.uniform(ks[5], (D,), jnp.float32, -s, s)
    eps = jnp.zeros((), jnp.float32)
    return {"x": x, "edge_index": edge_index, "W1": W1, "b1": b1, "gamma": gamma, "beta": beta, "running_mean": running_mean, "running_var": running_var, "W2": W2, "b2": b2, "eps": eps}

def reference(x, edge_index, W1, b1, gamma, beta, running_mean, running_var, W2, b2, eps):
    # GINConv: out = MLP((1+eps)*x + sum_{j->i} x_j)
    src, dst = edge_index[0], edge_index[1]
    agg = jnp.zeros_like(x).at[dst].add(x[src])
    h = (1.0 + eps) * x + agg
    # MLP: Linear -> BatchNorm1d (eval mode) -> ReLU -> Linear
    h = h @ W1.T + b1
    h = (h - running_mean) / jnp.sqrt(running_var + 1e-5) * gamma + beta
    h = jax.nn.relu(h)
    h = h @ W2.T + b2
    # Dropout is identity in eval mode
    return h

if __name__ == "__main__":
    import jax
    _d = setup_inputs()
    print(jax.jit(kernel)(*tuple(_d.values())))

</pallas_src>

<mosaic_0001>
#map = affine_map<(d0, d1) -> (0, 0)>
#map1 = affine_map<(d0, d1) -> (0)>
#map2 = affine_map<(d0, d1) -> (0, 0, 0)>
module attributes {stable_mosaic.version = 14 : i64} {
  func.func @k(%arg0: i32, %arg1: i32, %arg2: memref<10000x128xf32, #tpu.memory_space<hbm>>, %arg3: memref<327680xi32, #tpu.memory_space<hbm>>, %arg4: memref<2560x128xi32, #tpu.memory_space<hbm>>, %arg5: memref<2x10128x128xf32, #tpu.memory_space<hbm>>, %arg6: memref<2x2048xi32, #tpu.memory_space<vmem>>, %arg7: memref<32x128xi32, #tpu.memory_space<vmem>>, %arg8: memref<128x128xf32, #tpu.memory_space<vmem>>, %arg9: memref<128x128xf32, #tpu.memory_space<vmem>>, %arg10: memref<10128x128xf32, #tpu.memory_space<vmem_shared>>, %arg11: memref<!tpu.dma_semaphore, #tpu.memory_space<semaphore_mem>>, %arg12: memref<!tpu.dma_semaphore, #tpu.memory_space<semaphore_mem>>, %arg13: memref<!tpu.dma_semaphore, #tpu.memory_space<semaphore_mem>>, %arg14: memref<!tpu.dma_semaphore, #tpu.memory_space<semaphore_mem>>) attributes {dimension_semantics = [#tpu.dimension_semantics<core_parallel>, #tpu.dimension_semantics<subcore_parallel>], iteration_bounds = array<i64: 2, 16>, scalar_prefetch = 0 : i64, scratch_operands = 9 : i64, tpu.core_type = #tpu.core_type<sc_vector_subcore>, window_params = [{transform_indices = #map}, {transform_indices = #map1}, {transform_indices = #map}, {transform_indices = #map2}]} {
    %mul3A = arith.constant 16 : i32
    %mul3A_0 = arith.muli %arg0, %mul3A : i32
    %add3A = arith.addi %mul3A_0, %arg1 : i32
    %mul3A_1 = arith.constant 80 : i32
    %mul3A_2 = arith.muli %add3A, %mul3A_1 : i32
    %mul3A_3 = arith.constant 128 : i32
    %mul3A_4 = arith.muli %mul3A_2, %mul3A_3 : i32
    %multiple_of3A = tpu.assume_multiple %mul3A_4, 8 : i32
    %mul3A_5 = arith.constant 80 : i32
    %mul3A_6 = arith.muli %add3A, %mul3A_5 : i32
    %multiple_of3A_7 = tpu.assume_multiple %mul3A_6, 8 : i32
    %scan3A = arith.constant 0 : i32
    %scan3A_8 = arith.constant 128 : i32
    %scan3A_9 = arith.addi %scan3A, %scan3A_8 : i32
    %scan3A_10 = arith.constant 1 : i32
    scf.for %scan3A_392 = %scan3A to %scan3A_9 step %scan3A_10  : i32 {
      %mul3A_393 = arith.constant 1 : i32
      %mul3A_394 = arith.muli %scan3A_392, %mul3A_393 : i32
      %add3A_395 = arith.constant 0 : i32
      %add3A_396 = arith.addi %add3A_395, %mul3A_394 : i32
      %broadcast_in_dim3A = arith.constant 0.000000e+00 : f32
      %broadcast_in_dim3A_397 = vector.broadcast %broadcast_in_dim3A : f32 to vector<1x16xf32>
      %swap3A = arith.index_cast %add3A_396 : i32 to index
      %swap3A_398 = arith.constant 0 : index
      %swap3A_399 = tpu.vector_load %arg8[%swap3A, %swap3A_398] {strides = array<i32>} : memref<128x128xf32, #tpu.memory_space<vmem>>, vector<1x16xf32>,
      %swap3A_400 = vector.shape_cast %swap3A_399 : vector<1x16xf32> to vector<1x16xf32>
      %swap3A_401 = vector.shape_cast %broadcast_in_dim3A_397 : vector<1x16xf32> to vector<1x16xf32>
      tpu.vector_store %arg8[%swap3A, %swap3A_398], %swap3A_401 {strides = array<i32>} : memref<128x128xf32, #tpu.memory_space<vmem>>, vector<1x16xf32>,
      %broadcast_in_dim3A_402 = arith.constant 0.000000e+00 : f32
      %broadcast_in_dim3A_403 = vector.broadcast %broadcast_in_dim3A_402 : f32 to vector<1x16xf32>
      %swap3A_404 = arith.index_cast %add3A_396 : i32 to index
      %swap3A_405 = arith.constant 16 : index
      %swap3A_406 = tpu.vector_load %arg8[%swap3A_404, %swap3A_405] {strides = array<i32>} : memref<128x128xf32, #tpu.memory_space<vmem>>, vector<1x16xf32>,
      %swap3A_407 = vector.shape_cast %swap3A_406 : vector<1x16xf32> to vector<1x16xf32>
      %swap3A_408 = vector.shape_cast %broadcast_in_dim3A_403 : vector<1x16xf32> to vector<1x16xf32>
      tpu.vector_store %arg8[%swap3A_404, %swap3A_405], %swap3A_408 {strides = array<i32>} : memref<128x128xf32, #tpu.memory_space<vmem>>, vector<1x16xf32>,
      %broadcast_in_dim3A_409 = arith.constant 0.000000e+00 : f32
      %broadcast_in_dim3A_410 = vector.broadcast %broadcast_in_dim3A_409 : f32 to vector<1x16xf32>
      %swap3A_411 = arith.index_cast %add3A_396 : i32 to index
      %swap3A_412 = arith.constant 32 : index
      %swap3A_413 = tpu.vector_load %arg8[%swap3A_411, %swap3A_412] {strides = array<i32>} : memref<128x128xf32, #tpu.memory_space<vmem>>, vector<1x16xf32>,
      %swap3A_414 = vector.shape_cast %swap3A_413 : vector<1x16xf32> to vector<1x16xf32>
      %swap3A_415 = vector.shape_cast %broadcast_in_dim3A_410 : vector<1x16xf32> to vector<1x16xf32>
      tpu.vector_store %arg8[%swap3A_411, %swap3A_412], %swap3A_415 {strides = array<i32>} : memref<128x128xf32, #tpu.memory_space<vmem>>, vector<1x16xf32>,
      %broadcast_in_dim3A_416 = arith.constant 0.000000e+00 : f32
      %broadcast_in_dim3A_417 = vector.broadcast %broadcast_in_dim3A_416 : f32 to vector<1x16xf32>
      %swap3A_418 = arith.index_cast %add3A_396 : i32 to index
      %swap3A_419 = arith.constant 48 : index
      %swap3A_420 = tpu.vector_load %arg8[%swap3A_418, %swap3A_419] {strides = array<i32>} : memref<128x128xf32, #tpu.memory_space<vmem>>, vector<1x16xf32>,
      %swap3A_421 = vector.shape_cast %swap3A_420 : vector<1x16xf32> to vector<1x16xf32>
      %swap3A_422 = vector.shape_cast %broadcast_in_dim3A_417 : vector<1x16xf32> to vector<1x16xf32>
      tpu.vector_store %arg8[%swap3A_418, %swap3A_419], %swap3A_422 {strides = array<i32>} : memref<128x128xf32, #tpu.memory_space<vmem>>, vector<1x16xf32>,
      %broadcast_in_dim3A_423 = arith.constant 0.000000e+00 : f32
      %broadcast_in_dim3A_424 = vector.broadcast %broadcast_in_dim3A_423 : f32 to vector<1x16xf32>
      %swap3A_425 = arith.index_cast %add3A_396 : i32 to index
      %swap3A_426 = arith.constant 64 : index
      %swap3A_427 = tpu.vector_load %arg8[%swap3A_425, %swap3A_426] {strides = array<i32>} : memref<128x128xf32, #tpu.memory_space<vmem>>, vector<1x16xf32>,
      %swap3A_428 = vector.shape_cast %swap3A_427 : vector<1x16xf32> to vector<1x16xf32>
      %swap3A_429 = vector.shape_cast %broadcast_in_dim3A_424 : vector<1x16xf32> to vector<1x16xf32>
      tpu.vector_store %arg8[%swap3A_425, %swap3A_426], %swap3A_429 {strides = array<i32>} : memref<128x128xf32, #tpu.memory_space<vmem>>, vector<1x16xf32>,
      %broadcast_in_dim3A_430 = arith.constant 0.000000e+00 : f32
      %broadcast_in_dim3A_431 = vector.broadcast %broadcast_in_dim3A_430 : f32 to vector<1x16xf32>
      %swap3A_432 = arith.index_cast %add3A_396 : i32 to index
      %swap3A_433 = arith.constant 80 : index
      %swap3A_434 = tpu.vector_load %arg8[%swap3A_432, %swap3A_433] {strides = array<i32>} : memref<128x128xf32, #tpu.memory_space<vmem>>, vector<1x16xf32>,
      %swap3A_435 = vector.shape_cast %swap3A_434 : vector<1x16xf32> to vector<1x16xf32>
      %swap3A_436 = vector.shape_cast %broadcast_in_dim3A_431 : vector<1x16xf32> to vector<1x16xf32>
      tpu.vector_store %arg8[%swap3A_432, %swap3A_433], %swap3A_436 {strides = array<i32>} : memref<128x128xf32, #tpu.memory_space<vmem>>, vector<1x16xf32>,
      %broadcast_in_dim3A_437 = arith.constant 0.000000e+00 : f32
      %broadcast_in_dim3A_438 = vector.broadcast %broadcast_in_dim3A_437 : f32 to vector<1x16xf32>
      %swap3A_439 = arith.index_cast %add3A_396 : i32 to index
      %swap3A_440 = arith.constant 96 : index
      %swap3A_441 = tpu.vector_load %arg8[%swap3A_439, %swap3A_440] {strides = array<i32>} : memref<128x128xf32, #tpu.memory_space<vmem>>, vector<1x16xf32>,
      %swap3A_442 = vector.shape_cast %swap3A_441 : vector<1x16xf32> to vector<1x16xf32>
      %swap3A_443 = vector.shape_cast %broadcast_in_dim3A_438 : vector<1x16xf32> to vector<1x16xf32>
      tpu.vector_store %arg8[%swap3A_439, %swap3A_440], %swap3A_443 {strides = array<i32>} : memref<128x128xf32, #tpu.memory_space<vmem>>, vector<1x16xf32>,
      %broadcast_in_dim3A_444 = arith.constant 0.000000e+00 : f32
      %broadcast_in_dim3A_445 = vector.broadcast %broadcast_in_dim3A_444 : f32 to vector<1x16xf32>
      %swap3A_446 = arith.index_cast %add3A_396 : i32 to index
      %swap3A_447 = arith.constant 112 : index
      %swap3A_448 = tpu.vector_load %arg8[%swap3A_446, %swap3A_447] {strides = array<i32>} : memref<128x128xf32, #tpu.memory_space<vmem>>, vector<1x16xf32>,
      %swap3A_449 = vector.shape_cast %swap3A_448 : vector<1x16xf32> to vector<1x16xf32>
      %swap3A_450 = vector.shape_cast %broadcast_in_dim3A_445 : vector<1x16xf32> to vector<1x16xf32>
      tpu.vector_store %arg8[%swap3A_446, %swap3A_447], %swap3A_450 {strides = array<i32>} : memref<128x128xf32, #tpu.memory_space<vmem>>, vector<1x16xf32>,
    }
    %scan3A_11 = arith.constant 128 : i32
    %mul3A_12 = arith.constant 624 : i32
    %mul3A_13 = arith.muli %arg1, %mul3A_12 : i32
    %multiple_of3A_14 = tpu.assume_multiple %mul3A_13, 8 : i32
    %add3A_15 = arith.constant 0 : i32
    %add3A_16 = arith.addi %multiple_of3A_14, %add3A_15 : i32
    %multiple_of3A_17 = tpu.assume_multiple %add3A_16, 8 : i32
    "tpu.region"() ({
      %run_scoped3A_392 = tpu.sem_alloc : memref<!tpu.dma_semaphore, #tpu.memory_space<semaphore_mem>>
      %dma_start3A_393 = arith.constant 0 : i32
      %dma_start3A_394 = tpu.memref_slice %arg10[%multiple_of3A_17, %dma_start3A_393] : memref<10128x128xf32, #tpu.memory_space<vmem_shared>> -> memref<128x128xf32, #tpu.memory_space<vmem_shared>>
      %dma_start3A_395 = arith.constant 0 : i32
      %dma_start3A_396 = tpu.memref_slice %arg10[%multiple_of3A_17, %dma_start3A_395] : memref<10128x128xf32, #tpu.memory_space<vmem_shared>> -> memref<128x128xf32, #tpu.memory_space<vmem_shared>>
      tpu.enqueue_dma source(%arg8 : memref<128x128xf32, #tpu.memory_space<vmem>>) target(%dma_start3A_396 : memref<128x128xf32, #tpu.memory_space<vmem_shared>>) target_semaphore(%run_scoped3A_392 : memref<!tpu.dma_semaphore, #tpu.memory_space<semaphore_mem>>)
      %dma_wait3A_397 = arith.constant 0 : i32
      %dma_wait3A_398 = tpu.memref_slice %arg10[%multiple_of3A_17, %dma_wait3A_397] : memref<10128x128xf32, #tpu.memory_space<vmem_shared>> -> memref<128x128xf32, #tpu.memory_space<vmem_shared>>
      %dma_wait3A_399 = arith.constant 0 : i32
      %dma_wait3A_400 = tpu.memref_slice %arg10[%multiple_of3A_17, %dma_wait3A_399] : memref<10128x128xf32, #tpu.memory_space<vmem_shared>> -> memref<128x128xf32, #tpu.memory_space<vmem_shared>>
      tpu.wait_dma2 semaphore(%run_scoped3A_392 : memref<!tpu.dma_semaphore, #tpu.memory_space<semaphore_mem>>) src(%arg8 : memref<128x128xf32, #tpu.memory_space<vmem>>) dst(%dma_wait3A_400 : memref<128x128xf32, #tpu.memory_space<vmem_shared>>)
      tpu.yield
    }) : () -> ()
    %add3A_18 = arith.constant 128 : i32
    %add3A_19 = arith.addi %multiple_of3A_14, %add3A_18 : i32
    %multiple_of3A_20 = tpu.assume_multiple %add3A_19, 8 : i32
    "tpu.region"() ({
      %run_scoped3A_392 = tpu.sem_alloc : memref<!tpu.dma_semaphore, #tpu.memory_space<semaphore_mem>>
      %dma_start3A_393 = arith.constant 0 : i32
      %dma_start3A_394 = tpu.memref_slice %arg10[%multiple_of3A_20, %dma_start3A_393] : memref<10128x128xf32, #tpu.memory_space<vmem_shared>> -> memref<128x128xf32, #tpu.memory_space<vmem_shared>>
      %dma_start3A_395 = arith.constant 0 : i32
      %dma_start3A_396 = tpu.memref_slice %arg10[%multiple_of3A_20, %dma_start3A_395] : memref<10128x128xf32, #tpu.memory_space<vmem_shared>> -> memref<128x128xf32, #tpu.memory_space<vmem_shared>>
      tpu.enqueue_dma source(%arg8 : memref<128x128xf32, #tpu.memory_space<vmem>>) target(%dma_start3A_396 : memref<128x128xf32, #tpu.memory_space<vmem_shared>>) target_semaphore(%run_scoped3A_392 : memref<!tpu.dma_semaphore, #tpu.memory_space<semaphore_mem>>)
      %dma_wait3A_397 = arith.constant 0 : i32
      %dma_wait3A_398 = tpu.memref_slice %arg10[%multiple_of3A_20, %dma_wait3A_397] : memref<10128x128xf32, #tpu.memory_space<vmem_shared>> -> memref<128x128xf32, #tpu.memory_space<vmem_shared>>
      %dma_wait3A_399 = arith.constant 0 : i32
      %dma_wait3A_400 = tpu.memref_slice %arg10[%multiple_of3A_20, %dma_wait3A_399] : memref<10128x128xf32, #tpu.memory_space<vmem_shared>> -> memref<128x128xf32, #tpu.memory_space<vmem_shared>>
      tpu.wait_dma2 semaphore(%run_scoped3A_392 : memref<!tpu.dma_semaphore, #tpu.memory_space<semaphore_mem>>) src(%arg8 : memref<128x128xf32, #tpu.memory_space<vmem>>) dst(%dma_wait3A_400 : memref<128x128xf32, #tpu.memory_space<vmem_shared>>)
      tpu.yield
    }) : () -> ()
    %add3A_21 = arith.constant 256 : i32
    %add3A_22 = arith.addi %multiple_of3A_14, %add3A_21 : i32
    %multiple_of3A_23 = tpu.assume_multiple %add3A_22, 8 : i32
    "tpu.region"() ({
      %run_scoped3A_392 = tpu.sem_alloc : memref<!tpu.dma_semaphore, #tpu.memory_space<semaphore_mem>>
      %dma_start3A_393 = arith.constant 0 : i32
      %dma_start3A_394 = tpu.memref_slice %arg10[%multiple_of3A_23, %dma_start3A_393] : memref<10128x128xf32, #tpu.memory_space<vmem_shared>> -> memref<128x128xf32, #tpu.memory_space<vmem_shared>>
      %dma_start3A_395 = arith.constant 0 : i32
      %dma_start3A_396 = tpu.memref_slice %arg10[%multiple_of3A_23, %dma_start3A_395] : memref<10128x128xf32, #tpu.memory_space<vmem_shared>> -> memref<128x128xf32, #tpu.memory_space<vmem_shared>>
      tpu.enqueue_dma source(%arg8 : memref<128x128xf32, #tpu.memory_space<vmem>>) target(%dma_start3A_396 : memref<128x128xf32, #tpu.memory_space<vmem_shared>>) target_semaphore(%run_scoped3A_392 : memref<!tpu.dma_semaphore, #tpu.memory_space<semaphore_mem>>)
      %dma_wait3A_397 = arith.constant 0 : i32
      %dma_wait3A_398 = tpu.memref_slice %arg10[%multiple_of3A_23, %dma_wait3A_397] : memref<10128x128xf32, #tpu.memory_space<vmem_shared>> -> memref<128x128xf32, #tpu.memory_space<vmem_shared>>
      %dma_wait3A_399 = arith.constant 0 : i32
      %dma_wait3A_400 = tpu.memref_slice %arg10[%multiple_of3A_23, %dma_wait3A_399] : memref<10128x128xf32, #tpu.memory_space<vmem_shared>> -> memref<128x128xf32, #tpu.memory_space<vmem_shared>>
      tpu.wait_dma2 semaphore(%run_scoped3A_392 : memref<!tpu.dma_semaphore, #tpu.memory_space<semaphore_mem>>) src(%arg8 : memref<128x128xf32, #tpu.memory_space<vmem>>) dst(%dma_wait3A_400 : memref<128x128xf32, #tpu.memory_space<vmem_shared>>)
      tpu.yield
    }) : () -> ()
    %add3A_24 = arith.constant 384 : i32
    %add3A_25 = arith.addi %multiple_of3A_14, %add3A_24 : i32
    %multiple_of3A_26 = tpu.assume_multiple %add3A_25, 8 : i32
    "tpu.region"() ({
      %run_scoped3A_392 = tpu.sem_alloc : memref<!tpu.dma_semaphore, #tpu.memory_space<semaphore_mem>>
      %dma_start3A_393 = arith.constant 0 : i32
      %dma_start3A_394 = tpu.memref_slice %arg10[%multiple_of3A_26, %dma_start3A_393] : memref<10128x128xf32, #tpu.memory_space<vmem_shared>> -> memref<128x128xf32, #tpu.memory_space<vmem_shared>>
      %dma_start3A_395 = arith.constant 0 : i32
      %dma_start3A_396 = tpu.memref_slice %arg10[%multiple_of3A_26, %dma_start3A_395] : memref<10128x128xf32, #tpu.memory_space<vmem_shared>> -> memref<128x128xf32, #tpu.memory_space<vmem_shared>>
      tpu.enqueue_dma source(%arg8 : memref<128x128xf32, #tpu.memory_space<vmem>>) target(%dma_start3A_396 : memref<128x128xf32, #tpu.memory_space<vmem_shared>>) target_semaphore(%run_scoped3A_392 : memref<!tpu.dma_semaphore, #tpu.memory_space<semaphore_mem>>)
      %dma_wait3A_397 = arith.constant 0 : i32
      %dma_wait3A_398 = tpu.memref_slice %arg10[%multiple_of3A_26, %dma_wait3A_397] : memref<10128x128xf32, #tpu.memory_space<vmem_shared>> -> memref<128x128xf32, #tpu.memory_space<vmem_shared>>
      %dma_wait3A_399 = arith.constant 0 : i32
      %dma_wait3A_400 = tpu.memref_slice %arg10[%multiple_of3A_26, %dma_wait3A_399] : memref<10128x128xf32, #tpu.memory_space<vmem_shared>> -> memref<128x128xf32, #tpu.memory_space<vmem_shared>>
      tpu.wait_dma2 semaphore(%run_scoped3A_392 : memref<!tpu.dma_semaphore, #tpu.memory_space<semaphore_mem>>) src(%arg8 : memref<128x128xf32, #tpu.memory_space<vmem>>) dst(%dma_wait3A_400 : memref<128x128xf32, #tpu.memory_space<vmem_shared>>)
      tpu.yield
    }) : () -> ()
    %add3A_27 = arith.constant 512 : i32
    %add3A_28 = arith.addi %multiple_of3A_14, %add3A_27 : i32
    %multiple_of3A_29 = tpu.assume_multiple %add3A_28, 8 : i32
    "tpu.region"() ({
      %run_scoped3A_392 = tpu.sem_alloc : memref<!tpu.dma_semaphore, #tpu.memory_space<semaphore_mem>>
      %dma_start3A_393 = arith.constant 0 : i32
      %dma_start3A_394 = arith.constant 0 : i32
      %dma_start3A_395 = tpu.memref_slice %arg8[%dma_start3A_393, %dma_start3A_394] : memref<128x128xf32, #tpu.memory_space<vmem>> -> memref<112x128xf32, #tpu.memory_space<vmem>>
      %dma_start3A_396 = arith.constant 0 : i32
      %dma_start3A_397 = tpu.memref_slice %arg10[%multiple_of3A_29, %dma_start3A_396] : memref<10128x128xf32, #tpu.memory_space<vmem_shared>> -> memref<112x128xf32, #tpu.memory_space<vmem_shared>>
      %dma_start3A_398 = arith.constant 0 : i32
      %dma_start3A_399 = tpu.memref_slice %arg10[%multiple_of3A_29, %dma_start3A_398] : memref<10128x128xf32, #tpu.memory_space<vmem_shared>> -> memref<112x128xf32, #tpu.memory_space<vmem_shared>>
      %dma_start3A_400 = arith.constant 0 : i32
      %dma_start3A_401 = arith.constant 0 : i32
      %dma_start3A_402 = tpu.memref_slice %arg8[%dma_start3A_400, %dma_start3A_401] : memref<128x128xf32, #tpu.memory_space<vmem>> -> memref<112x128xf32, #tpu.memory_space<vmem>>
      tpu.enqueue_dma source(%dma_start3A_402 : memref<112x128xf32, #tpu.memory_space<vmem>>) target(%dma_start3A_399 : memref<112x128xf32, #tpu.memory_space<vmem_shared>>) target_semaphore(%run_scoped3A_392 : memref<!tpu.dma_semaphore, #tpu.memory_space<semaphore_mem>>)
      %dma_wait3A_403 = arith.constant 0 : i32
      %dma_wait3A_404 = arith.constant 0 : i32
      %dma_wait3A_405 = tpu.memref_slice %arg8[%dma_wait3A_403, %dma_wait3A_404] : memref<128x128xf32, #tpu.memory_space<vmem>> -> memref<112x128xf32, #tpu.memory_space<vmem>>
      %dma_wait3A_406 = arith.constant 0 : i32
      %dma_wait3A_407 = tpu.memref_slice %arg10[%multiple_of3A_29, %dma_wait3A_406] : memref<10128x128xf32, #tpu.memory_space<vmem_shared>> -> memref<112x128xf32, #tpu.memory_space<vmem_shared>>
      %dma_wait3A_408 = arith.constant 0 : i32
      %dma_wait3A_409 = tpu.memref_slice %arg10[%multiple_of3A_29, %dma_wait3A_408] : memref<10128x128xf32, #tpu.memory_space<vmem_shared>> -> memref<112x128xf32, #tpu.memory_space<vmem_shared>>
      %dma_wait3A_410 = arith.constant 0 : i32
      %dma_wait3A_411 = arith.constant 0 : i32
      %dma_wait3A_412 = tpu.memref_slice %arg8[%dma_wait3A_410, %dma_wait3A_411] : memref<128x128xf32, #tpu.memory_space<vmem>> -> memref<112x128xf32, #tpu.memory_space<vmem>>
      tpu.wait_dma2 semaphore(%run_scoped3A_392 : memref<!tpu.dma_semaphore, #tpu.memory_space<semaphore_mem>>) src(%dma_wait3A_412 : memref<112x128xf32, #tpu.memory_space<vmem>>) dst(%dma_wait3A_409 : memref<112x128xf32, #tpu.memory_space<vmem_shared>>)
      tpu.yield
    }) : () -> ()
    %eq3A = arith.constant 15 : i32
    %eq3A_30 = arith.cmpi eq, %arg1, %eq3A : i32
    %convert_element_type3A = arith.extui %eq3A_30 : i1 to i32
    %cond3A = arith.constant 0 : i32
    %cond3A_31 = arith.cmpi ne, %convert_element_type3A, %cond3A : i32
    scf.if %cond3A_31 {
      %add3A_392 = arith.constant 624 : i32
      %add3A_393 = arith.addi %multiple_of3A_14, %add3A_392 : i32
      %add3A_394 = arith.constant 0 : i32
      %add3A_395 = arith.addi %add3A_393, %add3A_394 : i32
      %multiple_of3A_396 = tpu.assume_multiple %add3A_395, 8 : i32
      "tpu.region"() ({
        %run_scoped3A_397 = tpu.sem_alloc : memref<!tpu.dma_semaphore, #tpu.memory_space<semaphore_mem>>
        %dma_start3A_398 = arith.constant 0 : i32
        %dma_start3A_399 = arith.constant 0 : i32
        %dma_start3A_400 = tpu.memref_slice %arg8[%dma_start3A_398, %dma_start3A_399] : memref<128x128xf32, #tpu.memory_space<vmem>> -> memref<16x128xf32, #tpu.memory_space<vmem>>
        %dma_start3A_401 = arith.constant 0 : i32
        %dma_start3A_402 = tpu.memref_slice %arg10[%multiple_of3A_396, %dma_start3A_401] : memref<10128x128xf32, #tpu.memory_space<vmem_shared>> -> memref<16x128xf32, #tpu.memory_space<vmem_shared>>
        %dma_start3A_403 = arith.constant 0 : i32
        %dma_start3A_404 = tpu.memref_slice %arg10[%multiple_of3A_396, %dma_start3A_403] : memref<10128x128xf32, #tpu.memory_space<vmem_shared>> -> memref<16x128xf32, #tpu.memory_space<vmem_shared>>
        %dma_start3A_405 = arith.constant 0 : i32
        %dma_start3A_406 = arith.constant 0 : i32
        %dma_start3A_407 = tpu.memref_slice %arg8[%dma_start3A_405, %dma_start3A_406] : memref<128x128xf32, #tpu.memory_space<vmem>> -> memref<16x128xf32, #tpu.memory_space<vmem>>
        tpu.enqueue_dma source(%dma_start3A_407 : memref<16x128xf32, #tpu.memory_space<vmem>>) target(%dma_start3A_404 : memref<16x128xf32, #tpu.memory_space<vmem_shared>>) target_semaphore(%run_scoped3A_397 : memref<!tpu.dma_semaphore, #tpu.memory_space<semaphore_mem>>)
        %dma_wait3A_408 = arith.constant 0 : i32
        %dma_wait3A_409 = arith.constant 0 : i32
        %dma_wait3A_410 = tpu.memref_slice %arg8[%dma_wait3A_408, %dma_wait3A_409] : memref<128x128xf32, #tpu.memory_space<vmem>> -> memref<16x128xf32, #tpu.memory_space<vmem>>
        %dma_wait3A_411 = arith.constant 0 : i32
        %dma_wait3A_412 = tpu.memref_slice %arg10[%multiple_of3A_396, %dma_wait3A_411] : memref<10128x128xf32, #tpu.memory_space<vmem_shared>> -> memref<16x128xf32, #tpu.memory_space<vmem_shared>>
        %dma_wait3A_413 = arith.constant 0 : i32
        %dma_wait3A_414 = tpu.memref_slice %arg10[%multiple_of3A_396, %dma_wait3A_413] : memref<10128x128xf32, #tpu.memory_space<vmem_shared>> -> memref<16x128xf32, #tpu.memory_space<vmem_shared>>
        %dma_wait3A_415 = arith.constant 0 : i32
        %dma_wait3A_416 = arith.constant 0 : i32
        %dma_wait3A_417 = tpu.memref_slice %arg8[%dma_wait3A_415, %dma_wait3A_416] : memref<128x128xf32, #tpu.memory_space<vmem>> -> memref<16x128xf32, #tpu.memory_space<vmem>>
        tpu.wait_dma2 semaphore(%run_scoped3A_397 : memref<!tpu.dma_semaphore, #tpu.memory_space<semaphore_mem>>) src(%dma_wait3A_417 : memref<16x128xf32, #tpu.memory_space<vmem>>) dst(%dma_wait3A_414 : memref<16x128xf32, #tpu.memory_space<vmem_shared>>)
        tpu.yield
      }) : () -> ()
    } else {
    }
    %barrier3A = arith.constant 0 : index
    tpu.barrier barrier_id(%barrier3A)
    %add3A_32 = arith.constant 0 : i32
    %add3A_33 = arith.addi %multiple_of3A, %add3A_32 : i32
    %multiple_of3A_34 = tpu.assume_multiple %add3A_33, 8 : i32
    %dma_start3A = arith.constant 0 : i32
    %dma_start3A_35 = arith.constant 0 : i32
    %dma_start3A_36 = tpu.memref_slice %arg6[%dma_start3A, %dma_start3A_35] : memref<2x2048xi32, #tpu.memory_space<vmem>> -> memref<1x2048xi32, #tpu.memory_space<vmem>>
    %dma_start3A_37 = tpu.memref_squeeze %dma_start3A_36 : memref<1x2048xi32, #tpu.memory_space<vmem>> -> memref<2048xi32, #tpu.memory_space<vmem>>
    %dma_start3A_38 = tpu.memref_slice %arg3[%multiple_of3A_34] : memref<327680xi32, #tpu.memory_space<hbm>> -> memref<2048xi32, #tpu.memory_space<hbm>>
    %dma_start3A_39 = arith.constant 0 : i32
    %dma_start3A_40 = tpu.memref_slice %arg6[%dma_start3A, %dma_start3A_39] : memref<2x2048xi32, #tpu.memory_space<vmem>> -> memref<1x2048xi32, #tpu.memory_space<vmem>>
    %dma_start3A_41 = tpu.memref_squeeze %dma_start3A_40 : memref<1x2048xi32, #tpu.memory_space<vmem>> -> memref<2048xi32, #tpu.memory_space<vmem>>
    %dma_start3A_42 = tpu.memref_slice %arg3[%multiple_of3A_34] : memref<327680xi32, #tpu.memory_space<hbm>> -> memref<2048xi32, #tpu.memory_space<hbm>>
    tpu.enqueue_dma source(%dma_start3A_42 : memref<2048xi32, #tpu.memory_space<hbm>>) target(%dma_start3A_41 : memref<2048xi32, #tpu.memory_space<vmem>>) target_semaphore(%arg13 : memref<!tpu.dma_semaphore, #tpu.memory_space<semaphore_mem>>)
    %add3A_43 = arith.constant 0 : i32
    %add3A_44 = arith.addi %multiple_of3A_7, %add3A_43 : i32
    %multiple_of3A_45 = tpu.assume_multiple %add3A_44, 8 : i32
    %multiple_of3A_46 = arith.constant 0 : i32
    %multiple_of3A_47 = tpu.assume_multiple %multiple_of3A_46, 8 : i32
    %dma_start3A_48 = arith.constant 0 : i32
    %dma_start3A_49 = tpu.memref_slice %arg7[%multiple_of3A_47, %dma_start3A_48] : memref<32x128xi32, #tpu.memory_space<vmem>> -> memref<16x128xi32, #tpu.memory_space<vmem>>
    %dma_start3A_50 = arith.constant 0 : i32
    %dma_start3A_51 = tpu.memref_slice %arg4[%multiple_of3A_45, %dma_start3A_50] : memref<2560x128xi32, #tpu.memory_space<hbm>> -> memref<16x128xi32, #tpu.memory_space<hbm>>
    %dma_start3A_52 = arith.constant 0 : i32
    %dma_start3A_53 = tpu.memref_slice %arg7[%multiple_of3A_47, %dma_start3A_52] : memref<32x128xi32, #tpu.memory_space<vmem>> -> memref<16x128xi32, #tpu.memory_space<vmem>>
    %dma_start3A_54 = arith.constant 0 : i32
    %dma_start3A_55 = tpu.memref_slice %arg4[%multiple_of3A_45, %dma_start3A_54] : memref<2560x128xi32, #tpu.memory_space<hbm>> -> memref<16x128xi32, #tpu.memory_space<hbm>>
    tpu.enqueue_dma source(%dma_start3A_55 : memref<16x128xi32, #tpu.memory_space<hbm>>) target(%dma_start3A_53 : memref<16x128xi32, #tpu.memory_space<vmem>>) target_semaphore(%arg13 : memref<!tpu.dma_semaphore, #tpu.memory_space<semaphore_mem>>)
    %scan3A_56 = arith.constant 0 : i32
    %scan3A_57 = arith.constant 2 : i32
    %scan3A_58 = arith.addi %scan3A_56, %scan3A_57 : i32
    %scan3A_59 = arith.constant 1 : i32
    scf.for %scan3A_392 = %scan3A_56 to %scan3A_58 step %scan3A_59  : i32 {
      %mul3A_393 = arith.constant 1 : i32
      %mul3A_394 = arith.muli %scan3A_392, %mul3A_393 : i32
      %add3A_395 = arith.constant 0 : i32
      %add3A_396 = arith.addi %add3A_395, %mul3A_394 : i32
      %mul3A_397 = arith.constant 2 : i32
      %mul3A_398 = arith.muli %add3A_396, %mul3A_397 : i32
      %add3A_399 = arith.constant 1 : i32
      %add3A_400 = arith.addi %mul3A_398, %add3A_399 : i32
      %lt3A = arith.constant 5 : i32
      %lt3A_401 = arith.cmpi slt, %add3A_400, %lt3A : i32
      %convert_element_type3A_402 = arith.extui %lt3A_401 : i1 to i32
      %cond3A_403 = arith.constant 0 : i32
      %cond3A_404 = arith.cmpi ne, %convert_element_type3A_402, %cond3A_403 : i32
      scf.if %cond3A_404 {
        %add3A_1070 = arith.constant 1 : i32
        %add3A_1071 = arith.addi %mul3A_398, %add3A_1070 : i32
        %mul3A_1072 = arith.constant 2048 : i32
        %mul3A_1073 = arith.muli %add3A_1071, %mul3A_1072 : i32
        %add3A_1074 = arith.addi %multiple_of3A, %mul3A_1073 : i32
        %multiple_of3A_1075 = tpu.assume_multiple %add3A_1074, 8 : i32
        %dma_start3A_1076 = arith.constant 1 : i32
        %dma_start3A_1077 = arith.constant 0 : i32
        %dma_start3A_1078 = tpu.memref_slice %arg6[%dma_start3A_1076, %dma_start3A_1077] : memref<2x2048xi32, #tpu.memory_space<vmem>> -> memref<1x2048xi32, #tpu.memory_space<vmem>>
        %dma_start3A_1079 = tpu.memref_squeeze %dma_start3A_1078 : memref<1x2048xi32, #tpu.memory_space<vmem>> -> memref<2048xi32, #tpu.memory_space<vmem>>
        %dma_start3A_1080 = tpu.memref_slice %arg3[%multiple_of3A_1075] : memref<327680xi32, #tpu.memory_space<hbm>> -> memref<2048xi32, #tpu.memory_space<hbm>>
        %dma_start3A_1081 = arith.constant 0 : i32
        %dma_start3A_1082 = tpu.memref_slice %arg6[%dma_start3A_1076, %dma_start3A_1081] : memref<2x2048xi32, #tpu.memory_space<vmem>> -> memref<1x2048xi32, #tpu.memory_space<vmem>>
        %dma_start3A_1083 = tpu.memref_squeeze %dma_start3A_1082 : memref<1x2048xi32, #tpu.memory_space<vmem>> -> memref<2048xi32, #tpu.memory_space<vmem>>
        %dma_start3A_1084 = tpu.memref_slice %arg3[%multiple_of3A_1075] : memref<327680xi32, #tpu.memory_space<hbm>> -> memref<2048xi32, #tpu.memory_space<hbm>>
        tpu.enqueue_dma source(%dma_start3A_1084 : memref<2048xi32, #tpu.memory_space<hbm>>) target(%dma_start3A_1083 : memref<2048xi32, #tpu.memory_space<vmem>>) target_semaphore(%arg14 : memref<!tpu.dma_semaphore, #tpu.memory_space<semaphore_mem>>)
        %mul3A_1085 = arith.constant 16 : i32
        %mul3A_1086 = arith.muli %add3A_1071, %mul3A_1085 : i32
        %add3A_1087 = arith.addi %multiple_of3A_7, %mul3A_1086 : i32
        %multiple_of3A_1088 = tpu.assume_multiple %add3A_1087, 8 : i32
        %multiple_of3A_1089 = arith.constant 16 : i32
        %multiple_of3A_1090 = tpu.assume_multiple %multiple_of3A_1089, 8 : i32
        %dma_start3A_1091 = arith.constant 0 : i32
        %dma_start3A_1092 = tpu.memref_slice %arg7[%multiple_of3A_1090, %dma_start3A_1091] : memref<32x128xi32, #tpu.memory_space<vmem>> -> memref<16x128xi32, #tpu.memory_space<vmem>>
        %dma_start3A_1093 = arith.constant 0 : i32
        %dma_start3A_1094 = tpu.memref_slice %arg4[%multiple_of3A_1088, %dma_start3A_1093] : memref<2560x128xi32, #tpu.memory_space<hbm>> -> memref<16x128xi32, #tpu.memory_space<hbm>>
        %dma_start3A_1095 = arith.constant 0 : i32
        %dma_start3A_1096 = tpu.memref_slice %arg7[%multiple_of3A_1090, %dma_start3A_1095] : memref<32x128xi32, #tpu.memory_space<vmem>> -> memref<16x128xi32, #tpu.memory_space<vmem>>
        %dma_start3A_1097 = arith.constant 0 : i32
        %dma_start3A_1098 = tpu.memref_slice %arg4[%multiple_of3A_1088, %dma_start3A_1097] : memref<2560x128xi32, #tpu.memory_space<hbm>> -> memref<16x128xi32, #tpu.memory_space<hbm>>
        tpu.enqueue_dma source(%dma_start3A_1098 : memref<16x128xi32, #tpu.memory_space<hbm>>) target(%dma_start3A_1096 : memref<16x128xi32, #tpu.memory_space<vmem>>) target_semaphore(%arg14 : memref<!tpu.dma_semaphore, #tpu.memory_space<semaphore_mem>>)
      } else {
      }
      %dma_wait3A_405 = arith.constant 0 : i32
      %dma_wait3A_406 = arith.constant 0 : i32
      %dma_wait3A_407 = tpu.memref_slice %arg6[%dma_wait3A_405, %dma_wait3A_406] : memref<2x2048xi32, #tpu.memory_space<vmem>> -> memref<1x2048xi32, #tpu.memory_space<vmem>>
      %dma_wait3A_408 = tpu.memref_squeeze %dma_wait3A_407 : memref<1x2048xi32, #tpu.memory_space<vmem>> -> memref<2048xi32, #tpu.memory_space<vmem>>
      %dma_wait3A_409 = arith.constant 0 : i32
      %dma_wait3A_410 = tpu.memref_slice %arg3[%dma_wait3A_409] : memref<327680xi32, #tpu.memory_space<hbm>> -> memref<2048xi32, #tpu.memory_space<hbm>>
      %dma_wait3A_411 = arith.constant 0 : i32
      %dma_wait3A_412 = tpu.memref_slice %arg6[%dma_wait3A_405, %dma_wait3A_411] : memref<2x2048xi32, #tpu.memory_space<vmem>> -> memref<1x2048xi32, #tpu.memory_space<vmem>>
      %dma_wait3A_413 = tpu.memref_squeeze %dma_wait3A_412 : memref<1x2048xi32, #tpu.memory_space<vmem>> -> memref<2048xi32, #tpu.memory_space<vmem>>
      %dma_wait3A_414 = arith.constant 0 : i32
      %dma_wait3A_415 = tpu.memref_slice %arg3[%dma_wait3A_414] : memref<327680xi32, #tpu.memory_space<hbm>> -> memref<2048xi32, #tpu.memory_space<hbm>>
      tpu.wait_dma2 semaphore(%arg13 : memref<!tpu.dma_semaphore, #tpu.memory_space<semaphore_mem>>) src(%dma_wait3A_415 : memref<2048xi32, #tpu.memory_space<hbm>>) dst(%dma_wait3A_413 : memref<2048xi32, #tpu.memory_space<vmem>>)
      %multiple_of3A_416 = arith.constant 0 : i32
      %multiple_of3A_417 = tpu.assume_multiple %multiple_of3A_416, 8 : i32
      %dma_wait3A_418 = arith.constant 0 : i32
      %dma_wait3A_419 = tpu.memref_slice %arg7[%multiple_of3A_417, %dma_wait3A_418] : memref<32x128xi32, #tpu.memory_space<vmem>> -> memref<16x128xi32, #tpu.memory_space<vmem>>
      %dma_wait3A_420 = arith.constant 0 : i32
      %dma_wait3A_421 = arith.constant 0 : i32
      %dma_wait3A_422 = tpu.memref_slice %arg4[%dma_wait3A_420, %dma_wait3A_421] : memref<2560x128xi32, #tpu.memory_space<hbm>> -> memref<16x128xi32, #tpu.memory_space<hbm>>
      %dma_wait3A_423 = arith.constant 0 : i32
      %dma_wait3A_424 = tpu.memref_slice %arg7[%multiple_of3A_417, %dma_wait3A_423] : memref<32x128xi32, #tpu.memory_space<vmem>> -> memref<16x128xi32, #tpu.memory_space<vmem>>
      %dma_wait3A_425 = arith.constant 0 : i32
      %dma_wait3A_426 = arith.constant 0 : i32
      %dma_wait3A_427 = tpu.memref_slice %arg4[%dma_wait3A_425, %dma_wait3A_426] : memref<2560x128xi32, #tpu.memory_space<hbm>> -> memref<16x128xi32, #tpu.memory_space<hbm>>
      tpu.wait_dma2 semaphore(%arg13 : memref<!tpu.dma_semaphore, #tpu.memory_space<semaphore_mem>>) src(%dma_wait3A_427 : memref<16x128xi32, #tpu.memory_space<hbm>>) dst(%dma_wait3A_424 : memref<16x128xi32, #tpu.memory_space<vmem>>)
      %dma_start3A_428 = arith.constant 0 : i32
      %dma_start3A_429 = arith.constant 0 : i32
      %dma_start3A_430 = tpu.memref_slice %arg6[%dma_start3A_428, %dma_start3A_429] : memref<2x2048xi32, #tpu.memory_space<vmem>> -> memref<1x2048xi32, #tpu.memory_space<vmem>>
      %dma_start3A_431 = tpu.memref_squeeze %dma_start3A_430 : memref<1x2048xi32, #tpu.memory_space<vmem>> -> memref<2048xi32, #tpu.memory_space<vmem>>
      %dma_start3A_432 = arith.constant 0 : i32
      %dma_start3A_433 = tpu.memref_slice %dma_start3A_431[%dma_start3A_432] : memref<2048xi32, #tpu.memory_space<vmem>> -> memref<128xi32, #tpu.memory_space<vmem>>
      %dma_start3A_434 = arith.constant 0 : i32
      %dma_start3A_435 = arith.constant 0 : i32
      %dma_start3A_436 = tpu.memref_slice %arg2[%dma_start3A_434, %dma_start3A_435] : memref<10000x128xf32, #tpu.memory_space<hbm>> -> memref<10000x128xf32, #tpu.memory_space<hbm>>
      tpu.enqueue_indirect_dma source(%dma_start3A_436 : memref<10000x128xf32, #tpu.memory_space<hbm>>) target(%arg8 : memref<128x128xf32, #tpu.memory_space<vmem>>) offsets(%dma_start3A_433 : memref<128xi32, #tpu.memory_space<vmem>>) semaphore(%arg11 : memref<!tpu.dma_semaphore, #tpu.memory_space<semaphore_mem>>)
      %dma_start3A_437 = arith.constant 0 : i32
      %dma_start3A_438 = arith.constant 0 : i32
      %dma_start3A_439 = tpu.memref_slice %arg6[%dma_start3A_437, %dma_start3A_438] : memref<2x2048xi32, #tpu.memory_space<vmem>> -> memref<1x2048xi32, #tpu.memory_space<vmem>>
      %dma_start3A_440 = tpu.memref_squeeze %dma_start3A_439 : memref<1x2048xi32, #tpu.memory_space<vmem>> -> memref<2048xi32, #tpu.memory_space<vmem>>
      %dma_start3A_441 = arith.constant 128 : i32
      %dma_start3A_442 = tpu.memref_slice %dma_start3A_440[%dma_start3A_441] : memref<2048xi32, #tpu.memory_space<vmem>> -> memref<128xi32, #tpu.memory_space<vmem>>
      %dma_start3A_443 = arith.constant 0 : i32
      %dma_start3A_444 = arith.constant 0 : i32
      %dma_start3A_445 = tpu.memref_slice %arg2[%dma_start3A_443, %dma_start3A_444] : memref<10000x128xf32, #tpu.memory_space<hbm>> -> memref<10000x128xf32, #tpu.memory_space<hbm>>
      tpu.enqueue_indirect_dma source(%dma_start3A_445 : memref<10000x128xf32, #tpu.memory_space<hbm>>) target(%arg9 : memref<128x128xf32, #tpu.memory_space<vmem>>) offsets(%dma_start3A_442 : memref<128xi32, #tpu.memory_space<vmem>>) semaphore(%arg12 : memref<!tpu.dma_semaphore, #tpu.memory_space<semaphore_mem>>)
      %dma_wait3A_446 = arith.constant 0 : i32
      %dma_wait3A_447 = arith.constant 0 : i32
      %dma_wait3A_448 = tpu.memref_slice %arg6[%dma_wait3A_446, %dma_wait3A_447] : memref<2x2048xi32, #tpu.memory_space<vmem>> -> memref<1x2048xi32, #tpu.memory_space<vmem>>
      %dma_wait3A_449 = tpu.memref_squeeze %dma_wait3A_448 : memref<1x2048xi32, #tpu.memory_space<vmem>> -> memref<2048xi32, #tpu.memory_space<vmem>>
      %dma_wait3A_450 = arith.constant 0 : i32
      %dma_wait3A_451 = tpu.memref_slice %dma_wait3A_449[%dma_wait3A_450] : memref<2048xi32, #tpu.memory_space<vmem>> -> memref<128xi32, #tpu.memory_space<vmem>>
      %dma_wait3A_452 = arith.constant 0 : i32
      %dma_wait3A_453 = arith.constant 0 : i32
      %dma_wait3A_454 = tpu.memref_slice %arg2[%dma_wait3A_452, %dma_wait3A_453] : memref<10000x128xf32, #tpu.memory_space<hbm>> -> memref<10000x128xf32, #tpu.memory_space<hbm>>
      tpu.wait_indirect_dma semaphore(%arg11 : memref<!tpu.dma_semaphore, #tpu.memory_space<semaphore_mem>>) src(%dma_wait3A_454 : memref<10000x128xf32, #tpu.memory_space<hbm>>) dst(%arg8 : memref<128x128xf32, #tpu.memory_space<vmem>>)
      %run_scoped3A_455 = arith.constant 0 : i32
      "tpu.region"() ({
        %run_scoped3A_1070 = tpu.sem_alloc : memref<!tpu.dma_semaphore, #tpu.memory_space<semaphore_mem>>
        %dma_start3A_1071 = arith.constant 0 : i32
        %dma_start3A_1072 = tpu.memref_slice %arg7[%run_scoped3A_455, %dma_start3A_1071] : memref<32x128xi32, #tpu.memory_space<vmem>> -> memref<1x128xi32, #tpu.memory_space<vmem>>
        %dma_start3A_1073 = tpu.memref_squeeze %dma_start3A_1072 : memref<1x128xi32, #tpu.memory_space<vmem>> -> memref<128xi32, #tpu.memory_space<vmem>>
        %dma_start3A_1074 = arith.constant 0 : i32
        %dma_start3A_1075 = arith.constant 0 : i32
        %dma_start3A_1076 = tpu.memref_slice %arg10[%dma_start3A_1074, %dma_start3A_1075] : memref<10128x128xf32, #tpu.memory_space<vmem_shared>> -> memref<10128x128xf32, #tpu.memory_space<vmem_shared>>
        tpu.enqueue_indirect_dma source(%arg8 : memref<128x128xf32, #tpu.memory_space<vmem>>) target(%dma_start3A_1076 : memref<10128x128xf32, #tpu.memory_space<vmem_shared>>) offsets(%dma_start3A_1073 : memref<128xi32, #tpu.memory_space<vmem>>) semaphore(%run_scoped3A_1070 : memref<!tpu.dma_semaphore, #tpu.memory_space<semaphore_mem>>) {add = true}
        %dma_wait3A_1077 = arith.constant 0 : i32
        %dma_wait3A_1078 = tpu.memref_slice %arg7[%run_scoped3A_455, %dma_wait3A_1077] : memref<32x128xi32, #tpu.memory_space<vmem>> -> memref<1x128xi32, #tpu.memory_space<vmem>>
        %dma_wait3A_1079 = tpu.memref_squeeze %dma_wait3A_1078 : memref<1x128xi32, #tpu.memory_space<vmem>> -> memref<128xi32, #tpu.memory_space<vmem>>
        %dma_wait3A_1080 = arith.constant 0 : i32
        %dma_wait3A_1081 = arith.constant 0 : i32
        %dma_wait3A_1082 = tpu.memref_slice %arg10[%dma_wait3A_1080, %dma_wait3A_1081] : memref<10128x128xf32, #tpu.memory_space<vmem_shared>> -> memref<10128x128xf32, #tpu.memory_space<vmem_shared>>
        tpu.wait_indirect_dma semaphore(%run_scoped3A_1070 : memref<!tpu.dma_semaphore, #tpu.memory_space<semaphore_mem>>) src(%arg8 : memref<128x128xf32, #tpu.memory_space<vmem>>) dst(%dma_wait3A_1082 : memref<10128x128xf32, #tpu.memory_space<vmem_shared>>)
        tpu.yield
      }) : () -> ()
      %dma_start3A_456 = arith.constant 0 : i32
      %dma_start3A_457 = arith.constant 0 : i32
      %dma_start3A_458 = tpu.memref_slice %arg6[%dma_start3A_456, %dma_start3A_457] : memref<2x2048xi32, #tpu.memory_space<vmem>> -> memref<1x2048xi32, #tpu.memory_space<vmem>>
      %dma_start3A_459 = tpu.memref_squeeze %dma_start3A_458 : memref<1x2048xi32, #tpu.memory_space<vmem>> -> memref<2048xi32, #tpu.memory_space<vmem>>
      %dma_start3A_460 = arith.constant 256 : i32
      %dma_start3A_461 = tpu.memref_slice %dma_start3A_459[%dma_start3A_460] : memref<2048xi32, #tpu.memory_space<vmem>> -> memref<128xi32, #tpu.memory_space<vmem>>
      %dma_start3A_462 = arith.constant 0 : i32
      %dma_start3A_463 = arith.constant 0 : i32
      %dma_start3A_464 = tpu.memref_slice %arg2[%dma_start3A_462, %dma_start3A_463] : memref<10000x128xf32, #tpu.memory_space<hbm>> -> memref<10000x128xf32, #tpu.memory_space<hbm>>
      tpu.enqueue_indirect_dma source(%dma_start3A_464 : memref<10000x128xf32, #tpu.memory_space<hbm>>) target(%arg8 : memref<128x128xf32, #tpu.memory_space<vmem>>) offsets(%dma_start3A_461 : memref<128xi32, #tpu.memory_space<vmem>>) semaphore(%arg11 : memref<!tpu.dma_semaphore, #tpu.memory_space<semaphore_mem>>)
      %dma_wait3A_465 = arith.constant 0 : i32
      %dma_wait3A_466 = arith.constant 0 : i32
      %dma_wait3A_467 = tpu.memref_slice %arg6[%dma_wait3A_465, %dma_wait3A_466] : memref<2x2048xi32, #tpu.memory_space<vmem>> -> memref<1x2048xi32, #tpu.memory_space<vmem>>
      %dma_wait3A_468 = tpu.memref_squeeze %dma_wait3A_467 : memref<1x2048xi32, #tpu.memory_space<vmem>> -> memref<2048xi32, #tpu.memory_space<vmem>>
      %dma_wait3A_469 = arith.constant 128 : i32
      %dma_wait3A_470 = tpu.memref_slice %dma_wait3A_468[%dma_wait3A_469] : memref<2048xi32, #tpu.memory_space<vmem>> -> memref<128xi32, #tpu.memory_space<vmem>>
      %dma_wait3A_471 = arith.constant 0 : i32
      %dma_wait3A_472 = arith.constant 0 : i32
      %dma_wait3A_473 = tpu.memref_slice %arg2[%dma_wait3A_471, %dma_wait3A_472] : memref<10000x128xf32, #tpu.memory_space<hbm>> -> memref<10000x128xf32, #tpu.memory_space<hbm>>
      tpu.wait_indirect_dma semaphore(%arg12 : memref<!tpu.dma_semaphore, #tpu.memory_space<semaphore_mem>>) src(%dma_wait3A_473 : memref<10000x128xf32, #tpu.memory_space<hbm>>) dst(%arg9 : memref<128x128xf32, #tpu.memory_space<vmem>>)
      %run_scoped3A_474 = arith.constant 1 : i32
      "tpu.region"() ({
        %run_scoped3A_1070 = tpu.sem_alloc : memref<!tpu.dma_semaphore, #tpu.memory_space<semaphore_mem>>
        %dma_start3A_1071 = arith.constant 0 : i32
        %dma_start3A_1072 = tpu.memref_slice %arg7[%run_scoped3A_474, %dma_start3A_1071] : memref<32x128xi32, #tpu.memory_space<vmem>> -> memref<1x128xi32, #tpu.memory_space<vmem>>
        %dma_start3A_1073 = tpu.memref_squeeze %dma_start3A_1072 : memref<1x128xi32, #tpu.memory_space<vmem>> -> memref<128xi32, #tpu.memory_space<vmem>>
        %dma_start3A_1074 = arith.constant 0 : i32
        %dma_start3A_1075 = arith.constant 0 : i32
        %dma_start3A_1076 = tpu.memref_slice %arg10[%dma_start3A_1074, %dma_start3A_1075] : memref<10128x128xf32, #tpu.memory_space<vmem_shared>> -> memref<10128x128xf32, #tpu.memory_space<vmem_shared>>
        tpu.enqueue_indirect_dma source(%arg9 : memref<128x128xf32, #tpu.memory_space<vmem>>) target(%dma_start3A_1076 : memref<10128x128xf32, #tpu.memory_space<vmem_shared>>) offsets(%dma_start3A_1073 : memref<128xi32, #tpu.memory_space<vmem>>) semaphore(%run_scoped3A_1070 : memref<!tpu.dma_semaphore, #tpu.memory_space<semaphore_mem>>) {add = true}
        %dma_wait3A_1077 = arith.constant 0 : i32
        %dma_wait3A_1078 = tpu.memref_slice %arg7[%run_scoped3A_474, %dma_wait3A_1077] : memref<32x128xi32, #tpu.memory_space<vmem>> -> memref<1x128xi32, #tpu.memory_space<vmem>>
        %dma_wait3A_1079 = tpu.memref_squeeze %dma_wait3A_1078 : memref<1x128xi32, #tpu.memory_space<vmem>> -> memref<128xi32, #tpu.memory_space<vmem>>
        %dma_wait3A_1080 = arith.constant 0 : i32
        %dma_wait3A_1081 = arith.constant 0 : i32
        %dma_wait3A_1082 = tpu.memref_slice %arg10[%dma_wait3A_1080, %dma_wait3A_1081] : memref<10128x128xf32, #tpu.memory_space<vmem_shared>> -> memref<10128x128xf32, #tpu.memory_space<vmem_shared>>
        tpu.wait_indirect_dma semaphore(%run_scoped3A_1070 : memref<!tpu.dma_semaphore, #tpu.memory_space<semaphore_mem>>) src(%arg9 : memref<128x128xf32, #tpu.memory_space<vmem>>) dst(%dma_wait3A_1082 : memref<10128x128xf32, #tpu.memory_space<vmem_shared>>)
        tpu.yield
      }) : () -> ()
      %dma_start3A_475 = arith.constant 0 : i32
      %dma_start3A_476 = arith.constant 0 : i32
      %dma_start3A_477 = tpu.memref_slice %arg6[%dma_start3A_475, %dma_start3A_476] : memref<2x2048xi32, #tpu.memory_space<vmem>> -> memref<1x2048xi32, #tpu.memory_space<vmem>>
      %dma_start3A_478 = tpu.memref_squeeze %dma_start3A_477 : memref<1x2048xi32, #tpu.memory_space<vmem>> -> memref<2048xi32, #tpu.memory_space<vmem>>
      %dma_start3A_479 = arith.constant 384 : i32
      %dma_start3A_480 = tpu.memref_slice %dma_start3A_478[%dma_start3A_479] : memref<2048xi32, #tpu.memory_space<vmem>> -> memref<128xi32, #tpu.memory_space<vmem>>
      %dma_start3A_481 = arith.constant 0 : i32
      %dma_start3A_482 = arith.constant 0 : i32
      %dma_start3A_483 = tpu.memref_slice %arg2[%dma_start3A_481, %dma_start3A_482] : memref<10000x128xf32, #tpu.memory_space<hbm>> -> memref<10000x128xf32, #tpu.memory_space<hbm>>
      tpu.enqueue_indirect_dma source(%dma_start3A_483 : memref<10000x128xf32, #tpu.memory_space<hbm>>) target(%arg9 : memref<128x128xf32, #tpu.memory_space<vmem>>) offsets(%dma_start3A_480 : memref<128xi32, #tpu.memory_space<vmem>>) semaphore(%arg12 : memref<!tpu.dma_semaphore, #tpu.memory_space<semaphore_mem>>)
      %dma_wait3A_484 = arith.constant 0 : i32
      %dma_wait3A_485 = arith.constant 0 : i32
      %dma_wait3A_486 = tpu.memref_slice %arg6[%dma_wait3A_484, %dma_wait3A_485] : memref<2x2048xi32, #tpu.memory_space<vmem>> -> memref<1x2048xi32, #tpu.memory_space<vmem>>
      %dma_wait3A_487 = tpu.memref_squeeze %dma_wait3A_486 : memref<1x2048xi32, #tpu.memory_space<vmem>> -> memref<2048xi32, #tpu.memory_space<vmem>>
      %dma_wait3A_488 = arith.constant 256 : i32
      %dma_wait3A_489 = tpu.memref_slice %dma_wait3A_487[%dma_wait3A_488] : memref<2048xi32, #tpu.memory_space<vmem>> -> memref<128xi32, #tpu.memory_space<vmem>>
      %dma_wait3A_490 = arith.constant 0 : i32
      %dma_wait3A_491 = arith.constant 0 : i32
      %dma_wait3A_492 = tpu.memref_slice %arg2[%dma_wait3A_490, %dma_wait3A_491] : memref<10000x128xf32, #tpu.memory_space<hbm>> -> memref<10000x128xf32, #tpu.memory_space<hbm>>
      tpu.wait_indirect_dma semaphore(%arg11 : memref<!tpu.dma_semaphore, #tpu.memory_space<semaphore_mem>>) src(%dma_wait3A_492 : memref<10000x128xf32, #tpu.memory_space<hbm>>) dst(%arg8 : memref<128x128xf32, #tpu.memory_space<vmem>>)
      %run_scoped3A_493 = arith.constant 2 : i32
      "tpu.region"() ({
        %run_scoped3A_1070 = tpu.sem_alloc : memref<!tpu.dma_semaphore, #tpu.memory_space<semaphore_mem>>
        %dma_start3A_1071 = arith.constant 0 : i32
        %dma_start3A_1072 = tpu.memref_slice %arg7[%run_scoped3A_493, %dma_start3A_1071] : memref<32x128xi32, #tpu.memory_space<vmem>> -> memref<1x128xi32, #tpu.memory_space<vmem>>
        %dma_start3A_1073 = tpu.memref_squeeze %dma_start3A_1072 : memref<1x128xi32, #tpu.memory_space<vmem>> -> memref<128xi32, #tpu.memory_space<vmem>>
        %dma_start3A_1074 = arith.constant 0 : i32
        %dma_start3A_1075 = arith.constant 0 : i32
        %dma_start3A_1076 = tpu.memref_slice %arg10[%dma_start3A_1074, %dma_start3A_1075] : memref<10128x128xf32, #tpu.memory_space<vmem_shared>> -> memref<10128x128xf32, #tpu.memory_space<vmem_shared>>
        tpu.enqueue_indirect_dma source(%arg8 : memref<128x128xf32, #tpu.memory_space<vmem>>) target(%dma_start3A_1076 : memref<10128x128xf32, #tpu.memory_space<vmem_shared>>) offsets(%dma_start3A_1073 : memref<128xi32, #tpu.memory_space<vmem>>) semaphore(%run_scoped3A_1070 : memref<!tpu.dma_semaphore, #tpu.memory_space<semaphore_mem>>) {add = true}
        %dma_wait3A_1077 = arith.constant 0 : i32
        %dma_wait3A_1078 = tpu.memref_slice %arg7[%run_scoped3A_493, %dma_wait3A_1077] : memref<32x128xi32, #tpu.memory_space<vmem>> -> memref<1x128xi32, #tpu.memory_space<vmem>>
        %dma_wait3A_1079 = tpu.memref_squeeze %dma_wait3A_1078 : memref<1x128xi32, #tpu.memory_space<vmem>> -> memref<128xi32, #tpu.memory_space<vmem>>
        %dma_wait3A_1080 = arith.constant 0 : i32
        %dma_wait3A_1081 = arith.constant 0 : i32
        %dma_wait3A_1082 = tpu.memref_slice %arg10[%dma_wait3A_1080, %dma_wait3A_1081] : memref<10128x128xf32, #tpu.memory_space<vmem_shared>> -> memref<10128x128xf32, #tpu.memory_space<vmem_shared>>
        tpu.wait_indirect_dma semaphore(%run_scoped3A_1070 : memref<!tpu.dma_semaphore, #tpu.memory_space<semaphore_mem>>) src(%arg8 : memref<128x128xf32, #tpu.memory_space<vmem>>) dst(%dma_wait3A_1082 : memref<10128x128xf32, #tpu.memory_space<vmem_shared>>)
        tpu.yield
      }) : () -> ()
      %dma_start3A_494 = arith.constant 0 : i32
      %dma_start3A_495 = arith.constant 0 : i32
      %dma_start3A_496 = tpu.memref_slice %arg6[%dma_start3A_494, %dma_start3A_495] : memref<2x2048xi32, #tpu.memory_space<vmem>> -> memref<1x2048xi32, #tpu.memory_space<vmem>>
      %dma_start3A_497 = tpu.memref_squeeze %dma_start3A_496 : memref<1x2048xi32, #tpu.memory_space<vmem>> -> memref<2048xi32, #tpu.memory_space<vmem>>
      %dma_start3A_498 = arith.constant 512 : i32
      %dma_start3A_499 = tpu.memref_slice %dma_start3A_497[%dma_start3A_498] : memref<2048xi32, #tpu.memory_space<vmem>> -> memref<128xi32, #tpu.memory_space<vmem>>
      %dma_start3A_500 = arith.constant 0 : i32
      %dma_start3A_501 = arith.constant 0 : i32
      %dma_start3A_502 = tpu.memref_slice %arg2[%dma_start3A_500, %dma_start3A_501] : memref<10000x128xf32, #tpu.memory_space<hbm>> -> memref<10000x128xf32, #tpu.memory_space<hbm>>
      tpu.enqueue_indirect_dma source(%dma_start3A_502 : memref<10000x128xf32, #tpu.memory_space<hbm>>) target(%arg8 : memref<128x128xf32, #tpu.memory_space<vmem>>) offsets(%dma_start3A_499 : memref<128xi32, #tpu.memory_space<vmem>>) semaphore(%arg11 : memref<!tpu.dma_semaphore, #tpu.memory_space<semaphore_mem>>)
      %dma_wait3A_503 = arith.constant 0 : i32
      %dma_wait3A_504 = arith.constant 0 : i32
      %dma_wait3A_505 = tpu.memref_slice %arg6[%dma_wait3A_503, %dma_wait3A_504] : memref<2x2048xi32, #tpu.memory_space<vmem>> -> memref<1x2048xi32, #tpu.memory_space<vmem>>
      %dma_wait3A_506 = tpu.memref_squeeze %dma_wait3A_505 : memref<1x2048xi32, #tpu.memory_space<vmem>> -> memref<2048xi32, #tpu.memory_space<vmem>>
      %dma_wait3A_507 = arith.constant 384 : i32
      %dma_wait3A_508 = tpu.memref_slice %dma_wait3A_506[%dma_wait3A_507] : memref<2048xi32, #tpu.memory_space<vmem>> -> memref<128xi32, #tpu.memory_space<vmem>>
      %dma_wait3A_509 = arith.constant 0 : i32
      %dma_wait3A_510 = arith.constant 0 : i32
      %dma_wait3A_511 = tpu.memref_slice %arg2[%dma_wait3A_509, %dma_wait3A_510] : memref<10000x128xf32, #tpu.memory_space<hbm>> -> memref<10000x128xf32, #tpu.memory_space<hbm>>
      tpu.wait_indirect_dma semaphore(%arg12 : memref<!tpu.dma_semaphore, #tpu.memory_space<semaphore_mem>>) src(%dma_wait3A_511 : memref<10000x128xf32, #tpu.memory_space<hbm>>) dst(%arg9 : memref<128x128xf32, #tpu.memory_space<vmem>>)
      %run_scoped3A_512 = arith.constant 3 : i32
      "tpu.region"() ({
        %run_scoped3A_1070 = tpu.sem_alloc : memref<!tpu.dma_semaphore, #tpu.memory_space<semaphore_mem>>
        %dma_start3A_1071 = arith.constant 0 : i32
        %dma_start3A_1072 = tpu.memref_slice %arg7[%run_scoped3A_512, %dma_start3A_1071] : memref<32x128xi32, #tpu.memory_space<vmem>> -> memref<1x128xi32, #tpu.memory_space<vmem>>
        %dma_start3A_1073 = tpu.memref_squeeze %dma_start3A_1072 : memref<1x128xi32, #tpu.memory_space<vmem>> -> memref<128xi32, #tpu.memory_space<vmem>>
        %dma_start3A_1074 = arith.constant 0 : i32
        %dma_start3A_1075 = arith.constant 0 : i32
        %dma_start3A_1076 = tpu.memref_slice %arg10[%dma_start3A_1074, %dma_start3A_1075] : memref<10128x128xf32, #tpu.memory_space<vmem_shared>> -> memref<10128x128xf32, #tpu.memory_space<vmem_shared>>
        tpu.enqueue_indirect_dma source(%arg9 : memref<128x128xf32, #tpu.memory_space<vmem>>) target(%dma_start3A_1076 : memref<10128x128xf32, #tpu.memory_space<vmem_shared>>) offsets(%dma_start3A_1073 : memref<128xi32, #tpu.memory_space<vmem>>) semaphore(%run_scoped3A_1070 : memref<!tpu.dma_semaphore, #tpu.memory_space<semaphore_mem>>) {add = true}
        %dma_wait3A_1077 = arith.constant 0 : i32
        %dma_wait3A_1078 = tpu.memref_slice %arg7[%run_scoped3A_512, %dma_wait3A_1077] : memref<32x128xi32, #tpu.memory_space<vmem>> -> memref<1x128xi32, #tpu.memory_space<vmem>>
        %dma_wait3A_1079 = tpu.memref_squeeze %dma_wait3A_1078 : memref<1x128xi32, #tpu.memory_space<vmem>> -> memref<128xi32, #tpu.memory_space<vmem>>
        %dma_wait3A_1080 = arith.constant 0 : i32
        %dma_wait3A_1081 = arith.constant 0 : i32
        %dma_wait3A_1082 = tpu.memref_slice %arg10[%dma_wait3A_1080, %dma_wait3A_1081] : memref<10128x128xf32, #tpu.memory_space<vmem_shared>> -> memref<10128x128xf32, #tpu.memory_space<vmem_shared>>
        tpu.wait_indirect_dma semaphore(%run_scoped3A_1070 : memref<!tpu.dma_semaphore, #tpu.memory_space<semaphore_mem>>) src(%arg9 : memref<128x128xf32, #tpu.memory_space<vmem>>) dst(%dma_wait3A_1082 : memref<10128x128xf32, #tpu.memory_space<vmem_shared>>)
        tpu.yield
      }) : () -> ()
      %dma_start3A_513 = arith.constant 0 : i32
      %dma_start3A_514 = arith.constant 0 : i32
      %dma_start3A_515 = tpu.memref_slice %arg6[%dma_start3A_513, %dma_start3A_514] : memref<2x2048xi32, #tpu.memory_space<vmem>> -> memref<1x2048xi32, #tpu.memory_space<vmem>>
      %dma_start3A_516 = tpu.memref_squeeze %dma_start3A_515 : memref<1x2048xi32, #tpu.memory_space<vmem>> -> memref<2048xi32, #tpu.memory_space<vmem>>
      %dma_start3A_517 = arith.constant 640 : i32
      %dma_start3A_518 = tpu.memref_slice %dma_start3A_516[%dma_start3A_517] : memref<2048xi32, #tpu.memory_space<vmem>> -> memref<128xi32, #tpu.memory_space<vmem>>
      %dma_start3A_519 = arith.constant 0 : i32
      %dma_start3A_520 = arith.constant 0 : i32
      %dma_start3A_521 = tpu.memref_slice %arg2[%dma_start3A_519, %dma_start3A_520] : memref<10000x128xf32, #tpu.memory_space<hbm>> -> memref<10000x128xf32, #tpu.memory_space<hbm>>
      tpu.enqueue_indirect_dma source(%dma_start3A_521 : memref<10000x128xf32, #tpu.memory_space<hbm>>) target(%arg9 : memref<128x128xf32, #tpu.memory_space<vmem>>) offsets(%dma_start3A_518 : memref<128xi32, #tpu.memory_space<vmem>>) semaphore(%arg12 : memref<!tpu.dma_semaphore, #tpu.memory_space<semaphore_mem>>)
      %dma_wait3A_522 = arith.constant 0 : i32
      %dma_wait3A_523 = arith.constant 0 : i32
      %dma_wait3A_524 = tpu.memref_slice %arg6[%dma_wait3A_522, %dma_wait3A_523] : memref<2x2048xi32, #tpu.memory_space<vmem>> -> memref<1x2048xi32, #tpu.memory_space<vmem>>
      %dma_wait3A_525 = tpu.memref_squeeze %dma_wait3A_524 : memref<1x2048xi32, #tpu.memory_space<vmem>> -> memref<2048xi32, #tpu.memory_space<vmem>>
      %dma_wait3A_526 = arith.constant 512 : i32
      %dma_wait3A_527 = tpu.memref_slice %dma_wait3A_525[%dma_wait3A_526] : memref<2048xi32, #tpu.memory_space<vmem>> -> memref<128xi32, #tpu.memory_space<vmem>>
      %dma_wait3A_528 = arith.constant 0 : i32
      %dma_wait3A_529 = arith.constant 0 : i32
      %dma_wait3A_530 = tpu.memref_slice %arg2[%dma_wait3A_528, %dma_wait3A_529] : memref<10000x128xf32, #tpu.memory_space<hbm>> -> memref<10000x128xf32, #tpu.memory_space<hbm>>
      tpu.wait_indirect_dma semaphore(%arg11 : memref<!tpu.dma_semaphore, #tpu.memory_space<semaphore_mem>>) src(%dma_wait3A_530 : memref<10000x128xf32, #tpu.memory_space<hbm>>) dst(%arg8 : memref<128x128xf32, #tpu.memory_space<vmem>>)
      %run_scoped3A_531 = arith.constant 4 : i32
      "tpu.region"() ({
        %run_scoped3A_1070 = tpu.sem_alloc : memref<!tpu.dma_semaphore, #tpu.memory_space<semaphore_mem>>
        %dma_start3A_1071 = arith.constant 0 : i32
        %dma_start3A_1072 = tpu.memref_slice %arg7[%run_scoped3A_531, %dma_start3A_1071] : memref<32x128xi32, #tpu.memory_space<vmem>> -> memref<1x128xi32, #tpu.memory_space<vmem>>
        %dma_start3A_1073 = tpu.memref_squeeze %dma_start3A_1072 : memref<1x128xi32, #tpu.memory_space<vmem>> -> memref<128xi32, #tpu.memory_space<vmem>>
        %dma_start3A_1074 = arith.constant 0 : i32
        %dma_start3A_1075 = arith.constant 0 : i32
        %dma_start3A_1076 = tpu.memref_slice %arg10[%dma_start3A_1074, %dma_start3A_1075] : memref<10128x128xf32, #tpu.memory_space<vmem_shared>> -> memref<10128x128xf32, #tpu.memory_space<vmem_shared>>
        tpu.enqueue_indirect_dma source(%arg8 : memref<128x128xf32, #tpu.memory_space<vmem>>) target(%dma_start3A_1076 : memref<10128x128xf32, #tpu.memory_space<vmem_shared>>) offsets(%dma_start3A_1073 : memref<128xi32, #tpu.memory_space<vmem>>) semaphore(%run_scoped3A_1070 : memref<!tpu.dma_semaphore, #tpu.memory_space<semaphore_mem>>) {add = true}
        %dma_wait3A_1077 = arith.constant 0 : i32
        %dma_wait3A_1078 = tpu.memref_slice %arg7[%run_scoped3A_531, %dma_wait3A_1077] : memref<32x128xi32, #tpu.memory_space<vmem>> -> memref<1x128xi32, #tpu.memory_space<vmem>>
        %dma_wait3A_1079 = tpu.memref_squeeze %dma_wait3A_1078 : memref<1x128xi32, #tpu.memory_space<vmem>> -> memref<128xi32, #tpu.memory_space<vmem>>
        %dma_wait3A_1080 = arith.constant 0 : i32
        %dma_wait3A_1081 = arith.constant 0 : i32
        %dma_wait3A_1082 = tpu.memref_slice %arg10[%dma_wait3A_1080, %dma_wait3A_1081] : memref<10128x128xf32, #tpu.memory_space<vmem_shared>> -> memref<10128x128xf32, #tpu.memory_space<vmem_shared>>
        tpu.wait_indirect_dma semaphore(%run_scoped3A_1070 : memref<!tpu.dma_semaphore, #tpu.memory_space<semaphore_mem>>) src(%arg8 : memref<128x128xf32, #tpu.memory_space<vmem>>) dst(%dma_wait3A_1082 : memref<10128x128xf32, #tpu.memory_space<vmem_shared>>)
        tpu.yield
      }) : () -> ()
      %dma_start3A_532 = arith.constant 0 : i32
      %dma_start3A_533 = arith.constant 0 : i32
      %dma_start3A_534 = tpu.memref_slice %arg6[%dma_start3A_532, %dma_start3A_533] : memref<2x2048xi32, #tpu.memory_space<vmem>> -> memref<1x2048xi32, #tpu.memory_space<vmem>>
      %dma_start3A_535 = tpu.memref_squeeze %dma_start3A_534 : memref<1x2048xi32, #tpu.memory_space<vmem>> -> memref<2048xi32, #tpu.memory_space<vmem>>
      %dma_start3A_536 = arith.constant 768 : i32
      %dma_start3A_537 = tpu.memref_slice %dma_start3A_535[%dma_start3A_536] : memref<2048xi32, #tpu.memory_space<vmem>> -> memref<128xi32, #tpu.memory_space<vmem>>
      %dma_start3A_538 = arith.constant 0 : i32
      %dma_start3A_539 = arith.constant 0 : i32
      %dma_start3A_540 = tpu.memref_slice %arg2[%dma_start3A_538, %dma_start3A_539] : memref<10000x128xf32, #tpu.memory_space<hbm>> -> memref<10000x128xf32, #tpu.memory_space<hbm>>
      tpu.enqueue_indirect_dma source(%dma_start3A_540 : memref<10000x128xf32, #tpu.memory_space<hbm>>) target(%arg8 : memref<128x128xf32, #tpu.memory_space<vmem>>) offsets(%dma_start3A_537 : memref<128xi32, #tpu.memory_space<vmem>>) semaphore(%arg11 : memref<!tpu.dma_semaphore, #tpu.memory_space<semaphore_mem>>)
      %dma_wait3A_541 = arith.constant 0 : i32
      %dma_wait3A_542 = arith.constant 0 : i32
      %dma_wait3A_543 = tpu.memref_slice %arg6[%dma_wait3A_541, %dma_wait3A_542] : memref<2x2048xi32, #tpu.memory_space<vmem>> -> memref<1x2048xi32, #tpu.memory_space<vmem>>
      %dma_wait3A_544 = tpu.memref_squeeze %dma_wait3A_543 : memref<1x2048xi32, #tpu.memory_space<vmem>> -> memref<2048xi32, #tpu.memory_space<vmem>>
      %dma_wait3A_545 = arith.constant 640 : i32
      %dma_wait3A_546 = tpu.memref_slice %dma_wait3A_544[%dma_wait3A_545] : memref<2048xi32, #tpu.memory_space<vmem>> -> memref<128xi32, #tpu.memory_space<vmem>>
      %dma_wait3A_547 = arith.constant 0 : i32
      %dma_wait3A_548 = arith.constant 0 : i32
      %dma_wait3A_549 = tpu.memref_slice %arg2[%dma_wait3A_547, %dma_wait3A_548] : memref<10000x128xf32, #tpu.memory_space<hbm>> -> memref<10000x128xf32, #tpu.memory_space<hbm>>
      tpu.wait_indirect_dma semaphore(%arg12 : memref<!tpu.dma_semaphore, #tpu.memory_space<semaphore_mem>>) src(%dma_wait3A_549 : memref<10000x128xf32, #tpu.memory_space<hbm>>) dst(%arg9 : memref<128x128xf32, #tpu.memory_space<vmem>>)
      %run_scoped3A_550 = arith.constant 5 : i32
      "tpu.region"() ({
        %run_scoped3A_1070 = tpu.sem_alloc : memref<!tpu.dma_semaphore, #tpu.memory_space<semaphore_mem>>
        %dma_start3A_1071 = arith.constant 0 : i32
        %dma_start3A_1072 = tpu.memref_slice %arg7[%run_scoped3A_550, %dma_start3A_1071] : memref<32x128xi32, #tpu.memory_space<vmem>> -> memref<1x128xi32, #tpu.memory_space<vmem>>
        %dma_start3A_1073 = tpu.memref_squeeze %dma_start3A_1072 : memref<1x128xi32, #tpu.memory_space<vmem>> -> memref<128xi32, #tpu.memory_space<vmem>>
        %dma_start3A_1074 = arith.constant 0 : i32
        %dma_start3A_1075 = arith.constant 0 : i32
        %dma_start3A_1076 = tpu.memref_slice %arg10[%dma_start3A_1074, %dma_start3A_1075] : memref<10128x128xf32, #tpu.memory_space<vmem_shared>> -> memref<10128x128xf32, #tpu.memory_space<vmem_shared>>
        tpu.enqueue_indirect_dma source(%arg9 : memref<128x128xf32, #tpu.memory_space<vmem>>) target(%dma_start3A_1076 : memref<10128x128xf32, #tpu.memory_space<vmem_shared>>) offsets(%dma_start3A_1073 : memref<128xi32, #tpu.memory_space<vmem>>) semaphore(%run_scoped3A_1070 : memref<!tpu.dma_semaphore, #tpu.memory_space<semaphore_mem>>) {add = true}
        %dma_wait3A_1077 = arith.constant 0 : i32
        %dma_wait3A_1078 = tpu.memref_slice %arg7[%run_scoped3A_550, %dma_wait3A_1077] : memref<32x128xi32, #tpu.memory_space<vmem>> -> memref<1x128xi32, #tpu.memory_space<vmem>>
        %dma_wait3A_1079 = tpu.memref_squeeze %dma_wait3A_1078 : memref<1x128xi32, #tpu.memory_space<vmem>> -> memref<128xi32, #tpu.memory_space<vmem>>
        %dma_wait3A_1080 = arith.constant 0 : i32
        %dma_wait3A_1081 = arith.constant 0 : i32
        %dma_wait3A_1082 = tpu.memref_slice %arg10[%dma_wait3A_1080, %dma_wait3A_1081] : memref<10128x128xf32, #tpu.memory_space<vmem_shared>> -> memref<10128x128xf32, #tpu.memory_space<vmem_shared>>
        tpu.wait_indirect_dma semaphore(%run_scoped3A_1070 : memref<!tpu.dma_semaphore, #tpu.memory_space<semaphore_mem>>) src(%arg9 : memref<128x128xf32, #tpu.memory_space<vmem>>) dst(%dma_wait3A_1082 : memref<10128x128xf32, #tpu.memory_space<vmem_shared>>)
        tpu.yield
      }) : () -> ()
      %dma_start3A_551 = arith.constant 0 : i32
      %dma_start3A_552 = arith.constant 0 : i32
      %dma_start3A_553 = tpu.memref_slice %arg6[%dma_start3A_551, %dma_start3A_552] : memref<2x2048xi32, #tpu.memory_space<vmem>> -> memref<1x2048xi32, #tpu.memory_space<vmem>>
      %dma_start3A_554 = tpu.memref_squeeze %dma_start3A_553 : memref<1x2048xi32, #tpu.memory_space<vmem>> -> memref<2048xi32, #tpu.memory_space<vmem>>
      %dma_start3A_555 = arith.constant 896 : i32
      %dma_start3A_556 = tpu.memref_slice %dma_start3A_554[%dma_start3A_555] : memref<2048xi32, #tpu.memory_space<vmem>> -> memref<128xi32, #tpu.memory_space<vmem>>
      %dma_start3A_557 = arith.constant 0 : i32
      %dma_start3A_558 = arith.constant 0 : i32
      %dma_start3A_559 = tpu.memref_slice %arg2[%dma_start3A_557, %dma_start3A_558] : memref<10000x128xf32, #tpu.memory_space<hbm>> -> memref<10000x128xf32, #tpu.memory_space<hbm>>
      tpu.enqueue_indirect_dma source(%dma_start3A_559 : memref<10000x128xf32, #tpu.memory_space<hbm>>) target(%arg9 : memref<128x128xf32, #tpu.memory_space<vmem>>) offsets(%dma_start3A_556 : memref<128xi32, #tpu.memory_space<vmem>>) semaphore(%arg12 : memref<!tpu.dma_semaphore, #tpu.memory_space<semaphore_mem>>)
      %dma_wait3A_560 = arith.constant 0 : i32
      %dma_wait3A_561 = arith.constant 0 : i32
      %dma_wait3A_562 = tpu.memref_slice %arg6[%dma_wait3A_560, %dma_wait3A_561] : memref<2x2048xi32, #tpu.memory_space<vmem>> -> memref<1x2048xi32, #tpu.memory_space<vmem>>
      %dma_wait3A_563 = tpu.memref_squeeze %dma_wait3A_562 : memref<1x2048xi32, #tpu.memory_space<vmem>> -> memref<2048xi32, #tpu.memory_space<vmem>>
      %dma_wait3A_564 = arith.constant 768 : i32
      %dma_wait3A_565 = tpu.memref_slice %dma_wait3A_563[%dma_wait3A_564] : memref<2048xi32, #tpu.memory_space<vmem>> -> memref<128xi32, #tpu.memory_space<vmem>>
      %dma_wait3A_566 = arith.constant 0 : i32
      %dma_wait3A_567 = arith.constant 0 : i32
      %dma_wait3A_568 = tpu.memref_slice %arg2[%dma_wait3A_566, %dma_wait3A_567] : memref<10000x128xf32, #tpu.memory_space<hbm>> -> memref<10000x128xf32, #tpu.memory_space<hbm>>
      tpu.wait_indirect_dma semaphore(%arg11 : memref<!tpu.dma_semaphore, #tpu.memory_space<semaphore_mem>>) src(%dma_wait3A_568 : memref<10000x128xf32, #tpu.memory_space<hbm>>) dst(%arg8 : memref<128x128xf32, #tpu.memory_space<vmem>>)
      %run_scoped3A_569 = arith.constant 6 : i32
      "tpu.region"() ({
        %run_scoped3A_1070 = tpu.sem_alloc : memref<!tpu.dma_semaphore, #tpu.memory_space<semaphore_mem>>
        %dma_start3A_1071 = arith.constant 0 : i32
        %dma_start3A_1072 = tpu.memref_slice %arg7[%run_scoped3A_569, %dma_start3A_1071] : memref<32x128xi32, #tpu.memory_space<vmem>> -> memref<1x128xi32, #tpu.memory_space<vmem>>
        %dma_start3A_1073 = tpu.memref_squeeze %dma_start3A_1072 : memref<1x128xi32, #tpu.memory_space<vmem>> -> memref<128xi32, #tpu.memory_space<vmem>>
        %dma_start3A_1074 = arith.constant 0 : i32
        %dma_start3A_1075 = arith.constant 0 : i32
        %dma_start3A_1076 = tpu.memref_slice %arg10[%dma_start3A_1074, %dma_start3A_1075] : memref<10128x128xf32, #tpu.memory_space<vmem_shared>> -> memref<10128x128xf32, #tpu.memory_space<vmem_shared>>
        tpu.enqueue_indirect_dma source(%arg8 : memref<128x128xf32, #tpu.memory_space<vmem>>) target(%dma_start3A_1076 : memref<10128x128xf32, #tpu.memory_space<vmem_shared>>) offsets(%dma_start3A_1073 : memref<128xi32, #tpu.memory_space<vmem>>) semaphore(%run_scoped3A_1070 : memref<!tpu.dma_semaphore, #tpu.memory_space<semaphore_mem>>) {add = true}
        %dma_wait3A_1077 = arith.constant 0 : i32
        %dma_wait3A_1078 = tpu.memref_slice %arg7[%run_scoped3A_569, %dma_wait3A_1077] : memref<32x128xi32, #tpu.memory_space<vmem>> -> memref<1x128xi32, #tpu.memory_space<vmem>>
        %dma_wait3A_1079 = tpu.memref_squeeze %dma_wait3A_1078 : memref<1x128xi32, #tpu.memory_space<vmem>> -> memref<128xi32, #tpu.memory_space<vmem>>
        %dma_wait3A_1080 = arith.constant 0 : i32
        %dma_wait3A_1081 = arith.constant 0 : i32
        %dma_wait3A_1082 = tpu.memref_slice %arg10[%dma_wait3A_1080, %dma_wait3A_1081] : memref<10128x128xf32, #tpu.memory_space<vmem_shared>> -> memref<10128x128xf32, #tpu.memory_space<vmem_shared>>
        tpu.wait_indirect_dma semaphore(%run_scoped3A_1070 : memref<!tpu.dma_semaphore, #tpu.memory_space<semaphore_mem>>) src(%arg8 : memref<128x128xf32, #tpu.memory_space<vmem>>) dst(%dma_wait3A_1082 : memref<10128x128xf32, #tpu.memory_space<vmem_shared>>)
        tpu.yield
      }) : () -> ()
      %dma_start3A_570 = arith.constant 0 : i32
      %dma_start3A_571 = arith.constant 0 : i32
      %dma_start3A_572 = tpu.memref_slice %arg6[%dma_start3A_570, %dma_start3A_571] : memref<2x2048xi32, #tpu.memory_space<vmem>> -> memref<1x2048xi32, #tpu.memory_space<vmem>>
      %dma_start3A_573 = tpu.memref_squeeze %dma_start3A_572 : memref<1x2048xi32, #tpu.memory_space<vmem>> -> memref<2048xi32, #tpu.memory_space<vmem>>
      %dma_start3A_574 = arith.constant 1024 : i32
      %dma_start3A_575 = tpu.memref_slice %dma_start3A_573[%dma_start3A_574] : memref<2048xi32, #tpu.memory_space<vmem>> -> memref<128xi32, #tpu.memory_space<vmem>>
      %dma_start3A_576 = arith.constant 0 : i32
      %dma_start3A_577 = arith.constant 0 : i32
      %dma_start3A_578 = tpu.memref_slice %arg2[%dma_start3A_576, %dma_start3A_577] : memref<10000x128xf32, #tpu.memory_space<hbm>> -> memref<10000x128xf32, #tpu.memory_space<hbm>>
      tpu.enqueue_indirect_dma source(%dma_start3A_578 : memref<10000x128xf32, #tpu.memory_space<hbm>>) target(%arg8 : memref<128x128xf32, #tpu.memory_space<vmem>>) offsets(%dma_start3A_575 : memref<128xi32, #tpu.memory_space<vmem>>) semaphore(%arg11 : memref<!tpu.dma_semaphore, #tpu.memory_space<semaphore_mem>>)
      %dma_wait3A_579 = arith.constant 0 : i32
      %dma_wait3A_580 = arith.constant 0 : i32
      %dma_wait3A_581 = tpu.memref_slice %arg6[%dma_wait3A_579, %dma_wait3A_580] : memref<2x2048xi32, #tpu.memory_space<vmem>> -> memref<1x2048xi32, #tpu.memory_space<vmem>>
      %dma_wait3A_582 = tpu.memref_squeeze %dma_wait3A_581 : memref<1x2048xi32, #tpu.memory_space<vmem>> -> memref<2048xi32, #tpu.memory_space<vmem>>
      %dma_wait3A_583 = arith.constant 896 : i32
      %dma_wait3A_584 = tpu.memref_slice %dma_wait3A_582[%dma_wait3A_583] : memref<2048xi32, #tpu.memory_space<vmem>> -> memref<128xi32, #tpu.memory_space<vmem>>
      %dma_wait3A_585 = arith.constant 0 : i32
      %dma_wait3A_586 = arith.constant 0 : i32
      %dma_wait3A_587 = tpu.memref_slice %arg2[%dma_wait3A_585, %dma_wait3A_586] : memref<10000x128xf32, #tpu.memory_space<hbm>> -> memref<10000x128xf32, #tpu.memory_space<hbm>>
      tpu.wait_indirect_dma semaphore(%arg12 : memref<!tpu.dma_semaphore, #tpu.memory_space<semaphore_mem>>) src(%dma_wait3A_587 : memref<10000x128xf32, #tpu.memory_space<hbm>>) dst(%arg9 : memref<128x128xf32, #tpu.memory_space<vmem>>)
      %run_scoped3A_588 = arith.constant 7 : i32
      "tpu.region"() ({
        %run_scoped3A_1070 = tpu.sem_alloc : memref<!tpu.dma_semaphore, #tpu.memory_space<semaphore_mem>>
        %dma_start3A_1071 = arith.constant 0 : i32
        %dma_start3A_1072 = tpu.memref_slice %arg7[%run_scoped3A_588, %dma_start3A_1071] : memref<32x128xi32, #tpu.memory_space<vmem>> -> memref<1x128xi32, #tpu.memory_space<vmem>>
        %dma_start3A_1073 = tpu.memref_squeeze %dma_start3A_1072 : memref<1x128xi32, #tpu.memory_space<vmem>> -> memref<128xi32, #tpu.memory_space<vmem>>
        %dma_start3A_1074 = arith.constant 0 : i32
        %dma_start3A_1075 = arith.constant 0 : i32
        %dma_start3A_1076 = tpu.memref_slice %arg10[%dma_start3A_1074, %dma_start3A_1075] : memref<10128x128xf32, #tpu.memory_space<vmem_shared>> -> memref<10128x128xf32, #tpu.memory_space<vmem_shared>>
        tpu.enqueue_indirect_dma source(%arg9 : memref<128x128xf32, #tpu.memory_space<vmem>>) target(%dma_start3A_1076 : memref<10128x128xf32, #tpu.memory_space<vmem_shared>>) offsets(%dma_start3A_1073 : memref<128xi32, #tpu.memory_space<vmem>>) semaphore(%run_scoped3A_1070 : memref<!tpu.dma_semaphore, #tpu.memory_space<semaphore_mem>>) {add = true}
        %dma_wait3A_1077 = arith.constant 0 : i32
        %dma_wait3A_1078 = tpu.memref_slice %arg7[%run_scoped3A_588, %dma_wait3A_1077] : memref<32x128xi32, #tpu.memory_space<vmem>> -> memref<1x128xi32, #tpu.memory_space<vmem>>
        %dma_wait3A_1079 = tpu.memref_squeeze %dma_wait3A_1078 : memref<1x128xi32, #tpu.memory_space<vmem>> -> memref<128xi32, #tpu.memory_space<vmem>>
        %dma_wait3A_1080 = arith.constant 0 : i32
        %dma_wait3A_1081 = arith.constant 0 : i32
        %dma_wait3A_1082 = tpu.memref_slice %arg10[%dma_wait3A_1080, %dma_wait3A_1081] : memref<10128x128xf32, #tpu.memory_space<vmem_shared>> -> memref<10128x128xf32, #tpu.memory_space<vmem_shared>>
        tpu.wait_indirect_dma semaphore(%run_scoped3A_1070 : memref<!tpu.dma_semaphore, #tpu.memory_space<semaphore_mem>>) src(%arg9 : memref<128x128xf32, #tpu.memory_space<vmem>>) dst(%dma_wait3A_1082 : memref<10128x128xf32, #tpu.memory_space<vmem_shared>>)
        tpu.yield
      }) : () -> ()
      %dma_start3A_589 = arith.constant 0 : i32
      %dma_start3A_590 = arith.constant 0 : i32
      %dma_start3A_591 = tpu.memref_slice %arg6[%dma_start3A_589, %dma_start3A_590] : memref<2x2048xi32, #tpu.memory_space<vmem>> -> memref<1x2048xi32, #tpu.memory_space<vmem>>
      %dma_start3A_592 = tpu.memref_squeeze %dma_start3A_591 : memref<1x2048xi32, #tpu.memory_space<vmem>> -> memref<2048xi32, #tpu.memory_space<vmem>>
      %dma_start3A_593 = arith.constant 1152 : i32
      %dma_start3A_594 = tpu.memref_slice %dma_start3A_592[%dma_start3A_593] : memref<2048xi32, #tpu.memory_space<vmem>> -> memref<128xi32, #tpu.memory_space<vmem>>
      %dma_start3A_595 = arith.constant 0 : i32
      %dma_start3A_596 = arith.constant 0 : i32
      %dma_start3A_597 = tpu.memref_slice %arg2[%dma_start3A_595, %dma_start3A_596] : memref<10000x128xf32, #tpu.memory_space<hbm>> -> memref<10000x128xf32, #tpu.memory_space<hbm>>
      tpu.enqueue_indirect_dma source(%dma_start3A_597 : memref<10000x128xf32, #tpu.memory_space<hbm>>) target(%arg9 : memref<128x128xf32, #tpu.memory_space<vmem>>) offsets(%dma_start3A_594 : memref<128xi32, #tpu.memory_space<vmem>>) semaphore(%arg12 : memref<!tpu.dma_semaphore, #tpu.memory_space<semaphore_mem>>)
      %dma_wait3A_598 = arith.constant 0 : i32
      %dma_wait3A_599 = arith.constant 0 : i32
      %dma_wait3A_600 = tpu.memref_slice %arg6[%dma_wait3A_598, %dma_wait3A_599] : memref<2x2048xi32, #tpu.memory_space<vmem>> -> memref<1x2048xi32, #tpu.memory_space<vmem>>
      %dma_wait3A_601 = tpu.memref_squeeze %dma_wait3A_600 : memref<1x2048xi32, #tpu.memory_space<vmem>> -> memref<2048xi32, #tpu.memory_space<vmem>>
      %dma_wait3A_602 = arith.constant 1024 : i32
      %dma_wait3A_603 = tpu.memref_slice %dma_wait3A_601[%dma_wait3A_602] : memref<2048xi32, #tpu.memory_space<vmem>> -> memref<128xi32, #tpu.memory_space<vmem>>
      %dma_wait3A_604 = arith.constant 0 : i32
      %dma_wait3A_605 = arith.constant 0 : i32
      %dma_wait3A_606 = tpu.memref_slice %arg2[%dma_wait3A_604, %dma_wait3A_605] : memref<10000x128xf32, #tpu.memory_space<hbm>> -> memref<10000x128xf32, #tpu.memory_space<hbm>>
      tpu.wait_indirect_dma semaphore(%arg11 : memref<!tpu.dma_semaphore, #tpu.memory_space<semaphore_mem>>) src(%dma_wait3A_606 : memref<10000x128xf32, #tpu.memory_space<hbm>>) dst(%arg8 : memref<128x128xf32, #tpu.memory_space<vmem>>)
      %run_scoped3A_607 = arith.constant 8 : i32
      "tpu.region"() ({
        %run_scoped3A_1070 = tpu.sem_alloc : memref<!tpu.dma_semaphore, #tpu.memory_space<semaphore_mem>>
        %dma_start3A_1071 = arith.constant 0 : i32
        %dma_start3A_1072 = tpu.memref_slice %arg7[%run_scoped3A_607, %dma_start3A_1071] : memref<32x128xi32, #tpu.memory_space<vmem>> -> memref<1x128xi32, #tpu.memory_space<vmem>>
        %dma_start3A_1073 = tpu.memref_squeeze %dma_start3A_1072 : memref<1x128xi32, #tpu.memory_space<vmem>> -> memref<128xi32, #tpu.memory_space<vmem>>
        %dma_start3A_1074 = arith.constant 0 : i32
        %dma_start3A_1075 = arith.constant 0 : i32
        %dma_start3A_1076 = tpu.memref_slice %arg10[%dma_start3A_1074, %dma_start3A_1075] : memref<10128x128xf32, #tpu.memory_space<vmem_shared>> -> memref<10128x128xf32, #tpu.memory_space<vmem_shared>>
        tpu.enqueue_indirect_dma source(%arg8 : memref<128x128xf32, #tpu.memory_space<vmem>>) target(%dma_start3A_1076 : memref<10128x128xf32, #tpu.memory_space<vmem_shared>>) offsets(%dma_start3A_1073 : memref<128xi32, #tpu.memory_space<vmem>>) semaphore(%run_scoped3A_1070 : memref<!tpu.dma_semaphore, #tpu.memory_space<semaphore_mem>>) {add = true}
        %dma_wait3A_1077 = arith.constant 0 : i32
        %dma_wait3A_1078 = tpu.memref_slice %arg7[%run_scoped3A_607, %dma_wait3A_1077] : memref<32x128xi32, #tpu.memory_space<vmem>> -> memref<1x128xi32, #tpu.memory_space<vmem>>
        %dma_wait3A_1079 = tpu.memref_squeeze %dma_wait3A_1078 : memref<1x128xi32, #tpu.memory_space<vmem>> -> memref<128xi32, #tpu.memory_space<vmem>>
        %dma_wait3A_1080 = arith.constant 0 : i32
        %dma_wait3A_1081 = arith.constant 0 : i32
        %dma_wait3A_1082 = tpu.memref_slice %arg10[%dma_wait3A_1080, %dma_wait3A_1081] : memref<10128x128xf32, #tpu.memory_space<vmem_shared>> -> memref<10128x128xf32, #tpu.memory_space<vmem_shared>>
        tpu.wait_indirect_dma semaphore(%run_scoped3A_1070 : memref<!tpu.dma_semaphore, #tpu.memory_space<semaphore_mem>>) src(%arg8 : memref<128x128xf32, #tpu.memory_space<vmem>>) dst(%dma_wait3A_1082 : memref<10128x128xf32, #tpu.memory_space<vmem_shared>>)
        tpu.yield
      }) : () -> ()
      %dma_start3A_608 = arith.constant 0 : i32
      %dma_start3A_609 = arith.constant 0 : i32
      %dma_start3A_610 = tpu.memref_slice %arg6[%dma_start3A_608, %dma_start3A_609] : memref<2x2048xi32, #tpu.memory_space<vmem>> -> memref<1x2048xi32, #tpu.memory_space<vmem>>
      %dma_start3A_611 = tpu.memref_squeeze %dma_start3A_610 : memref<1x2048xi32, #tpu.memory_space<vmem>> -> memref<2048xi32, #tpu.memory_space<vmem>>
      %dma_start3A_612 = arith.constant 1280 : i32
      %dma_start3A_613 = tpu.memref_slice %dma_start3A_611[%dma_start3A_612] : memref<2048xi32, #tpu.memory_space<vmem>> -> memref<128xi32, #tpu.memory_space<vmem>>
      %dma_start3A_614 = arith.constant 0 : i32
      %dma_start3A_615 = arith.constant 0 : i32
      %dma_start3A_616 = tpu.memref_slice %arg2[%dma_start3A_614, %dma_start3A_615] : memref<10000x128xf32, #tpu.memory_space<hbm>> -> memref<10000x128xf32, #tpu.memory_space<hbm>>
      tpu.enqueue_indirect_dma source(%dma_start3A_616 : memref<10000x128xf32, #tpu.memory_space<hbm>>) target(%arg8 : memref<128x128xf32, #tpu.memory_space<vmem>>) offsets(%dma_start3A_613 : memref<128xi32, #tpu.memory_space<vmem>>) semaphore(%arg11 : memref<!tpu.dma_semaphore, #tpu.memory_space<semaphore_mem>>)
      %dma_wait3A_617 = arith.constant 0 : i32
      %dma_wait3A_618 = arith.constant 0 : i32
      %dma_wait3A_619 = tpu.memref_slice %arg6[%dma_wait3A_617, %dma_wait3A_618] : memref<2x2048xi32, #tpu.memory_space<vmem>> -> memref<1x2048xi32, #tpu.memory_space<vmem>>
      %dma_wait3A_620 = tpu.memref_squeeze %dma_wait3A_619 : memref<1x2048xi32, #tpu.memory_space<vmem>> -> memref<2048xi32, #tpu.memory_space<vmem>>
      %dma_wait3A_621 = arith.constant 1152 : i32
      %dma_wait3A_622 = tpu.memref_slice %dma_wait3A_620[%dma_wait3A_621] : memref<2048xi32, #tpu.memory_space<vmem>> -> memref<128xi32, #tpu.memory_space<vmem>>
      %dma_wait3A_623 = arith.constant 0 : i32
      %dma_wait3A_624 = arith.constant 0 : i32
      %dma_wait3A_625 = tpu.memref_slice %arg2[%dma_wait3A_623, %dma_wait3A_624] : memref<10000x128xf32, #tpu.memory_space<hbm>> -> memref<10000x128xf32, #tpu.memory_space<hbm>>
      tpu.wait_indirect_dma semaphore(%arg12 : memref<!tpu.dma_semaphore, #tpu.memory_space<semaphore_mem>>) src(%dma_wait3A_625 : memref<10000x128xf32, #tpu.memory_space<hbm>>) dst(%arg9 : memref<128x128xf32, #tpu.memory_space<vmem>>)
      %run_scoped3A_626 = arith.constant 9 : i32
      "tpu.region"() ({
        %run_scoped3A_1070 = tpu.sem_alloc : memref<!tpu.dma_semaphore, #tpu.memory_space<semaphore_mem>>
        %dma_start3A_1071 = arith.constant 0 : i32
        %dma_start3A_1072 = tpu.memref_slice %arg7[%run_scoped3A_626, %dma_start3A_1071] : memref<32x128xi32, #tpu.memory_space<vmem>> -> memref<1x128xi32, #tpu.memory_space<vmem>>
        %dma_start3A_1073 = tpu.memref_squeeze %dma_start3A_1072 : memref<1x128xi32, #tpu.memory_space<vmem>> -> memref<128xi32, #tpu.memory_space<vmem>>
        %dma_start3A_1074 = arith.constant 0 : i32
        %dma_start3A_1075 = arith.constant 0 : i32
        %dma_start3A_1076 = tpu.memref_slice %arg10[%dma_start3A_1074, %dma_start3A_1075] : memref<10128x128xf32, #tpu.memory_space<vmem_shared>> -> memref<10128x128xf32, #tpu.memory_space<vmem_shared>>
        tpu.enqueue_indirect_dma source(%arg9 : memref<128x128xf32, #tpu.memory_space<vmem>>) target(%dma_start3A_1076 : memref<10128x128xf32, #tpu.memory_space<vmem_shared>>) offsets(%dma_start3A_1073 : memref<128xi32, #tpu.memory_space<vmem>>) semaphore(%run_scoped3A_1070 : memref<!tpu.dma_semaphore, #tpu.memory_space<semaphore_mem>>) {add = true}
        %dma_wait3A_1077 = arith.constant 0 : i32
        %dma_wait3A_1078 = tpu.memref_slice %arg7[%run_scoped3A_626, %dma_wait3A_1077] : memref<32x128xi32, #tpu.memory_space<vmem>> -> memref<1x128xi32, #tpu.memory_space<vmem>>
        %dma_wait3A_1079 = tpu.memref_squeeze %dma_wait3A_1078 : memref<1x128xi32, #tpu.memory_space<vmem>> -> memref<128xi32, #tpu.memory_space<vmem>>
        %dma_wait3A_1080 = arith.constant 0 : i32
        %dma_wait3A_1081 = arith.constant 0 : i32
        %dma_wait3A_1082 = tpu.memref_slice %arg10[%dma_wait3A_1080, %dma_wait3A_1081] : memref<10128x128xf32, #tpu.memory_space<vmem_shared>> -> memref<10128x128xf32, #tpu.memory_space<vmem_shared>>
        tpu.wait_indirect_dma semaphore(%run_scoped3A_1070 : memref<!tpu.dma_semaphore, #tpu.memory_space<semaphore_mem>>) src(%arg9 : memref<128x128xf32, #tpu.memory_space<vmem>>) dst(%dma_wait3A_1082 : memref<10128x128xf32, #tpu.memory_space<vmem_shared>>)
        tpu.yield
      }) : () -> ()
      %dma_start3A_627 = arith.constant 0 : i32
      %dma_start3A_628 = arith.constant 0 : i32
      %dma_start3A_629 = tpu.memref_slice %arg6[%dma_start3A_627, %dma_start3A_628] : memref<2x2048xi32, #tpu.memory_space<vmem>> -> memref<1x2048xi32, #tpu.memory_space<vmem>>
      %dma_start3A_630 = tpu.memref_squeeze %dma_start3A_629 : memref<1x2048xi32, #tpu.memory_space<vmem>> -> memref<2048xi32, #tpu.memory_space<vmem>>
      %dma_start3A_631 = arith.constant 1408 : i32
      %dma_start3A_632 = tpu.memref_slice %dma_start3A_630[%dma_start3A_631] : memref<2048xi32, #tpu.memory_space<vmem>> -> memref<128xi32, #tpu.memory_space<vmem>>
      %dma_start3A_633 = arith.constant 0 : i32
      %dma_start3A_634 = arith.constant 0 : i32
      %dma_start3A_635 = tpu.memref_slice %arg2[%dma_start3A_633, %dma_start3A_634] : memref<10000x128xf32, #tpu.memory_space<hbm>> -> memref<10000x128xf32, #tpu.memory_space<hbm>>
      tpu.enqueue_indirect_dma source(%dma_start3A_635 : memref<10000x128xf32, #tpu.memory_space<hbm>>) target(%arg9 : memref<128x128xf32, #tpu.memory_space<vmem>>) offsets(%dma_start3A_632 : memref<128xi32, #tpu.memory_space<vmem>>) semaphore(%arg12 : memref<!tpu.dma_semaphore, #tpu.memory_space<semaphore_mem>>)
      %dma_wait3A_636 = arith.constant 0 : i32
      %dma_wait3A_637 = arith.constant 0 : i32
      %dma_wait3A_638 = tpu.memref_slice %arg6[%dma_wait3A_636, %dma_wait3A_637] : memref<2x2048xi32, #tpu.memory_space<vmem>> -> memref<1x2048xi32, #tpu.memory_space<vmem>>
      %dma_wait3A_639 = tpu.memref_squeeze %dma_wait3A_638 : memref<1x2048xi32, #tpu.memory_space<vmem>> -> memref<2048xi32, #tpu.memory_space<vmem>>
      %dma_wait3A_640 = arith.constant 1280 : i32
      %dma_wait3A_641 = tpu.memref_slice %dma_wait3A_639[%dma_wait3A_640] : memref<2048xi32, #tpu.memory_space<vmem>> -> memref<128xi32, #tpu.memory_space<vmem>>
      %dma_wait3A_642 = arith.constant 0 : i32
      %dma_wait3A_643 = arith.constant 0 : i32
      %dma_wait3A_644 = tpu.memref_slice %arg2[%dma_wait3A_642, %dma_wait3A_643] : memref<10000x128xf32, #tpu.memory_space<hbm>> -> memref<10000x128xf32, #tpu.memory_space<hbm>>
      tpu.wait_indirect_dma semaphore(%arg11 : memref<!tpu.dma_semaphore, #tpu.memory_space<semaphore_mem>>) src(%dma_wait3A_644 : memref<10000x128xf32, #tpu.memory_space<hbm>>) dst(%arg8 : memref<128x128xf32, #tpu.memory_space<vmem>>)
      %run_scoped3A_645 = arith.constant 10 : i32
      "tpu.region"() ({
        %run_scoped3A_1070 = tpu.sem_alloc : memref<!tpu.dma_semaphore, #tpu.memory_space<semaphore_mem>>
        %dma_start3A_1071 = arith.constant 0 : i32
        %dma_start3A_1072 = tpu.memref_slice %arg7[%run_scoped3A_645, %dma_start3A_1071] : memref<32x128xi32, #tpu.memory_space<vmem>> -> memref<1x128xi32, #tpu.memory_space<vmem>>
        %dma_start3A_1073 = tpu.memref_squeeze %dma_start3A_1072 : memref<1x128xi32, #tpu.memory_space<vmem>> -> memref<128xi32, #tpu.memory_space<vmem>>
        %dma_start3A_1074 = arith.constant 0 : i32
        %dma_start3A_1075 = arith.constant 0 : i32
        %dma_start3A_1076 = tpu.memref_slice %arg10[%dma_start3A_1074, %dma_start3A_1075] : memref<10128x128xf32, #tpu.memory_space<vmem_shared>> -> memref<10128x128xf32, #tpu.memory_space<vmem_shared>>
        tpu.enqueue_indirect_dma source(%arg8 : memref<128x128xf32, #tpu.memory_space<vmem>>) target(%dma_start3A_1076 : memref<10128x128xf32, #tpu.memory_space<vmem_shared>>) offsets(%dma_start3A_1073 : memref<128xi32, #tpu.memory_space<vmem>>) semaphore(%run_scoped3A_1070 : memref<!tpu.dma_semaphore, #tpu.memory_space<semaphore_mem>>) {add = true}
        %dma_wait3A_1077 = arith.constant 0 : i32
        %dma_wait3A_1078 = tpu.memref_slice %arg7[%run_scoped3A_645, %dma_wait3A_1077] : memref<32x128xi32, #tpu.memory_space<vmem>> -> memref<1x128xi32, #tpu.memory_space<vmem>>
        %dma_wait3A_1079 = tpu.memref_squeeze %dma_wait3A_1078 : memref<1x128xi32, #tpu.memory_space<vmem>> -> memref<128xi32, #tpu.memory_space<vmem>>
        %dma_wait3A_1080 = arith.constant 0 : i32
        %dma_wait3A_1081 = arith.constant 0 : i32
        %dma_wait3A_1082 = tpu.memref_slice %arg10[%dma_wait3A_1080, %dma_wait3A_1081] : memref<10128x128xf32, #tpu.memory_space<vmem_shared>> -> memref<10128x128xf32, #tpu.memory_space<vmem_shared>>
        tpu.wait_indirect_dma semaphore(%run_scoped3A_1070 : memref<!tpu.dma_semaphore, #tpu.memory_space<semaphore_mem>>) src(%arg8 : memref<128x128xf32, #tpu.memory_space<vmem>>) dst(%dma_wait3A_1082 : memref<10128x128xf32, #tpu.memory_space<vmem_shared>>)
        tpu.yield
      }) : () -> ()
      %dma_start3A_646 = arith.constant 0 : i32
      %dma_start3A_647 = arith.constant 0 : i32
      %dma_start3A_648 = tpu.memref_slice %arg6[%dma_start3A_646, %dma_start3A_647] : memref<2x2048xi32, #tpu.memory_space<vmem>> -> memref<1x2048xi32, #tpu.memory_space<vmem>>
      %dma_start3A_649 = tpu.memref_squeeze %dma_start3A_648 : memref<1x2048xi32, #tpu.memory_space<vmem>> -> memref<2048xi32, #tpu.memory_space<vmem>>
      %dma_start3A_650 = arith.constant 1536 : i32
      %dma_start3A_651 = tpu.memref_slice %dma_start3A_649[%dma_start3A_650] : memref<2048xi32, #tpu.memory_space<vmem>> -> memref<128xi32, #tpu.memory_space<vmem>>
      %dma_start3A_652 = arith.constant 0 : i32
      %dma_start3A_653 = arith.constant 0 : i32
      %dma_start3A_654 = tpu.memref_slice %arg2[%dma_start3A_652, %dma_start3A_653] : memref<10000x128xf32, #tpu.memory_space<hbm>> -> memref<10000x128xf32, #tpu.memory_space<hbm>>
      tpu.enqueue_indirect_dma source(%dma_start3A_654 : memref<10000x128xf32, #tpu.memory_space<hbm>>) target(%arg8 : memref<128x128xf32, #tpu.memory_space<vmem>>) offsets(%dma_start3A_651 : memref<128xi32, #tpu.memory_space<vmem>>) semaphore(%arg11 : memref<!tpu.dma_semaphore, #tpu.memory_space<semaphore_mem>>)
      %dma_wait3A_655 = arith.constant 0 : i32
      %dma_wait3A_656 = arith.constant 0 : i32
      %dma_wait3A_657 = tpu.memref_slice %arg6[%dma_wait3A_655, %dma_wait3A_656] : memref<2x2048xi32, #tpu.memory_space<vmem>> -> memref<1x2048xi32, #tpu.memory_space<vmem>>
      %dma_wait3A_658 = tpu.memref_squeeze %dma_wait3A_657 : memref<1x2048xi32, #tpu.memory_space<vmem>> -> memref<2048xi32, #tpu.memory_space<vmem>>
      %dma_wait3A_659 = arith.constant 1408 : i32
      %dma_wait3A_660 = tpu.memref_slice %dma_wait3A_658[%dma_wait3A_659] : memref<2048xi32, #tpu.memory_space<vmem>> -> memref<128xi32, #tpu.memory_space<vmem>>
      %dma_wait3A_661 = arith.constant 0 : i32
      %dma_wait3A_662 = arith.constant 0 : i32
      %dma_wait3A_663 = tpu.memref_slice %arg2[%dma_wait3A_661, %dma_wait3A_662] : memref<10000x128xf32, #tpu.memory_space<hbm>> -> memref<10000x128xf32, #tpu.memory_space<hbm>>
      tpu.wait_indirect_dma semaphore(%arg12 : memref<!tpu.dma_semaphore, #tpu.memory_space<semaphore_mem>>) src(%dma_wait3A_663 : memref<10000x128xf32, #tpu.memory_space<hbm>>) dst(%arg9 : memref<128x128xf32, #tpu.memory_space<vmem>>)
      %run_scoped3A_664 = arith.constant 11 : i32
      "tpu.region"() ({
        %run_scoped3A_1070 = tpu.sem_alloc : memref<!tpu.dma_semaphore, #tpu.memory_space<semaphore_mem>>
        %dma_start3A_1071 = arith.constant 0 : i32
        %dma_start3A_1072 = tpu.memref_slice %arg7[%run_scoped3A_664, %dma_start3A_1071] : memref<32x128xi32, #tpu.memory_space<vmem>> -> memref<1x128xi32, #tpu.memory_space<vmem>>
        %dma_start3A_1073 = tpu.memref_squeeze %dma_start3A_1072 : memref<1x128xi32, #tpu.memory_space<vmem>> -> memref<128xi32, #tpu.memory_space<vmem>>
        %dma_start3A_1074 = arith.constant 0 : i32
        %dma_start3A_1075 = arith.constant 0 : i32
        %dma_start3A_1076 = tpu.memref_slice %arg10[%dma_start3A_1074, %dma_start3A_1075] : memref<10128x128xf32, #tpu.memory_space<vmem_shared>> -> memref<10128x128xf32, #tpu.memory_space<vmem_shared>>
        tpu.enqueue_indirect_dma source(%arg9 : memref<128x128xf32, #tpu.memory_space<vmem>>) target(%dma_start3A_1076 : memref<10128x128xf32, #tpu.memory_space<vmem_shared>>) offsets(%dma_start3A_1073 : memref<128xi32, #tpu.memory_space<vmem>>) semaphore(%run_scoped3A_1070 : memref<!tpu.dma_semaphore, #tpu.memory_space<semaphore_mem>>) {add = true}
        %dma_wait3A_1077 = arith.constant 0 : i32
        %dma_wait3A_1078 = tpu.memref_slice %arg7[%run_scoped3A_664, %dma_wait3A_1077] : memref<32x128xi32, #tpu.memory_space<vmem>> -> memref<1x128xi32, #tpu.memory_space<vmem>>
        %dma_wait3A_1079 = tpu.memref_squeeze %dma_wait3A_1078 : memref<1x128xi32, #tpu.memory_space<vmem>> -> memref<128xi32, #tpu.memory_space<vmem>>
        %dma_wait3A_1080 = arith.constant 0 : i32
        %dma_wait3A_1081 = arith.constant 0 : i32
        %dma_wait3A_1082 = tpu.memref_slice %arg10[%dma_wait3A_1080, %dma_wait3A_1081] : memref<10128x128xf32, #tpu.memory_space<vmem_shared>> -> memref<10128x128xf32, #tpu.memory_space<vmem_shared>>
        tpu.wait_indirect_dma semaphore(%run_scoped3A_1070 : memref<!tpu.dma_semaphore, #tpu.memory_space<semaphore_mem>>) src(%arg9 : memref<128x128xf32, #tpu.memory_space<vmem>>) dst(%dma_wait3A_1082 : memref<10128x128xf32, #tpu.memory_space<vmem_shared>>)
        tpu.yield
      }) : () -> ()
      %dma_start3A_665 = arith.constant 0 : i32
      %dma_start3A_666 = arith.constant 0 : i32
      %dma_start3A_667 = tpu.memref_slice %arg6[%dma_start3A_665, %dma_start3A_666] : memref<2x2048xi32, #tpu.memory_space<vmem>> -> memref<1x2048xi32, #tpu.memory_space<vmem>>
      %dma_start3A_668 = tpu.memref_squeeze %dma_start3A_667 : memref<1x2048xi32, #tpu.memory_space<vmem>> -> memref<2048xi32, #tpu.memory_space<vmem>>
      %dma_start3A_669 = arith.constant 1664 : i32
      %dma_start3A_670 = tpu.memref_slice %dma_start3A_668[%dma_start3A_669] : memref<2048xi32, #tpu.memory_space<vmem>> -> memref<128xi32, #tpu.memory_space<vmem>>
      %dma_start3A_671 = arith.constant 0 : i32
      %dma_start3A_672 = arith.constant 0 : i32
      %dma_start3A_673 = tpu.memref_slice %arg2[%dma_start3A_671, %dma_start3A_672] : memref<10000x128xf32, #tpu.memory_space<hbm>> -> memref<10000x128xf32, #tpu.memory_space<hbm>>
      tpu.enqueue_indirect_dma source(%dma_start3A_673 : memref<10000x128xf32, #tpu.memory_space<hbm>>) target(%arg9 : memref<128x128xf32, #tpu.memory_space<vmem>>) offsets(%dma_start3A_670 : memref<128xi32, #tpu.memory_space<vmem>>) semaphore(%arg12 : memref<!tpu.dma_semaphore, #tpu.memory_space<semaphore_mem>>)
      %dma_wait3A_674 = arith.constant 0 : i32
      %dma_wait3A_675 = arith.constant 0 : i32
      %dma_wait3A_676 = tpu.memref_slice %arg6[%dma_wait3A_674, %dma_wait3A_675] : memref<2x2048xi32, #tpu.memory_space<vmem>> -> memref<1x2048xi32, #tpu.memory_space<vmem>>
      %dma_wait3A_677 = tpu.memref_squeeze %dma_wait3A_676 : memref<1x2048xi32, #tpu.memory_space<vmem>> -> memref<2048xi32, #tpu.memory_space<vmem>>
      %dma_wait3A_678 = arith.constant 1536 : i32
      %dma_wait3A_679 = tpu.memref_slice %dma_wait3A_677[%dma_wait3A_678] : memref<2048xi32, #tpu.memory_space<vmem>> -> memref<128xi32, #tpu.memory_space<vmem>>
      %dma_wait3A_680 = arith.constant 0 : i32
      %dma_wait3A_681 = arith.constant 0 : i32
      %dma_wait3A_682 = tpu.memref_slice %arg2[%dma_wait3A_680, %dma_wait3A_681] : memref<10000x128xf32, #tpu.memory_space<hbm>> -> memref<10000x128xf32, #tpu.memory_space<hbm>>
      tpu.wait_indirect_dma semaphore(%arg11 : memref<!tpu.dma_semaphore, #tpu.memory_space<semaphore_mem>>) src(%dma_wait3A_682 : memref<10000x128xf32, #tpu.memory_space<hbm>>) dst(%arg8 : memref<128x128xf32, #tpu.memory_space<vmem>>)
      %run_scoped3A_683 = arith.constant 12 : i32
      "tpu.region"() ({
        %run_scoped3A_1070 = tpu.sem_alloc : memref<!tpu.dma_semaphore, #tpu.memory_space<semaphore_mem>>
        %dma_start3A_1071 = arith.constant 0 : i32
        %dma_start3A_1072 = tpu.memref_slice %arg7[%run_scoped3A_683, %dma_start3A_1071] : memref<32x128xi32, #tpu.memory_space<vmem>> -> memref<1x128xi32, #tpu.memory_space<vmem>>
        %dma_start3A_1073 = tpu.memref_squeeze %dma_start3A_1072 : memref<1x128xi32, #tpu.memory_space<vmem>> -> memref<128xi32, #tpu.memory_space<vmem>>
        %dma_start3A_1074 = arith.constant 0 : i32
        %dma_start3A_1075 = arith.constant 0 : i32
        %dma_start3A_1076 = tpu.memref_slice %arg10[%dma_start3A_1074, %dma_start3A_1075] : memref<10128x128xf32, #tpu.memory_space<vmem_shared>> -> memref<10128x128xf32, #tpu.memory_space<vmem_shared>>
        tpu.enqueue_indirect_dma source(%arg8 : memref<128x128xf32, #tpu.memory_space<vmem>>) target(%dma_start3A_1076 : memref<10128x128xf32, #tpu.memory_space<vmem_shared>>) offsets(%dma_start3A_1073 : memref<128xi32, #tpu.memory_space<vmem>>) semaphore(%run_scoped3A_1070 : memref<!tpu.dma_semaphore, #tpu.memory_space<semaphore_mem>>) {add = true}
        %dma_wait3A_1077 = arith.constant 0 : i32
        %dma_wait3A_1078 = tpu.memref_slice %arg7[%run_scoped3A_683, %dma_wait3A_1077] : memref<32x128xi32, #tpu.memory_space<vmem>> -> memref<1x128xi32, #tpu.memory_space<vmem>>
        %dma_wait3A_1079 = tpu.memref_squeeze %dma_wait3A_1078 : memref<1x128xi32, #tpu.memory_space<vmem>> -> memref<128xi32, #tpu.memory_space<vmem>>
        %dma_wait3A_1080 = arith.constant 0 : i32
        %dma_wait3A_1081 = arith.constant 0 : i32
        %dma_wait3A_1082 = tpu.memref_slice %arg10[%dma_wait3A_1080, %dma_wait3A_1081] : memref<10128x128xf32, #tpu.memory_space<vmem_shared>> -> memref<10128x128xf32, #tpu.memory_space<vmem_shared>>
        tpu.wait_indirect_dma semaphore(%run_scoped3A_1070 : memref<!tpu.dma_semaphore, #tpu.memory_space<semaphore_mem>>) src(%arg8 : memref<128x128xf32, #tpu.memory_space<vmem>>) dst(%dma_wait3A_1082 : memref<10128x128xf32, #tpu.memory_space<vmem_shared>>)
        tpu.yield
      }) : () -> ()
      %dma_start3A_684 = arith.constant 0 : i32
      %dma_start3A_685 = arith.constant 0 : i32
      %dma_start3A_686 = tpu.memref_slice %arg6[%dma_start3A_684, %dma_start3A_685] : memref<2x2048xi32, #tpu.memory_space<vmem>> -> memref<1x2048xi32, #tpu.memory_space<vmem>>
      %dma_start3A_687 = tpu.memref_squeeze %dma_start3A_686 : memref<1x2048xi32, #tpu.memory_space<vmem>> -> memref<2048xi32, #tpu.memory_space<vmem>>
      %dma_start3A_688 = arith.constant 1792 : i32
      %dma_start3A_689 = tpu.memref_slice %dma_start3A_687[%dma_start3A_688] : memref<2048xi32, #tpu.memory_space<vmem>> -> memref<128xi32, #tpu.memory_space<vmem>>
      %dma_start3A_690 = arith.constant 0 : i32
      %dma_start3A_691 = arith.constant 0 : i32
      %dma_start3A_692 = tpu.memref_slice %arg2[%dma_start3A_690, %dma_start3A_691] : memref<10000x128xf32, #tpu.memory_space<hbm>> -> memref<10000x128xf32, #tpu.memory_space<hbm>>
      tpu.enqueue_indirect_dma source(%dma_start3A_692 : memref<10000x128xf32, #tpu.memory_space<hbm>>) target(%arg8 : memref<128x128xf32, #tpu.memory_space<vmem>>) offsets(%dma_start3A_689 : memref<128xi32, #tpu.memory_space<vmem>>) semaphore(%arg11 : memref<!tpu.dma_semaphore, #tpu.memory_space<semaphore_mem>>)
      %dma_wait3A_693 = arith.constant 0 : i32
      %dma_wait3A_694 = arith.constant 0 : i32
      %dma_wait3A_695 = tpu.memref_slice %arg6[%dma_wait3A_693, %dma_wait3A_694] : memref<2x2048xi32, #tpu.memory_space<vmem>> -> memref<1x2048xi32, #tpu.memory_space<vmem>>
      %dma_wait3A_696 = tpu.memref_squeeze %dma_wait3A_695 : memref<1x2048xi32, #tpu.memory_space<vmem>> -> memref<2048xi32, #tpu.memory_space<vmem>>
      %dma_wait3A_697 = arith.constant 1664 : i32
      %dma_wait3A_698 = tpu.memref_slice %dma_wait3A_696[%dma_wait3A_697] : memref<2048xi32, #tpu.memory_space<vmem>> -> memref<128xi32, #tpu.memory_space<vmem>>
      %dma_wait3A_699 = arith.constant 0 : i32
      %dma_wait3A_700 = arith.constant 0 : i32
      %dma_wait3A_701 = tpu.memref_slice %arg2[%dma_wait3A_699, %dma_wait3A_700] : memref<10000x128xf32, #tpu.memory_space<hbm>> -> memref<10000x128xf32, #tpu.memory_space<hbm>>
      tpu.wait_indirect_dma semaphore(%arg12 : memref<!tpu.dma_semaphore, #tpu.memory_space<semaphore_mem>>) src(%dma_wait3A_701 : memref<10000x128xf32, #tpu.memory_space<hbm>>) dst(%arg9 : memref<128x128xf32, #tpu.memory_space<vmem>>)
      %run_scoped3A_702 = arith.constant 13 : i32
      "tpu.region"() ({
        %run_scoped3A_1070 = tpu.sem_alloc : memref<!tpu.dma_semaphore, #tpu.memory_space<semaphore_mem>>
        %dma_start3A_1071 = arith.constant 0 : i32
        %dma_start3A_1072 = tpu.memref_slice %arg7[%run_scoped3A_702, %dma_start3A_1071] : memref<32x128xi32, #tpu.memory_space<vmem>> -> memref<1x128xi32, #tpu.memory_space<vmem>>
        %dma_start3A_1073 = tpu.memref_squeeze %dma_start3A_1072 : memref<1x128xi32, #tpu.memory_space<vmem>> -> memref<128xi32, #tpu.memory_space<vmem>>
        %dma_start3A_1074 = arith.constant 0 : i32
        %dma_start3A_1075 = arith.constant 0 : i32
        %dma_start3A_1076 = tpu.memref_slice %arg10[%dma_start3A_1074, %dma_start3A_1075] : memref<10128x128xf32, #tpu.memory_space<vmem_shared>> -> memref<10128x128xf32, #tpu.memory_space<vmem_shared>>
        tpu.enqueue_indirect_dma source(%arg9 : memref<128x128xf32, #tpu.memory_space<vmem>>) target(%dma_start3A_1076 : memref<10128x128xf32, #tpu.memory_space<vmem_shared>>) offsets(%dma_start3A_1073 : memref<128xi32, #tpu.memory_space<vmem>>) semaphore(%run_scoped3A_1070 : memref<!tpu.dma_semaphore, #tpu.memory_space<semaphore_mem>>) {add = true}
        %dma_wait3A_1077 = arith.constant 0 : i32
        %dma_wait3A_1078 = tpu.memref_slice %arg7[%run_scoped3A_702, %dma_wait3A_1077] : memref<32x128xi32, #tpu.memory_space<vmem>> -> memref<1x128xi32, #tpu.memory_space<vmem>>
        %dma_wait3A_1079 = tpu.memref_squeeze %dma_wait3A_1078 : memref<1x128xi32, #tpu.memory_space<vmem>> -> memref<128xi32, #tpu.memory_space<vmem>>
        %dma_wait3A_1080 = arith.constant 0 : i32
        %dma_wait3A_1081 = arith.constant 0 : i32
        %dma_wait3A_1082 = tpu.memref_slice %arg10[%dma_wait3A_1080, %dma_wait3A_1081] : memref<10128x128xf32, #tpu.memory_space<vmem_shared>> -> memref<10128x128xf32, #tpu.memory_space<vmem_shared>>
        tpu.wait_indirect_dma semaphore(%run_scoped3A_1070 : memref<!tpu.dma_semaphore, #tpu.memory_space<semaphore_mem>>) src(%arg9 : memref<128x128xf32, #tpu.memory_space<vmem>>) dst(%dma_wait3A_1082 : memref<10128x128xf32, #tpu.memory_space<vmem_shared>>)
        tpu.yield
      }) : () -> ()
      %dma_start3A_703 = arith.constant 0 : i32
      %dma_start3A_704 = arith.constant 0 : i32
      %dma_start3A_705 = tpu.memref_slice %arg6[%dma_start3A_703, %dma_start3A_704] : memref<2x2048xi32, #tpu.memory_space<vmem>> -> memref<1x2048xi32, #tpu.memory_space<vmem>>
      %dma_start3A_706 = tpu.memref_squeeze %dma_start3A_705 : memref<1x2048xi32, #tpu.memory_space<vmem>> -> memref<2048xi32, #tpu.memory_space<vmem>>
      %dma_start3A_707 = arith.constant 1920 : i32
      %dma_start3A_708 = tpu.memref_slice %dma_start3A_706[%dma_start3A_707] : memref<2048xi32, #tpu.memory_space<vmem>> -> memref<128xi32, #tpu.memory_space<vmem>>
      %dma_start3A_709 = arith.constant 0 : i32
      %dma_start3A_710 = arith.constant 0 : i32
      %dma_start3A_711 = tpu.memref_slice %arg2[%dma_start3A_709, %dma_start3A_710] : memref<10000x128xf32, #tpu.memory_space<hbm>> -> memref<10000x128xf32, #tpu.memory_space<hbm>>
      tpu.enqueue_indirect_dma source(%dma_start3A_711 : memref<10000x128xf32, #tpu.memory_space<hbm>>) target(%arg9 : memref<128x128xf32, #tpu.memory_space<vmem>>) offsets(%dma_start3A_708 : memref<128xi32, #tpu.memory_space<vmem>>) semaphore(%arg12 : memref<!tpu.dma_semaphore, #tpu.memory_space<semaphore_mem>>)
      %dma_wait3A_712 = arith.constant 0 : i32
      %dma_wait3A_713 = arith.constant 0 : i32
      %dma_wait3A_714 = tpu.memref_slice %arg6[%dma_wait3A_712, %dma_wait3A_713] : memref<2x2048xi32, #tpu.memory_space<vmem>> -> memref<1x2048xi32, #tpu.memory_space<vmem>>
      %dma_wait3A_715 = tpu.memref_squeeze %dma_wait3A_714 : memref<1x2048xi32, #tpu.memory_space<vmem>> -> memref<2048xi32, #tpu.memory_space<vmem>>
      %dma_wait3A_716 = arith.constant 1792 : i32
      %dma_wait3A_717 = tpu.memref_slice %dma_wait3A_715[%dma_wait3A_716] : memref<2048xi32, #tpu.memory_space<vmem>> -> memref<128xi32, #tpu.memory_space<vmem>>
      %dma_wait3A_718 = arith.constant 0 : i32
      %dma_wait3A_719 = arith.constant 0 : i32
      %dma_wait3A_720 = tpu.memref_slice %arg2[%dma_wait3A_718, %dma_wait3A_719] : memref<10000x128xf32, #tpu.memory_space<hbm>> -> memref<10000x128xf32, #tpu.memory_space<hbm>>
      tpu.wait_indirect_dma semaphore(%arg11 : memref<!tpu.dma_semaphore, #tpu.memory_space<semaphore_mem>>) src(%dma_wait3A_720 : memref<10000x128xf32, #tpu.memory_space<hbm>>) dst(%arg8 : memref<128x128xf32, #tpu.memory_space<vmem>>)
      %run_scoped3A_721 = arith.constant 14 : i32
      "tpu.region"() ({
        %run_scoped3A_1070 = tpu.sem_alloc : memref<!tpu.dma_semaphore, #tpu.memory_space<semaphore_mem>>
        %dma_start3A_1071 = arith.constant 0 : i32
        %dma_start3A_1072 = tpu.memref_slice %arg7[%run_scoped3A_721, %dma_start3A_1071] : memref<32x128xi32, #tpu.memory_space<vmem>> -> memref<1x128xi32, #tpu.memory_space<vmem>>
        %dma_start3A_1073 = tpu.memref_squeeze %dma_start3A_1072 : memref<1x128xi32, #tpu.memory_space<vmem>> -> memref<128xi32, #tpu.memory_space<vmem>>
        %dma_start3A_1074 = arith.constant 0 : i32
        %dma_start3A_1075 = arith.constant 0 : i32
        %dma_start3A_1076 = tpu.memref_slice %arg10[%dma_start3A_1074, %dma_start3A_1075] : memref<10128x128xf32, #tpu.memory_space<vmem_shared>> -> memref<10128x128xf32, #tpu.memory_space<vmem_shared>>
        tpu.enqueue_indirect_dma source(%arg8 : memref<128x128xf32, #tpu.memory_space<vmem>>) target(%dma_start3A_1076 : memref<10128x128xf32, #tpu.memory_space<vmem_shared>>) offsets(%dma_start3A_1073 : memref<128xi32, #tpu.memory_space<vmem>>) semaphore(%run_scoped3A_1070 : memref<!tpu.dma_semaphore, #tpu.memory_space<semaphore_mem>>) {add = true}
        %dma_wait3A_1077 = arith.constant 0 : i32
        %dma_wait3A_1078 = tpu.memref_slice %arg7[%run_scoped3A_721, %dma_wait3A_1077] : memref<32x128xi32, #tpu.memory_space<vmem>> -> memref<1x128xi32, #tpu.memory_space<vmem>>
        %dma_wait3A_1079 = tpu.memref_squeeze %dma_wait3A_1078 : memref<1x128xi32, #tpu.memory_space<vmem>> -> memref<128xi32, #tpu.memory_space<vmem>>
        %dma_wait3A_1080 = arith.constant 0 : i32
        %dma_wait3A_1081 = arith.constant 0 : i32
        %dma_wait3A_1082 = tpu.memref_slice %arg10[%dma_wait3A_1080, %dma_wait3A_1081] : memref<10128x128xf32, #tpu.memory_space<vmem_shared>> -> memref<10128x128xf32, #tpu.memory_space<vmem_shared>>
        tpu.wait_indirect_dma semaphore(%run_scoped3A_1070 : memref<!tpu.dma_semaphore, #tpu.memory_space<semaphore_mem>>) src(%arg8 : memref<128x128xf32, #tpu.memory_space<vmem>>) dst(%dma_wait3A_1082 : memref<10128x128xf32, #tpu.memory_space<vmem_shared>>)
        tpu.yield
      }) : () -> ()
      %dma_wait3A_722 = arith.constant 0 : i32
      %dma_wait3A_723 = arith.constant 0 : i32
      %dma_wait3A_724 = tpu.memref_slice %arg6[%dma_wait3A_722, %dma_wait3A_723] : memref<2x2048xi32, #tpu.memory_space<vmem>> -> memref<1x2048xi32, #tpu.memory_space<vmem>>
      %dma_wait3A_725 = tpu.memref_squeeze %dma_wait3A_724 : memref<1x2048xi32, #tpu.memory_space<vmem>> -> memref<2048xi32, #tpu.memory_space<vmem>>
      %dma_wait3A_726 = arith.constant 1920 : i32
      %dma_wait3A_727 = tpu.memref_slice %dma_wait3A_725[%dma_wait3A_726] : memref<2048xi32, #tpu.memory_space<vmem>> -> memref<128xi32, #tpu.memory_space<vmem>>
      %dma_wait3A_728 = arith.constant 0 : i32
      %dma_wait3A_729 = arith.constant 0 : i32
      %dma_wait3A_730 = tpu.memref_slice %arg2[%dma_wait3A_728, %dma_wait3A_729] : memref<10000x128xf32, #tpu.memory_space<hbm>> -> memref<10000x128xf32, #tpu.memory_space<hbm>>
      tpu.wait_indirect_dma semaphore(%arg12 : memref<!tpu.dma_semaphore, #tpu.memory_space<semaphore_mem>>) src(%dma_wait3A_730 : memref<10000x128xf32, #tpu.memory_space<hbm>>) dst(%arg9 : memref<128x128xf32, #tpu.memory_space<vmem>>)
      %run_scoped3A_731 = arith.constant 15 : i32
      "tpu.region"() ({
        %run_scoped3A_1070 = tpu.sem_alloc : memref<!tpu.dma_semaphore, #tpu.memory_space<semaphore_mem>>
        %dma_start3A_1071 = arith.constant 0 : i32
        %dma_start3A_1072 = tpu.memref_slice %arg7[%run_scoped3A_731, %dma_start3A_1071] : memref<32x128xi32, #tpu.memory_space<vmem>> -> memref<1x128xi32, #tpu.memory_space<vmem>>
        %dma_start3A_1073 = tpu.memref_squeeze %dma_start3A_1072 : memref<1x128xi32, #tpu.memory_space<vmem>> -> memref<128xi32, #tpu.memory_space<vmem>>
        %dma_start3A_1074 = arith.constant 0 : i32
        %dma_start3A_1075 = arith.constant 0 : i32
        %dma_start3A_1076 = tpu.memref_slice %arg10[%dma_start3A_1074, %dma_start3A_1075] : memref<10128x128xf32, #tpu.memory_space<vmem_shared>> -> memref<10128x128xf32, #tpu.memory_space<vmem_shared>>
        tpu.enqueue_indirect_dma source(%arg9 : memref<128x128xf32, #tpu.memory_space<vmem>>) target(%dma_start3A_1076 : memref<10128x128xf32, #tpu.memory_space<vmem_shared>>) offsets(%dma_start3A_1073 : memref<128xi32, #tpu.memory_space<vmem>>) semaphore(%run_scoped3A_1070 : memref<!tpu.dma_semaphore, #tpu.memory_space<semaphore_mem>>) {add = true}
        %dma_wait3A_1077 = arith.constant 0 : i32
        %dma_wait3A_1078 = tpu.memref_slice %arg7[%run_scoped3A_731, %dma_wait3A_1077] : memref<32x128xi32, #tpu.memory_space<vmem>> -> memref<1x128xi32, #tpu.memory_space<vmem>>
        %dma_wait3A_1079 = tpu.memref_squeeze %dma_wait3A_1078 : memref<1x128xi32, #tpu.memory_space<vmem>> -> memref<128xi32, #tpu.memory_space<vmem>>
        %dma_wait3A_1080 = arith.constant 0 : i32
        %dma_wait3A_1081 = arith.constant 0 : i32
        %dma_wait3A_1082 = tpu.memref_slice %arg10[%dma_wait3A_1080, %dma_wait3A_1081] : memref<10128x128xf32, #tpu.memory_space<vmem_shared>> -> memref<10128x128xf32, #tpu.memory_space<vmem_shared>>
        tpu.wait_indirect_dma semaphore(%run_scoped3A_1070 : memref<!tpu.dma_semaphore, #tpu.memory_space<semaphore_mem>>) src(%arg9 : memref<128x128xf32, #tpu.memory_space<vmem>>) dst(%dma_wait3A_1082 : memref<10128x128xf32, #tpu.memory_space<vmem_shared>>)
        tpu.yield
      }) : () -> ()
      %mul3A_732 = arith.constant 2 : i32
      %mul3A_733 = arith.muli %add3A_396, %mul3A_732 : i32
      %add3A_734 = arith.constant 1 : i32
      %add3A_735 = arith.addi %mul3A_733, %add3A_734 : i32
      %add3A_736 = arith.constant 1 : i32
      %add3A_737 = arith.addi %add3A_735, %add3A_736 : i32
      %lt3A_738 = arith.constant 5 : i32
      %lt3A_739 = arith.cmpi slt, %add3A_737, %lt3A_738 : i32
      %convert_element_type3A_740 = arith.extui %lt3A_739 : i1 to i32
      %cond3A_741 = arith.constant 0 : i32
      %cond3A_742 = arith.cmpi ne, %convert_element_type3A_740, %cond3A_741 : i32
      scf.if %cond3A_742 {
        %add3A_1070 = arith.constant 1 : i32
        %add3A_1071 = arith.addi %add3A_735, %add3A_1070 : i32
        %mul3A_1072 = arith.constant 2048 : i32
        %mul3A_1073 = arith.muli %add3A_1071, %mul3A_1072 : i32
        %add3A_1074 = arith.addi %multiple_of3A, %mul3A_1073 : i32
        %multiple_of3A_1075 = tpu.assume_multiple %add3A_1074, 8 : i32
        %dma_start3A_1076 = arith.constant 0 : i32
        %dma_start3A_1077 = arith.constant 0 : i32
        %dma_start3A_1078 = tpu.memref_slice %arg6[%dma_start3A_1076, %dma_start3A_1077] : memref<2x2048xi32, #tpu.memory_space<vmem>> -> memref<1x2048xi32, #tpu.memory_space<vmem>>
        %dma_start3A_1079 = tpu.memref_squeeze %dma_start3A_1078 : memref<1x2048xi32, #tpu.memory_space<vmem>> -> memref<2048xi32, #tpu.memory_space<vmem>>
        %dma_start3A_1080 = tpu.memref_slice %arg3[%multiple_of3A_1075] : memref<327680xi32, #tpu.memory_space<hbm>> -> memref<2048xi32, #tpu.memory_space<hbm>>
        %dma_start3A_1081 = arith.constant 0 : i32
        %dma_start3A_1082 = tpu.memref_slice %arg6[%dma_start3A_1076, %dma_start3A_1081] : memref<2x2048xi32, #tpu.memory_space<vmem>> -> memref<1x2048xi32, #tpu.memory_space<vmem>>
        %dma_start3A_1083 = tpu.memref_squeeze %dma_start3A_1082 : memref<1x2048xi32, #tpu.memory_space<vmem>> -> memref<2048xi32, #tpu.memory_space<vmem>>
        %dma_start3A_1084 = tpu.memref_slice %arg3[%multiple_of3A_1075] : memref<327680xi32, #tpu.memory_space<hbm>> -> memref<2048xi32, #tpu.memory_space<hbm>>
        tpu.enqueue_dma source(%dma_start3A_1084 : memref<2048xi32, #tpu.memory_space<hbm>>) target(%dma_start3A_1083 : memref<2048xi32, #tpu.memory_space<vmem>>) target_semaphore(%arg13 : memref<!tpu.dma_semaphore, #tpu.memory_space<semaphore_mem>>)
        %mul3A_1085 = arith.constant 16 : i32
        %mul3A_1086 = arith.muli %add3A_1071, %mul3A_1085 : i32
        %add3A_1087 = arith.addi %multiple_of3A_7, %mul3A_1086 : i32
        %multiple_of3A_1088 = tpu.assume_multiple %add3A_1087, 8 : i32
        %multiple_of3A_1089 = arith.constant 0 : i32
        %multiple_of3A_1090 = tpu.assume_multiple %multiple_of3A_1089, 8 : i32
        %dma_start3A_1091 = arith.constant 0 : i32
        %dma_start3A_1092 = tpu.memref_slice %arg7[%multiple_of3A_1090, %dma_start3A_1091] : memref<32x128xi32, #tpu.memory_space<vmem>> -> memref<16x128xi32, #tpu.memory_space<vmem>>
        %dma_start3A_1093 = arith.constant 0 : i32
        %dma_start3A_1094 = tpu.memref_slice %arg4[%multiple_of3A_1088, %dma_start3A_1093] : memref<2560x128xi32, #tpu.memory_space<hbm>> -> memref<16x128xi32, #tpu.memory_space<hbm>>
        %dma_start3A_1095 = arith.constant 0 : i32
        %dma_start3A_1096 = tpu.memref_slice %arg7[%multiple_of3A_1090, %dma_start3A_1095] : memref<32x128xi32, #tpu.memory_space<vmem>> -> memref<16x128xi32, #tpu.memory_space<vmem>>
        %dma_start3A_1097 = arith.constant 0 : i32
        %dma_start3A_1098 = tpu.memref_slice %arg4[%multiple_of3A_1088, %dma_start3A_1097] : memref<2560x128xi32, #tpu.memory_space<hbm>> -> memref<16x128xi32, #tpu.memory_space<hbm>>
        tpu.enqueue_dma source(%dma_start3A_1098 : memref<16x128xi32, #tpu.memory_space<hbm>>) target(%dma_start3A_1096 : memref<16x128xi32, #tpu.memory_space<vmem>>) target_semaphore(%arg13 : memref<!tpu.dma_semaphore, #tpu.memory_space<semaphore_mem>>)
      } else {
      }
      %dma_wait3A_743 = arith.constant 1 : i32
      %dma_wait3A_744 = arith.constant 0 : i32
      %dma_wait3A_745 = tpu.memref_slice %arg6[%dma_wait3A_743, %dma_wait3A_744] : memref<2x2048xi32, #tpu.memory_space<vmem>> -> memref<1x2048xi32, #tpu.memory_space<vmem>>
      %dma_wait3A_746 = tpu.memref_squeeze %dma_wait3A_745 : memref<1x2048xi32, #tpu.memory_space<vmem>> -> memref<2048xi32, #tpu.memory_space<vmem>>
      %dma_wait3A_747 = arith.constant 0 : i32
      %dma_wait3A_748 = tpu.memref_slice %arg3[%dma_wait3A_747] : memref<327680xi32, #tpu.memory_space<hbm>> -> memref<2048xi32, #tpu.memory_space<hbm>>
      %dma_wait3A_749 = arith.constant 0 : i32
      %dma_wait3A_750 = tpu.memref_slice %arg6[%dma_wait3A_743, %dma_wait3A_749] : memref<2x2048xi32, #tpu.memory_space<vmem>> -> memref<1x2048xi32, #tpu.memory_space<vmem>>
      %dma_wait3A_751 = tpu.memref_squeeze %dma_wait3A_750 : memref<1x2048xi32, #tpu.memory_space<vmem>> -> memref<2048xi32, #tpu.memory_space<vmem>>
      %dma_wait3A_752 = arith.constant 0 : i32
      %dma_wait3A_753 = tpu.memref_slice %arg3[%dma_wait3A_752] : memref<327680xi32, #tpu.memory_space<hbm>> -> memref<2048xi32, #tpu.memory_space<hbm>>
      tpu.wait_dma2 semaphore(%arg14 : memref<!tpu.dma_semaphore, #tpu.memory_space<semaphore_mem>>) src(%dma_wait3A_753 : memref<2048xi32, #tpu.memory_space<hbm>>) dst(%dma_wait3A_751 : memref<2048xi32, #tpu.memory_space<vmem>>)
      %multiple_of3A_754 = arith.constant 16 : i32
      %multiple_of3A_755 = tpu.assume_multiple %multiple_of3A_754, 8 : i32
      %dma_wait3A_756 = arith.constant 0 : i32
      %dma_wait3A_757 = tpu.memref_slice %arg7[%multiple_of3A_755, %dma_wait3A_756] : memref<32x128xi32, #tpu.memory_space<vmem>> -> memref<16x128xi32, #tpu.memory_space<vmem>>
      %dma_wait3A_758 = arith.constant 0 : i32
      %dma_wait3A_759 = arith.constant 0 : i32
      %dma_wait3A_760 = tpu.memref_slice %arg4[%dma_wait3A_758, %dma_wait3A_759] : memref<2560x128xi32, #tpu.memory_space<hbm>> -> memref<16x128xi32, #tpu.memory_space<hbm>>
      %dma_wait3A_761 = arith.constant 0 : i32
      %dma_wait3A_762 = tpu.memref_slice %arg7[%multiple_of3A_755, %dma_wait3A_761] : memref<32x128xi32, #tpu.memory_space<vmem>> -> memref<16x128xi32, #tpu.memory_space<vmem>>
      %dma_wait3A_763 = arith.constant 0 : i32
      %dma_wait3A_764 = arith.constant 0 : i32
      %dma_wait3A_765 = tpu.memref_slice %arg4[%dma_wait3A_763, %dma_wait3A_764] : memref<2560x128xi32, #tpu.memory_space<hbm>> -> memref<16x128xi32, #tpu.memory_space<hbm>>
      tpu.wait_dma2 semaphore(%arg14 : memref<!tpu.dma_semaphore, #tpu.memory_space<semaphore_mem>>) src(%dma_wait3A_765 : memref<16x128xi32, #tpu.memory_space<hbm>>) dst(%dma_wait3A_762 : memref<16x128xi32, #tpu.memory_space<vmem>>)
      %dma_start3A_766 = arith.constant 1 : i32
      %dma_start3A_767 = arith.constant 0 : i32
      %dma_start3A_768 = tpu.memref_slice %arg6[%dma_start3A_766, %dma_start3A_767] : memref<2x2048xi32, #tpu.memory_space<vmem>> -> memref<1x2048xi32, #tpu.memory_space<vmem>>
      %dma_start3A_769 = tpu.memref_squeeze %dma_start3A_768 : memref<1x2048xi32, #tpu.memory_space<vmem>> -> memref<2048xi32, #tpu.memory_space<vmem>>
      %dma_start3A_770 = arith.constant 0 : i32
      %dma_start3A_771 = tpu.memref_slice %dma_start3A_769[%dma_start3A_770] : memref<2048xi32, #tpu.memory_space<vmem>> -> memref<128xi32, #tpu.memory_space<vmem>>
      %dma_start3A_772 = arith.constant 0 : i32
      %dma_start3A_773 = arith.constant 0 : i32
      %dma_start3A_774 = tpu.memref_slice %arg2[%dma_start3A_772, %dma_start3A_773] : memref<10000x128xf32, #tpu.memory_space<hbm>> -> memref<10000x128xf32, #tpu.memory_space<hbm>>
      tpu.enqueue_indirect_dma source(%dma_start3A_774 : memref<10000x128xf32, #tpu.memory_space<hbm>>) target(%arg8 : memref<128x128xf32, #tpu.memory_space<vmem>>) offsets(%dma_start3A_771 : memref<128xi32, #tpu.memory_space<vmem>>) semaphore(%arg11 : memref<!tpu.dma_semaphore, #tpu.memory_space<semaphore_mem>>)
      %dma_start3A_775 = arith.constant 1 : i32
      %dma_start3A_776 = arith.constant 0 : i32
      %dma_start3A_777 = tpu.memref_slice %arg6[%dma_start3A_775, %dma_start3A_776] : memref<2x2048xi32, #tpu.memory_space<vmem>> -> memref<1x2048xi32, #tpu.memory_space<vmem>>
      %dma_start3A_778 = tpu.memref_squeeze %dma_start3A_777 : memref<1x2048xi32, #tpu.memory_space<vmem>> -> memref<2048xi32, #tpu.memory_space<vmem>>
      %dma_start3A_779 = arith.constant 128 : i32
      %dma_start3A_780 = tpu.memref_slice %dma_start3A_778[%dma_start3A_779] : memref<2048xi32, #tpu.memory_space<vmem>> -> memref<128xi32, #tpu.memory_space<vmem>>
      %dma_start3A_781 = arith.constant 0 : i32
      %dma_start3A_782 = arith.constant 0 : i32
      %dma_start3A_783 = tpu.memref_slice %arg2[%dma_start3A_781, %dma_start3A_782] : memref<10000x128xf32, #tpu.memory_space<hbm>> -> memref<10000x128xf32, #tpu.memory_space<hbm>>
      tpu.enqueue_indirect_dma source(%dma_start3A_783 : memref<10000x128xf32, #tpu.memory_space<hbm>>) target(%arg9 : memref<128x128xf32, #tpu.memory_space<vmem>>) offsets(%dma_start3A_780 : memref<128xi32, #tpu.memory_space<vmem>>) semaphore(%arg12 : memref<!tpu.dma_semaphore, #tpu.memory_space<semaphore_mem>>)
      %dma_wait3A_784 = arith.constant 1 : i32
      %dma_wait3A_785 = arith.constant 0 : i32
      %dma_wait3A_786 = tpu.memref_slice %arg6[%dma_wait3A_784, %dma_wait3A_785] : memref<2x2048xi32, #tpu.memory_space<vmem>> -> memref<1x2048xi32, #tpu.memory_space<vmem>>
      %dma_wait3A_787 = tpu.memref_squeeze %dma_wait3A_786 : memref<1x2048xi32, #tpu.memory_space<vmem>> -> memref<2048xi32, #tpu.memory_space<vmem>>
      %dma_wait3A_788 = arith.constant 0 : i32
      %dma_wait3A_789 = tpu.memref_slice %dma_wait3A_787[%dma_wait3A_788] : memref<2048xi32, #tpu.memory_space<vmem>> -> memref<128xi32, #tpu.memory_space<vmem>>
      %dma_wait3A_790 = arith.constant 0 : i32
      %dma_wait3A_791 = arith.constant 0 : i32
      %dma_wait3A_792 = tpu.memref_slice %arg2[%dma_wait3A_790, %dma_wait3A_791] : memref<10000x128xf32, #tpu.memory_space<hbm>> -> memref<10000x128xf32, #tpu.memory_space<hbm>>
      tpu.wait_indirect_dma semaphore(%arg11 : memref<!tpu.dma_semaphore, #tpu.memory_space<semaphore_mem>>) src(%dma_wait3A_792 : memref<10000x128xf32, #tpu.memory_space<hbm>>) dst(%arg8 : memref<128x128xf32, #tpu.memory_space<vmem>>)
      %run_scoped3A_793 = arith.constant 16 : i32
      "tpu.region"() ({
        %run_scoped3A_1070 = tpu.sem_alloc : memref<!tpu.dma_semaphore, #tpu.memory_space<semaphore_mem>>
        %dma_start3A_1071 = arith.constant 0 : i32
        %dma_start3A_1072 = tpu.memref_slice %arg7[%run_scoped3A_793, %dma_start3A_1071] : memref<32x128xi32, #tpu.memory_space<vmem>> -> memref<1x128xi32, #tpu.memory_space<vmem>>
        %dma_start3A_1073 = tpu.memref_squeeze %dma_start3A_1072 : memref<1x128xi32, #tpu.memory_space<vmem>> -> memref<128xi32, #tpu.memory_space<vmem>>
        %dma_start3A_1074 = arith.constant 0 : i32
        %dma_start3A_1075 = arith.constant 0 : i32
        %dma_start3A_1076 = tpu.memref_slice %arg10[%dma_start3A_1074, %dma_start3A_1075] : memref<10128x128xf32, #tpu.memory_space<vmem_shared>> -> memref<10128x128xf32, #tpu.memory_space<vmem_shared>>
        tpu.enqueue_indirect_dma source(%arg8 : memref<128x128xf32, #tpu.memory_space<vmem>>) target(%dma_start3A_1076 : memref<10128x128xf32, #tpu.memory_space<vmem_shared>>) offsets(%dma_start3A_1073 : memref<128xi32, #tpu.memory_space<vmem>>) semaphore(%run_scoped3A_1070 : memref<!tpu.dma_semaphore, #tpu.memory_space<semaphore_mem>>) {add = true}
        %dma_wait3A_1077 = arith.constant 0 : i32
        %dma_wait3A_1078 = tpu.memref_slice %arg7[%run_scoped3A_793, %dma_wait3A_1077] : memref<32x128xi32, #tpu.memory_space<vmem>> -> memref<1x128xi32, #tpu.memory_space<vmem>>
        %dma_wait3A_1079 = tpu.memref_squeeze %dma_wait3A_1078 : memref<1x128xi32, #tpu.memory_space<vmem>> -> memref<128xi32, #tpu.memory_space<vmem>>
        %dma_wait3A_1080 = arith.constant 0 : i32
        %dma_wait3A_1081 = arith.constant 0 : i32
        %dma_wait3A_1082 = tpu.memref_slice %arg10[%dma_wait3A_1080, %dma_wait3A_1081] : memref<10128x128xf32, #tpu.memory_space<vmem_shared>> -> memref<10128x128xf32, #tpu.memory_space<vmem_shared>>
        tpu.wait_indirect_dma semaphore(%run_scoped3A_1070 : memref<!tpu.dma_semaphore, #tpu.memory_space<semaphore_mem>>) src(%arg8 : memref<128x128xf32, #tpu.memory_space<vmem>>) dst(%dma_wait3A_1082 : memref<10128x128xf32, #tpu.memory_space<vmem_shared>>)
        tpu.yield
      }) : () -> ()
      %dma_start3A_794 = arith.constant 1 : i32
      %dma_start3A_795 = arith.constant 0 : i32
      %dma_start3A_796 = tpu.memref_slice %arg6[%dma_start3A_794, %dma_start3A_795] : memref<2x2048xi32, #tpu.memory_space<vmem>> -> memref<1x2048xi32, #tpu.memory_space<vmem>>
      %dma_start3A_797 = tpu.memref_squeeze %dma_start3A_796 : memref<1x2048xi32, #tpu.memory_space<vmem>> -> memref<2048xi32, #tpu.memory_space<vmem>>
      %dma_start3A_798 = arith.constant 256 : i32
      %dma_start3A_799 = tpu.memref_slice %dma_start3A_797[%dma_start3A_798] : memref<2048xi32, #tpu.memory_space<vmem>> -> memref<128xi32, #tpu.memory_space<vmem>>
      %dma_start3A_800 = arith.constant 0 : i32
      %dma_start3A_801 = arith.constant 0 : i32
      %dma_start3A_802 = tpu.memref_slice %arg2[%dma_start3A_800, %dma_start3A_801] : memref<10000x128xf32, #tpu.memory_space<hbm>> -> memref<10000x128xf32, #tpu.memory_space<hbm>>
      tpu.enqueue_indirect_dma source(%dma_start3A_802 : memref<10000x128xf32, #tpu.memory_space<hbm>>) target(%arg8 : memref<128x128xf32, #tpu.memory_space<vmem>>) offsets(%dma_start3A_799 : memref<128xi32, #tpu.memory_space<vmem>>) semaphore(%arg11 : memref<!tpu.dma_semaphore, #tpu.memory_space<semaphore_mem>>)
      %dma_wait3A_803 = arith.constant 1 : i32
      %dma_wait3A_804 = arith.constant 0 : i32
      %dma_wait3A_805 = tpu.memref_slice %arg6[%dma_wait3A_803, %dma_wait3A_804] : memref<2x2048xi32, #tpu.memory_space<vmem>> -> memref<1x2048xi32, #tpu.memory_space<vmem>>
      %dma_wait3A_806 = tpu.memref_squeeze %dma_wait3A_805 : memref<1x2048xi32, #tpu.memory_space<vmem>> -> memref<2048xi32, #tpu.memory_space<vmem>>
      %dma_wait3A_807 = arith.constant 128 : i32
      %dma_wait3A_808 = tpu.memref_slice %dma_wait3A_806[%dma_wait3A_807] : memref<2048xi32, #tpu.memory_space<vmem>> -> memref<128xi32, #tpu.memory_space<vmem>>
      %dma_wait3A_809 = arith.constant 0 : i32
      %dma_wait3A_810 = arith.constant 0 : i32
      %dma_wait3A_811 = tpu.memref_slice %arg2[%dma_wait3A_809, %dma_wait3A_810] : memref<10000x128xf32, #tpu.memory_space<hbm>> -> memref<10000x128xf32, #tpu.memory_space<hbm>>
      tpu.wait_indirect_dma semaphore(%arg12 : memref<!tpu.dma_semaphore, #tpu.memory_space<semaphore_mem>>) src(%dma_wait3A_811 : memref<10000x128xf32, #tpu.memory_space<hbm>>) dst(%arg9 : memref<128x128xf32, #tpu.memory_space<vmem>>)
      %run_scoped3A_812 = arith.constant 17 : i32
      "tpu.region"() ({
        %run_scoped3A_1070 = tpu.sem_alloc : memref<!tpu.dma_semaphore, #tpu.memory_space<semaphore_mem>>
        %dma_start3A_1071 = arith.constant 0 : i32
        %dma_start3A_1072 = tpu.memref_slice %arg7[%run_scoped3A_812, %dma_start3A_1071] : memref<32x128xi32, #tpu.memory_space<vmem>> -> memref<1x128xi32, #tpu.memory_space<vmem>>
        %dma_start3A_1073 = tpu.memref_squeeze %dma_start3A_1072 : memref<1x128xi32, #tpu.memory_space<vmem>> -> memref<128xi32, #tpu.memory_space<vmem>>
        %dma_start3A_1074 = arith.constant 0 : i32
        %dma_start3A_1075 = arith.constant 0 : i32
        %dma_start3A_1076 = tpu.memref_slice %arg10[%dma_start3A_1074, %dma_start3A_1075] : memref<10128x128xf32, #tpu.memory_space<vmem_shared>> -> memref<10128x128xf32, #tpu.memory_space<vmem_shared>>
        tpu.enqueue_indirect_dma source(%arg9 : memref<128x128xf32, #tpu.memory_space<vmem>>) target(%dma_start3A_1076 : memref<10128x128xf32, #tpu.memory_space<vmem_shared>>) offsets(%dma_start3A_1073 : memref<128xi32, #tpu.memory_space<vmem>>) semaphore(%run_scoped3A_1070 : memref<!tpu.dma_semaphore, #tpu.memory_space<semaphore_mem>>) {add = true}
        %dma_wait3A_1077 = arith.constant 0 : i32
        %dma_wait3A_1078 = tpu.memref_slice %arg7[%run_scoped3A_812, %dma_wait3A_1077] : memref<32x128xi32, #tpu.memory_space<vmem>> -> memref<1x128xi32, #tpu.memory_space<vmem>>
        %dma_wait3A_1079 = tpu.memref_squeeze %dma_wait3A_1078 : memref<1x128xi32, #tpu.memory_space<vmem>> -> memref<128xi32, #tpu.memory_space<vmem>>
        %dma_wait3A_1080 = arith.constant 0 : i32
        %dma_wait3A_1081 = arith.constant 0 : i32
        %dma_wait3A_1082 = tpu.memref_slice %arg10[%dma_wait3A_1080, %dma_wait3A_1081] : memref<10128x128xf32, #tpu.memory_space<vmem_shared>> -> memref<10128x128xf32, #tpu.memory_space<vmem_shared>>
        tpu.wait_indirect_dma semaphore(%run_scoped3A_1070 : memref<!tpu.dma_semaphore, #tpu.memory_space<semaphore_mem>>) src(%arg9 : memref<128x128xf32, #tpu.memory_space<vmem>>) dst(%dma_wait3A_1082 : memref<10128x128xf32, #tpu.memory_space<vmem_shared>>)
        tpu.yield
      }) : () -> ()
      %dma_start3A_813 = arith.constant 1 : i32
      %dma_start3A_814 = arith.constant 0 : i32
      %dma_start3A_815 = tpu.memref_slice %arg6[%dma_start3A_813, %dma_start3A_814] : memref<2x2048xi32, #tpu.memory_space<vmem>> -> memref<1x2048xi32, #tpu.memory_space<vmem>>
      %dma_start3A_816 = tpu.memref_squeeze %dma_start3A_815 : memref<1x2048xi32, #tpu.memory_space<vmem>> -> memref<2048xi32, #tpu.memory_space<vmem>>
      %dma_start3A_817 = arith.constant 384 : i32
      %dma_start3A_818 = tpu.memref_slice %dma_start3A_816[%dma_start3A_817] : memref<2048xi32, #tpu.memory_space<vmem>> -> memref<128xi32, #tpu.memory_space<vmem>>
      %dma_start3A_819 = arith.constant 0 : i32
      %dma_start3A_820 = arith.constant 0 : i32
      %dma_start3A_821 = tpu.memref_slice %arg2[%dma_start3A_819, %dma_start3A_820] : memref<10000x128xf32, #tpu.memory_space<hbm>> -> memref<10000x128xf32, #tpu.memory_space<hbm>>
      tpu.enqueue_indirect_dma source(%dma_start3A_821 : memref<10000x128xf32, #tpu.memory_space<hbm>>) target(%arg9 : memref<128x128xf32, #tpu.memory_space<vmem>>) offsets(%dma_start3A_818 : memref<128xi32, #tpu.memory_space<vmem>>) semaphore(%arg12 : memref<!tpu.dma_semaphore, #tpu.memory_space<semaphore_mem>>)
      %dma_wait3A_822 = arith.constant 1 : i32
      %dma_wait3A_823 = arith.constant 0 : i32
      %dma_wait3A_824 = tpu.memref_slice %arg6[%dma_wait3A_822, %dma_wait3A_823] : memref<2x2048xi32, #tpu.memory_space<vmem>> -> memref<1x2048xi32, #tpu.memory_space<vmem>>
      %dma_wait3A_825 = tpu.memref_squeeze %dma_wait3A_824 : memref<1x2048xi32, #tpu.memory_space<vmem>> -> memref<2048xi32, #tpu.memory_space<vmem>>
      %dma_wait3A_826 = arith.constant 256 : i32
      %dma_wait3A_827 = tpu.memref_slice %dma_wait3A_825[%dma_wait3A_826] : memref<2048xi32, #tpu.memory_space<vmem>> -> memref<128xi32, #tpu.memory_space<vmem>>
      %dma_wait3A_828 = arith.constant 0 : i32
      %dma_wait3A_829 = arith.constant 0 : i32
      %dma_wait3A_830 = tpu.memref_slice %arg2[%dma_wait3A_828, %dma_wait3A_829] : memref<10000x128xf32, #tpu.memory_space<hbm>> -> memref<10000x128xf32, #tpu.memory_space<hbm>>
      tpu.wait_indirect_dma semaphore(%arg11 : memref<!tpu.dma_semaphore, #tpu.memory_space<semaphore_mem>>) src(%dma_wait3A_830 : memref<10000x128xf32, #tpu.memory_space<hbm>>) dst(%arg8 : memref<128x128xf32, #tpu.memory_space<vmem>>)
      %run_scoped3A_831 = arith.constant 18 : i32
      "tpu.region"() ({
        %run_scoped3A_1070 = tpu.sem_alloc : memref<!tpu.dma_semaphore, #tpu.memory_space<semaphore_mem>>
        %dma_start3A_1071 = arith.constant 0 : i32
        %dma_start3A_1072 = tpu.memref_slice %arg7[%run_scoped3A_831, %dma_start3A_1071] : memref<32x128xi32, #tpu.memory_space<vmem>> -> memref<1x128xi32, #tpu.memory_space<vmem>>
        %dma_start3A_1073 = tpu.memref_squeeze %dma_start3A_1072 : memref<1x128xi32, #tpu.memory_space<vmem>> -> memref<128xi32, #tpu.memory_space<vmem>>
        %dma_start3A_1074 = arith.constant 0 : i32
        %dma_start3A_1075 = arith.constant 0 : i32
        %dma_start3A_1076 = tpu.memref_slice %arg10[%dma_start3A_1074, %dma_start3A_1075] : memref<10128x128xf32, #tpu.memory_space<vmem_shared>> -> memref<10128x128xf32, #tpu.memory_space<vmem_shared>>
        tpu.enqueue_indirect_dma source(%arg8 : memref<128x128xf32, #tpu.memory_space<vmem>>) target(%dma_start3A_1076 : memref<10128x128xf32, #tpu.memory_space<vmem_shared>>) offsets(%dma_start3A_1073 : memref<128xi32, #tpu.memory_space<vmem>>) semaphore(%run_scoped3A_1070 : memref<!tpu.dma_semaphore, #tpu.memory_space<semaphore_mem>>) {add = true}
        %dma_wait3A_1077 = arith.constant 0 : i32
        %dma_wait3A_1078 = tpu.memref_slice %arg7[%run_scoped3A_831, %dma_wait3A_1077] : memref<32x128xi32, #tpu.memory_space<vmem>> -> memref<1x128xi32, #tpu.memory_space<vmem>>
        %dma_wait3A_1079 = tpu.memref_squeeze %dma_wait3A_1078 : memref<1x128xi32, #tpu.memory_space<vmem>> -> memref<128xi32, #tpu.memory_space<vmem>>
        %dma_wait3A_1080 = arith.constant 0 : i32
        %dma_wait3A_1081 = arith.constant 0 : i32
        %dma_wait3A_1082 = tpu.memref_slice %arg10[%dma_wait3A_1080, %dma_wait3A_1081] : memref<10128x128xf32, #tpu.memory_space<vmem_shared>> -> memref<10128x128xf32, #tpu.memory_space<vmem_shared>>
        tpu.wait_indirect_dma semaphore(%run_scoped3A_1070 : memref<!tpu.dma_semaphore, #tpu.memory_space<semaphore_mem>>) src(%arg8 : memref<128x128xf32, #tpu.memory_space<vmem>>) dst(%dma_wait3A_1082 : memref<10128x128xf32, #tpu.memory_space<vmem_shared>>)
        tpu.yield
      }) : () -> ()
      %dma_start3A_832 = arith.constant 1 : i32
      %dma_start3A_833 = arith.constant 0 : i32
      %dma_start3A_834 = tpu.memref_slice %arg6[%dma_start3A_832, %dma_start3A_833] : memref<2x2048xi32, #tpu.memory_space<vmem>> -> memref<1x2048xi32, #tpu.memory_space<vmem>>
      %dma_start3A_835 = tpu.memref_squeeze %dma_start3A_834 : memref<1x2048xi32, #tpu.memory_space<vmem>> -> memref<2048xi32, #tpu.memory_space<vmem>>
      %dma_start3A_836 = arith.constant 512 : i32
      %dma_start3A_837 = tpu.memref_slice %dma_start3A_835[%dma_start3A_836] : memref<2048xi32, #tpu.memory_space<vmem>> -> memref<128xi32, #tpu.memory_space<vmem>>
      %dma_start3A_838 = arith.constant 0 : i32
      %dma_start3A_839 = arith.constant 0 : i32
      %dma_start3A_840 = tpu.memref_slice %arg2[%dma_start3A_838, %dma_start3A_839] : memref<10000x128xf32, #tpu.memory_space<hbm>> -> memref<10000x128xf32, #tpu.memory_space<hbm>>
      tpu.enqueue_indirect_dma source(%dma_start3A_840 : memref<10000x128xf32, #tpu.memory_space<hbm>>) target(%arg8 : memref<128x128xf32, #tpu.memory_space<vmem>>) offsets(%dma_start3A_837 : memref<128xi32, #tpu.memory_space<vmem>>) semaphore(%arg11 : memref<!tpu.dma_semaphore, #tpu.memory_space<semaphore_mem>>)
      %dma_wait3A_841 = arith.constant 1 : i32
      %dma_wait3A_842 = arith.constant 0 : i32
      %dma_wait3A_843 = tpu.memref_slice %arg6[%dma_wait3A_841, %dma_wait3A_842] : memref<2x2048xi32, #tpu.memory_space<vmem>> -> memref<1x2048xi32, #tpu.memory_space<vmem>>
      %dma_wait3A_844 = tpu.memref_squeeze %dma_wait3A_843 : memref<1x2048xi32, #tpu.memory_space<vmem>> -> memref<2048xi32, #tpu.memory_space<vmem>>
      %dma_wait3A_845 = arith.constant 384 : i32
      %dma_wait3A_846 = tpu.memref_slice %dma_wait3A_844[%dma_wait3A_845] : memref<2048xi32, #tpu.memory_space<vmem>> -> memref<128xi32, #tpu.memory_space<vmem>>
      %dma_wait3A_847 = arith.constant 0 : i32
      %dma_wait3A_848 = arith.constant 0 : i32
      %dma_wait3A_849 = tpu.memref_slice %arg2[%dma_wait3A_847, %dma_wait3A_848] : memref<10000x128xf32, #tpu.memory_space<hbm>> -> memref<10000x128xf32, #tpu.memory_space<hbm>>
      tpu.wait_indirect_dma semaphore(%arg12 : memref<!tpu.dma_semaphore, #tpu.memory_space<semaphore_mem>>) src(%dma_wait3A_849 : memref<10000x128xf32, #tpu.memory_space<hbm>>) dst(%arg9 : memref<128x128xf32, #tpu.memory_space<vmem>>)
      %run_scoped3A_850 = arith.constant 19 : i32
      "tpu.region"() ({
        %run_scoped3A_1070 = tpu.sem_alloc : memref<!tpu.dma_semaphore, #tpu.memory_space<semaphore_mem>>
        %dma_start3A_1071 = arith.constant 0 : i32
        %dma_start3A_1072 = tpu.memref_slice %arg7[%run_scoped3A_850, %dma_start3A_1071] : memref<32x128xi32, #tpu.memory_space<vmem>> -> memref<1x128xi32, #tpu.memory_space<vmem>>
        %dma_start3A_1073 = tpu.memref_squeeze %dma_start3A_1072 : memref<1x128xi32, #tpu.memory_space<vmem>> -> memref<128xi32, #tpu.memory_space<vmem>>
        %dma_start3A_1074 = arith.constant 0 : i32
        %dma_start3A_1075 = arith.constant 0 : i32
        %dma_start3A_1076 = tpu.memref_slice %arg10[%dma_start3A_1074, %dma_start3A_1075] : memref<10128x128xf32, #tpu.memory_space<vmem_shared>> -> memref<10128x128xf32, #tpu.memory_space<vmem_shared>>
        tpu.enqueue_indirect_dma source(%arg9 : memref<128x128xf32, #tpu.memory_space<vmem>>) target(%dma_start3A_1076 : memref<10128x128xf32, #tpu.memory_space<vmem_shared>>) offsets(%dma_start3A_1073 : memref<128xi32, #tpu.memory_space<vmem>>) semaphore(%run_scoped3A_1070 : memref<!tpu.dma_semaphore, #tpu.memory_space<semaphore_mem>>) {add = true}
        %dma_wait3A_1077 = arith.constant 0 : i32
        %dma_wait3A_1078 = tpu.memref_slice %arg7[%run_scoped3A_850, %dma_wait3A_1077] : memref<32x128xi32, #tpu.memory_space<vmem>> -> memref<1x128xi32, #tpu.memory_space<vmem>>
        %dma_wait3A_1079 = tpu.memref_squeeze %dma_wait3A_1078 : memref<1x128xi32, #tpu.memory_space<vmem>> -> memref<128xi32, #tpu.memory_space<vmem>>
        %dma_wait3A_1080 = arith.constant 0 : i32
        %dma_wait3A_1081 = arith.constant 0 : i32
        %dma_wait3A_1082 = tpu.memref_slice %arg10[%dma_wait3A_1080, %dma_wait3A_1081] : memref<10128x128xf32, #tpu.memory_space<vmem_shared>> -> memref<10128x128xf32, #tpu.memory_space<vmem_shared>>
        tpu.wait_indirect_dma semaphore(%run_scoped3A_1070 : memref<!tpu.dma_semaphore, #tpu.memory_space<semaphore_mem>>) src(%arg9 : memref<128x128xf32, #tpu.memory_space<vmem>>) dst(%dma_wait3A_1082 : memref<10128x128xf32, #tpu.memory_space<vmem_shared>>)
        tpu.yield
      }) : () -> ()
      %dma_start3A_851 = arith.constant 1 : i32
      %dma_start3A_852 = arith.constant 0 : i32
      %dma_start3A_853 = tpu.memref_slice %arg6[%dma_start3A_851, %dma_start3A_852] : memref<2x2048xi32, #tpu.memory_space<vmem>> -> memref<1x2048xi32, #tpu.memory_space<vmem>>
      %dma_start3A_854 = tpu.memref_squeeze %dma_start3A_853 : memref<1x2048xi32, #tpu.memory_space<vmem>> -> memref<2048xi32, #tpu.memory_space<vmem>>
      %dma_start3A_855 = arith.constant 640 : i32
      %dma_start3A_856 = tpu.memref_slice %dma_start3A_854[%dma_start3A_855] : memref<2048xi32, #tpu.memory_space<vmem>> -> memref<128xi32, #tpu.memory_space<vmem>>
      %dma_start3A_857 = arith.constant 0 : i32
      %dma_start3A_858 = arith.constant 0 : i32
      %dma_start3A_859 = tpu.memref_slice %arg2[%dma_start3A_857, %dma_start3A_858] : memref<10000x128xf32, #tpu.memory_space<hbm>> -> memref<10000x128xf32, #tpu.memory_space<hbm>>
      tpu.enqueue_indirect_dma source(%dma_start3A_859 : memref<10000x128xf32, #tpu.memory_space<hbm>>) target(%arg9 : memref<128x128xf32, #tpu.memory_space<vmem>>) offsets(%dma_start3A_856 : memref<128xi32, #tpu.memory_space<vmem>>) semaphore(%arg12 : memref<!tpu.dma_semaphore, #tpu.memory_space<semaphore_mem>>)
      %dma_wait3A_860 = arith.constant 1 : i32
      %dma_wait3A_861 = arith.constant 0 : i32
      %dma_wait3A_862 = tpu.memref_slice %arg6[%dma_wait3A_860, %dma_wait3A_861] : memref<2x2048xi32, #tpu.memory_space<vmem>> -> memref<1x2048xi32, #tpu.memory_space<vmem>>
      %dma_wait3A_863 = tpu.memref_squeeze %dma_wait3A_862 : memref<1x2048xi32, #tpu.memory_space<vmem>> -> memref<2048xi32, #tpu.memory_space<vmem>>
      %dma_wait3A_864 = arith.constant 512 : i32
      %dma_wait3A_865 = tpu.memref_slice %dma_wait3A_863[%dma_wait3A_864] : memref<2048xi32, #tpu.memory_space<vmem>> -> memref<128xi32, #tpu.memory_space<vmem>>
      %dma_wait3A_866 = arith.constant 0 : i32
      %dma_wait3A_867 = arith.constant 0 : i32
      %dma_wait3A_868 = tpu.memref_slice %arg2[%dma_wait3A_866, %dma_wait3A_867] : memref<10000x128xf32, #tpu.memory_space<hbm>> -> memref<10000x128xf32, #tpu.memory_space<hbm>>
      tpu.wait_indirect_dma semaphore(%arg11 : memref<!tpu.dma_semaphore, #tpu.memory_space<semaphore_mem>>) src(%dma_wait3A_868 : memref<10000x128xf32, #tpu.memory_space<hbm>>) dst(%arg8 : memref<128x128xf32, #tpu.memory_space<vmem>>)
      %run_scoped3A_869 = arith.constant 20 : i32
      "tpu.region"() ({
        %run_scoped3A_1070 = tpu.sem_alloc : memref<!tpu.dma_semaphore, #tpu.memory_space<semaphore_mem>>
        %dma_start3A_1071 = arith.constant 0 : i32
        %dma_start3A_1072 = tpu.memref_slice %arg7[%run_scoped3A_869, %dma_start3A_1071] : memref<32x128xi32, #tpu.memory_space<vmem>> -> memref<1x128xi32, #tpu.memory_space<vmem>>
        %dma_start3A_1073 = tpu.memref_squeeze %dma_start3A_1072 : memref<1x128xi32, #tpu.memory_space<vmem>> -> memref<128xi32, #tpu.memory_space<vmem>>
        %dma_start3A_1074 = arith.constant 0 : i32
        %dma_start3A_1075 = arith.constant 0 : i32
        %dma_start3A_1076 = tpu.memref_slice %arg10[%dma_start3A_1074, %dma_start3A_1075] : memref<10128x128xf32, #tpu.memory_space<vmem_shared>> -> memref<10128x128xf32, #tpu.memory_space<vmem_shared>>
        tpu.enqueue_indirect_dma source(%arg8 : memref<128x128xf32, #tpu.memory_space<vmem>>) target(%dma_start3A_1076 : memref<10128x128xf32, #tpu.memory_space<vmem_shared>>) offsets(%dma_start3A_1073 : memref<128xi32, #tpu.memory_space<vmem>>) semaphore(%run_scoped3A_1070 : memref<!tpu.dma_semaphore, #tpu.memory_space<semaphore_mem>>) {add = true}
        %dma_wait3A_1077 = arith.constant 0 : i32
        %dma_wait3A_1078 = tpu.memref_slice %arg7[%run_scoped3A_869, %dma_wait3A_1077] : memref<32x128xi32, #tpu.memory_space<vmem>> -> memref<1x128xi32, #tpu.memory_space<vmem>>
        %dma_wait3A_1079 = tpu.memref_squeeze %dma_wait3A_1078 : memref<1x128xi32, #tpu.memory_space<vmem>> -> memref<128xi32, #tpu.memory_space<vmem>>
        %dma_wait3A_1080 = arith.constant 0 : i32
        %dma_wait3A_1081 = arith.constant 0 : i32
        %dma_wait3A_1082 = tpu.memref_slice %arg10[%dma_wait3A_1080, %dma_wait3A_1081] : memref<10128x128xf32, #tpu.memory_space<vmem_shared>> -> memref<10128x128xf32, #tpu.memory_space<vmem_shared>>
        tpu.wait_indirect_dma semaphore(%run_scoped3A_1070 : memref<!tpu.dma_semaphore, #tpu.memory_space<semaphore_mem>>) src(%arg8 : memref<128x128xf32, #tpu.memory_space<vmem>>) dst(%dma_wait3A_1082 : memref<10128x128xf32, #tpu.memory_space<vmem_shared>>)
        tpu.yield
      }) : () -> ()
      %dma_start3A_870 = arith.constant 1 : i32
      %dma_start3A_871 = arith.constant 0 : i32
      %dma_start3A_872 = tpu.memref_slice %arg6[%dma_start3A_870, %dma_start3A_871] : memref<2x2048xi32, #tpu.memory_space<vmem>> -> memref<1x2048xi32, #tpu.memory_space<vmem>>
      %dma_start3A_873 = tpu.memref_squeeze %dma_start3A_872 : memref<1x2048xi32, #tpu.memory_space<vmem>> -> memref<2048xi32, #tpu.memory_space<vmem>>
      %dma_start3A_874 = arith.constant 768 : i32
      %dma_start3A_875 = tpu.memref_slice %dma_start3A_873[%dma_start3A_874] : memref<2048xi32, #tpu.memory_space<vmem>> -> memref<128xi32, #tpu.memory_space<vmem>>
      %dma_start3A_876 = arith.constant 0 : i32
      %dma_start3A_877 = arith.constant 0 : i32
      %dma_start3A_878 = tpu.memref_slice %arg2[%dma_start3A_876, %dma_start3A_877] : memref<10000x128xf32, #tpu.memory_space<hbm>> -> memref<10000x128xf32, #tpu.memory_space<hbm>>
      tpu.enqueue_indirect_dma source(%dma_start3A_878 : memref<10000x128xf32, #tpu.memory_space<hbm>>) target(%arg8 : memref<128x128xf32, #tpu.memory_space<vmem>>) offsets(%dma_start3A_875 : memref<128xi32, #tpu.memory_space<vmem>>) semaphore(%arg11 : memref<!tpu.dma_semaphore, #tpu.memory_space<semaphore_mem>>)
      %dma_wait3A_879 = arith.constant 1 : i32
      %dma_wait3A_880 = arith.constant 0 : i32
      %dma_wait3A_881 = tpu.memref_slice %arg6[%dma_wait3A_879, %dma_wait3A_880] : memref<2x2048xi32, #tpu.memory_space<vmem>> -> memref<1x2048xi32, #tpu.memory_space<vmem>>
      %dma_wait3A_882 = tpu.memref_squeeze %dma_wait3A_881 : memref<1x2048xi32, #tpu.memory_space<vmem>> -> memref<2048xi32, #tpu.memory_space<vmem>>
      %dma_wait3A_883 = arith.constant 640 : i32
      %dma_wait3A_884 = tpu.memref_slice %dma_wait3A_882[%dma_wait3A_883] : memref<2048xi32, #tpu.memory_space<vmem>> -> memref<128xi32, #tpu.memory_space<vmem>>
      %dma_wait3A_885 = arith.constant 0 : i32
      %dma_wait3A_886 = arith.constant 0 : i32
      %dma_wait3A_887 = tpu.memref_slice %arg2[%dma_wait3A_885, %dma_wait3A_886] : memref<10000x128xf32, #tpu.memory_space<hbm>> -> memref<10000x128xf32, #tpu.memory_space<hbm>>
      tpu.wait_indirect_dma semaphore(%arg12 : memref<!tpu.dma_semaphore, #tpu.memory_space<semaphore_mem>>) src(%dma_wait3A_887 : memref<10000x128xf32, #tpu.memory_space<hbm>>) dst(%arg9 : memref<128x128xf32, #tpu.memory_space<vmem>>)
      %run_scoped3A_888 = arith.constant 21 : i32
      "tpu.region"() ({
        %run_scoped3A_1070 = tpu.sem_alloc : memref<!tpu.dma_semaphore, #tpu.memory_space<semaphore_mem>>
        %dma_start3A_1071 = arith.constant 0 : i32
        %dma_start3A_1072 = tpu.memref_slice %arg7[%run_scoped3A_888, %dma_start3A_1071] : memref<32x128xi32, #tpu.memory_space<vmem>> -> memref<1x128xi32, #tpu.memory_space<vmem>>
        %dma_start3A_1073 = tpu.memref_squeeze %dma_start3A_1072 : memref<1x128xi32, #tpu.memory_space<vmem>> -> memref<128xi32, #tpu.memory_space<vmem>>
        %dma_start3A_1074 = arith.constant 0 : i32
        %dma_start3A_1075 = arith.constant 0 : i32
        %dma_start3A_1076 = tpu.memref_slice %arg10[%dma_start3A_1074, %dma_start3A_1075] : memref<10128x128xf32, #tpu.memory_space<vmem_shared>> -> memref<10128x128xf32, #tpu.memory_space<vmem_shared>>
        tpu.enqueue_indirect_dma source(%arg9 : memref<128x128xf32, #tpu.memory_space<vmem>>) target(%dma_start3A_1076 : memref<10128x128xf32, #tpu.memory_space<vmem_shared>>) offsets(%dma_start3A_1073 : memref<128xi32, #tpu.memory_space<vmem>>) semaphore(%run_scoped3A_1070 : memref<!tpu.dma_semaphore, #tpu.memory_space<semaphore_mem>>) {add = true}
        %dma_wait3A_1077 = arith.constant 0 : i32
        %dma_wait3A_1078 = tpu.memref_slice %arg7[%run_scoped3A_888, %dma_wait3A_1077] : memref<32x128xi32, #tpu.memory_space<vmem>> -> memref<1x128xi32, #tpu.memory_space<vmem>>
        %dma_wait3A_1079 = tpu.memref_squeeze %dma_wait3A_1078 : memref<1x128xi32, #tpu.memory_space<vmem>> -> memref<128xi32, #tpu.memory_space<vmem>>
        %dma_wait3A_1080 = arith.constant 0 : i32
        %dma_wait3A_1081 = arith.constant 0 : i32
        %dma_wait3A_1082 = tpu.memref_slice %arg10[%dma_wait3A_1080, %dma_wait3A_1081] : memref<10128x128xf32, #tpu.memory_space<vmem_shared>> -> memref<10128x128xf32, #tpu.memory_space<vmem_shared>>
        tpu.wait_indirect_dma semaphore(%run_scoped3A_1070 : memref<!tpu.dma_semaphore, #tpu.memory_space<semaphore_mem>>) src(%arg9 : memref<128x128xf32, #tpu.memory_space<vmem>>) dst(%dma_wait3A_1082 : memref<10128x128xf32, #tpu.memory_space<vmem_shared>>)
        tpu.yield
      }) : () -> ()
      %dma_start3A_889 = arith.constant 1 : i32
      %dma_start3A_890 = arith.constant 0 : i32
      %dma_start3A_891 = tpu.memref_slice %arg6[%dma_start3A_889, %dma_start3A_890] : memref<2x2048xi32, #tpu.memory_space<vmem>> -> memref<1x2048xi32, #tpu.memory_space<vmem>>
      %dma_start3A_892 = tpu.memref_squeeze %dma_start3A_891 : memref<1x2048xi32, #tpu.memory_space<vmem>> -> memref<2048xi32, #tpu.memory_space<vmem>>
      %dma_start3A_893 = arith.constant 896 : i32
      %dma_start3A_894 = tpu.memref_slice %dma_start3A_892[%dma_start3A_893] : memref<2048xi32, #tpu.memory_space<vmem>> -> memref<128xi32, #tpu.memory_space<vmem>>
      %dma_start3A_895 = arith.constant 0 : i32
      %dma_start3A_896 = arith.constant 0 : i32
      %dma_start3A_897 = tpu.memref_slice %arg2[%dma_start3A_895, %dma_start3A_896] : memref<10000x128xf32, #tpu.memory_space<hbm>> -> memref<10000x128xf32, #tpu.memory_space<hbm>>
      tpu.enqueue_indirect_dma source(%dma_start3A_897 : memref<10000x128xf32, #tpu.memory_space<hbm>>) target(%arg9 : memref<128x128xf32, #tpu.memory_space<vmem>>) offsets(%dma_start3A_894 : memref<128xi32, #tpu.memory_space<vmem>>) semaphore(%arg12 : memref<!tpu.dma_semaphore, #tpu.memory_space<semaphore_mem>>)
      %dma_wait3A_898 = arith.constant 1 : i32
      %dma_wait3A_899 = arith.constant 0 : i32
      %dma_wait3A_900 = tpu.memref_slice %arg6[%dma_wait3A_898, %dma_wait3A_899] : memref<2x2048xi32, #tpu.memory_space<vmem>> -> memref<1x2048xi32, #tpu.memory_space<vmem>>
      %dma_wait3A_901 = tpu.memref_squeeze %dma_wait3A_900 : memref<1x2048xi32, #tpu.memory_space<vmem>> -> memref<2048xi32, #tpu.memory_space<vmem>>
      %dma_wait3A_902 = arith.constant 768 : i32
      %dma_wait3A_903 = tpu.memref_slice %dma_wait3A_901[%dma_wait3A_902] : memref<2048xi32, #tpu.memory_space<vmem>> -> memref<128xi32, #tpu.memory_space<vmem>>
      %dma_wait3A_904 = arith.constant 0 : i32
      %dma_wait3A_905 = arith.constant 0 : i32
      %dma_wait3A_906 = tpu.memref_slice %arg2[%dma_wait3A_904, %dma_wait3A_905] : memref<10000x128xf32, #tpu.memory_space<hbm>> -> memref<10000x128xf32, #tpu.memory_space<hbm>>
      tpu.wait_indirect_dma semaphore(%arg11 : memref<!tpu.dma_semaphore, #tpu.memory_space<semaphore_mem>>) src(%dma_wait3A_906 : memref<10000x128xf32, #tpu.memory_space<hbm>>) dst(%arg8 : memref<128x128xf32, #tpu.memory_space<vmem>>)
      %run_scoped3A_907 = arith.constant 22 : i32
      "tpu.region"() ({
        %run_scoped3A_1070 = tpu.sem_alloc : memref<!tpu.dma_semaphore, #tpu.memory_space<semaphore_mem>>
        %dma_start3A_1071 = arith.constant 0 : i32
        %dma_start3A_1072 = tpu.memref_slice %arg7[%run_scoped3A_907, %dma_start3A_1071] : memref<32x128xi32, #tpu.memory_space<vmem>> -> memref<1x128xi32, #tpu.memory_space<vmem>>
        %dma_start3A_1073 = tpu.memref_squeeze %dma_start3A_1072 : memref<1x128xi32, #tpu.memory_space<vmem>> -> memref<128xi32, #tpu.memory_space<vmem>>
        %dma_start3A_1074 = arith.constant 0 : i32
        %dma_start3A_1075 = arith.constant 0 : i32
        %dma_start3A_1076 = tpu.memref_slice %arg10[%dma_start3A_1074, %dma_start3A_1075] : memref<10128x128xf32, #tpu.memory_space<vmem_shared>> -> memref<10128x128xf32, #tpu.memory_space<vmem_shared>>
        tpu.enqueue_indirect_dma source(%arg8 : memref<128x128xf32, #tpu.memory_space<vmem>>) target(%dma_start3A_1076 : memref<10128x128xf32, #tpu.memory_space<vmem_shared>>) offsets(%dma_start3A_1073 : memref<128xi32, #tpu.memory_space<vmem>>) semaphore(%run_scoped3A_1070 : memref<!tpu.dma_semaphore, #tpu.memory_space<semaphore_mem>>) {add = true}
        %dma_wait3A_1077 = arith.constant 0 : i32
        %dma_wait3A_1078 = tpu.memref_slice %arg7[%run_scoped3A_907, %dma_wait3A_1077] : memref<32x128xi32, #tpu.memory_space<vmem>> -> memref<1x128xi32, #tpu.memory_space<vmem>>
        %dma_wait3A_1079 = tpu.memref_squeeze %dma_wait3A_1078 : memref<1x128xi32, #tpu.memory_space<vmem>> -> memref<128xi32, #tpu.memory_space<vmem>>
        %dma_wait3A_1080 = arith.constant 0 : i32
        %dma_wait3A_1081 = arith.constant 0 : i32
        %dma_wait3A_1082 = tpu.memref_slice %arg10[%dma_wait3A_1080, %dma_wait3A_1081] : memref<10128x128xf32, #tpu.memory_space<vmem_shared>> -> memref<10128x128xf32, #tpu.memory_space<vmem_shared>>
        tpu.wait_indirect_dma semaphore(%run_scoped3A_1070 : memref<!tpu.dma_semaphore, #tpu.memory_space<semaphore_mem>>) src(%arg8 : memref<128x128xf32, #tpu.memory_space<vmem>>) dst(%dma_wait3A_1082 : memref<10128x128xf32, #tpu.memory_space<vmem_shared>>)
        tpu.yield
      }) : () -> ()
      %dma_start3A_908 = arith.constant 1 : i32
      %dma_start3A_909 = arith.constant 0 : i32
      %dma_start3A_910 = tpu.memref_slice %arg6[%dma_start3A_908, %dma_start3A_909] : memref<2x2048xi32, #tpu.memory_space<vmem>> -> memref<1x2048xi32, #tpu.memory_space<vmem>>
      %dma_start3A_911 = tpu.memref_squeeze %dma_start3A_910 : memref<1x2048xi32, #tpu.memory_space<vmem>> -> memref<2048xi32, #tpu.memory_space<vmem>>
      %dma_start3A_912 = arith.constant 1024 : i32
      %dma_start3A_913 = tpu.memref_slice %dma_start3A_911[%dma_start3A_912] : memref<2048xi32, #tpu.memory_space<vmem>> -> memref<128xi32, #tpu.memory_space<vmem>>
      %dma_start3A_914 = arith.constant 0 : i32
      %dma_start3A_915 = arith.constant 0 : i32
      %dma_start3A_916 = tpu.memref_slice %arg2[%dma_start3A_914, %dma_start3A_915] : memref<10000x128xf32, #tpu.memory_space<hbm>> -> memref<10000x128xf32, #tpu.memory_space<hbm>>
      tpu.enqueue_indirect_dma source(%dma_start3A_916 : memref<10000x128xf32, #tpu.memory_space<hbm>>) target(%arg8 : memref<128x128xf32, #tpu.memory_space<vmem>>) offsets(%dma_start3A_913 : memref<128xi32, #tpu.memory_space<vmem>>) semaphore(%arg11 : memref<!tpu.dma_semaphore, #tpu.memory_space<semaphore_mem>>)
      %dma_wait3A_917 = arith.constant 1 : i32
      %dma_wait3A_918 = arith.constant 0 : i32
      %dma_wait3A_919 = tpu.memref_slice %arg6[%dma_wait3A_917, %dma_wait3A_918] : memref<2x2048xi32, #tpu.memory_space<vmem>> -> memref<1x2048xi32, #tpu.memory_space<vmem>>
      %dma_wait3A_920 = tpu.memref_squeeze %dma_wait3A_919 : memref<1x2048xi32, #tpu.memory_space<vmem>> -> memref<2048xi32, #tpu.memory_space<vmem>>
      %dma_wait3A_921 = arith.constant 896 : i32
      %dma_wait3A_922 = tpu.memref_slice %dma_wait3A_920[%dma_wait3A_921] : memref<2048xi32, #tpu.memory_space<vmem>> -> memref<128xi32, #tpu.memory_space<vmem>>
      %dma_wait3A_923 = arith.constant 0 : i32
      %dma_wait3A_924 = arith.constant 0 : i32
      %dma_wait3A_925 = tpu.memref_slice %arg2[%dma_wait3A_923, %dma_wait3A_924] : memref<10000x128xf32, #tpu.memory_space<hbm>> -> memref<10000x128xf32, #tpu.memory_space<hbm>>
      tpu.wait_indirect_dma semaphore(%arg12 : memref<!tpu.dma_semaphore, #tpu.memory_space<semaphore_mem>>) src(%dma_wait3A_925 : memref<10000x128xf32, #tpu.memory_space<hbm>>) dst(%arg9 : memref<128x128xf32, #tpu.memory_space<vmem>>)
      %run_scoped3A_926 = arith.constant 23 : i32
      "tpu.region"() ({
        %run_scoped3A_1070 = tpu.sem_alloc : memref<!tpu.dma_semaphore, #tpu.memory_space<semaphore_mem>>
        %dma_start3A_1071 = arith.constant 0 : i32
        %dma_start3A_1072 = tpu.memref_slice %arg7[%run_scoped3A_926, %dma_start3A_1071] : memref<32x128xi32, #tpu.memory_space<vmem>> -> memref<1x128xi32, #tpu.memory_space<vmem>>
        %dma_start3A_1073 = tpu.memref_squeeze %dma_start3A_1072 : memref<1x128xi32, #tpu.memory_space<vmem>> -> memref<128xi32, #tpu.memory_space<vmem>>
        %dma_start3A_1074 = arith.constant 0 : i32
        %dma_start3A_1075 = arith.constant 0 : i32
        %dma_start3A_1076 = tpu.memref_slice %arg10[%dma_start3A_1074, %dma_start3A_1075] : memref<10128x128xf32, #tpu.memory_space<vmem_shared>> -> memref<10128x128xf32, #tpu.memory_space<vmem_shared>>
        tpu.enqueue_indirect_dma source(%arg9 : memref<128x128xf32, #tpu.memory_space<vmem>>) target(%dma_start3A_1076 : memref<10128x128xf32, #tpu.memory_space<vmem_shared>>) offsets(%dma_start3A_1073 : memref<128xi32, #tpu.memory_space<vmem>>) semaphore(%run_scoped3A_1070 : memref<!tpu.dma_semaphore, #tpu.memory_space<semaphore_mem>>) {add = true}
        %dma_wait3A_1077 = arith.constant 0 : i32
        %dma_wait3A_1078 = tpu.memref_slice %arg7[%run_scoped3A_926, %dma_wait3A_1077] : memref<32x128xi32, #tpu.memory_space<vmem>> -> memref<1x128xi32, #tpu.memory_space<vmem>>
        %dma_wait3A_1079 = tpu.memref_squeeze %dma_wait3A_1078 : memref<1x128xi32, #tpu.memory_space<vmem>> -> memref<128xi32, #tpu.memory_space<vmem>>
        %dma_wait3A_1080 = arith.constant 0 : i32
        %dma_wait3A_1081 = arith.constant 0 : i32
        %dma_wait3A_1082 = tpu.memref_slice %arg10[%dma_wait3A_1080, %dma_wait3A_1081] : memref<10128x128xf32, #tpu.memory_space<vmem_shared>> -> memref<10128x128xf32, #tpu.memory_space<vmem_shared>>
        tpu.wait_indirect_dma semaphore(%run_scoped3A_1070 : memref<!tpu.dma_semaphore, #tpu.memory_space<semaphore_mem>>) src(%arg9 : memref<128x128xf32, #tpu.memory_space<vmem>>) dst(%dma_wait3A_1082 : memref<10128x128xf32, #tpu.memory_space<vmem_shared>>)
        tpu.yield
      }) : () -> ()
      %dma_start3A_927 = arith.constant 1 : i32
      %dma_start3A_928 = arith.constant 0 : i32
      %dma_start3A_929 = tpu.memref_slice %arg6[%dma_start3A_927, %dma_start3A_928] : memref<2x2048xi32, #tpu.memory_space<vmem>> -> memref<1x2048xi32, #tpu.memory_space<vmem>>
      %dma_start3A_930 = tpu.memref_squeeze %dma_start3A_929 : memref<1x2048xi32, #tpu.memory_space<vmem>> -> memref<2048xi32, #tpu.memory_space<vmem>>
      %dma_start3A_931 = arith.constant 1152 : i32
      %dma_start3A_932 = tpu.memref_slice %dma_start3A_930[%dma_start3A_931] : memref<2048xi32, #tpu.memory_space<vmem>> -> memref<128xi32, #tpu.memory_space<vmem>>
      %dma_start3A_933 = arith.constant 0 : i32
      %dma_start3A_934 = arith.constant 0 : i32
      %dma_start3A_935 = tpu.memref_slice %arg2[%dma_start3A_933, %dma_start3A_934] : memref<10000x128xf32, #tpu.memory_space<hbm>> -> memref<10000x128xf32, #tpu.memory_space<hbm>>
      tpu.enqueue_indirect_dma source(%dma_start3A_935 : memref<10000x128xf32, #tpu.memory_space<hbm>>) target(%arg9 : memref<128x128xf32, #tpu.memory_space<vmem>>) offsets(%dma_start3A_932 : memref<128xi32, #tpu.memory_space<vmem>>) semaphore(%arg12 : memref<!tpu.dma_semaphore, #tpu.memory_space<semaphore_mem>>)
      %dma_wait3A_936 = arith.constant 1 : i32
      %dma_wait3A_937 = arith.constant 0 : i32
      %dma_wait3A_938 = tpu.memref_slice %arg6[%dma_wait3A_936, %dma_wait3A_937] : memref<2x2048xi32, #tpu.memory_space<vmem>> -> memref<1x2048xi32, #tpu.memory_space<vmem>>
      %dma_wait3A_939 = tpu.memref_squeeze %dma_wait3A_938 : memref<1x2048xi32, #tpu.memory_space<vmem>> -> memref<2048xi32, #tpu.memory_space<vmem>>
      %dma_wait3A_940 = arith.constant 1024 : i32
      %dma_wait3A_941 = tpu.memref_slice %dma_wait3A_939[%dma_wait3A_940] : memref<2048xi32, #tpu.memory_space<vmem>> -> memref<128xi32, #tpu.memory_space<vmem>>
      %dma_wait3A_942 = arith.constant 0 : i32
      %dma_wait3A_943 = arith.constant 0 : i32
      %dma_wait3A_944 = tpu.memref_slice %arg2[%dma_wait3A_942, %dma_wait3A_943] : memref<10000x128xf32, #tpu.memory_space<hbm>> -> memref<10000x128xf32, #tpu.memory_space<hbm>>
      tpu.wait_indirect_dma semaphore(%arg11 : memref<!tpu.dma_semaphore, #tpu.memory_space<semaphore_mem>>) src(%dma_wait3A_944 : memref<10000x128xf32, #tpu.memory_space<hbm>>) dst(%arg8 : memref<128x128xf32, #tpu.memory_space<vmem>>)
      %run_scoped3A_945 = arith.constant 24 : i32
      "tpu.region"() ({
        %run_scoped3A_1070 = tpu.sem_alloc : memref<!tpu.dma_semaphore, #tpu.memory_space<semaphore_mem>>
        %dma_start3A_1071 = arith.constant 0 : i32
        %dma_start3A_1072 = tpu.memref_slice %arg7[%run_scoped3A_945, %dma_start3A_1071] : memref<32x128xi32, #tpu.memory_space<vmem>> -> memref<1x128xi32, #tpu.memory_space<vmem>>
        %dma_start3A_1073 = tpu.memref_squeeze %dma_start3A_1072 : memref<1x128xi32, #tpu.memory_space<vmem>> -> memref<128xi32, #tpu.memory_space<vmem>>
        %dma_start3A_1074 = arith.constant 0 : i32
        %dma_start3A_1075 = arith.constant 0 : i32
        %dma_start3A_1076 = tpu.memref_slice %arg10[%dma_start3A_1074, %dma_start3A_1075] : memref<10128x128xf32, #tpu.memory_space<vmem_shared>> -> memref<10128x128xf32, #tpu.memory_space<vmem_shared>>
        tpu.enqueue_indirect_dma source(%arg8 : memref<128x128xf32, #tpu.memory_space<vmem>>) target(%dma_start3A_1076 : memref<10128x128xf32, #tpu.memory_space<vmem_shared>>) offsets(%dma_start3A_1073 : memref<128xi32, #tpu.memory_space<vmem>>) semaphore(%run_scoped3A_1070 : memref<!tpu.dma_semaphore, #tpu.memory_space<semaphore_mem>>) {add = true}
        %dma_wait3A_1077 = arith.constant 0 : i32
        %dma_wait3A_1078 = tpu.memref_slice %arg7[%run_scoped3A_945, %dma_wait3A_1077] : memref<32x128xi32, #tpu.memory_space<vmem>> -> memref<1x128xi32, #tpu.memory_space<vmem>>
        %dma_wait3A_1079 = tpu.memref_squeeze %dma_wait3A_1078 : memref<1x128xi32, #tpu.memory_space<vmem>> -> memref<128xi32, #tpu.memory_space<vmem>>
        %dma_wait3A_1080 = arith.constant 0 : i32
        %dma_wait3A_1081 = arith.constant 0 : i32
        %dma_wait3A_1082 = tpu.memref_slice %arg10[%dma_wait3A_1080, %dma_wait3A_1081] : memref<10128x128xf32, #tpu.memory_space<vmem_shared>> -> memref<10128x128xf32, #tpu.memory_space<vmem_shared>>
        tpu.wait_indirect_dma semaphore(%run_scoped3A_1070 : memref<!tpu.dma_semaphore, #tpu.memory_space<semaphore_mem>>) src(%arg8 : memref<128x128xf32, #tpu.memory_space<vmem>>) dst(%dma_wait3A_1082 : memref<10128x128xf32, #tpu.memory_space<vmem_shared>>)
        tpu.yield
      }) : () -> ()
      %dma_start3A_946 = arith.constant 1 : i32
      %dma_start3A_947 = arith.constant 0 : i32
      %dma_start3A_948 = tpu.memref_slice %arg6[%dma_start3A_946, %dma_start3A_947] : memref<2x2048xi32, #tpu.memory_space<vmem>> -> memref<1x2048xi32, #tpu.memory_space<vmem>>
      %dma_start3A_949 = tpu.memref_squeeze %dma_start3A_948 : memref<1x2048xi32, #tpu.memory_space<vmem>> -> memref<2048xi32, #tpu.memory_space<vmem>>
      %dma_start3A_950 = arith.constant 1280 : i32
      %dma_start3A_951 = tpu.memref_slice %dma_start3A_949[%dma_start3A_950] : memref<2048xi32, #tpu.memory_space<vmem>> -> memref<128xi32, #tpu.memory_space<vmem>>
      %dma_start3A_952 = arith.constant 0 : i32
      %dma_start3A_953 = arith.constant 0 : i32
      %dma_start3A_954 = tpu.memref_slice %arg2[%dma_start3A_952, %dma_start3A_953] : memref<10000x128xf32, #tpu.memory_space<hbm>> -> memref<10000x128xf32, #tpu.memory_space<hbm>>
      tpu.enqueue_indirect_dma source(%dma_start3A_954 : memref<10000x128xf32, #tpu.memory_space<hbm>>) target(%arg8 : memref<128x128xf32, #tpu.memory_space<vmem>>) offsets(%dma_start3A_951 : memref<128xi32, #tpu.memory_space<vmem>>) semaphore(%arg11 : memref<!tpu.dma_semaphore, #tpu.memory_space<semaphore_mem>>)
      %dma_wait3A_955 = arith.constant 1 : i32
      %dma_wait3A_956 = arith.constant 0 : i32
      %dma_wait3A_957 = tpu.memref_slice %arg6[%dma_wait3A_955, %dma_wait3A_956] : memref<2x2048xi32, #tpu.memory_space<vmem>> -> memref<1x2048xi32, #tpu.memory_space<vmem>>
      %dma_wait3A_958 = tpu.memref_squeeze %dma_wait3A_957 : memref<1x2048xi32, #tpu.memory_space<vmem>> -> memref<2048xi32, #tpu.memory_space<vmem>>
      %dma_wait3A_959 = arith.constant 1152 : i32
      %dma_wait3A_960 = tpu.memref_slice %dma_wait3A_958[%dma_wait3A_959] : memref<2048xi32, #tpu.memory_space<vmem>> -> memref<128xi32, #tpu.memory_space<vmem>>
      %dma_wait3A_961 = arith.constant 0 : i32
      %dma_wait3A_962 = arith.constant 0 : i32
      %dma_wait3A_963 = tpu.memref_slice %arg2[%dma_wait3A_961, %dma_wait3A_962] : memref<10000x128xf32, #tpu.memory_space<hbm>> -> memref<10000x128xf32, #tpu.memory_space<hbm>>
      tpu.wait_indirect_dma semaphore(%arg12 : memref<!tpu.dma_semaphore, #tpu.memory_space<semaphore_mem>>) src(%dma_wait3A_963 : memref<10000x128xf32, #tpu.memory_space<hbm>>) dst(%arg9 : memref<128x128xf32, #tpu.memory_space<vmem>>)
      %run_scoped3A_964 = arith.constant 25 : i32
      "tpu.region"() ({
        %run_scoped3A_1070 = tpu.sem_alloc : memref<!tpu.dma_semaphore, #tpu.memory_space<semaphore_mem>>
        %dma_start3A_1071 = arith.constant 0 : i32
        %dma_start3A_1072 = tpu.memref_slice %arg7[%run_scoped3A_964, %dma_start3A_1071] : memref<32x128xi32, #tpu.memory_space<vmem>> -> memref<1x128xi32, #tpu.memory_space<vmem>>
        %dma_start3A_1073 = tpu.memref_squeeze %dma_start3A_1072 : memref<1x128xi32, #tpu.memory_space<vmem>> -> memref<128xi32, #tpu.memory_space<vmem>>
        %dma_start3A_1074 = arith.constant 0 : i32
        %dma_start3A_1075 = arith.constant 0 : i32
        %dma_start3A_1076 = tpu.memref_slice %arg10[%dma_start3A_1074, %dma_start3A_1075] : memref<10128x128xf32, #tpu.memory_space<vmem_shared>> -> memref<10128x128xf32, #tpu.memory_space<vmem_shared>>
        tpu.enqueue_indirect_dma source(%arg9 : memref<128x128xf32, #tpu.memory_space<vmem>>) target(%dma_start3A_1076 : memref<10128x128xf32, #tpu.memory_space<vmem_shared>>) offsets(%dma_start3A_1073 : memref<128xi32, #tpu.memory_space<vmem>>) semaphore(%run_scoped3A_1070 : memref<!tpu.dma_semaphore, #tpu.memory_space<semaphore_mem>>) {add = true}
        %dma_wait3A_1077 = arith.constant 0 : i32
        %dma_wait3A_1078 = tpu.memref_slice %arg7[%run_scoped3A_964, %dma_wait3A_1077] : memref<32x128xi32, #tpu.memory_space<vmem>> -> memref<1x128xi32, #tpu.memory_space<vmem>>
        %dma_wait3A_1079 = tpu.memref_squeeze %dma_wait3A_1078 : memref<1x128xi32, #tpu.memory_space<vmem>> -> memref<128xi32, #tpu.memory_space<vmem>>
        %dma_wait3A_1080 = arith.constant 0 : i32
        %dma_wait3A_1081 = arith.constant 0 : i32
        %dma_wait3A_1082 = tpu.memref_slice %arg10[%dma_wait3A_1080, %dma_wait3A_1081] : memref<10128x128xf32, #tpu.memory_space<vmem_shared>> -> memref<10128x128xf32, #tpu.memory_space<vmem_shared>>
        tpu.wait_indirect_dma semaphore(%run_scoped3A_1070 : memref<!tpu.dma_semaphore, #tpu.memory_space<semaphore_mem>>) src(%arg9 : memref<128x128xf32, #tpu.memory_space<vmem>>) dst(%dma_wait3A_1082 : memref<10128x128xf32, #tpu.memory_space<vmem_shared>>)
        tpu.yield
      }) : () -> ()
      %dma_start3A_965 = arith.constant 1 : i32
      %dma_start3A_966 = arith.constant 0 : i32
      %dma_start3A_967 = tpu.memref_slice %arg6[%dma_start3A_965, %dma_start3A_966] : memref<2x2048xi32, #tpu.memory_space<vmem>> -> memref<1x2048xi32, #tpu.memory_space<vmem>>
      %dma_start3A_968 = tpu.memref_squeeze %dma_start3A_967 : memref<1x2048xi32, #tpu.memory_space<vmem>> -> memref<2048xi32, #tpu.memory_space<vmem>>
      %dma_start3A_969 = arith.constant 1408 : i32
      %dma_start3A_970 = tpu.memref_slice %dma_start3A_968[%dma_start3A_969] : memref<2048xi32, #tpu.memory_space<vmem>> -> memref<128xi32, #tpu.memory_space<vmem>>
      %dma_start3A_971 = arith.constant 0 : i32
      %dma_start3A_972 = arith.constant 0 : i32
      %dma_start3A_973 = tpu.memref_slice %arg2[%dma_start3A_971, %dma_start3A_972] : memref<10000x128xf32, #tpu.memory_space<hbm>> -> memref<10000x128xf32, #tpu.memory_space<hbm>>
      tpu.enqueue_indirect_dma source(%dma_start3A_973 : memref<10000x128xf32, #tpu.memory_space<hbm>>) target(%arg9 : memref<128x128xf32, #tpu.memory_space<vmem>>) offsets(%dma_start3A_970 : memref<128xi32, #tpu.memory_space<vmem>>) semaphore(%arg12 : memref<!tpu.dma_semaphore, #tpu.memory_space<semaphore_mem>>)
      %dma_wait3A_974 = arith.constant 1 : i32
      %dma_wait3A_975 = arith.constant 0 : i32
      %dma_wait3A_976 = tpu.memref_slice %arg6[%dma_wait3A_974, %dma_wait3A_975] : memref<2x2048xi32, #tpu.memory_space<vmem>> -> memref<1x2048xi32, #tpu.memory_space<vmem>>
      %dma_wait3A_977 = tpu.memref_squeeze %dma_wait3A_976 : memref<1x2048xi32, #tpu.memory_space<vmem>> -> memref<2048xi32, #tpu.memory_space<vmem>>
      %dma_wait3A_978 = arith.constant 1280 : i32
      %dma_wait3A_979 = tpu.memref_slice %dma_wait3A_977[%dma_wait3A_978] : memref<2048xi32, #tpu.memory_space<vmem>> -> memref<128xi32, #tpu.memory_space<vmem>>
      %dma_wait3A_980 = arith.constant 0 : i32
      %dma_wait3A_981 = arith.constant 0 : i32
      %dma_wait3A_982 = tpu.memref_slice %arg2[%dma_wait3A_980, %dma_wait3A_981] : memref<10000x128xf32, #tpu.memory_space<hbm>> -> memref<10000x128xf32, #tpu.memory_space<hbm>>
      tpu.wait_indirect_dma semaphore(%arg11 : memref<!tpu.dma_semaphore, #tpu.memory_space<semaphore_mem>>) src(%dma_wait3A_982 : memref<10000x128xf32, #tpu.memory_space<hbm>>) dst(%arg8 : memref<128x128xf32, #tpu.memory_space<vmem>>)
      %run_scoped3A_983 = arith.constant 26 : i32
      "tpu.region"() ({
        %run_scoped3A_1070 = tpu.sem_alloc : memref<!tpu.dma_semaphore, #tpu.memory_space<semaphore_mem>>
        %dma_start3A_1071 = arith.constant 0 : i32
        %dma_start3A_1072 = tpu.memref_slice %arg7[%run_scoped3A_983, %dma_start3A_1071] : memref<32x128xi32, #tpu.memory_space<vmem>> -> memref<1x128xi32, #tpu.memory_space<vmem>>
        %dma_start3A_1073 = tpu.memref_squeeze %dma_start3A_1072 : memref<1x128xi32, #tpu.memory_space<vmem>> -> memref<128xi32, #tpu.memory_space<vmem>>
        %dma_start3A_1074 = arith.constant 0 : i32
        %dma_start3A_1075 = arith.constant 0 : i32
        %dma_start3A_1076 = tpu.memref_slice %arg10[%dma_start3A_1074, %dma_start3A_1075] : memref<10128x128xf32, #tpu.memory_space<vmem_shared>> -> memref<10128x128xf32, #tpu.memory_space<vmem_shared>>
        tpu.enqueue_indirect_dma source(%arg8 : memref<128x128xf32, #tpu.memory_space<vmem>>) target(%dma_start3A_1076 : memref<10128x128xf32, #tpu.memory_space<vmem_shared>>) offsets(%dma_start3A_1073 : memref<128xi32, #tpu.memory_space<vmem>>) semaphore(%run_scoped3A_1070 : memref<!tpu.dma_semaphore, #tpu.memory_space<semaphore_mem>>) {add = true}
        %dma_wait3A_1077 = arith.constant 0 : i32
        %dma_wait3A_1078 = tpu.memref_slice %arg7[%run_scoped3A_983, %dma_wait3A_1077] : memref<32x128xi32, #tpu.memory_space<vmem>> -> memref<1x128xi32, #tpu.memory_space<vmem>>
        %dma_wait3A_1079 = tpu.memref_squeeze %dma_wait3A_1078 : memref<1x128xi32, #tpu.memory_space<vmem>> -> memref<128xi32, #tpu.memory_space<vmem>>
        %dma_wait3A_1080 = arith.constant 0 : i32
        %dma_wait3A_1081 = arith.constant 0 : i32
        %dma_wait3A_1082 = tpu.memref_slice %arg10[%dma_wait3A_1080, %dma_wait3A_1081] : memref<10128x128xf32, #tpu.memory_space<vmem_shared>> -> memref<10128x128xf32, #tpu.memory_space<vmem_shared>>
        tpu.wait_indirect_dma semaphore(%run_scoped3A_1070 : memref<!tpu.dma_semaphore, #tpu.memory_space<semaphore_mem>>) src(%arg8 : memref<128x128xf32, #tpu.memory_space<vmem>>) dst(%dma_wait3A_1082 : memref<10128x128xf32, #tpu.memory_space<vmem_shared>>)
        tpu.yield
      }) : () -> ()
      %dma_start3A_984 = arith.constant 1 : i32
      %dma_start3A_985 = arith.constant 0 : i32
      %dma_start3A_986 = tpu.memref_slice %arg6[%dma_start3A_984, %dma_start3A_985] : memref<2x2048xi32, #tpu.memory_space<vmem>> -> memref<1x2048xi32, #tpu.memory_space<vmem>>
      %dma_start3A_987 = tpu.memref_squeeze %dma_start3A_986 : memref<1x2048xi32, #tpu.memory_space<vmem>> -> memref<2048xi32, #tpu.memory_space<vmem>>
      %dma_start3A_988 = arith.constant 1536 : i32
      %dma_start3A_989 = tpu.memref_slice %dma_start3A_987[%dma_start3A_988] : memref<2048xi32, #tpu.memory_space<vmem>> -> memref<128xi32, #tpu.memory_space<vmem>>
      %dma_start3A_990 = arith.constant 0 : i32
      %dma_start3A_991 = arith.constant 0 : i32
      %dma_start3A_992 = tpu.memref_slice %arg2[%dma_start3A_990, %dma_start3A_991] : memref<10000x128xf32, #tpu.memory_space<hbm>> -> memref<10000x128xf32, #tpu.memory_space<hbm>>
      tpu.enqueue_indirect_dma source(%dma_start3A_992 : memref<10000x128xf32, #tpu.memory_space<hbm>>) target(%arg8 : memref<128x128xf32, #tpu.memory_space<vmem>>) offsets(%dma_start3A_989 : memref<128xi32, #tpu.memory_space<vmem>>) semaphore(%arg11 : memref<!tpu.dma_semaphore, #tpu.memory_space<semaphore_mem>>)
      %dma_wait3A_993 = arith.constant 1 : i32
      %dma_wait3A_994 = arith.constant 0 : i32
      %dma_wait3A_995 = tpu.memref_slice %arg6[%dma_wait3A_993, %dma_wait3A_994] : memref<2x2048xi32, #tpu.memory_space<vmem>> -> memref<1x2048xi32, #tpu.memory_space<vmem>>
      %dma_wait3A_996 = tpu.memref_squeeze %dma_wait3A_995 : memref<1x2048xi32, #tpu.memory_space<vmem>> -> memref<2048xi32, #tpu.memory_space<vmem>>
      %dma_wait3A_997 = arith.constant 1408 : i32
      %dma_wait3A_998 = tpu.memref_slice %dma_wait3A_996[%dma_wait3A_997] : memref<2048xi32, #tpu.memory_space<vmem>> -> memref<128xi32, #tpu.memory_space<vmem>>
      %dma_wait3A_999 = arith.constant 0 : i32
      %dma_wait3A_1000 = arith.constant 0 : i32
      %dma_wait3A_1001 = tpu.memref_slice %arg2[%dma_wait3A_999, %dma_wait3A_1000] : memref<10000x128xf32, #tpu.memory_space<hbm>> -> memref<10000x128xf32, #tpu.memory_space<hbm>>
      tpu.wait_indirect_dma semaphore(%arg12 : memref<!tpu.dma_semaphore, #tpu.memory_space<semaphore_mem>>) src(%dma_wait3A_1001 : memref<10000x128xf32, #tpu.memory_space<hbm>>) dst(%arg9 : memref<128x128xf32, #tpu.memory_space<vmem>>)
      %run_scoped3A_1002 = arith.constant 27 : i32
      "tpu.region"() ({
        %run_scoped3A_1070 = tpu.sem_alloc : memref<!tpu.dma_semaphore, #tpu.memory_space<semaphore_mem>>
        %dma_start3A_1071 = arith.constant 0 : i32
        %dma_start3A_1072 = tpu.memref_slice %arg7[%run_scoped3A_1002, %dma_start3A_1071] : memref<32x128xi32, #tpu.memory_space<vmem>> -> memref<1x128xi32, #tpu.memory_space<vmem>>
        %dma_start3A_1073 = tpu.memref_squeeze %dma_start3A_1072 : memref<1x128xi32, #tpu.memory_space<vmem>> -> memref<128xi32, #tpu.memory_space<vmem>>
        %dma_start3A_1074 = arith.constant 0 : i32
        %dma_start3A_1075 = arith.constant 0 : i32
        %dma_start3A_1076 = tpu.memref_slice %arg10[%dma_start3A_1074, %dma_start3A_1075] : memref<10128x128xf32, #tpu.memory_space<vmem_shared>> -> memref<10128x128xf32, #tpu.memory_space<vmem_shared>>
        tpu.enqueue_indirect_dma source(%arg9 : memref<128x128xf32, #tpu.memory_space<vmem>>) target(%dma_start3A_1076 : memref<10128x128xf32, #tpu.memory_space<vmem_shared>>) offsets(%dma_start3A_1073 : memref<128xi32, #tpu.memory_space<vmem>>) semaphore(%run_scoped3A_1070 : memref<!tpu.dma_semaphore, #tpu.memory_space<semaphore_mem>>) {add = true}
        %dma_wait3A_1077 = arith.constant 0 : i32
        %dma_wait3A_1078 = tpu.memref_slice %arg7[%run_scoped3A_1002, %dma_wait3A_1077] : memref<32x128xi32, #tpu.memory_space<vmem>> -> memref<1x128xi32, #tpu.memory_space<vmem>>
        %dma_wait3A_1079 = tpu.memref_squeeze %dma_wait3A_1078 : memref<1x128xi32, #tpu.memory_space<vmem>> -> memref<128xi32, #tpu.memory_space<vmem>>
        %dma_wait3A_1080 = arith.constant 0 : i32
        %dma_wait3A_1081 = arith.constant 0 : i32
        %dma_wait3A_1082 = tpu.memref_slice %arg10[%dma_wait3A_1080, %dma_wait3A_1081] : memref<10128x128xf32, #tpu.memory_space<vmem_shared>> -> memref<10128x128xf32, #tpu.memory_space<vmem_shared>>
        tpu.wait_indirect_dma semaphore(%run_scoped3A_1070 : memref<!tpu.dma_semaphore, #tpu.memory_space<semaphore_mem>>) src(%arg9 : memref<128x128xf32, #tpu.memory_space<vmem>>) dst(%dma_wait3A_1082 : memref<10128x128xf32, #tpu.memory_space<vmem_shared>>)
        tpu.yield
      }) : () -> ()
      %dma_start3A_1003 = arith.constant 1 : i32
      %dma_start3A_1004 = arith.constant 0 : i32
      %dma_start3A_1005 = tpu.memref_slice %arg6[%dma_start3A_1003, %dma_start3A_1004] : memref<2x2048xi32, #tpu.memory_space<vmem>> -> memref<1x2048xi32, #tpu.memory_space<vmem>>
      %dma_start3A_1006 = tpu.memref_squeeze %dma_start3A_1005 : memref<1x2048xi32, #tpu.memory_space<vmem>> -> memref<2048xi32, #tpu.memory_space<vmem>>
      %dma_start3A_1007 = arith.constant 1664 : i32
      %dma_start3A_1008 = tpu.memref_slice %dma_start3A_1006[%dma_start3A_1007] : memref<2048xi32, #tpu.memory_space<vmem>> -> memref<128xi32, #tpu.memory_space<vmem>>
      %dma_start3A_1009 = arith.constant 0 : i32
      %dma_start3A_1010 = arith.constant 0 : i32
      %dma_start3A_1011 = tpu.memref_slice %arg2[%dma_start3A_1009, %dma_start3A_1010] : memref<10000x128xf32, #tpu.memory_space<hbm>> -> memref<10000x128xf32, #tpu.memory_space<hbm>>
      tpu.enqueue_indirect_dma source(%dma_start3A_1011 : memref<10000x128xf32, #tpu.memory_space<hbm>>) target(%arg9 : memref<128x128xf32, #tpu.memory_space<vmem>>) offsets(%dma_start3A_1008 : memref<128xi32, #tpu.memory_space<vmem>>) semaphore(%arg12 : memref<!tpu.dma_semaphore, #tpu.memory_space<semaphore_mem>>)
      %dma_wait3A_1012 = arith.constant 1 : i32
      %dma_wait3A_1013 = arith.constant 0 : i32
      %dma_wait3A_1014 = tpu.memref_slice %arg6[%dma_wait3A_1012, %dma_wait3A_1013] : memref<2x2048xi32, #tpu.memory_space<vmem>> -> memref<1x2048xi32, #tpu.memory_space<vmem>>
      %dma_wait3A_1015 = tpu.memref_squeeze %dma_wait3A_1014 : memref<1x2048xi32, #tpu.memory_space<vmem>> -> memref<2048xi32, #tpu.memory_space<vmem>>
      %dma_wait3A_1016 = arith.constant 1536 : i32
      %dma_wait3A_1017 = tpu.memref_slice %dma_wait3A_1015[%dma_wait3A_1016] : memref<2048xi32, #tpu.memory_space<vmem>> -> memref<128xi32, #tpu.memory_space<vmem>>
      %dma_wait3A_1018 = arith.constant 0 : i32
      %dma_wait3A_1019 = arith.constant 0 : i32
      %dma_wait3A_1020 = tpu.memref_slice %arg2[%dma_wait3A_1018, %dma_wait3A_1019] : memref<10000x128xf32, #tpu.memory_space<hbm>> -> memref<10000x128xf32, #tpu.memory_space<hbm>>
      tpu.wait_indirect_dma semaphore(%arg11 : memref<!tpu.dma_semaphore, #tpu.memory_space<semaphore_mem>>) src(%dma_wait3A_1020 : memref<10000x128xf32, #tpu.memory_space<hbm>>) dst(%arg8 : memref<128x128xf32, #tpu.memory_space<vmem>>)
      %run_scoped3A_1021 = arith.constant 28 : i32
      "tpu.region"() ({
        %run_scoped3A_1070 = tpu.sem_alloc : memref<!tpu.dma_semaphore, #tpu.memory_space<semaphore_mem>>
        %dma_start3A_1071 = arith.constant 0 : i32
        %dma_start3A_1072 = tpu.memref_slice %arg7[%run_scoped3A_1021, %dma_start3A_1071] : memref<32x128xi32, #tpu.memory_space<vmem>> -> memref<1x128xi32, #tpu.memory_space<vmem>>
        %dma_start3A_1073 = tpu.memref_squeeze %dma_start3A_1072 : memref<1x128xi32, #tpu.memory_space<vmem>> -> memref<128xi32, #tpu.memory_space<vmem>>
        %dma_start3A_1074 = arith.constant 0 : i32
        %dma_start3A_1075 = arith.constant 0 : i32
        %dma_start3A_1076 = tpu.memref_slice %arg10[%dma_start3A_1074, %dma_start3A_1075] : memref<10128x128xf32, #tpu.memory_space<vmem_shared>> -> memref<10128x128xf32, #tpu.memory_space<vmem_shared>>
        tpu.enqueue_indirect_dma source(%arg8 : memref<128x128xf32, #tpu.memory_space<vmem>>) target(%dma_start3A_1076 : memref<10128x128xf32, #tpu.memory_space<vmem_shared>>) offsets(%dma_start3A_1073 : memref<128xi32, #tpu.memory_space<vmem>>) semaphore(%run_scoped3A_1070 : memref<!tpu.dma_semaphore, #tpu.memory_space<semaphore_mem>>) {add = true}
        %dma_wait3A_1077 = arith.constant 0 : i32
        %dma_wait3A_1078 = tpu.memref_slice %arg7[%run_scoped3A_1021, %dma_wait3A_1077] : memref<32x128xi32, #tpu.memory_space<vmem>> -> memref<1x128xi32, #tpu.memory_space<vmem>>
        %dma_wait3A_1079 = tpu.memref_squeeze %dma_wait3A_1078 : memref<1x128xi32, #tpu.memory_space<vmem>> -> memref<128xi32, #tpu.memory_space<vmem>>
        %dma_wait3A_1080 = arith.constant 0 : i32
        %dma_wait3A_1081 = arith.constant 0 : i32
        %dma_wait3A_1082 = tpu.memref_slice %arg10[%dma_wait3A_1080, %dma_wait3A_1081] : memref<10128x128xf32, #tpu.memory_space<vmem_shared>> -> memref<10128x128xf32, #tpu.memory_space<vmem_shared>>
        tpu.wait_indirect_dma semaphore(%run_scoped3A_1070 : memref<!tpu.dma_semaphore, #tpu.memory_space<semaphore_mem>>) src(%arg8 : memref<128x128xf32, #tpu.memory_space<vmem>>) dst(%dma_wait3A_1082 : memref<10128x128xf32, #tpu.memory_space<vmem_shared>>)
        tpu.yield
      }) : () -> ()
      %dma_start3A_1022 = arith.constant 1 : i32
      %dma_start3A_1023 = arith.constant 0 : i32
      %dma_start3A_1024 = tpu.memref_slice %arg6[%dma_start3A_1022, %dma_start3A_1023] : memref<2x2048xi32, #tpu.memory_space<vmem>> -> memref<1x2048xi32, #tpu.memory_space<vmem>>
      %dma_start3A_1025 = tpu.memref_squeeze %dma_start3A_1024 : memref<1x2048xi32, #tpu.memory_space<vmem>> -> memref<2048xi32, #tpu.memory_space<vmem>>
      %dma_start3A_1026 = arith.constant 1792 : i32
      %dma_start3A_1027 = tpu.memref_slice %dma_start3A_1025[%dma_start3A_1026] : memref<2048xi32, #tpu.memory_space<vmem>> -> memref<128xi32, #tpu.memory_space<vmem>>
      %dma_start3A_1028 = arith.constant 0 : i32
      %dma_start3A_1029 = arith.constant 0 : i32
      %dma_start3A_1030 = tpu.memref_slice %arg2[%dma_start3A_1028, %dma_start3A_1029] : memref<10000x128xf32, #tpu.memory_space<hbm>> -> memref<10000x128xf32, #tpu.memory_space<hbm>>
      tpu.enqueue_indirect_dma source(%dma_start3A_1030 : memref<10000x128xf32, #tpu.memory_space<hbm>>) target(%arg8 : memref<128x128xf32, #tpu.memory_space<vmem>>) offsets(%dma_start3A_1027 : memref<128xi32, #tpu.memory_space<vmem>>) semaphore(%arg11 : memref<!tpu.dma_semaphore, #tpu.memory_space<semaphore_mem>>)
      %dma_wait3A_1031 = arith.constant 1 : i32
      %dma_wait3A_1032 = arith.constant 0 : i32
      %dma_wait3A_1033 = tpu.memref_slice %arg6[%dma_wait3A_1031, %dma_wait3A_1032] : memref<2x2048xi32, #tpu.memory_space<vmem>> -> memref<1x2048xi32, #tpu.memory_space<vmem>>
      %dma_wait3A_1034 = tpu.memref_squeeze %dma_wait3A_1033 : memref<1x2048xi32, #tpu.memory_space<vmem>> -> memref<2048xi32, #tpu.memory_space<vmem>>
      %dma_wait3A_1035 = arith.constant 1664 : i32
      %dma_wait3A_1036 = tpu.memref_slice %dma_wait3A_1034[%dma_wait3A_1035] : memref<2048xi32, #tpu.memory_space<vmem>> -> memref<128xi32, #tpu.memory_space<vmem>>
      %dma_wait3A_1037 = arith.constant 0 : i32
      %dma_wait3A_1038 = arith.constant 0 : i32
      %dma_wait3A_1039 = tpu.memref_slice %arg2[%dma_wait3A_1037, %dma_wait3A_1038] : memref<10000x128xf32, #tpu.memory_space<hbm>> -> memref<10000x128xf32, #tpu.memory_space<hbm>>
      tpu.wait_indirect_dma semaphore(%arg12 : memref<!tpu.dma_semaphore, #tpu.memory_space<semaphore_mem>>) src(%dma_wait3A_1039 : memref<10000x128xf32, #tpu.memory_space<hbm>>) dst(%arg9 : memref<128x128xf32, #tpu.memory_space<vmem>>)
      %run_scoped3A_1040 = arith.constant 29 : i32
      "tpu.region"() ({
        %run_scoped3A_1070 = tpu.sem_alloc : memref<!tpu.dma_semaphore, #tpu.memory_space<semaphore_mem>>
        %dma_start3A_1071 = arith.constant 0 : i32
        %dma_start3A_1072 = tpu.memref_slice %arg7[%run_scoped3A_1040, %dma_start3A_1071] : memref<32x128xi32, #tpu.memory_space<vmem>> -> memref<1x128xi32, #tpu.memory_space<vmem>>
        %dma_start3A_1073 = tpu.memref_squeeze %dma_start3A_1072 : memref<1x128xi32, #tpu.memory_space<vmem>> -> memref<128xi32, #tpu.memory_space<vmem>>
        %dma_start3A_1074 = arith.constant 0 : i32
        %dma_start3A_1075 = arith.constant 0 : i32
        %dma_start3A_1076 = tpu.memref_slice %arg10[%dma_start3A_1074, %dma_start3A_1075] : memref<10128x128xf32, #tpu.memory_space<vmem_shared>> -> memref<10128x128xf32, #tpu.memory_space<vmem_shared>>
        tpu.enqueue_indirect_dma source(%arg9 : memref<128x128xf32, #tpu.memory_space<vmem>>) target(%dma_start3A_1076 : memref<10128x128xf32, #tpu.memory_space<vmem_shared>>) offsets(%dma_start3A_1073 : memref<128xi32, #tpu.memory_space<vmem>>) semaphore(%run_scoped3A_1070 : memref<!tpu.dma_semaphore, #tpu.memory_space<semaphore_mem>>) {add = true}
        %dma_wait3A_1077 = arith.constant 0 : i32
        %dma_wait3A_1078 = tpu.memref_slice %arg7[%run_scoped3A_1040, %dma_wait3A_1077] : memref<32x128xi32, #tpu.memory_space<vmem>> -> memref<1x128xi32, #tpu.memory_space<vmem>>
        %dma_wait3A_1079 = tpu.memref_squeeze %dma_wait3A_1078 : memref<1x128xi32, #tpu.memory_space<vmem>> -> memref<128xi32, #tpu.memory_space<vmem>>
        %dma_wait3A_1080 = arith.constant 0 : i32
        %dma_wait3A_1081 = arith.constant 0 : i32
        %dma_wait3A_1082 = tpu.memref_slice %arg10[%dma_wait3A_1080, %dma_wait3A_1081] : memref<10128x128xf32, #tpu.memory_space<vmem_shared>> -> memref<10128x128xf32, #tpu.memory_space<vmem_shared>>
        tpu.wait_indirect_dma semaphore(%run_scoped3A_1070 : memref<!tpu.dma_semaphore, #tpu.memory_space<semaphore_mem>>) src(%arg9 : memref<128x128xf32, #tpu.memory_space<vmem>>) dst(%dma_wait3A_1082 : memref<10128x128xf32, #tpu.memory_space<vmem_shared>>)
        tpu.yield
      }) : () -> ()
      %dma_start3A_1041 = arith.constant 1 : i32
      %dma_start3A_1042 = arith.constant 0 : i32
      %dma_start3A_1043 = tpu.memref_slice %arg6[%dma_start3A_1041, %dma_start3A_1042] : memref<2x2048xi32, #tpu.memory_space<vmem>> -> memref<1x2048xi32, #tpu.memory_space<vmem>>
      %dma_start3A_1044 = tpu.memref_squeeze %dma_start3A_1043 : memref<1x2048xi32, #tpu.memory_space<vmem>> -> memref<2048xi32, #tpu.memory_space<vmem>>
      %dma_start3A_1045 = arith.constant 1920 : i32
      %dma_start3A_1046 = tpu.memref_slice %dma_start3A_1044[%dma_start3A_1045] : memref<2048xi32, #tpu.memory_space<vmem>> -> memref<128xi32, #tpu.memory_space<vmem>>
      %dma_start3A_1047 = arith.constant 0 : i32
      %dma_start3A_1048 = arith.constant 0 : i32
      %dma_start3A_1049 = tpu.memref_slice %arg2[%dma_start3A_1047, %dma_start3A_1048] : memref<10000x128xf32, #tpu.memory_space<hbm>> -> memref<10000x128xf32, #tpu.memory_space<hbm>>
      tpu.enqueue_indirect_dma source(%dma_start3A_1049 : memref<10000x128xf32, #tpu.memory_space<hbm>>) target(%arg9 : memref<128x128xf32, #tpu.memory_space<vmem>>) offsets(%dma_start3A_1046 : memref<128xi32, #tpu.memory_space<vmem>>) semaphore(%arg12 : memref<!tpu.dma_semaphore, #tpu.memory_space<semaphore_mem>>)
      %dma_wait3A_1050 = arith.constant 1 : i32
      %dma_wait3A_1051 = arith.constant 0 : i32
      %dma_wait3A_1052 = tpu.memref_slice %arg6[%dma_wait3A_1050, %dma_wait3A_1051] : memref<2x2048xi32, #tpu.memory_space<vmem>> -> memref<1x2048xi32, #tpu.memory_space<vmem>>
      %dma_wait3A_1053 = tpu.memref_squeeze %dma_wait3A_1052 : memref<1x2048xi32, #tpu.memory_space<vmem>> -> memref<2048xi32, #tpu.memory_space<vmem>>
      %dma_wait3A_1054 = arith.constant 1792 : i32
      %dma_wait3A_1055 = tpu.memref_slice %dma_wait3A_1053[%dma_wait3A_1054] : memref<2048xi32, #tpu.memory_space<vmem>> -> memref<128xi32, #tpu.memory_space<vmem>>
      %dma_wait3A_1056 = arith.constant 0 : i32
      %dma_wait3A_1057 = arith.constant 0 : i32
      %dma_wait3A_1058 = tpu.memref_slice %arg2[%dma_wait3A_1056, %dma_wait3A_1057] : memref<10000x128xf32, #tpu.memory_space<hbm>> -> memref<10000x128xf32, #tpu.memory_space<hbm>>
      tpu.wait_indirect_dma semaphore(%arg11 : memref<!tpu.dma_semaphore, #tpu.memory_space<semaphore_mem>>) src(%dma_wait3A_1058 : memref<10000x128xf32, #tpu.memory_space<hbm>>) dst(%arg8 : memref<128x128xf32, #tpu.memory_space<vmem>>)
      %run_scoped3A_1059 = arith.constant 30 : i32
      "tpu.region"() ({
        %run_scoped3A_1070 = tpu.sem_alloc : memref<!tpu.dma_semaphore, #tpu.memory_space<semaphore_mem>>
        %dma_start3A_1071 = arith.constant 0 : i32
        %dma_start3A_1072 = tpu.memref_slice %arg7[%run_scoped3A_1059, %dma_start3A_1071] : memref<32x128xi32, #tpu.memory_space<vmem>> -> memref<1x128xi32, #tpu.memory_space<vmem>>
        %dma_start3A_1073 = tpu.memref_squeeze %dma_start3A_1072 : memref<1x128xi32, #tpu.memory_space<vmem>> -> memref<128xi32, #tpu.memory_space<vmem>>
        %dma_start3A_1074 = arith.constant 0 : i32
        %dma_start3A_1075 = arith.constant 0 : i32
        %dma_start3A_1076 = tpu.memref_slice %arg10[%dma_start3A_1074, %dma_start3A_1075] : memref<10128x128xf32, #tpu.memory_space<vmem_shared>> -> memref<10128x128xf32, #tpu.memory_space<vmem_shared>>
        tpu.enqueue_indirect_dma source(%arg8 : memref<128x128xf32, #tpu.memory_space<vmem>>) target(%dma_start3A_1076 : memref<10128x128xf32, #tpu.memory_space<vmem_shared>>) offsets(%dma_start3A_1073 : memref<128xi32, #tpu.memory_space<vmem>>) semaphore(%run_scoped3A_1070 : memref<!tpu.dma_semaphore, #tpu.memory_space<semaphore_mem>>) {add = true}
        %dma_wait3A_1077 = arith.constant 0 : i32
        %dma_wait3A_1078 = tpu.memref_slice %arg7[%run_scoped3A_1059, %dma_wait3A_1077] : memref<32x128xi32, #tpu.memory_space<vmem>> -> memref<1x128xi32, #tpu.memory_space<vmem>>
        %dma_wait3A_1079 = tpu.memref_squeeze %dma_wait3A_1078 : memref<1x128xi32, #tpu.memory_space<vmem>> -> memref<128xi32, #tpu.memory_space<vmem>>
        %dma_wait3A_1080 = arith.constant 0 : i32
        %dma_wait3A_1081 = arith.constant 0 : i32
        %dma_wait3A_1082 = tpu.memref_slice %arg10[%dma_wait3A_1080, %dma_wait3A_1081] : memref<10128x128xf32, #tpu.memory_space<vmem_shared>> -> memref<10128x128xf32, #tpu.memory_space<vmem_shared>>
        tpu.wait_indirect_dma semaphore(%run_scoped3A_1070 : memref<!tpu.dma_semaphore, #tpu.memory_space<semaphore_mem>>) src(%arg8 : memref<128x128xf32, #tpu.memory_space<vmem>>) dst(%dma_wait3A_1082 : memref<10128x128xf32, #tpu.memory_space<vmem_shared>>)
        tpu.yield
      }) : () -> ()
      %dma_wait3A_1060 = arith.constant 1 : i32
      %dma_wait3A_1061 = arith.constant 0 : i32
      %dma_wait3A_1062 = tpu.memref_slice %arg6[%dma_wait3A_1060, %dma_wait3A_1061] : memref<2x2048xi32, #tpu.memory_space<vmem>> -> memref<1x2048xi32, #tpu.memory_space<vmem>>
      %dma_wait3A_1063 = tpu.memref_squeeze %dma_wait3A_1062 : memref<1x2048xi32, #tpu.memory_space<vmem>> -> memref<2048xi32, #tpu.memory_space<vmem>>
      %dma_wait3A_1064 = arith.constant 1920 : i32
      %dma_wait3A_1065 = tpu.memref_slice %dma_wait3A_1063[%dma_wait3A_1064] : memref<2048xi32, #tpu.memory_space<vmem>> -> memref<128xi32, #tpu.memory_space<vmem>>
      %dma_wait3A_1066 = arith.constant 0 : i32
      %dma_wait3A_1067 = arith.constant 0 : i32
      %dma_wait3A_1068 = tpu.memref_slice %arg2[%dma_wait3A_1066, %dma_wait3A_1067] : memref<10000x128xf32, #tpu.memory_space<hbm>> -> memref<10000x128xf32, #tpu.memory_space<hbm>>
      tpu.wait_indirect_dma semaphore(%arg12 : memref<!tpu.dma_semaphore, #tpu.memory_space<semaphore_mem>>) src(%dma_wait3A_1068 : memref<10000x128xf32, #tpu.memory_space<hbm>>) dst(%arg9 : memref<128x128xf32, #tpu.memory_space<vmem>>)
      %run_scoped3A_1069 = arith.constant 31 : i32
      "tpu.region"() ({
        %run_scoped3A_1070 = tpu.sem_alloc : memref<!tpu.dma_semaphore, #tpu.memory_space<semaphore_mem>>
        %dma_start3A_1071 = arith.constant 0 : i32
        %dma_start3A_1072 = tpu.memref_slice %arg7[%run_scoped3A_1069, %dma_start3A_1071] : memref<32x128xi32, #tpu.memory_space<vmem>> -> memref<1x128xi32, #tpu.memory_space<vmem>>
        %dma_start3A_1073 = tpu.memref_squeeze %dma_start3A_1072 : memref<1x128xi32, #tpu.memory_space<vmem>> -> memref<128xi32, #tpu.memory_space<vmem>>
        %dma_start3A_1074 = arith.constant 0 : i32
        %dma_start3A_1075 = arith.constant 0 : i32
        %dma_start3A_1076 = tpu.memref_slice %arg10[%dma_start3A_1074, %dma_start3A_1075] : memref<10128x128xf32, #tpu.memory_space<vmem_shared>> -> memref<10128x128xf32, #tpu.memory_space<vmem_shared>>
        tpu.enqueue_indirect_dma source(%arg9 : memref<128x128xf32, #tpu.memory_space<vmem>>) target(%dma_start3A_1076 : memref<10128x128xf32, #tpu.memory_space<vmem_shared>>) offsets(%dma_start3A_1073 : memref<128xi32, #tpu.memory_space<vmem>>) semaphore(%run_scoped3A_1070 : memref<!tpu.dma_semaphore, #tpu.memory_space<semaphore_mem>>) {add = true}
        %dma_wait3A_1077 = arith.constant 0 : i32
        %dma_wait3A_1078 = tpu.memref_slice %arg7[%run_scoped3A_1069, %dma_wait3A_1077] : memref<32x128xi32, #tpu.memory_space<vmem>> -> memref<1x128xi32, #tpu.memory_space<vmem>>
        %dma_wait3A_1079 = tpu.memref_squeeze %dma_wait3A_1078 : memref<1x128xi32, #tpu.memory_space<vmem>> -> memref<128xi32, #tpu.memory_space<vmem>>
        %dma_wait3A_1080 = arith.constant 0 : i32
        %dma_wait3A_1081 = arith.constant 0 : i32
        %dma_wait3A_1082 = tpu.memref_slice %arg10[%dma_wait3A_1080, %dma_wait3A_1081] : memref<10128x128xf32, #tpu.memory_space<vmem_shared>> -> memref<10128x128xf32, #tpu.memory_space<vmem_shared>>
        tpu.wait_indirect_dma semaphore(%run_scoped3A_1070 : memref<!tpu.dma_semaphore, #tpu.memory_space<semaphore_mem>>) src(%arg9 : memref<128x128xf32, #tpu.memory_space<vmem>>) dst(%dma_wait3A_1082 : memref<10128x128xf32, #tpu.memory_space<vmem_shared>>)
        tpu.yield
      }) : () -> ()
    }
    %scan3A_60 = arith.constant 2 : i32
    %dma_wait3A = arith.constant 0 : i32
    %dma_wait3A_61 = arith.constant 0 : i32
    %dma_wait3A_62 = tpu.memref_slice %arg6[%dma_wait3A, %dma_wait3A_61] : memref<2x2048xi32, #tpu.memory_space<vmem>> -> memref<1x2048xi32, #tpu.memory_space<vmem>>
    %dma_wait3A_63 = tpu.memref_squeeze %dma_wait3A_62 : memref<1x2048xi32, #tpu.memory_space<vmem>> -> memref<2048xi32, #tpu.memory_space<vmem>>
    %dma_wait3A_64 = arith.constant 0 : i32
    %dma_wait3A_65 = tpu.memref_slice %arg3[%dma_wait3A_64] : memref<327680xi32, #tpu.memory_space<hbm>> -> memref<2048xi32, #tpu.memory_space<hbm>>
    %dma_wait3A_66 = arith.constant 0 : i32
    %dma_wait3A_67 = tpu.memref_slice %arg6[%dma_wait3A, %dma_wait3A_66] : memref<2x2048xi32, #tpu.memory_space<vmem>> -> memref<1x2048xi32, #tpu.memory_space<vmem>>
    %dma_wait3A_68 = tpu.memref_squeeze %dma_wait3A_67 : memref<1x2048xi32, #tpu.memory_space<vmem>> -> memref<2048xi32, #tpu.memory_space<vmem>>
    %dma_wait3A_69 = arith.constant 0 : i32
    %dma_wait3A_70 = tpu.memref_slice %arg3[%dma_wait3A_69] : memref<327680xi32, #tpu.memory_space<hbm>> -> memref<2048xi32, #tpu.memory_space<hbm>>
    tpu.wait_dma2 semaphore(%arg13 : memref<!tpu.dma_semaphore, #tpu.memory_space<semaphore_mem>>) src(%dma_wait3A_70 : memref<2048xi32, #tpu.memory_space<hbm>>) dst(%dma_wait3A_68 : memref<2048xi32, #tpu.memory_space<vmem>>)
    %multiple_of3A_71 = arith.constant 0 : i32
    %multiple_of3A_72 = tpu.assume_multiple %multiple_of3A_71, 8 : i32
    %dma_wait3A_73 = arith.constant 0 : i32
    %dma_wait3A_74 = tpu.memref_slice %arg7[%multiple_of3A_72, %dma_wait3A_73] : memref<32x128xi32, #tpu.memory_space<vmem>> -> memref<16x128xi32, #tpu.memory_space<vmem>>
    %dma_wait3A_75 = arith.constant 0 : i32
    %dma_wait3A_76 = arith.constant 0 : i32
    %dma_wait3A_77 = tpu.memref_slice %arg4[%dma_wait3A_75, %dma_wait3A_76] : memref<2560x128xi32, #tpu.memory_space<hbm>> -> memref<16x128xi32, #tpu.memory_space<hbm>>
    %dma_wait3A_78 = arith.constant 0 : i32
    %dma_wait3A_79 = tpu.memref_slice %arg7[%multiple_of3A_72, %dma_wait3A_78] : memref<32x128xi32, #tpu.memory_space<vmem>> -> memref<16x128xi32, #tpu.memory_space<vmem>>
    %dma_wait3A_80 = arith.constant 0 : i32
    %dma_wait3A_81 = arith.constant 0 : i32
    %dma_wait3A_82 = tpu.memref_slice %arg4[%dma_wait3A_80, %dma_wait3A_81] : memref<2560x128xi32, #tpu.memory_space<hbm>> -> memref<16x128xi32, #tpu.memory_space<hbm>>
    tpu.wait_dma2 semaphore(%arg13 : memref<!tpu.dma_semaphore, #tpu.memory_space<semaphore_mem>>) src(%dma_wait3A_82 : memref<16x128xi32, #tpu.memory_space<hbm>>) dst(%dma_wait3A_79 : memref<16x128xi32, #tpu.memory_space<vmem>>)
    %dma_start3A_83 = arith.constant 0 : i32
    %dma_start3A_84 = arith.constant 0 : i32
    %dma_start3A_85 = tpu.memref_slice %arg6[%dma_start3A_83, %dma_start3A_84] : memref<2x2048xi32, #tpu.memory_space<vmem>> -> memref<1x2048xi32, #tpu.memory_space<vmem>>
    %dma_start3A_86 = tpu.memref_squeeze %dma_start3A_85 : memref<1x2048xi32, #tpu.memory_space<vmem>> -> memref<2048xi32, #tpu.memory_space<vmem>>
    %dma_start3A_87 = arith.constant 0 : i32
    %dma_start3A_88 = tpu.memref_slice %dma_start3A_86[%dma_start3A_87] : memref<2048xi32, #tpu.memory_space<vmem>> -> memref<128xi32, #tpu.memory_space<vmem>>
    %dma_start3A_89 = arith.constant 0 : i32
    %dma_start3A_90 = arith.constant 0 : i32
    %dma_start3A_91 = tpu.memref_slice %arg2[%dma_start3A_89, %dma_start3A_90] : memref<10000x128xf32, #tpu.memory_space<hbm>> -> memref<10000x128xf32, #tpu.memory_space<hbm>>
    tpu.enqueue_indirect_dma source(%dma_start3A_91 : memref<10000x128xf32, #tpu.memory_space<hbm>>) target(%arg8 : memref<128x128xf32, #tpu.memory_space<vmem>>) offsets(%dma_start3A_88 : memref<128xi32, #tpu.memory_space<vmem>>) semaphore(%arg11 : memref<!tpu.dma_semaphore, #tpu.memory_space<semaphore_mem>>)
    %dma_start3A_92 = arith.constant 0 : i32
    %dma_start3A_93 = arith.constant 0 : i32
    %dma_start3A_94 = tpu.memref_slice %arg6[%dma_start3A_92, %dma_start3A_93] : memref<2x2048xi32, #tpu.memory_space<vmem>> -> memref<1x2048xi32, #tpu.memory_space<vmem>>
    %dma_start3A_95 = tpu.memref_squeeze %dma_start3A_94 : memref<1x2048xi32, #tpu.memory_space<vmem>> -> memref<2048xi32, #tpu.memory_space<vmem>>
    %dma_start3A_96 = arith.constant 128 : i32
    %dma_start3A_97 = tpu.memref_slice %dma_start3A_95[%dma_start3A_96] : memref<2048xi32, #tpu.memory_space<vmem>> -> memref<128xi32, #tpu.memory_space<vmem>>
    %dma_start3A_98 = arith.constant 0 : i32
    %dma_start3A_99 = arith.constant 0 : i32
    %dma_start3A_100 = tpu.memref_slice %arg2[%dma_start3A_98, %dma_start3A_99] : memref<10000x128xf32, #tpu.memory_space<hbm>> -> memref<10000x128xf32, #tpu.memory_space<hbm>>
    tpu.enqueue_indirect_dma source(%dma_start3A_100 : memref<10000x128xf32, #tpu.memory_space<hbm>>) target(%arg9 : memref<128x128xf32, #tpu.memory_space<vmem>>) offsets(%dma_start3A_97 : memref<128xi32, #tpu.memory_space<vmem>>) semaphore(%arg12 : memref<!tpu.dma_semaphore, #tpu.memory_space<semaphore_mem>>)
    %dma_wait3A_101 = arith.constant 0 : i32
    %dma_wait3A_102 = arith.constant 0 : i32
    %dma_wait3A_103 = tpu.memref_slice %arg6[%dma_wait3A_101, %dma_wait3A_102] : memref<2x2048xi32, #tpu.memory_space<vmem>> -> memref<1x2048xi32, #tpu.memory_space<vmem>>
    %dma_wait3A_104 = tpu.memref_squeeze %dma_wait3A_103 : memref<1x2048xi32, #tpu.memory_space<vmem>> -> memref<2048xi32, #tpu.memory_space<vmem>>
    %dma_wait3A_105 = arith.constant 0 : i32
    %dma_wait3A_106 = tpu.memref_slice %dma_wait3A_104[%dma_wait3A_105] : memref<2048xi32, #tpu.memory_space<vmem>> -> memref<128xi32, #tpu.memory_space<vmem>>
    %dma_wait3A_107 = arith.constant 0 : i32
    %dma_wait3A_108 = arith.constant 0 : i32
    %dma_wait3A_109 = tpu.memref_slice %arg2[%dma_wait3A_107, %dma_wait3A_108] : memref<10000x128xf32, #tpu.memory_space<hbm>> -> memref<10000x128xf32, #tpu.memory_space<hbm>>
    tpu.wait_indirect_dma semaphore(%arg11 : memref<!tpu.dma_semaphore, #tpu.memory_space<semaphore_mem>>) src(%dma_wait3A_109 : memref<10000x128xf32, #tpu.memory_space<hbm>>) dst(%arg8 : memref<128x128xf32, #tpu.memory_space<vmem>>)
    %run_scoped3A = arith.constant 0 : i32
    "tpu.region"() ({
      %run_scoped3A_392 = tpu.sem_alloc : memref<!tpu.dma_semaphore, #tpu.memory_space<semaphore_mem>>
      %dma_start3A_393 = arith.constant 0 : i32
      %dma_start3A_394 = tpu.memref_slice %arg7[%run_scoped3A, %dma_start3A_393] : memref<32x128xi32, #tpu.memory_space<vmem>> -> memref<1x128xi32, #tpu.memory_space<vmem>>
      %dma_start3A_395 = tpu.memref_squeeze %dma_start3A_394 : memref<1x128xi32, #tpu.memory_space<vmem>> -> memref<128xi32, #tpu.memory_space<vmem>>
      %dma_start3A_396 = arith.constant 0 : i32
      %dma_start3A_397 = arith.constant 0 : i32
      %dma_start3A_398 = tpu.memref_slice %arg10[%dma_start3A_396, %dma_start3A_397] : memref<10128x128xf32, #tpu.memory_space<vmem_shared>> -> memref<10128x128xf32, #tpu.memory_space<vmem_shared>>
      tpu.enqueue_indirect_dma source(%arg8 : memref<128x128xf32, #tpu.memory_space<vmem>>) target(%dma_start3A_398 : memref<10128x128xf32, #tpu.memory_space<vmem_shared>>) offsets(%dma_start3A_395 : memref<128xi32, #tpu.memory_space<vmem>>) semaphore(%run_scoped3A_392 : memref<!tpu.dma_semaphore, #tpu.memory_space<semaphore_mem>>) {add = true}
      %dma_wait3A_399 = arith.constant 0 : i32
      %dma_wait3A_400 = tpu.memref_slice %arg7[%run_scoped3A, %dma_wait3A_399] : memref<32x128xi32, #tpu.memory_space<vmem>> -> memref<1x128xi32, #tpu.memory_space<vmem>>
      %dma_wait3A_401 = tpu.memref_squeeze %dma_wait3A_400 : memref<1x128xi32, #tpu.memory_space<vmem>> -> memref<128xi32, #tpu.memory_space<vmem>>
      %dma_wait3A_402 = arith.constant 0 : i32
      %dma_wait3A_403 = arith.constant 0 : i32
      %dma_wait3A_404 = tpu.memref_slice %arg10[%dma_wait3A_402, %dma_wait3A_403] : memref<10128x128xf32, #tpu.memory_space<vmem_shared>> -> memref<10128x128xf32, #tpu.memory_space<vmem_shared>>
      tpu.wait_indirect_dma semaphore(%run_scoped3A_392 : memref<!tpu.dma_semaphore, #tpu.memory_space<semaphore_mem>>) src(%arg8 : memref<128x128xf32, #tpu.memory_space<vmem>>) dst(%dma_wait3A_404 : memref<10128x128xf32, #tpu.memory_space<vmem_shared>>)
      tpu.yield
    }) : () -> ()
    %dma_start3A_110 = arith.constant 0 : i32
    %dma_start3A_111 = arith.constant 0 : i32
    %dma_start3A_112 = tpu.memref_slice %arg6[%dma_start3A_110, %dma_start3A_111] : memref<2x2048xi32, #tpu.memory_space<vmem>> -> memref<1x2048xi32, #tpu.memory_space<vmem>>
    %dma_start3A_113 = tpu.memref_squeeze %dma_start3A_112 : memref<1x2048xi32, #tpu.memory_space<vmem>> -> memref<2048xi32, #tpu.memory_space<vmem>>
    %dma_start3A_114 = arith.constant 256 : i32
    %dma_start3A_115 = tpu.memref_slice %dma_start3A_113[%dma_start3A_114] : memref<2048xi32, #tpu.memory_space<vmem>> -> memref<128xi32, #tpu.memory_space<vmem>>
    %dma_start3A_116 = arith.constant 0 : i32
    %dma_start3A_117 = arith.constant 0 : i32
    %dma_start3A_118 = tpu.memref_slice %arg2[%dma_start3A_116, %dma_start3A_117] : memref<10000x128xf32, #tpu.memory_space<hbm>> -> memref<10000x128xf32, #tpu.memory_space<hbm>>
    tpu.enqueue_indirect_dma source(%dma_start3A_118 : memref<10000x128xf32, #tpu.memory_space<hbm>>) target(%arg8 : memref<128x128xf32, #tpu.memory_space<vmem>>) offsets(%dma_start3A_115 : memref<128xi32, #tpu.memory_space<vmem>>) semaphore(%arg11 : memref<!tpu.dma_semaphore, #tpu.memory_space<semaphore_mem>>)
    %dma_wait3A_119 = arith.constant 0 : i32
    %dma_wait3A_120 = arith.constant 0 : i32
    %dma_wait3A_121 = tpu.memref_slice %arg6[%dma_wait3A_119, %dma_wait3A_120] : memref<2x2048xi32, #tpu.memory_space<vmem>> -> memref<1x2048xi32, #tpu.memory_space<vmem>>
    %dma_wait3A_122 = tpu.memref_squeeze %dma_wait3A_121 : memref<1x2048xi32, #tpu.memory_space<vmem>> -> memref<2048xi32, #tpu.memory_space<vmem>>
    %dma_wait3A_123 = arith.constant 128 : i32
    %dma_wait3A_124 = tpu.memref_slice %dma_wait3A_122[%dma_wait3A_123] : memref<2048xi32, #tpu.memory_space<vmem>> -> memref<128xi32, #tpu.memory_space<vmem>>
    %dma_wait3A_125 = arith.constant 0 : i32
    %dma_wait3A_126 = arith.constant 0 : i32
    %dma_wait3A_127 = tpu.memref_slice %arg2[%dma_wait3A_125, %dma_wait3A_126] : memref<10000x128xf32, #tpu.memory_space<hbm>> -> memref<10000x128xf32, #tpu.memory_space<hbm>>
    tpu.wait_indirect_dma semaphore(%arg12 : memref<!tpu.dma_semaphore, #tpu.memory_space<semaphore_mem>>) src(%dma_wait3A_127 : memref<10000x128xf32, #tpu.memory_space<hbm>>) dst(%arg9 : memref<128x128xf32, #tpu.memory_space<vmem>>)
    %run_scoped3A_128 = arith.constant 1 : i32
    "tpu.region"() ({
      %run_scoped3A_392 = tpu.sem_alloc : memref<!tpu.dma_semaphore, #tpu.memory_space<semaphore_mem>>
      %dma_start3A_393 = arith.constant 0 : i32
      %dma_start3A_394 = tpu.memref_slice %arg7[%run_scoped3A_128, %dma_start3A_393] : memref<32x128xi32, #tpu.memory_space<vmem>> -> memref<1x128xi32, #tpu.memory_space<vmem>>
      %dma_start3A_395 = tpu.memref_squeeze %dma_start3A_394 : memref<1x128xi32, #tpu.memory_space<vmem>> -> memref<128xi32, #tpu.memory_space<vmem>>
      %dma_start3A_396 = arith.constant 0 : i32
      %dma_start3A_397 = arith.constant 0 : i32
      %dma_start3A_398 = tpu.memref_slice %arg10[%dma_start3A_396, %dma_start3A_397] : memref<10128x128xf32, #tpu.memory_space<vmem_shared>> -> memref<10128x128xf32, #tpu.memory_space<vmem_shared>>
      tpu.enqueue_indirect_dma source(%arg9 : memref<128x128xf32, #tpu.memory_space<vmem>>) target(%dma_start3A_398 : memref<10128x128xf32, #tpu.memory_space<vmem_shared>>) offsets(%dma_start3A_395 : memref<128xi32, #tpu.memory_space<vmem>>) semaphore(%run_scoped3A_392 : memref<!tpu.dma_semaphore, #tpu.memory_space<semaphore_mem>>) {add = true}
      %dma_wait3A_399 = arith.constant 0 : i32
      %dma_wait3A_400 = tpu.memref_slice %arg7[%run_scoped3A_128, %dma_wait3A_399] : memref<32x128xi32, #tpu.memory_space<vmem>> -> memref<1x128xi32, #tpu.memory_space<vmem>>
      %dma_wait3A_401 = tpu.memref_squeeze %dma_wait3A_400 : memref<1x128xi32, #tpu.memory_space<vmem>> -> memref<128xi32, #tpu.memory_space<vmem>>
      %dma_wait3A_402 = arith.constant 0 : i32
      %dma_wait3A_403 = arith.constant 0 : i32
      %dma_wait3A_404 = tpu.memref_slice %arg10[%dma_wait3A_402, %dma_wait3A_403] : memref<10128x128xf32, #tpu.memory_space<vmem_shared>> -> memref<10128x128xf32, #tpu.memory_space<vmem_shared>>
      tpu.wait_indirect_dma semaphore(%run_scoped3A_392 : memref<!tpu.dma_semaphore, #tpu.memory_space<semaphore_mem>>) src(%arg9 : memref<128x128xf32, #tpu.memory_space<vmem>>) dst(%dma_wait3A_404 : memref<10128x128xf32, #tpu.memory_space<vmem_shared>>)
      tpu.yield
    }) : () -> ()
    %dma_start3A_129 = arith.constant 0 : i32
    %dma_start3A_130 = arith.constant 0 : i32
    %dma_start3A_131 = tpu.memref_slice %arg6[%dma_start3A_129, %dma_start3A_130] : memref<2x2048xi32, #tpu.memory_space<vmem>> -> memref<1x2048xi32, #tpu.memory_space<vmem>>
    %dma_start3A_132 = tpu.memref_squeeze %dma_start3A_131 : memref<1x2048xi32, #tpu.memory_space<vmem>> -> memref<2048xi32, #tpu.memory_space<vmem>>
    %dma_start3A_133 = arith.constant 384 : i32
    %dma_start3A_134 = tpu.memref_slice %dma_start3A_132[%dma_start3A_133] : memref<2048xi32, #tpu.memory_space<vmem>> -> memref<128xi32, #tpu.memory_space<vmem>>
    %dma_start3A_135 = arith.constant 0 : i32
    %dma_start3A_136 = arith.constant 0 : i32
    %dma_start3A_137 = tpu.memref_slice %arg2[%dma_start3A_135, %dma_start3A_136] : memref<10000x128xf32, #tpu.memory_space<hbm>> -> memref<10000x128xf32, #tpu.memory_space<hbm>>
    tpu.enqueue_indirect_dma source(%dma_start3A_137 : memref<10000x128xf32, #tpu.memory_space<hbm>>) target(%arg9 : memref<128x128xf32, #tpu.memory_space<vmem>>) offsets(%dma_start3A_134 : memref<128xi32, #tpu.memory_space<vmem>>) semaphore(%arg12 : memref<!tpu.dma_semaphore, #tpu.memory_space<semaphore_mem>>)
    %dma_wait3A_138 = arith.constant 0 : i32
    %dma_wait3A_139 = arith.constant 0 : i32
    %dma_wait3A_140 = tpu.memref_slice %arg6[%dma_wait3A_138, %dma_wait3A_139] : memref<2x2048xi32, #tpu.memory_space<vmem>> -> memref<1x2048xi32, #tpu.memory_space<vmem>>
    %dma_wait3A_141 = tpu.memref_squeeze %dma_wait3A_140 : memref<1x2048xi32, #tpu.memory_space<vmem>> -> memref<2048xi32, #tpu.memory_space<vmem>>
    %dma_wait3A_142 = arith.constant 256 : i32
    %dma_wait3A_143 = tpu.memref_slice %dma_wait3A_141[%dma_wait3A_142] : memref<2048xi32, #tpu.memory_space<vmem>> -> memref<128xi32, #tpu.memory_space<vmem>>
    %dma_wait3A_144 = arith.constant 0 : i32
    %dma_wait3A_145 = arith.constant 0 : i32
    %dma_wait3A_146 = tpu.memref_slice %arg2[%dma_wait3A_144, %dma_wait3A_145] : memref<10000x128xf32, #tpu.memory_space<hbm>> -> memref<10000x128xf32, #tpu.memory_space<hbm>>
    tpu.wait_indirect_dma semaphore(%arg11 : memref<!tpu.dma_semaphore, #tpu.memory_space<semaphore_mem>>) src(%dma_wait3A_146 : memref<10000x128xf32, #tpu.memory_space<hbm>>) dst(%arg8 : memref<128x128xf32, #tpu.memory_space<vmem>>)
    %run_scoped3A_147 = arith.constant 2 : i32
    "tpu.region"() ({
      %run_scoped3A_392 = tpu.sem_alloc : memref<!tpu.dma_semaphore, #tpu.memory_space<semaphore_mem>>
      %dma_start3A_393 = arith.constant 0 : i32
      %dma_start3A_394 = tpu.memref_slice %arg7[%run_scoped3A_147, %dma_start3A_393] : memref<32x128xi32, #tpu.memory_space<vmem>> -> memref<1x128xi32, #tpu.memory_space<vmem>>
      %dma_start3A_395 = tpu.memref_squeeze %dma_start3A_394 : memref<1x128xi32, #tpu.memory_space<vmem>> -> memref<128xi32, #tpu.memory_space<vmem>>
      %dma_start3A_396 = arith.constant 0 : i32
      %dma_start3A_397 = arith.constant 0 : i32
      %dma_start3A_398 = tpu.memref_slice %arg10[%dma_start3A_396, %dma_start3A_397] : memref<10128x128xf32, #tpu.memory_space<vmem_shared>> -> memref<10128x128xf32, #tpu.memory_space<vmem_shared>>
      tpu.enqueue_indirect_dma source(%arg8 : memref<128x128xf32, #tpu.memory_space<vmem>>) target(%dma_start3A_398 : memref<10128x128xf32, #tpu.memory_space<vmem_shared>>) offsets(%dma_start3A_395 : memref<128xi32, #tpu.memory_space<vmem>>) semaphore(%run_scoped3A_392 : memref<!tpu.dma_semaphore, #tpu.memory_space<semaphore_mem>>) {add = true}
      %dma_wait3A_399 = arith.constant 0 : i32
      %dma_wait3A_400 = tpu.memref_slice %arg7[%run_scoped3A_147, %dma_wait3A_399] : memref<32x128xi32, #tpu.memory_space<vmem>> -> memref<1x128xi32, #tpu.memory_space<vmem>>
      %dma_wait3A_401 = tpu.memref_squeeze %dma_wait3A_400 : memref<1x128xi32, #tpu.memory_space<vmem>> -> memref<128xi32, #tpu.memory_space<vmem>>
      %dma_wait3A_402 = arith.constant 0 : i32
      %dma_wait3A_403 = arith.constant 0 : i32
      %dma_wait3A_404 = tpu.memref_slice %arg10[%dma_wait3A_402, %dma_wait3A_403] : memref<10128x128xf32, #tpu.memory_space<vmem_shared>> -> memref<10128x128xf32, #tpu.memory_space<vmem_shared>>
      tpu.wait_indirect_dma semaphore(%run_scoped3A_392 : memref<!tpu.dma_semaphore, #tpu.memory_space<semaphore_mem>>) src(%arg8 : memref<128x128xf32, #tpu.memory_space<vmem>>) dst(%dma_wait3A_404 : memref<10128x128xf32, #tpu.memory_space<vmem_shared>>)
      tpu.yield
    }) : () -> ()
    %dma_start3A_148 = arith.constant 0 : i32
    %dma_start3A_149 = arith.constant 0 : i32
    %dma_start3A_150 = tpu.memref_slice %arg6[%dma_start3A_148, %dma_start3A_149] : memref<2x2048xi32, #tpu.memory_space<vmem>> -> memref<1x2048xi32, #tpu.memory_space<vmem>>
    %dma_start3A_151 = tpu.memref_squeeze %dma_start3A_150 : memref<1x2048xi32, #tpu.memory_space<vmem>> -> memref<2048xi32, #tpu.memory_space<vmem>>
    %dma_start3A_152 = arith.constant 512 : i32
    %dma_start3A_153 = tpu.memref_slice %dma_start3A_151[%dma_start3A_152] : memref<2048xi32, #tpu.memory_space<vmem>> -> memref<128xi32, #tpu.memory_space<vmem>>
    %dma_start3A_154 = arith.constant 0 : i32
    %dma_start3A_155 = arith.constant 0 : i32
    %dma_start3A_156 = tpu.memref_slice %arg2[%dma_start3A_154, %dma_start3A_155] : memref<10000x128xf32, #tpu.memory_space<hbm>> -> memref<10000x128xf32, #tpu.memory_space<hbm>>
    tpu.enqueue_indirect_dma source(%dma_start3A_156 : memref<10000x128xf32, #tpu.memory_space<hbm>>) target(%arg8 : memref<128x128xf32, #tpu.memory_space<vmem>>) offsets(%dma_start3A_153 : memref<128xi32, #tpu.memory_space<vmem>>) semaphore(%arg11 : memref<!tpu.dma_semaphore, #tpu.memory_space<semaphore_mem>>)
    %dma_wait3A_157 = arith.constant 0 : i32
    %dma_wait3A_158 = arith.constant 0 : i32
    %dma_wait3A_159 = tpu.memref_slice %arg6[%dma_wait3A_157, %dma_wait3A_158] : memref<2x2048xi32, #tpu.memory_space<vmem>> -> memref<1x2048xi32, #tpu.memory_space<vmem>>
    %dma_wait3A_160 = tpu.memref_squeeze %dma_wait3A_159 : memref<1x2048xi32, #tpu.memory_space<vmem>> -> memref<2048xi32, #tpu.memory_space<vmem>>
    %dma_wait3A_161 = arith.constant 384 : i32
    %dma_wait3A_162 = tpu.memref_slice %dma_wait3A_160[%dma_wait3A_161] : memref<2048xi32, #tpu.memory_space<vmem>> -> memref<128xi32, #tpu.memory_space<vmem>>
    %dma_wait3A_163 = arith.constant 0 : i32
    %dma_wait3A_164 = arith.constant 0 : i32
    %dma_wait3A_165 = tpu.memref_slice %arg2[%dma_wait3A_163, %dma_wait3A_164] : memref<10000x128xf32, #tpu.memory_space<hbm>> -> memref<10000x128xf32, #tpu.memory_space<hbm>>
    tpu.wait_indirect_dma semaphore(%arg12 : memref<!tpu.dma_semaphore, #tpu.memory_space<semaphore_mem>>) src(%dma_wait3A_165 : memref<10000x128xf32, #tpu.memory_space<hbm>>) dst(%arg9 : memref<128x128xf32, #tpu.memory_space<vmem>>)
    %run_scoped3A_166 = arith.constant 3 : i32
    "tpu.region"() ({
      %run_scoped3A_392 = tpu.sem_alloc : memref<!tpu.dma_semaphore, #tpu.memory_space<semaphore_mem>>
      %dma_start3A_393 = arith.constant 0 : i32
      %dma_start3A_394 = tpu.memref_slice %arg7[%run_scoped3A_166, %dma_start3A_393] : memref<32x128xi32, #tpu.memory_space<vmem>> -> memref<1x128xi32, #tpu.memory_space<vmem>>
      %dma_start3A_395 = tpu.memref_squeeze %dma_start3A_394 : memref<1x128xi32, #tpu.memory_space<vmem>> -> memref<128xi32, #tpu.memory_space<vmem>>
      %dma_start3A_396 = arith.constant 0 : i32
      %dma_start3A_397 = arith.constant 0 : i32
      %dma_start3A_398 = tpu.memref_slice %arg10[%dma_start3A_396, %dma_start3A_397] : memref<10128x128xf32, #tpu.memory_space<vmem_shared>> -> memref<10128x128xf32, #tpu.memory_space<vmem_shared>>
      tpu.enqueue_indirect_dma source(%arg9 : memref<128x128xf32, #tpu.memory_space<vmem>>) target(%dma_start3A_398 : memref<10128x128xf32, #tpu.memory_space<vmem_shared>>) offsets(%dma_start3A_395 : memref<128xi32, #tpu.memory_space<vmem>>) semaphore(%run_scoped3A_392 : memref<!tpu.dma_semaphore, #tpu.memory_space<semaphore_mem>>) {add = true}
      %dma_wait3A_399 = arith.constant 0 : i32
      %dma_wait3A_400 = tpu.memref_slice %arg7[%run_scoped3A_166, %dma_wait3A_399] : memref<32x128xi32, #tpu.memory_space<vmem>> -> memref<1x128xi32, #tpu.memory_space<vmem>>
      %dma_wait3A_401 = tpu.memref_squeeze %dma_wait3A_400 : memref<1x128xi32, #tpu.memory_space<vmem>> -> memref<128xi32, #tpu.memory_space<vmem>>
      %dma_wait3A_402 = arith.constant 0 : i32
      %dma_wait3A_403 = arith.constant 0 : i32
      %dma_wait3A_404 = tpu.memref_slice %arg10[%dma_wait3A_402, %dma_wait3A_403] : memref<10128x128xf32, #tpu.memory_space<vmem_shared>> -> memref<10128x128xf32, #tpu.memory_space<vmem_shared>>
      tpu.wait_indirect_dma semaphore(%run_scoped3A_392 : memref<!tpu.dma_semaphore, #tpu.memory_space<semaphore_mem>>) src(%arg9 : memref<128x128xf32, #tpu.memory_space<vmem>>) dst(%dma_wait3A_404 : memref<10128x128xf32, #tpu.memory_space<vmem_shared>>)
      tpu.yield
    }) : () -> ()
    %dma_start3A_167 = arith.constant 0 : i32
    %dma_start3A_168 = arith.constant 0 : i32
    %dma_start3A_169 = tpu.memref_slice %arg6[%dma_start3A_167, %dma_start3A_168] : memref<2x2048xi32, #tpu.memory_space<vmem>> -> memref<1x2048xi32, #tpu.memory_space<vmem>>
    %dma_start3A_170 = tpu.memref_squeeze %dma_start3A_169 : memref<1x2048xi32, #tpu.memory_space<vmem>> -> memref<2048xi32, #tpu.memory_space<vmem>>
    %dma_start3A_171 = arith.constant 640 : i32
    %dma_start3A_172 = tpu.memref_slice %dma_start3A_170[%dma_start3A_171] : memref<2048xi32, #tpu.memory_space<vmem>> -> memref<128xi32, #tpu.memory_space<vmem>>
    %dma_start3A_173 = arith.constant 0 : i32
    %dma_start3A_174 = arith.constant 0 : i32
    %dma_start3A_175 = tpu.memref_slice %arg2[%dma_start3A_173, %dma_start3A_174] : memref<10000x128xf32, #tpu.memory_space<hbm>> -> memref<10000x128xf32, #tpu.memory_space<hbm>>
    tpu.enqueue_indirect_dma source(%dma_start3A_175 : memref<10000x128xf32, #tpu.memory_space<hbm>>) target(%arg9 : memref<128x128xf32, #tpu.memory_space<vmem>>) offsets(%dma_start3A_172 : memref<128xi32, #tpu.memory_space<vmem>>) semaphore(%arg12 : memref<!tpu.dma_semaphore, #tpu.memory_space<semaphore_mem>>)
    %dma_wait3A_176 = arith.constant 0 : i32
    %dma_wait3A_177 = arith.constant 0 : i32
    %dma_wait3A_178 = tpu.memref_slice %arg6[%dma_wait3A_176, %dma_wait3A_177] : memref<2x2048xi32, #tpu.memory_space<vmem>> -> memref<1x2048xi32, #tpu.memory_space<vmem>>
    %dma_wait3A_179 = tpu.memref_squeeze %dma_wait3A_178 : memref<1x2048xi32, #tpu.memory_space<vmem>> -> memref<2048xi32, #tpu.memory_space<vmem>>
    %dma_wait3A_180 = arith.constant 512 : i32
    %dma_wait3A_181 = tpu.memref_slice %dma_wait3A_179[%dma_wait3A_180] : memref<2048xi32, #tpu.memory_space<vmem>> -> memref<128xi32, #tpu.memory_space<vmem>>
    %dma_wait3A_182 = arith.constant 0 : i32
    %dma_wait3A_183 = arith.constant 0 : i32
    %dma_wait3A_184 = tpu.memref_slice %arg2[%dma_wait3A_182, %dma_wait3A_183] : memref<10000x128xf32, #tpu.memory_space<hbm>> -> memref<10000x128xf32, #tpu.memory_space<hbm>>
    tpu.wait_indirect_dma semaphore(%arg11 : memref<!tpu.dma_semaphore, #tpu.memory_space<semaphore_mem>>) src(%dma_wait3A_184 : memref<10000x128xf32, #tpu.memory_space<hbm>>) dst(%arg8 : memref<128x128xf32, #tpu.memory_space<vmem>>)
    %run_scoped3A_185 = arith.constant 4 : i32
    "tpu.region"() ({
      %run_scoped3A_392 = tpu.sem_alloc : memref<!tpu.dma_semaphore, #tpu.memory_space<semaphore_mem>>
      %dma_start3A_393 = arith.constant 0 : i32
      %dma_start3A_394 = tpu.memref_slice %arg7[%run_scoped3A_185, %dma_start3A_393] : memref<32x128xi32, #tpu.memory_space<vmem>> -> memref<1x128xi32, #tpu.memory_space<vmem>>
      %dma_start3A_395 = tpu.memref_squeeze %dma_start3A_394 : memref<1x128xi32, #tpu.memory_space<vmem>> -> memref<128xi32, #tpu.memory_space<vmem>>
      %dma_start3A_396 = arith.constant 0 : i32
      %dma_start3A_397 = arith.constant 0 : i32
      %dma_start3A_398 = tpu.memref_slice %arg10[%dma_start3A_396, %dma_start3A_397] : memref<10128x128xf32, #tpu.memory_space<vmem_shared>> -> memref<10128x128xf32, #tpu.memory_space<vmem_shared>>
      tpu.enqueue_indirect_dma source(%arg8 : memref<128x128xf32, #tpu.memory_space<vmem>>) target(%dma_start3A_398 : memref<10128x128xf32, #tpu.memory_space<vmem_shared>>) offsets(%dma_start3A_395 : memref<128xi32, #tpu.memory_space<vmem>>) semaphore(%run_scoped3A_392 : memref<!tpu.dma_semaphore, #tpu.memory_space<semaphore_mem>>) {add = true}
      %dma_wait3A_399 = arith.constant 0 : i32
      %dma_wait3A_400 = tpu.memref_slice %arg7[%run_scoped3A_185, %dma_wait3A_399] : memref<32x128xi32, #tpu.memory_space<vmem>> -> memref<1x128xi32, #tpu.memory_space<vmem>>
      %dma_wait3A_401 = tpu.memref_squeeze %dma_wait3A_400 : memref<1x128xi32, #tpu.memory_space<vmem>> -> memref<128xi32, #tpu.memory_space<vmem>>
      %dma_wait3A_402 = arith.constant 0 : i32
      %dma_wait3A_403 = arith.constant 0 : i32
      %dma_wait3A_404 = tpu.memref_slice %arg10[%dma_wait3A_402, %dma_wait3A_403] : memref<10128x128xf32, #tpu.memory_space<vmem_shared>> -> memref<10128x128xf32, #tpu.memory_space<vmem_shared>>
      tpu.wait_indirect_dma semaphore(%run_scoped3A_392 : memref<!tpu.dma_semaphore, #tpu.memory_space<semaphore_mem>>) src(%arg8 : memref<128x128xf32, #tpu.memory_space<vmem>>) dst(%dma_wait3A_404 : memref<10128x128xf32, #tpu.memory_space<vmem_shared>>)
      tpu.yield
    }) : () -> ()
    %dma_start3A_186 = arith.constant 0 : i32
    %dma_start3A_187 = arith.constant 0 : i32
    %dma_start3A_188 = tpu.memref_slice %arg6[%dma_start3A_186, %dma_start3A_187] : memref<2x2048xi32, #tpu.memory_space<vmem>> -> memref<1x2048xi32, #tpu.memory_space<vmem>>
    %dma_start3A_189 = tpu.memref_squeeze %dma_start3A_188 : memref<1x2048xi32, #tpu.memory_space<vmem>> -> memref<2048xi32, #tpu.memory_space<vmem>>
    %dma_start3A_190 = arith.constant 768 : i32
    %dma_start3A_191 = tpu.memref_slice %dma_start3A_189[%dma_start3A_190] : memref<2048xi32, #tpu.memory_space<vmem>> -> memref<128xi32, #tpu.memory_space<vmem>>
    %dma_start3A_192 = arith.constant 0 : i32
    %dma_start3A_193 = arith.constant 0 : i32
    %dma_start3A_194 = tpu.memref_slice %arg2[%dma_start3A_192, %dma_start3A_193] : memref<10000x128xf32, #tpu.memory_space<hbm>> -> memref<10000x128xf32, #tpu.memory_space<hbm>>
    tpu.enqueue_indirect_dma source(%dma_start3A_194 : memref<10000x128xf32, #tpu.memory_space<hbm>>) target(%arg8 : memref<128x128xf32, #tpu.memory_space<vmem>>) offsets(%dma_start3A_191 : memref<128xi32, #tpu.memory_space<vmem>>) semaphore(%arg11 : memref<!tpu.dma_semaphore, #tpu.memory_space<semaphore_mem>>)
    %dma_wait3A_195 = arith.constant 0 : i32
    %dma_wait3A_196 = arith.constant 0 : i32
    %dma_wait3A_197 = tpu.memref_slice %arg6[%dma_wait3A_195, %dma_wait3A_196] : memref<2x2048xi32, #tpu.memory_space<vmem>> -> memref<1x2048xi32, #tpu.memory_space<vmem>>
    %dma_wait3A_198 = tpu.memref_squeeze %dma_wait3A_197 : memref<1x2048xi32, #tpu.memory_space<vmem>> -> memref<2048xi32, #tpu.memory_space<vmem>>
    %dma_wait3A_199 = arith.constant 640 : i32
    %dma_wait3A_200 = tpu.memref_slice %dma_wait3A_198[%dma_wait3A_199] : memref<2048xi32, #tpu.memory_space<vmem>> -> memref<128xi32, #tpu.memory_space<vmem>>
    %dma_wait3A_201 = arith.constant 0 : i32
    %dma_wait3A_202 = arith.constant 0 : i32
    %dma_wait3A_203 = tpu.memref_slice %arg2[%dma_wait3A_201, %dma_wait3A_202] : memref<10000x128xf32, #tpu.memory_space<hbm>> -> memref<10000x128xf32, #tpu.memory_space<hbm>>
    tpu.wait_indirect_dma semaphore(%arg12 : memref<!tpu.dma_semaphore, #tpu.memory_space<semaphore_mem>>) src(%dma_wait3A_203 : memref<10000x128xf32, #tpu.memory_space<hbm>>) dst(%arg9 : memref<128x128xf32, #tpu.memory_space<vmem>>)
    %run_scoped3A_204 = arith.constant 5 : i32
    "tpu.region"() ({
      %run_scoped3A_392 = tpu.sem_alloc : memref<!tpu.dma_semaphore, #tpu.memory_space<semaphore_mem>>
      %dma_start3A_393 = arith.constant 0 : i32
      %dma_start3A_394 = tpu.memref_slice %arg7[%run_scoped3A_204, %dma_start3A_393] : memref<32x128xi32, #tpu.memory_space<vmem>> -> memref<1x128xi32, #tpu.memory_space<vmem>>
      %dma_start3A_395 = tpu.memref_squeeze %dma_start3A_394 : memref<1x128xi32, #tpu.memory_space<vmem>> -> memref<128xi32, #tpu.memory_space<vmem>>
      %dma_start3A_396 = arith.constant 0 : i32
      %dma_start3A_397 = arith.constant 0 : i32
      %dma_start3A_398 = tpu.memref_slice %arg10[%dma_start3A_396, %dma_start3A_397] : memref<10128x128xf32, #tpu.memory_space<vmem_shared>> -> memref<10128x128xf32, #tpu.memory_space<vmem_shared>>
      tpu.enqueue_indirect_dma source(%arg9 : memref<128x128xf32, #tpu.memory_space<vmem>>) target(%dma_start3A_398 : memref<10128x128xf32, #tpu.memory_space<vmem_shared>>) offsets(%dma_start3A_395 : memref<128xi32, #tpu.memory_space<vmem>>) semaphore(%run_scoped3A_392 : memref<!tpu.dma_semaphore, #tpu.memory_space<semaphore_mem>>) {add = true}
      %dma_wait3A_399 = arith.constant 0 : i32
      %dma_wait3A_400 = tpu.memref_slice %arg7[%run_scoped3A_204, %dma_wait3A_399] : memref<32x128xi32, #tpu.memory_space<vmem>> -> memref<1x128xi32, #tpu.memory_space<vmem>>
      %dma_wait3A_401 = tpu.memref_squeeze %dma_wait3A_400 : memref<1x128xi32, #tpu.memory_space<vmem>> -> memref<128xi32, #tpu.memory_space<vmem>>
      %dma_wait3A_402 = arith.constant 0 : i32
      %dma_wait3A_403 = arith.constant 0 : i32
      %dma_wait3A_404 = tpu.memref_slice %arg10[%dma_wait3A_402, %dma_wait3A_403] : memref<10128x128xf32, #tpu.memory_space<vmem_shared>> -> memref<10128x128xf32, #tpu.memory_space<vmem_shared>>
      tpu.wait_indirect_dma semaphore(%run_scoped3A_392 : memref<!tpu.dma_semaphore, #tpu.memory_space<semaphore_mem>>) src(%arg9 : memref<128x128xf32, #tpu.memory_space<vmem>>) dst(%dma_wait3A_404 : memref<10128x128xf32, #tpu.memory_space<vmem_shared>>)
      tpu.yield
    }) : () -> ()
    %dma_start3A_205 = arith.constant 0 : i32
    %dma_start3A_206 = arith.constant 0 : i32
    %dma_start3A_207 = tpu.memref_slice %arg6[%dma_start3A_205, %dma_start3A_206] : memref<2x2048xi32, #tpu.memory_space<vmem>> -> memref<1x2048xi32, #tpu.memory_space<vmem>>
    %dma_start3A_208 = tpu.memref_squeeze %dma_start3A_207 : memref<1x2048xi32, #tpu.memory_space<vmem>> -> memref<2048xi32, #tpu.memory_space<vmem>>
    %dma_start3A_209 = arith.constant 896 : i32
    %dma_start3A_210 = tpu.memref_slice %dma_start3A_208[%dma_start3A_209] : memref<2048xi32, #tpu.memory_space<vmem>> -> memref<128xi32, #tpu.memory_space<vmem>>
    %dma_start3A_211 = arith.constant 0 : i32
    %dma_start3A_212 = arith.constant 0 : i32
    %dma_start3A_213 = tpu.memref_slice %arg2[%dma_start3A_211, %dma_start3A_212] : memref<10000x128xf32, #tpu.memory_space<hbm>> -> memref<10000x128xf32, #tpu.memory_space<hbm>>
    tpu.enqueue_indirect_dma source(%dma_start3A_213 : memref<10000x128xf32, #tpu.memory_space<hbm>>) target(%arg9 : memref<128x128xf32, #tpu.memory_space<vmem>>) offsets(%dma_start3A_210 : memref<128xi32, #tpu.memory_space<vmem>>) semaphore(%arg12 : memref<!tpu.dma_semaphore, #tpu.memory_space<semaphore_mem>>)
    %dma_wait3A_214 = arith.constant 0 : i32
    %dma_wait3A_215 = arith.constant 0 : i32
    %dma_wait3A_216 = tpu.memref_slice %arg6[%dma_wait3A_214, %dma_wait3A_215] : memref<2x2048xi32, #tpu.memory_space<vmem>> -> memref<1x2048xi32, #tpu.memory_space<vmem>>
    %dma_wait3A_217 = tpu.memref_squeeze %dma_wait3A_216 : memref<1x2048xi32, #tpu.memory_space<vmem>> -> memref<2048xi32, #tpu.memory_space<vmem>>
    %dma_wait3A_218 = arith.constant 768 : i32
    %dma_wait3A_219 = tpu.memref_slice %dma_wait3A_217[%dma_wait3A_218] : memref<2048xi32, #tpu.memory_space<vmem>> -> memref<128xi32, #tpu.memory_space<vmem>>
    %dma_wait3A_220 = arith.constant 0 : i32
    %dma_wait3A_221 = arith.constant 0 : i32
    %dma_wait3A_222 = tpu.memref_slice %arg2[%dma_wait3A_220, %dma_wait3A_221] : memref<10000x128xf32, #tpu.memory_space<hbm>> -> memref<10000x128xf32, #tpu.memory_space<hbm>>
    tpu.wait_indirect_dma semaphore(%arg11 : memref<!tpu.dma_semaphore, #tpu.memory_space<semaphore_mem>>) src(%dma_wait3A_222 : memref<10000x128xf32, #tpu.memory_space<hbm>>) dst(%arg8 : memref<128x128xf32, #tpu.memory_space<vmem>>)
    %run_scoped3A_223 = arith.constant 6 : i32
    "tpu.region"() ({
      %run_scoped3A_392 = tpu.sem_alloc : memref<!tpu.dma_semaphore, #tpu.memory_space<semaphore_mem>>
      %dma_start3A_393 = arith.constant 0 : i32
      %dma_start3A_394 = tpu.memref_slice %arg7[%run_scoped3A_223, %dma_start3A_393] : memref<32x128xi32, #tpu.memory_space<vmem>> -> memref<1x128xi32, #tpu.memory_space<vmem>>
      %dma_start3A_395 = tpu.memref_squeeze %dma_start3A_394 : memref<1x128xi32, #tpu.memory_space<vmem>> -> memref<128xi32, #tpu.memory_space<vmem>>
      %dma_start3A_396 = arith.constant 0 : i32
      %dma_start3A_397 = arith.constant 0 : i32
      %dma_start3A_398 = tpu.memref_slice %arg10[%dma_start3A_396, %dma_start3A_397] : memref<10128x128xf32, #tpu.memory_space<vmem_shared>> -> memref<10128x128xf32, #tpu.memory_space<vmem_shared>>
      tpu.enqueue_indirect_dma source(%arg8 : memref<128x128xf32, #tpu.memory_space<vmem>>) target(%dma_start3A_398 : memref<10128x128xf32, #tpu.memory_space<vmem_shared>>) offsets(%dma_start3A_395 : memref<128xi32, #tpu.memory_space<vmem>>) semaphore(%run_scoped3A_392 : memref<!tpu.dma_semaphore, #tpu.memory_space<semaphore_mem>>) {add = true}
      %dma_wait3A_399 = arith.constant 0 : i32
      %dma_wait3A_400 = tpu.memref_slice %arg7[%run_scoped3A_223, %dma_wait3A_399] : memref<32x128xi32, #tpu.memory_space<vmem>> -> memref<1x128xi32, #tpu.memory_space<vmem>>
      %dma_wait3A_401 = tpu.memref_squeeze %dma_wait3A_400 : memref<1x128xi32, #tpu.memory_space<vmem>> -> memref<128xi32, #tpu.memory_space<vmem>>
      %dma_wait3A_402 = arith.constant 0 : i32
      %dma_wait3A_403 = arith.constant 0 : i32
      %dma_wait3A_404 = tpu.memref_slice %arg10[%dma_wait3A_402, %dma_wait3A_403] : memref<10128x128xf32, #tpu.memory_space<vmem_shared>> -> memref<10128x128xf32, #tpu.memory_space<vmem_shared>>
      tpu.wait_indirect_dma semaphore(%run_scoped3A_392 : memref<!tpu.dma_semaphore, #tpu.memory_space<semaphore_mem>>) src(%arg8 : memref<128x128xf32, #tpu.memory_space<vmem>>) dst(%dma_wait3A_404 : memref<10128x128xf32, #tpu.memory_space<vmem_shared>>)
      tpu.yield
    }) : () -> ()
    %dma_start3A_224 = arith.constant 0 : i32
    %dma_start3A_225 = arith.constant 0 : i32
    %dma_start3A_226 = tpu.memref_slice %arg6[%dma_start3A_224, %dma_start3A_225] : memref<2x2048xi32, #tpu.memory_space<vmem>> -> memref<1x2048xi32, #tpu.memory_space<vmem>>
    %dma_start3A_227 = tpu.memref_squeeze %dma_start3A_226 : memref<1x2048xi32, #tpu.memory_space<vmem>> -> memref<2048xi32, #tpu.memory_space<vmem>>
    %dma_start3A_228 = arith.constant 1024 : i32
    %dma_start3A_229 = tpu.memref_slice %dma_start3A_227[%dma_start3A_228] : memref<2048xi32, #tpu.memory_space<vmem>> -> memref<128xi32, #tpu.memory_space<vmem>>
    %dma_start3A_230 = arith.constant 0 : i32
    %dma_start3A_231 = arith.constant 0 : i32
    %dma_start3A_232 = tpu.memref_slice %arg2[%dma_start3A_230, %dma_start3A_231] : memref<10000x128xf32, #tpu.memory_space<hbm>> -> memref<10000x128xf32, #tpu.memory_space<hbm>>
    tpu.enqueue_indirect_dma source(%dma_start3A_232 : memref<10000x128xf32, #tpu.memory_space<hbm>>) target(%arg8 : memref<128x128xf32, #tpu.memory_space<vmem>>) offsets(%dma_start3A_229 : memref<128xi32, #tpu.memory_space<vmem>>) semaphore(%arg11 : memref<!tpu.dma_semaphore, #tpu.memory_space<semaphore_mem>>)
    %dma_wait3A_233 = arith.constant 0 : i32
    %dma_wait3A_234 = arith.constant 0 : i32
    %dma_wait3A_235 = tpu.memref_slice %arg6[%dma_wait3A_233, %dma_wait3A_234] : memref<2x2048xi32, #tpu.memory_space<vmem>> -> memref<1x2048xi32, #tpu.memory_space<vmem>>
    %dma_wait3A_236 = tpu.memref_squeeze %dma_wait3A_235 : memref<1x2048xi32, #tpu.memory_space<vmem>> -> memref<2048xi32, #tpu.memory_space<vmem>>
    %dma_wait3A_237 = arith.constant 896 : i32
    %dma_wait3A_238 = tpu.memref_slice %dma_wait3A_236[%dma_wait3A_237] : memref<2048xi32, #tpu.memory_space<vmem>> -> memref<128xi32, #tpu.memory_space<vmem>>
    %dma_wait3A_239 = arith.constant 0 : i32
    %dma_wait3A_240 = arith.constant 0 : i32
    %dma_wait3A_241 = tpu.memref_slice %arg2[%dma_wait3A_239, %dma_wait3A_240] : memref<10000x128xf32, #tpu.memory_space<hbm>> -> memref<10000x128xf32, #tpu.memory_space<hbm>>
    tpu.wait_indirect_dma semaphore(%arg12 : memref<!tpu.dma_semaphore, #tpu.memory_space<semaphore_mem>>) src(%dma_wait3A_241 : memref<10000x128xf32, #tpu.memory_space<hbm>>) dst(%arg9 : memref<128x128xf32, #tpu.memory_space<vmem>>)
    %run_scoped3A_242 = arith.constant 7 : i32
    "tpu.region"() ({
      %run_scoped3A_392 = tpu.sem_alloc : memref<!tpu.dma_semaphore, #tpu.memory_space<semaphore_mem>>
      %dma_start3A_393 = arith.constant 0 : i32
      %dma_start3A_394 = tpu.memref_slice %arg7[%run_scoped3A_242, %dma_start3A_393] : memref<32x128xi32, #tpu.memory_space<vmem>> -> memref<1x128xi32, #tpu.memory_space<vmem>>
      %dma_start3A_395 = tpu.memref_squeeze %dma_start3A_394 : memref<1x128xi32, #tpu.memory_space<vmem>> -> memref<128xi32, #tpu.memory_space<vmem>>
      %dma_start3A_396 = arith.constant 0 : i32
      %dma_start3A_397 = arith.constant 0 : i32
      %dma_start3A_398 = tpu.memref_slice %arg10[%dma_start3A_396, %dma_start3A_397] : memref<10128x128xf32, #tpu.memory_space<vmem_shared>> -> memref<10128x128xf32, #tpu.memory_space<vmem_shared>>
      tpu.enqueue_indirect_dma source(%arg9 : memref<128x128xf32, #tpu.memory_space<vmem>>) target(%dma_start3A_398 : memref<10128x128xf32, #tpu.memory_space<vmem_shared>>) offsets(%dma_start3A_395 : memref<128xi32, #tpu.memory_space<vmem>>) semaphore(%run_scoped3A_392 : memref<!tpu.dma_semaphore, #tpu.memory_space<semaphore_mem>>) {add = true}
      %dma_wait3A_399 = arith.constant 0 : i32
      %dma_wait3A_400 = tpu.memref_slice %arg7[%run_scoped3A_242, %dma_wait3A_399] : memref<32x128xi32, #tpu.memory_space<vmem>> -> memref<1x128xi32, #tpu.memory_space<vmem>>
      %dma_wait3A_401 = tpu.memref_squeeze %dma_wait3A_400 : memref<1x128xi32, #tpu.memory_space<vmem>> -> memref<128xi32, #tpu.memory_space<vmem>>
      %dma_wait3A_402 = arith.constant 0 : i32
      %dma_wait3A_403 = arith.constant 0 : i32
      %dma_wait3A_404 = tpu.memref_slice %arg10[%dma_wait3A_402, %dma_wait3A_403] : memref<10128x128xf32, #tpu.memory_space<vmem_shared>> -> memref<10128x128xf32, #tpu.memory_space<vmem_shared>>
      tpu.wait_indirect_dma semaphore(%run_scoped3A_392 : memref<!tpu.dma_semaphore, #tpu.memory_space<semaphore_mem>>) src(%arg9 : memref<128x128xf32, #tpu.memory_space<vmem>>) dst(%dma_wait3A_404 : memref<10128x128xf32, #tpu.memory_space<vmem_shared>>)
      tpu.yield
    }) : () -> ()
    %dma_start3A_243 = arith.constant 0 : i32
    %dma_start3A_244 = arith.constant 0 : i32
    %dma_start3A_245 = tpu.memref_slice %arg6[%dma_start3A_243, %dma_start3A_244] : memref<2x2048xi32, #tpu.memory_space<vmem>> -> memref<1x2048xi32, #tpu.memory_space<vmem>>
    %dma_start3A_246 = tpu.memref_squeeze %dma_start3A_245 : memref<1x2048xi32, #tpu.memory_space<vmem>> -> memref<2048xi32, #tpu.memory_space<vmem>>
    %dma_start3A_247 = arith.constant 1152 : i32
    %dma_start3A_248 = tpu.memref_slice %dma_start3A_246[%dma_start3A_247] : memref<2048xi32, #tpu.memory_space<vmem>> -> memref<128xi32, #tpu.memory_space<vmem>>
    %dma_start3A_249 = arith.constant 0 : i32
    %dma_start3A_250 = arith.constant 0 : i32
    %dma_start3A_251 = tpu.memref_slice %arg2[%dma_start3A_249, %dma_start3A_250] : memref<10000x128xf32, #tpu.memory_space<hbm>> -> memref<10000x128xf32, #tpu.memory_space<hbm>>
    tpu.enqueue_indirect_dma source(%dma_start3A_251 : memref<10000x128xf32, #tpu.memory_space<hbm>>) target(%arg9 : memref<128x128xf32, #tpu.memory_space<vmem>>) offsets(%dma_start3A_248 : memref<128xi32, #tpu.memory_space<vmem>>) semaphore(%arg12 : memref<!tpu.dma_semaphore, #tpu.memory_space<semaphore_mem>>)
    %dma_wait3A_252 = arith.constant 0 : i32
    %dma_wait3A_253 = arith.constant 0 : i32
    %dma_wait3A_254 = tpu.memref_slice %arg6[%dma_wait3A_252, %dma_wait3A_253] : memref<2x2048xi32, #tpu.memory_space<vmem>> -> memref<1x2048xi32, #tpu.memory_space<vmem>>
    %dma_wait3A_255 = tpu.memref_squeeze %dma_wait3A_254 : memref<1x2048xi32, #tpu.memory_space<vmem>> -> memref<2048xi32, #tpu.memory_space<vmem>>
    %dma_wait3A_256 = arith.constant 1024 : i32
    %dma_wait3A_257 = tpu.memref_slice %dma_wait3A_255[%dma_wait3A_256] : memref<2048xi32, #tpu.memory_space<vmem>> -> memref<128xi32, #tpu.memory_space<vmem>>
    %dma_wait3A_258 = arith.constant 0 : i32
    %dma_wait3A_259 = arith.constant 0 : i32
    %dma_wait3A_260 = tpu.memref_slice %arg2[%dma_wait3A_258, %dma_wait3A_259] : memref<10000x128xf32, #tpu.memory_space<hbm>> -> memref<10000x128xf32, #tpu.memory_space<hbm>>
    tpu.wait_indirect_dma semaphore(%arg11 : memref<!tpu.dma_semaphore, #tpu.memory_space<semaphore_mem>>) src(%dma_wait3A_260 : memref<10000x128xf32, #tpu.memory_space<hbm>>) dst(%arg8 : memref<128x128xf32, #tpu.memory_space<vmem>>)
    %run_scoped3A_261 = arith.constant 8 : i32
    "tpu.region"() ({
      %run_scoped3A_392 = tpu.sem_alloc : memref<!tpu.dma_semaphore, #tpu.memory_space<semaphore_mem>>
      %dma_start3A_393 = arith.constant 0 : i32
      %dma_start3A_394 = tpu.memref_slice %arg7[%run_scoped3A_261, %dma_start3A_393] : memref<32x128xi32, #tpu.memory_space<vmem>> -> memref<1x128xi32, #tpu.memory_space<vmem>>
      %dma_start3A_395 = tpu.memref_squeeze %dma_start3A_394 : memref<1x128xi32, #tpu.memory_space<vmem>> -> memref<128xi32, #tpu.memory_space<vmem>>
      %dma_start3A_396 = arith.constant 0 : i32
      %dma_start3A_397 = arith.constant 0 : i32
      %dma_start3A_398 = tpu.memref_slice %arg10[%dma_start3A_396, %dma_start3A_397] : memref<10128x128xf32, #tpu.memory_space<vmem_shared>> -> memref<10128x128xf32, #tpu.memory_space<vmem_shared>>
      tpu.enqueue_indirect_dma source(%arg8 : memref<128x128xf32, #tpu.memory_space<vmem>>) target(%dma_start3A_398 : memref<10128x128xf32, #tpu.memory_space<vmem_shared>>) offsets(%dma_start3A_395 : memref<128xi32, #tpu.memory_space<vmem>>) semaphore(%run_scoped3A_392 : memref<!tpu.dma_semaphore, #tpu.memory_space<semaphore_mem>>) {add = true}
      %dma_wait3A_399 = arith.constant 0 : i32
      %dma_wait3A_400 = tpu.memref_slice %arg7[%run_scoped3A_261, %dma_wait3A_399] : memref<32x128xi32, #tpu.memory_space<vmem>> -> memref<1x128xi32, #tpu.memory_space<vmem>>
      %dma_wait3A_401 = tpu.memref_squeeze %dma_wait3A_400 : memref<1x128xi32, #tpu.memory_space<vmem>> -> memref<128xi32, #tpu.memory_space<vmem>>
      %dma_wait3A_402 = arith.constant 0 : i32
      %dma_wait3A_403 = arith.constant 0 : i32
      %dma_wait3A_404 = tpu.memref_slice %arg10[%dma_wait3A_402, %dma_wait3A_403] : memref<10128x128xf32, #tpu.memory_space<vmem_shared>> -> memref<10128x128xf32, #tpu.memory_space<vmem_shared>>
      tpu.wait_indirect_dma semaphore(%run_scoped3A_392 : memref<!tpu.dma_semaphore, #tpu.memory_space<semaphore_mem>>) src(%arg8 : memref<128x128xf32, #tpu.memory_space<vmem>>) dst(%dma_wait3A_404 : memref<10128x128xf32, #tpu.memory_space<vmem_shared>>)
      tpu.yield
    }) : () -> ()
    %dma_start3A_262 = arith.constant 0 : i32
    %dma_start3A_263 = arith.constant 0 : i32
    %dma_start3A_264 = tpu.memref_slice %arg6[%dma_start3A_262, %dma_start3A_263] : memref<2x2048xi32, #tpu.memory_space<vmem>> -> memref<1x2048xi32, #tpu.memory_space<vmem>>
    %dma_start3A_265 = tpu.memref_squeeze %dma_start3A_264 : memref<1x2048xi32, #tpu.memory_space<vmem>> -> memref<2048xi32, #tpu.memory_space<vmem>>
    %dma_start3A_266 = arith.constant 1280 : i32
    %dma_start3A_267 = tpu.memref_slice %dma_start3A_265[%dma_start3A_266] : memref<2048xi32, #tpu.memory_space<vmem>> -> memref<128xi32, #tpu.memory_space<vmem>>
    %dma_start3A_268 = arith.constant 0 : i32
    %dma_start3A_269 = arith.constant 0 : i32
    %dma_start3A_270 = tpu.memref_slice %arg2[%dma_start3A_268, %dma_start3A_269] : memref<10000x128xf32, #tpu.memory_space<hbm>> -> memref<10000x128xf32, #tpu.memory_space<hbm>>
    tpu.enqueue_indirect_dma source(%dma_start3A_270 : memref<10000x128xf32, #tpu.memory_space<hbm>>) target(%arg8 : memref<128x128xf32, #tpu.memory_space<vmem>>) offsets(%dma_start3A_267 : memref<128xi32, #tpu.memory_space<vmem>>) semaphore(%arg11 : memref<!tpu.dma_semaphore, #tpu.memory_space<semaphore_mem>>)
    %dma_wait3A_271 = arith.constant 0 : i32
    %dma_wait3A_272 = arith.constant 0 : i32
    %dma_wait3A_273 = tpu.memref_slice %arg6[%dma_wait3A_271, %dma_wait3A_272] : memref<2x2048xi32, #tpu.memory_space<vmem>> -> memref<1x2048xi32, #tpu.memory_space<vmem>>
    %dma_wait3A_274 = tpu.memref_squeeze %dma_wait3A_273 : memref<1x2048xi32, #tpu.memory_space<vmem>> -> memref<2048xi32, #tpu.memory_space<vmem>>
    %dma_wait3A_275 = arith.constant 1152 : i32
    %dma_wait3A_276 = tpu.memref_slice %dma_wait3A_274[%dma_wait3A_275] : memref<2048xi32, #tpu.memory_space<vmem>> -> memref<128xi32, #tpu.memory_space<vmem>>
    %dma_wait3A_277 = arith.constant 0 : i32
    %dma_wait3A_278 = arith.constant 0 : i32
    %dma_wait3A_279 = tpu.memref_slice %arg2[%dma_wait3A_277, %dma_wait3A_278] : memref<10000x128xf32, #tpu.memory_space<hbm>> -> memref<10000x128xf32, #tpu.memory_space<hbm>>
    tpu.wait_indirect_dma semaphore(%arg12 : memref<!tpu.dma_semaphore, #tpu.memory_space<semaphore_mem>>) src(%dma_wait3A_279 : memref<10000x128xf32, #tpu.memory_space<hbm>>) dst(%arg9 : memref<128x128xf32, #tpu.memory_space<vmem>>)
    %run_scoped3A_280 = arith.constant 9 : i32
    "tpu.region"() ({
      %run_scoped3A_392 = tpu.sem_alloc : memref<!tpu.dma_semaphore, #tpu.memory_space<semaphore_mem>>
      %dma_start3A_393 = arith.constant 0 : i32
      %dma_start3A_394 = tpu.memref_slice %arg7[%run_scoped3A_280, %dma_start3A_393] : memref<32x128xi32, #tpu.memory_space<vmem>> -> memref<1x128xi32, #tpu.memory_space<vmem>>
      %dma_start3A_395 = tpu.memref_squeeze %dma_start3A_394 : memref<1x128xi32, #tpu.memory_space<vmem>> -> memref<128xi32, #tpu.memory_space<vmem>>
      %dma_start3A_396 = arith.constant 0 : i32
      %dma_start3A_397 = arith.constant 0 : i32
      %dma_start3A_398 = tpu.memref_slice %arg10[%dma_start3A_396, %dma_start3A_397] : memref<10128x128xf32, #tpu.memory_space<vmem_shared>> -> memref<10128x128xf32, #tpu.memory_space<vmem_shared>>
      tpu.enqueue_indirect_dma source(%arg9 : memref<128x128xf32, #tpu.memory_space<vmem>>) target(%dma_start3A_398 : memref<10128x128xf32, #tpu.memory_space<vmem_shared>>) offsets(%dma_start3A_395 : memref<128xi32, #tpu.memory_space<vmem>>) semaphore(%run_scoped3A_392 : memref<!tpu.dma_semaphore, #tpu.memory_space<semaphore_mem>>) {add = true}
      %dma_wait3A_399 = arith.constant 0 : i32
      %dma_wait3A_400 = tpu.memref_slice %arg7[%run_scoped3A_280, %dma_wait3A_399] : memref<32x128xi32, #tpu.memory_space<vmem>> -> memref<1x128xi32, #tpu.memory_space<vmem>>
      %dma_wait3A_401 = tpu.memref_squeeze %dma_wait3A_400 : memref<1x128xi32, #tpu.memory_space<vmem>> -> memref<128xi32, #tpu.memory_space<vmem>>
      %dma_wait3A_402 = arith.constant 0 : i32
      %dma_wait3A_403 = arith.constant 0 : i32
      %dma_wait3A_404 = tpu.memref_slice %arg10[%dma_wait3A_402, %dma_wait3A_403] : memref<10128x128xf32, #tpu.memory_space<vmem_shared>> -> memref<10128x128xf32, #tpu.memory_space<vmem_shared>>
      tpu.wait_indirect_dma semaphore(%run_scoped3A_392 : memref<!tpu.dma_semaphore, #tpu.memory_space<semaphore_mem>>) src(%arg9 : memref<128x128xf32, #tpu.memory_space<vmem>>) dst(%dma_wait3A_404 : memref<10128x128xf32, #tpu.memory_space<vmem_shared>>)
      tpu.yield
    }) : () -> ()
    %dma_start3A_281 = arith.constant 0 : i32
    %dma_start3A_282 = arith.constant 0 : i32
    %dma_start3A_283 = tpu.memref_slice %arg6[%dma_start3A_281, %dma_start3A_282] : memref<2x2048xi32, #tpu.memory_space<vmem>> -> memref<1x2048xi32, #tpu.memory_space<vmem>>
    %dma_start3A_284 = tpu.memref_squeeze %dma_start3A_283 : memref<1x2048xi32, #tpu.memory_space<vmem>> -> memref<2048xi32, #tpu.memory_space<vmem>>
    %dma_start3A_285 = arith.constant 1408 : i32
    %dma_start3A_286 = tpu.memref_slice %dma_start3A_284[%dma_start3A_285] : memref<2048xi32, #tpu.memory_space<vmem>> -> memref<128xi32, #tpu.memory_space<vmem>>
    %dma_start3A_287 = arith.constant 0 : i32
    %dma_start3A_288 = arith.constant 0 : i32
    %dma_start3A_289 = tpu.memref_slice %arg2[%dma_start3A_287, %dma_start3A_288] : memref<10000x128xf32, #tpu.memory_space<hbm>> -> memref<10000x128xf32, #tpu.memory_space<hbm>>
    tpu.enqueue_indirect_dma source(%dma_start3A_289 : memref<10000x128xf32, #tpu.memory_space<hbm>>) target(%arg9 : memref<128x128xf32, #tpu.memory_space<vmem>>) offsets(%dma_start3A_286 : memref<128xi32, #tpu.memory_space<vmem>>) semaphore(%arg12 : memref<!tpu.dma_semaphore, #tpu.memory_space<semaphore_mem>>)
    %dma_wait3A_290 = arith.constant 0 : i32
    %dma_wait3A_291 = arith.constant 0 : i32
    %dma_wait3A_292 = tpu.memref_slice %arg6[%dma_wait3A_290, %dma_wait3A_291] : memref<2x2048xi32, #tpu.memory_space<vmem>> -> memref<1x2048xi32, #tpu.memory_space<vmem>>
    %dma_wait3A_293 = tpu.memref_squeeze %dma_wait3A_292 : memref<1x2048xi32, #tpu.memory_space<vmem>> -> memref<2048xi32, #tpu.memory_space<vmem>>
    %dma_wait3A_294 = arith.constant 1280 : i32
    %dma_wait3A_295 = tpu.memref_slice %dma_wait3A_293[%dma_wait3A_294] : memref<2048xi32, #tpu.memory_space<vmem>> -> memref<128xi32, #tpu.memory_space<vmem>>
    %dma_wait3A_296 = arith.constant 0 : i32
    %dma_wait3A_297 = arith.constant 0 : i32
    %dma_wait3A_298 = tpu.memref_slice %arg2[%dma_wait3A_296, %dma_wait3A_297] : memref<10000x128xf32, #tpu.memory_space<hbm>> -> memref<10000x128xf32, #tpu.memory_space<hbm>>
    tpu.wait_indirect_dma semaphore(%arg11 : memref<!tpu.dma_semaphore, #tpu.memory_space<semaphore_mem>>) src(%dma_wait3A_298 : memref<10000x128xf32, #tpu.memory_space<hbm>>) dst(%arg8 : memref<128x128xf32, #tpu.memory_space<vmem>>)
    %run_scoped3A_299 = arith.constant 10 : i32
    "tpu.region"() ({
      %run_scoped3A_392 = tpu.sem_alloc : memref<!tpu.dma_semaphore, #tpu.memory_space<semaphore_mem>>
      %dma_start3A_393 = arith.constant 0 : i32
      %dma_start3A_394 = tpu.memref_slice %arg7[%run_scoped3A_299, %dma_start3A_393] : memref<32x128xi32, #tpu.memory_space<vmem>> -> memref<1x128xi32, #tpu.memory_space<vmem>>
      %dma_start3A_395 = tpu.memref_squeeze %dma_start3A_394 : memref<1x128xi32, #tpu.memory_space<vmem>> -> memref<128xi32, #tpu.memory_space<vmem>>
      %dma_start3A_396 = arith.constant 0 : i32
      %dma_start3A_397 = arith.constant 0 : i32
      %dma_start3A_398 = tpu.memref_slice %arg10[%dma_start3A_396, %dma_start3A_397] : memref<10128x128xf32, #tpu.memory_space<vmem_shared>> -> memref<10128x128xf32, #tpu.memory_space<vmem_shared>>
      tpu.enqueue_indirect_dma source(%arg8 : memref<128x128xf32, #tpu.memory_space<vmem>>) target(%dma_start3A_398 : memref<10128x128xf32, #tpu.memory_space<vmem_shared>>) offsets(%dma_start3A_395 : memref<128xi32, #tpu.memory_space<vmem>>) semaphore(%run_scoped3A_392 : memref<!tpu.dma_semaphore, #tpu.memory_space<semaphore_mem>>) {add = true}
      %dma_wait3A_399 = arith.constant 0 : i32
      %dma_wait3A_400 = tpu.memref_slice %arg7[%run_scoped3A_299, %dma_wait3A_399] : memref<32x128xi32, #tpu.memory_space<vmem>> -> memref<1x128xi32, #tpu.memory_space<vmem>>
      %dma_wait3A_401 = tpu.memref_squeeze %dma_wait3A_400 : memref<1x128xi32, #tpu.memory_space<vmem>> -> memref<128xi32, #tpu.memory_space<vmem>>
      %dma_wait3A_402 = arith.constant 0 : i32
      %dma_wait3A_403 = arith.constant 0 : i32
      %dma_wait3A_404 = tpu.memref_slice %arg10[%dma_wait3A_402, %dma_wait3A_403] : memref<10128x128xf32, #tpu.memory_space<vmem_shared>> -> memref<10128x128xf32, #tpu.memory_space<vmem_shared>>
      tpu.wait_indirect_dma semaphore(%run_scoped3A_392 : memref<!tpu.dma_semaphore, #tpu.memory_space<semaphore_mem>>) src(%arg8 : memref<128x128xf32, #tpu.memory_space<vmem>>) dst(%dma_wait3A_404 : memref<10128x128xf32, #tpu.memory_space<vmem_shared>>)
      tpu.yield
    }) : () -> ()
    %dma_start3A_300 = arith.constant 0 : i32
    %dma_start3A_301 = arith.constant 0 : i32
    %dma_start3A_302 = tpu.memref_slice %arg6[%dma_start3A_300, %dma_start3A_301] : memref<2x2048xi32, #tpu.memory_space<vmem>> -> memref<1x2048xi32, #tpu.memory_space<vmem>>
    %dma_start3A_303 = tpu.memref_squeeze %dma_start3A_302 : memref<1x2048xi32, #tpu.memory_space<vmem>> -> memref<2048xi32, #tpu.memory_space<vmem>>
    %dma_start3A_304 = arith.constant 1536 : i32
    %dma_start3A_305 = tpu.memref_slice %dma_start3A_303[%dma_start3A_304] : memref<2048xi32, #tpu.memory_space<vmem>> -> memref<128xi32, #tpu.memory_space<vmem>>
    %dma_start3A_306 = arith.constant 0 : i32
    %dma_start3A_307 = arith.constant 0 : i32
    %dma_start3A_308 = tpu.memref_slice %arg2[%dma_start3A_306, %dma_start3A_307] : memref<10000x128xf32, #tpu.memory_space<hbm>> -> memref<10000x128xf32, #tpu.memory_space<hbm>>
    tpu.enqueue_indirect_dma source(%dma_start3A_308 : memref<10000x128xf32, #tpu.memory_space<hbm>>) target(%arg8 : memref<128x128xf32, #tpu.memory_space<vmem>>) offsets(%dma_start3A_305 : memref<128xi32, #tpu.memory_space<vmem>>) semaphore(%arg11 : memref<!tpu.dma_semaphore, #tpu.memory_space<semaphore_mem>>)
    %dma_wait3A_309 = arith.constant 0 : i32
    %dma_wait3A_310 = arith.constant 0 : i32
    %dma_wait3A_311 = tpu.memref_slice %arg6[%dma_wait3A_309, %dma_wait3A_310] : memref<2x2048xi32, #tpu.memory_space<vmem>> -> memref<1x2048xi32, #tpu.memory_space<vmem>>
    %dma_wait3A_312 = tpu.memref_squeeze %dma_wait3A_311 : memref<1x2048xi32, #tpu.memory_space<vmem>> -> memref<2048xi32, #tpu.memory_space<vmem>>
    %dma_wait3A_313 = arith.constant 1408 : i32
    %dma_wait3A_314 = tpu.memref_slice %dma_wait3A_312[%dma_wait3A_313] : memref<2048xi32, #tpu.memory_space<vmem>> -> memref<128xi32, #tpu.memory_space<vmem>>
    %dma_wait3A_315 = arith.constant 0 : i32
    %dma_wait3A_316 = arith.constant 0 : i32
    %dma_wait3A_317 = tpu.memref_slice %arg2[%dma_wait3A_315, %dma_wait3A_316] : memref<10000x128xf32, #tpu.memory_space<hbm>> -> memref<10000x128xf32, #tpu.memory_space<hbm>>
    tpu.wait_indirect_dma semaphore(%arg12 : memref<!tpu.dma_semaphore, #tpu.memory_space<semaphore_mem>>) src(%dma_wait3A_317 : memref<10000x128xf32, #tpu.memory_space<hbm>>) dst(%arg9 : memref<128x128xf32, #tpu.memory_space<vmem>>)
    %run_scoped3A_318 = arith.constant 11 : i32
    "tpu.region"() ({
      %run_scoped3A_392 = tpu.sem_alloc : memref<!tpu.dma_semaphore, #tpu.memory_space<semaphore_mem>>
      %dma_start3A_393 = arith.constant 0 : i32
      %dma_start3A_394 = tpu.memref_slice %arg7[%run_scoped3A_318, %dma_start3A_393] : memref<32x128xi32, #tpu.memory_space<vmem>> -> memref<1x128xi32, #tpu.memory_space<vmem>>
      %dma_start3A_395 = tpu.memref_squeeze %dma_start3A_394 : memref<1x128xi32, #tpu.memory_space<vmem>> -> memref<128xi32, #tpu.memory_space<vmem>>
      %dma_start3A_396 = arith.constant 0 : i32
      %dma_start3A_397 = arith.constant 0 : i32
      %dma_start3A_398 = tpu.memref_slice %arg10[%dma_start3A_396, %dma_start3A_397] : memref<10128x128xf32, #tpu.memory_space<vmem_shared>> -> memref<10128x128xf32, #tpu.memory_space<vmem_shared>>
      tpu.enqueue_indirect_dma source(%arg9 : memref<128x128xf32, #tpu.memory_space<vmem>>) target(%dma_start3A_398 : memref<10128x128xf32, #tpu.memory_space<vmem_shared>>) offsets(%dma_start3A_395 : memref<128xi32, #tpu.memory_space<vmem>>) semaphore(%run_scoped3A_392 : memref<!tpu.dma_semaphore, #tpu.memory_space<semaphore_mem>>) {add = true}
      %dma_wait3A_399 = arith.constant 0 : i32
      %dma_wait3A_400 = tpu.memref_slice %arg7[%run_scoped3A_318, %dma_wait3A_399] : memref<32x128xi32, #tpu.memory_space<vmem>> -> memref<1x128xi32, #tpu.memory_space<vmem>>
      %dma_wait3A_401 = tpu.memref_squeeze %dma_wait3A_400 : memref<1x128xi32, #tpu.memory_space<vmem>> -> memref<128xi32, #tpu.memory_space<vmem>>
      %dma_wait3A_402 = arith.constant 0 : i32
      %dma_wait3A_403 = arith.constant 0 : i32
      %dma_wait3A_404 = tpu.memref_slice %arg10[%dma_wait3A_402, %dma_wait3A_403] : memref<10128x128xf32, #tpu.memory_space<vmem_shared>> -> memref<10128x128xf32, #tpu.memory_space<vmem_shared>>
      tpu.wait_indirect_dma semaphore(%run_scoped3A_392 : memref<!tpu.dma_semaphore, #tpu.memory_space<semaphore_mem>>) src(%arg9 : memref<128x128xf32, #tpu.memory_space<vmem>>) dst(%dma_wait3A_404 : memref<10128x128xf32, #tpu.memory_space<vmem_shared>>)
      tpu.yield
    }) : () -> ()
    %dma_start3A_319 = arith.constant 0 : i32
    %dma_start3A_320 = arith.constant 0 : i32
    %dma_start3A_321 = tpu.memref_slice %arg6[%dma_start3A_319, %dma_start3A_320] : memref<2x2048xi32, #tpu.memory_space<vmem>> -> memref<1x2048xi32, #tpu.memory_space<vmem>>
    %dma_start3A_322 = tpu.memref_squeeze %dma_start3A_321 : memref<1x2048xi32, #tpu.memory_space<vmem>> -> memref<2048xi32, #tpu.memory_space<vmem>>
    %dma_start3A_323 = arith.constant 1664 : i32
    %dma_start3A_324 = tpu.memref_slice %dma_start3A_322[%dma_start3A_323] : memref<2048xi32, #tpu.memory_space<vmem>> -> memref<128xi32, #tpu.memory_space<vmem>>
    %dma_start3A_325 = arith.constant 0 : i32
    %dma_start3A_326 = arith.constant 0 : i32
    %dma_start3A_327 = tpu.memref_slice %arg2[%dma_start3A_325, %dma_start3A_326] : memref<10000x128xf32, #tpu.memory_space<hbm>> -> memref<10000x128xf32, #tpu.memory_space<hbm>>
    tpu.enqueue_indirect_dma source(%dma_start3A_327 : memref<10000x128xf32, #tpu.memory_space<hbm>>) target(%arg9 : memref<128x128xf32, #tpu.memory_space<vmem>>) offsets(%dma_start3A_324 : memref<128xi32, #tpu.memory_space<vmem>>) semaphore(%arg12 : memref<!tpu.dma_semaphore, #tpu.memory_space<semaphore_mem>>)
    %dma_wait3A_328 = arith.constant 0 : i32
    %dma_wait3A_329 = arith.constant 0 : i32
    %dma_wait3A_330 = tpu.memref_slice %arg6[%dma_wait3A_328, %dma_wait3A_329] : memref<2x2048xi32, #tpu.memory_space<vmem>> -> memref<1x2048xi32, #tpu.memory_space<vmem>>
    %dma_wait3A_331 = tpu.memref_squeeze %dma_wait3A_330 : memref<1x2048xi32, #tpu.memory_space<vmem>> -> memref<2048xi32, #tpu.memory_space<vmem>>
    %dma_wait3A_332 = arith.constant 1536 : i32
    %dma_wait3A_333 = tpu.memref_slice %dma_wait3A_331[%dma_wait3A_332] : memref<2048xi32, #tpu.memory_space<vmem>> -> memref<128xi32, #tpu.memory_space<vmem>>
    %dma_wait3A_334 = arith.constant 0 : i32
    %dma_wait3A_335 = arith.constant 0 : i32
    %dma_wait3A_336 = tpu.memref_slice %arg2[%dma_wait3A_334, %dma_wait3A_335] : memref<10000x128xf32, #tpu.memory_space<hbm>> -> memref<10000x128xf32, #tpu.memory_space<hbm>>
    tpu.wait_indirect_dma semaphore(%arg11 : memref<!tpu.dma_semaphore, #tpu.memory_space<semaphore_mem>>) src(%dma_wait3A_336 : memref<10000x128xf32, #tpu.memory_space<hbm>>) dst(%arg8 : memref<128x128xf32, #tpu.memory_space<vmem>>)
    %run_scoped3A_337 = arith.constant 12 : i32
    "tpu.region"() ({
      %run_scoped3A_392 = tpu.sem_alloc : memref<!tpu.dma_semaphore, #tpu.memory_space<semaphore_mem>>
      %dma_start3A_393 = arith.constant 0 : i32
      %dma_start3A_394 = tpu.memref_slice %arg7[%run_scoped3A_337, %dma_start3A_393] : memref<32x128xi32, #tpu.memory_space<vmem>> -> memref<1x128xi32, #tpu.memory_space<vmem>>
      %dma_start3A_395 = tpu.memref_squeeze %dma_start3A_394 : memref<1x128xi32, #tpu.memory_space<vmem>> -> memref<128xi32, #tpu.memory_space<vmem>>
      %dma_start3A_396 = arith.constant 0 : i32
      %dma_start3A_397 = arith.constant 0 : i32
      %dma_start3A_398 = tpu.memref_slice %arg10[%dma_start3A_396, %dma_start3A_397] : memref<10128x128xf32, #tpu.memory_space<vmem_shared>> -> memref<10128x128xf32, #tpu.memory_space<vmem_shared>>
      tpu.enqueue_indirect_dma source(%arg8 : memref<128x128xf32, #tpu.memory_space<vmem>>) target(%dma_start3A_398 : memref<10128x128xf32, #tpu.memory_space<vmem_shared>>) offsets(%dma_start3A_395 : memref<128xi32, #tpu.memory_space<vmem>>) semaphore(%run_scoped3A_392 : memref<!tpu.dma_semaphore, #tpu.memory_space<semaphore_mem>>) {add = true}
      %dma_wait3A_399 = arith.constant 0 : i32
      %dma_wait3A_400 = tpu.memref_slice %arg7[%run_scoped3A_337, %dma_wait3A_399] : memref<32x128xi32, #tpu.memory_space<vmem>> -> memref<1x128xi32, #tpu.memory_space<vmem>>
      %dma_wait3A_401 = tpu.memref_squeeze %dma_wait3A_400 : memref<1x128xi32, #tpu.memory_space<vmem>> -> memref<128xi32, #tpu.memory_space<vmem>>
      %dma_wait3A_402 = arith.constant 0 : i32
      %dma_wait3A_403 = arith.constant 0 : i32
      %dma_wait3A_404 = tpu.memref_slice %arg10[%dma_wait3A_402, %dma_wait3A_403] : memref<10128x128xf32, #tpu.memory_space<vmem_shared>> -> memref<10128x128xf32, #tpu.memory_space<vmem_shared>>
      tpu.wait_indirect_dma semaphore(%run_scoped3A_392 : memref<!tpu.dma_semaphore, #tpu.memory_space<semaphore_mem>>) src(%arg8 : memref<128x128xf32, #tpu.memory_space<vmem>>) dst(%dma_wait3A_404 : memref<10128x128xf32, #tpu.memory_space<vmem_shared>>)
      tpu.yield
    }) : () -> ()
    %dma_start3A_338 = arith.constant 0 : i32
    %dma_start3A_339 = arith.constant 0 : i32
    %dma_start3A_340 = tpu.memref_slice %arg6[%dma_start3A_338, %dma_start3A_339] : memref<2x2048xi32, #tpu.memory_space<vmem>> -> memref<1x2048xi32, #tpu.memory_space<vmem>>
    %dma_start3A_341 = tpu.memref_squeeze %dma_start3A_340 : memref<1x2048xi32, #tpu.memory_space<vmem>> -> memref<2048xi32, #tpu.memory_space<vmem>>
    %dma_start3A_342 = arith.constant 1792 : i32
    %dma_start3A_343 = tpu.memref_slice %dma_start3A_341[%dma_start3A_342] : memref<2048xi32, #tpu.memory_space<vmem>> -> memref<128xi32, #tpu.memory_space<vmem>>
    %dma_start3A_344 = arith.constant 0 : i32
    %dma_start3A_345 = arith.constant 0 : i32
    %dma_start3A_346 = tpu.memref_slice %arg2[%dma_start3A_344, %dma_start3A_345] : memref<10000x128xf32, #tpu.memory_space<hbm>> -> memref<10000x128xf32, #tpu.memory_space<hbm>>
    tpu.enqueue_indirect_dma source(%dma_start3A_346 : memref<10000x128xf32, #tpu.memory_space<hbm>>) target(%arg8 : memref<128x128xf32, #tpu.memory_space<vmem>>) offsets(%dma_start3A_343 : memref<128xi32, #tpu.memory_space<vmem>>) semaphore(%arg11 : memref<!tpu.dma_semaphore, #tpu.memory_space<semaphore_mem>>)
    %dma_wait3A_347 = arith.constant 0 : i32
    %dma_wait3A_348 = arith.constant 0 : i32
    %dma_wait3A_349 = tpu.memref_slice %arg6[%dma_wait3A_347, %dma_wait3A_348] : memref<2x2048xi32, #tpu.memory_space<vmem>> -> memref<1x2048xi32, #tpu.memory_space<vmem>>
    %dma_wait3A_350 = tpu.memref_squeeze %dma_wait3A_349 : memref<1x2048xi32, #tpu.memory_space<vmem>> -> memref<2048xi32, #tpu.memory_space<vmem>>
    %dma_wait3A_351 = arith.constant 1664 : i32
    %dma_wait3A_352 = tpu.memref_slice %dma_wait3A_350[%dma_wait3A_351] : memref<2048xi32, #tpu.memory_space<vmem>> -> memref<128xi32, #tpu.memory_space<vmem>>
    %dma_wait3A_353 = arith.constant 0 : i32
    %dma_wait3A_354 = arith.constant 0 : i32
    %dma_wait3A_355 = tpu.memref_slice %arg2[%dma_wait3A_353, %dma_wait3A_354] : memref<10000x128xf32, #tpu.memory_space<hbm>> -> memref<10000x128xf32, #tpu.memory_space<hbm>>
    tpu.wait_indirect_dma semaphore(%arg12 : memref<!tpu.dma_semaphore, #tpu.memory_space<semaphore_mem>>) src(%dma_wait3A_355 : memref<10000x128xf32, #tpu.memory_space<hbm>>) dst(%arg9 : memref<128x128xf32, #tpu.memory_space<vmem>>)
    %run_scoped3A_356 = arith.constant 13 : i32
    "tpu.region"() ({
      %run_scoped3A_392 = tpu.sem_alloc : memref<!tpu.dma_semaphore, #tpu.memory_space<semaphore_mem>>
      %dma_start3A_393 = arith.constant 0 : i32
      %dma_start3A_394 = tpu.memref_slice %arg7[%run_scoped3A_356, %dma_start3A_393] : memref<32x128xi32, #tpu.memory_space<vmem>> -> memref<1x128xi32, #tpu.memory_space<vmem>>
      %dma_start3A_395 = tpu.memref_squeeze %dma_start3A_394 : memref<1x128xi32, #tpu.memory_space<vmem>> -> memref<128xi32, #tpu.memory_space<vmem>>
      %dma_start3A_396 = arith.constant 0 : i32
      %dma_start3A_397 = arith.constant 0 : i32
      %dma_start3A_398 = tpu.memref_slice %arg10[%dma_start3A_396, %dma_start3A_397] : memref<10128x128xf32, #tpu.memory_space<vmem_shared>> -> memref<10128x128xf32, #tpu.memory_space<vmem_shared>>
      tpu.enqueue_indirect_dma source(%arg9 : memref<128x128xf32, #tpu.memory_space<vmem>>) target(%dma_start3A_398 : memref<10128x128xf32, #tpu.memory_space<vmem_shared>>) offsets(%dma_start3A_395 : memref<128xi32, #tpu.memory_space<vmem>>) semaphore(%run_scoped3A_392 : memref<!tpu.dma_semaphore, #tpu.memory_space<semaphore_mem>>) {add = true}
      %dma_wait3A_399 = arith.constant 0 : i32
      %dma_wait3A_400 = tpu.memref_slice %arg7[%run_scoped3A_356, %dma_wait3A_399] : memref<32x128xi32, #tpu.memory_space<vmem>> -> memref<1x128xi32, #tpu.memory_space<vmem>>
      %dma_wait3A_401 = tpu.memref_squeeze %dma_wait3A_400 : memref<1x128xi32, #tpu.memory_space<vmem>> -> memref<128xi32, #tpu.memory_space<vmem>>
      %dma_wait3A_402 = arith.constant 0 : i32
      %dma_wait3A_403 = arith.constant 0 : i32
      %dma_wait3A_404 = tpu.memref_slice %arg10[%dma_wait3A_402, %dma_wait3A_403] : memref<10128x128xf32, #tpu.memory_space<vmem_shared>> -> memref<10128x128xf32, #tpu.memory_space<vmem_shared>>
      tpu.wait_indirect_dma semaphore(%run_scoped3A_392 : memref<!tpu.dma_semaphore, #tpu.memory_space<semaphore_mem>>) src(%arg9 : memref<128x128xf32, #tpu.memory_space<vmem>>) dst(%dma_wait3A_404 : memref<10128x128xf32, #tpu.memory_space<vmem_shared>>)
      tpu.yield
    }) : () -> ()
    %dma_start3A_357 = arith.constant 0 : i32
    %dma_start3A_358 = arith.constant 0 : i32
    %dma_start3A_359 = tpu.memref_slice %arg6[%dma_start3A_357, %dma_start3A_358] : memref<2x2048xi32, #tpu.memory_space<vmem>> -> memref<1x2048xi32, #tpu.memory_space<vmem>>
    %dma_start3A_360 = tpu.memref_squeeze %dma_start3A_359 : memref<1x2048xi32, #tpu.memory_space<vmem>> -> memref<2048xi32, #tpu.memory_space<vmem>>
    %dma_start3A_361 = arith.constant 1920 : i32
    %dma_start3A_362 = tpu.memref_slice %dma_start3A_360[%dma_start3A_361] : memref<2048xi32, #tpu.memory_space<vmem>> -> memref<128xi32, #tpu.memory_space<vmem>>
    %dma_start3A_363 = arith.constant 0 : i32
    %dma_start3A_364 = arith.constant 0 : i32
    %dma_start3A_365 = tpu.memref_slice %arg2[%dma_start3A_363, %dma_start3A_364] : memref<10000x128xf32, #tpu.memory_space<hbm>> -> memref<10000x128xf32, #tpu.memory_space<hbm>>
    tpu.enqueue_indirect_dma source(%dma_start3A_365 : memref<10000x128xf32, #tpu.memory_space<hbm>>) target(%arg9 : memref<128x128xf32, #tpu.memory_space<vmem>>) offsets(%dma_start3A_362 : memref<128xi32, #tpu.memory_space<vmem>>) semaphore(%arg12 : memref<!tpu.dma_semaphore, #tpu.memory_space<semaphore_mem>>)
    %dma_wait3A_366 = arith.constant 0 : i32
    %dma_wait3A_367 = arith.constant 0 : i32
    %dma_wait3A_368 = tpu.memref_slice %arg6[%dma_wait3A_366, %dma_wait3A_367] : memref<2x2048xi32, #tpu.memory_space<vmem>> -> memref<1x2048xi32, #tpu.memory_space<vmem>>
    %dma_wait3A_369 = tpu.memref_squeeze %dma_wait3A_368 : memref<1x2048xi32, #tpu.memory_space<vmem>> -> memref<2048xi32, #tpu.memory_space<vmem>>
    %dma_wait3A_370 = arith.constant 1792 : i32
    %dma_wait3A_371 = tpu.memref_slice %dma_wait3A_369[%dma_wait3A_370] : memref<2048xi32, #tpu.memory_space<vmem>> -> memref<128xi32, #tpu.memory_space<vmem>>
    %dma_wait3A_372 = arith.constant 0 : i32
    %dma_wait3A_373 = arith.constant 0 : i32
    %dma_wait3A_374 = tpu.memref_slice %arg2[%dma_wait3A_372, %dma_wait3A_373] : memref<10000x128xf32, #tpu.memory_space<hbm>> -> memref<10000x128xf32, #tpu.memory_space<hbm>>
    tpu.wait_indirect_dma semaphore(%arg11 : memref<!tpu.dma_semaphore, #tpu.memory_space<semaphore_mem>>) src(%dma_wait3A_374 : memref<10000x128xf32, #tpu.memory_space<hbm>>) dst(%arg8 : memref<128x128xf32, #tpu.memory_space<vmem>>)
    %run_scoped3A_375 = arith.constant 14 : i32
    "tpu.region"() ({
      %run_scoped3A_392 = tpu.sem_alloc : memref<!tpu.dma_semaphore, #tpu.memory_space<semaphore_mem>>
      %dma_start3A_393 = arith.constant 0 : i32
      %dma_start3A_394 = tpu.memref_slice %arg7[%run_scoped3A_375, %dma_start3A_393] : memref<32x128xi32, #tpu.memory_space<vmem>> -> memref<1x128xi32, #tpu.memory_space<vmem>>
      %dma_start3A_395 = tpu.memref_squeeze %dma_start3A_394 : memref<1x128xi32, #tpu.memory_space<vmem>> -> memref<128xi32, #tpu.memory_space<vmem>>
      %dma_start3A_396 = arith.constant 0 : i32
      %dma_start3A_397 = arith.constant 0 : i32
      %dma_start3A_398 = tpu.memref_slice %arg10[%dma_start3A_396, %dma_start3A_397] : memref<10128x128xf32, #tpu.memory_space<vmem_shared>> -> memref<10128x128xf32, #tpu.memory_space<vmem_shared>>
      tpu.enqueue_indirect_dma source(%arg8 : memref<128x128xf32, #tpu.memory_space<vmem>>) target(%dma_start3A_398 : memref<10128x128xf32, #tpu.memory_space<vmem_shared>>) offsets(%dma_start3A_395 : memref<128xi32, #tpu.memory_space<vmem>>) semaphore(%run_scoped3A_392 : memref<!tpu.dma_semaphore, #tpu.memory_space<semaphore_mem>>) {add = true}
      %dma_wait3A_399 = arith.constant 0 : i32
      %dma_wait3A_400 = tpu.memref_slice %arg7[%run_scoped3A_375, %dma_wait3A_399] : memref<32x128xi32, #tpu.memory_space<vmem>> -> memref<1x128xi32, #tpu.memory_space<vmem>>
      %dma_wait3A_401 = tpu.memref_squeeze %dma_wait3A_400 : memref<1x128xi32, #tpu.memory_space<vmem>> -> memref<128xi32, #tpu.memory_space<vmem>>
      %dma_wait3A_402 = arith.constant 0 : i32
      %dma_wait3A_403 = arith.constant 0 : i32
      %dma_wait3A_404 = tpu.memref_slice %arg10[%dma_wait3A_402, %dma_wait3A_403] : memref<10128x128xf32, #tpu.memory_space<vmem_shared>> -> memref<10128x128xf32, #tpu.memory_space<vmem_shared>>
      tpu.wait_indirect_dma semaphore(%run_scoped3A_392 : memref<!tpu.dma_semaphore, #tpu.memory_space<semaphore_mem>>) src(%arg8 : memref<128x128xf32, #tpu.memory_space<vmem>>) dst(%dma_wait3A_404 : memref<10128x128xf32, #tpu.memory_space<vmem_shared>>)
      tpu.yield
    }) : () -> ()
    %dma_wait3A_376 = arith.constant 0 : i32
    %dma_wait3A_377 = arith.constant 0 : i32
    %dma_wait3A_378 = tpu.memref_slice %arg6[%dma_wait3A_376, %dma_wait3A_377] : memref<2x2048xi32, #tpu.memory_space<vmem>> -> memref<1x2048xi32, #tpu.memory_space<vmem>>
    %dma_wait3A_379 = tpu.memref_squeeze %dma_wait3A_378 : memref<1x2048xi32, #tpu.memory_space<vmem>> -> memref<2048xi32, #tpu.memory_space<vmem>>
    %dma_wait3A_380 = arith.constant 1920 : i32
    %dma_wait3A_381 = tpu.memref_slice %dma_wait3A_379[%dma_wait3A_380] : memref<2048xi32, #tpu.memory_space<vmem>> -> memref<128xi32, #tpu.memory_space<vmem>>
    %dma_wait3A_382 = arith.constant 0 : i32
    %dma_wait3A_383 = arith.constant 0 : i32
    %dma_wait3A_384 = tpu.memref_slice %arg2[%dma_wait3A_382, %dma_wait3A_383] : memref<10000x128xf32, #tpu.memory_space<hbm>> -> memref<10000x128xf32, #tpu.memory_space<hbm>>
    tpu.wait_indirect_dma semaphore(%arg12 : memref<!tpu.dma_semaphore, #tpu.memory_space<semaphore_mem>>) src(%dma_wait3A_384 : memref<10000x128xf32, #tpu.memory_space<hbm>>) dst(%arg9 : memref<128x128xf32, #tpu.memory_space<vmem>>)
    %run_scoped3A_385 = arith.constant 15 : i32
    "tpu.region"() ({
      %run_scoped3A_392 = tpu.sem_alloc : memref<!tpu.dma_semaphore, #tpu.memory_space<semaphore_mem>>
      %dma_start3A_393 = arith.constant 0 : i32
      %dma_start3A_394 = tpu.memref_slice %arg7[%run_scoped3A_385, %dma_start3A_393] : memref<32x128xi32, #tpu.memory_space<vmem>> -> memref<1x128xi32, #tpu.memory_space<vmem>>
      %dma_start3A_395 = tpu.memref_squeeze %dma_start3A_394 : memref<1x128xi32, #tpu.memory_space<vmem>> -> memref<128xi32, #tpu.memory_space<vmem>>
      %dma_start3A_396 = arith.constant 0 : i32
      %dma_start3A_397 = arith.constant 0 : i32
      %dma_start3A_398 = tpu.memref_slice %arg10[%dma_start3A_396, %dma_start3A_397] : memref<10128x128xf32, #tpu.memory_space<vmem_shared>> -> memref<10128x128xf32, #tpu.memory_space<vmem_shared>>
      tpu.enqueue_indirect_dma source(%arg9 : memref<128x128xf32, #tpu.memory_space<vmem>>) target(%dma_start3A_398 : memref<10128x128xf32, #tpu.memory_space<vmem_shared>>) offsets(%dma_start3A_395 : memref<128xi32, #tpu.memory_space<vmem>>) semaphore(%run_scoped3A_392 : memref<!tpu.dma_semaphore, #tpu.memory_space<semaphore_mem>>) {add = true}
      %dma_wait3A_399 = arith.constant 0 : i32
      %dma_wait3A_400 = tpu.memref_slice %arg7[%run_scoped3A_385, %dma_wait3A_399] : memref<32x128xi32, #tpu.memory_space<vmem>> -> memref<1x128xi32, #tpu.memory_space<vmem>>
      %dma_wait3A_401 = tpu.memref_squeeze %dma_wait3A_400 : memref<1x128xi32, #tpu.memory_space<vmem>> -> memref<128xi32, #tpu.memory_space<vmem>>
      %dma_wait3A_402 = arith.constant 0 : i32
      %dma_wait3A_403 = arith.constant 0 : i32
      %dma_wait3A_404 = tpu.memref_slice %arg10[%dma_wait3A_402, %dma_wait3A_403] : memref<10128x128xf32, #tpu.memory_space<vmem_shared>> -> memref<10128x128xf32, #tpu.memory_space<vmem_shared>>
      tpu.wait_indirect_dma semaphore(%run_scoped3A_392 : memref<!tpu.dma_semaphore, #tpu.memory_space<semaphore_mem>>) src(%arg9 : memref<128x128xf32, #tpu.memory_space<vmem>>) dst(%dma_wait3A_404 : memref<10128x128xf32, #tpu.memory_space<vmem_shared>>)
      tpu.yield
    }) : () -> ()
    %barrier3A_386 = arith.constant 0 : index
    tpu.barrier barrier_id(%barrier3A_386)
    "tpu.region"() ({
      %run_scoped3A_392 = tpu.sem_alloc : memref<!tpu.dma_semaphore, #tpu.memory_space<semaphore_mem>>
      %dma_start3A_393 = arith.constant 0 : i32
      %dma_start3A_394 = arith.constant 0 : i32
      %dma_start3A_395 = tpu.memref_slice %arg5[%arg0, %dma_start3A_393, %dma_start3A_394] : memref<2x10128x128xf32, #tpu.memory_space<hbm>> -> memref<1x10128x128xf32, #tpu.memory_space<hbm>>
      %dma_start3A_396 = tpu.memref_squeeze %dma_start3A_395 : memref<1x10128x128xf32, #tpu.memory_space<hbm>> -> memref<10128x128xf32, #tpu.memory_space<hbm>>
      %dma_start3A_397 = arith.constant 0 : i32
      %dma_start3A_398 = tpu.memref_slice %dma_start3A_396[%multiple_of3A_14, %dma_start3A_397] : memref<10128x128xf32, #tpu.memory_space<hbm>> -> memref<624x128xf32, #tpu.memory_space<hbm>>
      %dma_start3A_399 = arith.constant 0 : i32
      %dma_start3A_400 = tpu.memref_slice %arg10[%multiple_of3A_14, %dma_start3A_399] : memref<10128x128xf32, #tpu.memory_space<vmem_shared>> -> memref<624x128xf32, #tpu.memory_space<vmem_shared>>
      tpu.enqueue_dma source(%dma_start3A_400 : memref<624x128xf32, #tpu.memory_space<vmem_shared>>) target(%dma_start3A_398 : memref<624x128xf32, #tpu.memory_space<hbm>>) target_semaphore(%run_scoped3A_392 : memref<!tpu.dma_semaphore, #tpu.memory_space<semaphore_mem>>)
      %dma_wait3A_401 = arith.constant 0 : i32
      %dma_wait3A_402 = arith.constant 0 : i32
      %dma_wait3A_403 = tpu.memref_slice %arg5[%arg0, %dma_wait3A_401, %dma_wait3A_402] : memref<2x10128x128xf32, #tpu.memory_space<hbm>> -> memref<1x10128x128xf32, #tpu.memory_space<hbm>>
      %dma_wait3A_404 = tpu.memref_squeeze %dma_wait3A_403 : memref<1x10128x128xf32, #tpu.memory_space<hbm>> -> memref<10128x128xf32, #tpu.memory_space<hbm>>
      %dma_wait3A_405 = arith.constant 0 : i32
      %dma_wait3A_406 = tpu.memref_slice %dma_wait3A_404[%multiple_of3A_14, %dma_wait3A_405] : memref<10128x128xf32, #tpu.memory_space<hbm>> -> memref<624x128xf32, #tpu.memory_space<hbm>>
      %dma_wait3A_407 = arith.constant 0 : i32
      %dma_wait3A_408 = tpu.memref_slice %arg10[%multiple_of3A_14, %dma_wait3A_407] : memref<10128x128xf32, #tpu.memory_space<vmem_shared>> -> memref<624x128xf32, #tpu.memory_space<vmem_shared>>
      tpu.wait_dma2 semaphore(%run_scoped3A_392 : memref<!tpu.dma_semaphore, #tpu.memory_space<semaphore_mem>>) src(%dma_wait3A_408 : memref<624x128xf32, #tpu.memory_space<vmem_shared>>) dst(%dma_wait3A_406 : memref<624x128xf32, #tpu.memory_space<hbm>>)
      tpu.yield
    }) : () -> ()
    %eq3A_387 = arith.constant 15 : i32
    %eq3A_388 = arith.cmpi eq, %arg1, %eq3A_387 : i32
    %convert_element_type3A_389 = arith.extui %eq3A_388 : i1 to i32
    %cond3A_390 = arith.constant 0 : i32
    %cond3A_391 = arith.cmpi ne, %convert_element_type3A_389, %cond3A_390 : i32
    scf.if %cond3A_391 {
      %add3A_392 = arith.constant 624 : i32
      %add3A_393 = arith.addi %multiple_of3A_14, %add3A_392 : i32
      %multiple_of3A_394 = tpu.assume_multiple %add3A_393, 8 : i32
      "tpu.region"() ({
        %run_scoped3A_395 = tpu.sem_alloc : memref<!tpu.dma_semaphore, #tpu.memory_space<semaphore_mem>>
        %dma_start3A_396 = arith.constant 0 : i32
        %dma_start3A_397 = arith.constant 0 : i32
        %dma_start3A_398 = tpu.memref_slice %arg5[%arg0, %dma_start3A_396, %dma_start3A_397] : memref<2x10128x128xf32, #tpu.memory_space<hbm>> -> memref<1x10128x128xf32, #tpu.memory_space<hbm>>
        %dma_start3A_399 = tpu.memref_squeeze %dma_start3A_398 : memref<1x10128x128xf32, #tpu.memory_space<hbm>> -> memref<10128x128xf32, #tpu.memory_space<hbm>>
        %dma_start3A_400 = arith.constant 0 : i32
        %dma_start3A_401 = tpu.memref_slice %dma_start3A_399[%multiple_of3A_394, %dma_start3A_400] : memref<10128x128xf32, #tpu.memory_space<hbm>> -> memref<16x128xf32, #tpu.memory_space<hbm>>
        %dma_start3A_402 = arith.constant 0 : i32
        %dma_start3A_403 = tpu.memref_slice %arg10[%multiple_of3A_394, %dma_start3A_402] : memref<10128x128xf32, #tpu.memory_space<vmem_shared>> -> memref<16x128xf32, #tpu.memory_space<vmem_shared>>
        tpu.enqueue_dma source(%dma_start3A_403 : memref<16x128xf32, #tpu.memory_space<vmem_shared>>) target(%dma_start3A_401 : memref<16x128xf32, #tpu.memory_space<hbm>>) target_semaphore(%run_scoped3A_395 : memref<!tpu.dma_semaphore, #tpu.memory_space<semaphore_mem>>)
        %dma_wait3A_404 = arith.constant 0 : i32
        %dma_wait3A_405 = arith.constant 0 : i32
        %dma_wait3A_406 = tpu.memref_slice %arg5[%arg0, %dma_wait3A_404, %dma_wait3A_405] : memref<2x10128x128xf32, #tpu.memory_space<hbm>> -> memref<1x10128x128xf32, #tpu.memory_space<hbm>>
        %dma_wait3A_407 = tpu.memref_squeeze %dma_wait3A_406 : memref<1x10128x128xf32, #tpu.memory_space<hbm>> -> memref<10128x128xf32, #tpu.memory_space<hbm>>
        %dma_wait3A_408 = arith.constant 0 : i32
        %dma_wait3A_409 = tpu.memref_slice %dma_wait3A_407[%multiple_of3A_394, %dma_wait3A_408] : memref<10128x128xf32, #tpu.memory_space<hbm>> -> memref<16x128xf32, #tpu.memory_space<hbm>>
        %dma_wait3A_410 = arith.constant 0 : i32
        %dma_wait3A_411 = tpu.memref_slice %arg10[%multiple_of3A_394, %dma_wait3A_410] : memref<10128x128xf32, #tpu.memory_space<vmem_shared>> -> memref<16x128xf32, #tpu.memory_space<vmem_shared>>
        tpu.wait_dma2 semaphore(%run_scoped3A_395 : memref<!tpu.dma_semaphore, #tpu.memory_space<semaphore_mem>>) src(%dma_wait3A_411 : memref<16x128xf32, #tpu.memory_space<vmem_shared>>) dst(%dma_wait3A_409 : memref<16x128xf32, #tpu.memory_space<hbm>>)
        tpu.yield
      }) : () -> ()
    } else {
    }
    return
  }
}

module attributes {stable_mosaic.version = 14 : i64} {
  func.func @_mlp_body(%arg0: i32, %arg1: memref<2000x128xf32, #tpu.memory_space<vmem>>, %arg2: memref<2x2000x128xf32, #tpu.memory_space<vmem>>, %arg3: memref<128x128xf32, #tpu.memory_space<vmem>>, %arg4: memref<1x128xf32, #tpu.memory_space<vmem>>, %arg5: memref<1x128xf32, #tpu.memory_space<vmem>>, %arg6: memref<1x128xf32, #tpu.memory_space<vmem>>, %arg7: memref<1x128xf32, #tpu.memory_space<vmem>>, %arg8: memref<1x128xf32, #tpu.memory_space<vmem>>, %arg9: memref<128x128xf32, #tpu.memory_space<vmem>>, %arg10: memref<1x128xf32, #tpu.memory_space<vmem>>, %arg11: memref<1x1xf32, #tpu.memory_space<smem>>, %arg12: memref<2000x128xf32, #tpu.memory_space<vmem>>) attributes {dimension_semantics = [#tpu.dimension_semantics<arbitrary>], iteration_bounds = array<i64: 5>, scalar_prefetch = 0 : i64, scratch_operands = 0 : i64, tpu.core_type = #tpu.core_type<tc>, window_params = [{transform_indices = @transform_0, window_bounds = array<i64: 2000, 128>}, {transform_indices = @transform_1, window_bounds = array<i64: 2, 2000, 128>}, {pipeline_mode = #tpu.pipeline_mode<synchronous>, transform_indices = @transform_2, window_bounds = array<i64: 128, 128>}, {pipeline_mode = #tpu.pipeline_mode<synchronous>, transform_indices = @transform_3, window_bounds = array<i64: 1, 128>}, {pipeline_mode = #tpu.pipeline_mode<synchronous>, transform_indices = @transform_4, window_bounds = array<i64: 1, 128>}, {pipeline_mode = #tpu.pipeline_mode<synchronous>, transform_indices = @transform_5, window_bounds = array<i64: 1, 128>}, {pipeline_mode = #tpu.pipeline_mode<synchronous>, transform_indices = @transform_6, window_bounds = array<i64: 1, 128>}, {pipeline_mode = #tpu.pipeline_mode<synchronous>, transform_indices = @transform_7, window_bounds = array<i64: 1, 128>}, {pipeline_mode = #tpu.pipeline_mode<synchronous>, transform_indices = @transform_8, window_bounds = array<i64: 128, 128>}, {pipeline_mode = #tpu.pipeline_mode<synchronous>, transform_indices = @transform_9, window_bounds = array<i64: 1, 128>}, {transform_indices = @transform_10, window_bounds = array<i64: 1, 1>}, {transform_indices = @transform_11, window_bounds = array<i64: 2000, 128>}]} {
    %get3A = arith.constant 0 : index
    %get3A_0 = arith.constant 0 : index
    %get3A_1 = memref.load %arg11[%get3A, %get3A_0] : memref<1x1xf32, #tpu.memory_space<smem>>
    %add3A = arith.constant 1.000000e+00 : f32
    %add3A_2 = arith.addf %add3A, %get3A_1 : f32
    %get3A_3 = arith.constant 0 : index
    %get3A_4 = arith.constant 0 : index
    %get3A_5 = vector.load %arg1[%get3A_3, %get3A_4] : memref<2000x128xf32, #tpu.memory_space<vmem>>, vector<2000x128xf32>
    %mul3A = vector.broadcast %add3A_2 : f32 to vector<2000x128xf32>
    %mul3A_6 = arith.mulf %mul3A, %get3A_5 : vector<2000x128xf32>
    %get3A_7 = arith.constant 0 : index
    %get3A_8 = arith.constant 0 : index
    %get3A_9 = arith.constant 0 : index
    %get3A_10 = vector.load %arg2[%get3A_7, %get3A_8, %get3A_9] : memref<2x2000x128xf32, #tpu.memory_space<vmem>>, vector<1x2000x128xf32>
    %get3A_11 = vector.shape_cast %get3A_10 : vector<1x2000x128xf32> to vector<2000x128xf32>
    %add3A_12 = arith.addf %mul3A_6, %get3A_11 : vector<2000x128xf32>
    %get3A_13 = arith.constant 1 : index
    %get3A_14 = arith.constant 0 : index
    %get3A_15 = arith.constant 0 : index
    %get3A_16 = vector.load %arg2[%get3A_13, %get3A_14, %get3A_15] : memref<2x2000x128xf32, #tpu.memory_space<vmem>>, vector<1x2000x128xf32>
    %get3A_17 = vector.shape_cast %get3A_16 : vector<1x2000x128xf32> to vector<2000x128xf32>
    %add3A_18 = arith.addf %add3A_12, %get3A_17 : vector<2000x128xf32>
    %get3A_19 = arith.constant 0 : index
    %get3A_20 = arith.constant 0 : index
    %get3A_21 = vector.load %arg3[%get3A_19, %get3A_20] : memref<128x128xf32, #tpu.memory_space<vmem>>, vector<128x128xf32>
    %dot_general3A = arith.constant dense<0.000000e+00> : vector<2000x128xf32>
    %dot_general3A_22 = tpu.matmul %add3A_18, %get3A_21, %dot_general3A {dimension_numbers = #tpu.dot_dimension_numbers<[1], [1], [0], [0], [0, 0, 1, 0], [], []>, transpose_lhs_hint = false} : vector<2000x128xf32>, vector<128x128xf32>, vector<2000x128xf32> -> vector<2000x128xf32>
    %get3A_23 = arith.constant 0 : index
    %get3A_24 = arith.constant 0 : index
    %get3A_25 = vector.load %arg4[%get3A_23, %get3A_24] : memref<1x128xf32, #tpu.memory_space<vmem>>, vector<1x128xf32>
    %add3A_26 = vector.broadcast %get3A_25 : vector<1x128xf32> to vector<2000x128xf32>
    %add3A_27 = arith.addf %dot_general3A_22, %add3A_26 : vector<2000x128xf32>
    %get3A_28 = arith.constant 0 : index
    %get3A_29 = arith.constant 0 : index
    %get3A_30 = vector.load %arg5[%get3A_28, %get3A_29] : memref<1x128xf32, #tpu.memory_space<vmem>>, vector<1x128xf32>
    %get3A_31 = arith.constant 0 : index
    %get3A_32 = arith.constant 0 : index
    %get3A_33 = vector.load %arg8[%get3A_31, %get3A_32] : memref<1x128xf32, #tpu.memory_space<vmem>>, vector<1x128xf32>
    %add3A_34 = arith.constant 9.99999974E-6 : f32
    %add3A_35 = vector.broadcast %add3A_34 : f32 to vector<1x128xf32>
    %add3A_36 = arith.addf %get3A_33, %add3A_35 : vector<1x128xf32>
    %rsqrt3A = math.rsqrt %add3A_36 : vector<1x128xf32>
    %mul3A_37 = arith.mulf %get3A_30, %rsqrt3A : vector<1x128xf32>
    %get3A_38 = arith.constant 0 : index
    %get3A_39 = arith.constant 0 : index
    %get3A_40 = vector.load %arg7[%get3A_38, %get3A_39] : memref<1x128xf32, #tpu.memory_space<vmem>>, vector<1x128xf32>
    %sub3A = vector.broadcast %get3A_40 : vector<1x128xf32> to vector<2000x128xf32>
    %sub3A_41 = arith.subf %add3A_27, %sub3A : vector<2000x128xf32>
    %mul3A_42 = vector.broadcast %mul3A_37 : vector<1x128xf32> to vector<2000x128xf32>
    %mul3A_43 = arith.mulf %sub3A_41, %mul3A_42 : vector<2000x128xf32>
    %get3A_44 = arith.constant 0 : index
    %get3A_45 = arith.constant 0 : index
    %get3A_46 = vector.load %arg6[%get3A_44, %get3A_45] : memref<1x128xf32, #tpu.memory_space<vmem>>, vector<1x128xf32>
    %add3A_47 = vector.broadcast %get3A_46 : vector<1x128xf32> to vector<2000x128xf32>
    %add3A_48 = arith.addf %mul3A_43, %add3A_47 : vector<2000x128xf32>
    %max3A = arith.constant 0.000000e+00 : f32
    %max3A_49 = vector.broadcast %max3A : f32 to vector<2000x128xf32>
    %max3A_50 = arith.maximumf %add3A_48, %max3A_49 : vector<2000x128xf32>
    %get3A_51 = arith.constant 0 : index
    %get3A_52 = arith.constant 0 : index
    %get3A_53 = vector.load %arg9[%get3A_51, %get3A_52] : memref<128x128xf32, #tpu.memory_space<vmem>>, vector<128x128xf32>
    %dot_general3A_54 = arith.constant dense<0.000000e+00> : vector<2000x128xf32>
    %dot_general3A_55 = tpu.matmul %max3A_50, %get3A_53, %dot_general3A_54 {dimension_numbers = #tpu.dot_dimension_numbers<[1], [1], [0], [0], [0, 0, 1, 0], [], []>, transpose_lhs_hint = false} : vector<2000x128xf32>, vector<128x128xf32>, vector<2000x128xf32> -> vector<2000x128xf32>
    %get3A_56 = arith.constant 0 : index
    %get3A_57 = arith.constant 0 : index
    %get3A_58 = vector.load %arg10[%get3A_56, %get3A_57] : memref<1x128xf32, #tpu.memory_space<vmem>>, vector<1x128xf32>
    %add3A_59 = vector.broadcast %get3A_58 : vector<1x128xf32> to vector<2000x128xf32>
    %add3A_60 = arith.addf %dot_general3A_55, %add3A_59 : vector<2000x128xf32>
    %swap3A = arith.constant 0 : index
    %swap3A_61 = arith.constant 0 : index
    %swap3A_62 = vector.load %arg12[%swap3A, %swap3A_61] : memref<2000x128xf32, #tpu.memory_space<vmem>>, vector<2000x128xf32>
    tpu.vector_store %arg12[%swap3A, %swap3A_61], %add3A_60 {strides = array<i32>} : memref<2000x128xf32, #tpu.memory_space<vmem>>, vector<2000x128xf32>,
    return
  }
  func.func @transform_0(%arg0: i32) -> (i32, i32) {
    %c0_i32 = arith.constant 0 : i32
    %c0_i32_0 = arith.constant 0 : i32
    return %arg0, %c0_i32 : i32, i32
  }
  func.func @transform_1(%arg0: i32) -> (i32, i32, i32) {
    %c0_i32 = arith.constant 0 : i32
    %c0_i32_0 = arith.constant 0 : i32
    %c0_i32_1 = arith.constant 0 : i32
    return %c0_i32, %arg0, %c0_i32_0 : i32, i32, i32
  }
  func.func @transform_2(%arg0: i32) -> (i32, i32) {
    %c0_i32 = arith.constant 0 : i32
    %c0_i32_0 = arith.constant 0 : i32
    %c0_i32_1 = arith.constant 0 : i32
    return %c0_i32, %c0_i32_0 : i32, i32
  }
  func.func @transform_3(%arg0: i32) -> (i32, i32) {
    %c0_i32 = arith.constant 0 : i32
    %c0_i32_0 = arith.constant 0 : i32
    %c0_i32_1 = arith.constant 0 : i32
    return %c0_i32, %c0_i32_0 : i32, i32
  }
  func.func @transform_4(%arg0: i32) -> (i32, i32) {
    %c0_i32 = arith.constant 0 : i32
    %c0_i32_0 = arith.constant 0 : i32
    %c0_i32_1 = arith.constant 0 : i32
    return %c0_i32, %c0_i32_0 : i32, i32
  }
  func.func @transform_5(%arg0: i32) -> (i32, i32) {
    %c0_i32 = arith.constant 0 : i32
    %c0_i32_0 = arith.constant 0 : i32
    %c0_i32_1 = arith.constant 0 : i32
    return %c0_i32, %c0_i32_0 : i32, i32
  }
  func.func @transform_6(%arg0: i32) -> (i32, i32) {
    %c0_i32 = arith.constant 0 : i32
    %c0_i32_0 = arith.constant 0 : i32
    %c0_i32_1 = arith.constant 0 : i32
    return %c0_i32, %c0_i32_0 : i32, i32
  }
  func.func @transform_7(%arg0: i32) -> (i32, i32) {
    %c0_i32 = arith.constant 0 : i32
    %c0_i32_0 = arith.constant 0 : i32
    %c0_i32_1 = arith.constant 0 : i32
    return %c0_i32, %c0_i32_0 : i32, i32
  }
  func.func @transform_8(%arg0: i32) -> (i32, i32) {
    %c0_i32 = arith.constant 0 : i32
    %c0_i32_0 = arith.constant 0 : i32
    %c0_i32_1 = arith.constant 0 : i32
    return %c0_i32, %c0_i32_0 : i32, i32
  }
  func.func @transform_9(%arg0: i32) -> (i32, i32) {
    %c0_i32 = arith.constant 0 : i32
    %c0_i32_0 = arith.constant 0 : i32
    %c0_i32_1 = arith.constant 0 : i32
    return %c0_i32, %c0_i32_0 : i32, i32
  }
  func.func @transform_10(%arg0: i32) -> (i32, i32) {
    %c0_i32 = arith.constant 0 : i32
    %c0_i32_0 = arith.constant 0 : i32
    %c0_i32_1 = arith.constant 0 : i32
    return %c0_i32, %c0_i32_0 : i32, i32
  }
  func.func @transform_11(%arg0: i32) -> (i32, i32) {
    %c0_i32 = arith.constant 0 : i32
    %c0_i32_0 = arith.constant 0 : i32
    return %arg0, %c0_i32 : i32, i32
  }
}

</mosaic_0001>

<sc_bundles>
// kernel: kernel.4.cloned.1.call-start
scs
__scs_entry_jumppad:
0x0: {  	(pc) =	sbr.rel $0x88, $3  }
0x1: {  	(tag) =	ssettag $0x0;
	lr =	simm.s32 $0x1  }
0x2: {  	[smem:$0x3F96] =	sst lr;
	_ =	strace $0xD0000000  }
0x3: {  	_ = 	snop  }
0x4: {  	_ = 	snop  }
0x5: {  	_ = 	snop  }
0x6: {  	_ = 	snop  }
0x7: {  	_ = 	snop  }
__scs_overlays_trampoline_lowered:
0x8: {  	[smem:$0x3FA5] =	sst s0  }
0x9: {  	[smem:$0x3FA6] =	sst s1  }
0xa: {  	[smem:$0x3FA7] =	sst s2  }
0xb: {  	[smem:$0x3FA8] =	sst s3  }
0xc: {  	[smem:$0x3FA9] =	sst s4  }
0xd: {  	[smem:$0x3FAA] =	sst s5  }
0xe: {  	[smem:$0x3FAB] =	sst s6  }
0xf: {  	[smem:$0x3FAC] =	sst s7  }
0x10: {  	[smem:$0x3FAD] =	sst s8  }
0x11: {  	[smem:$0x3FAE] =	sst s9;
	s0 =	simm.s32 @!p0 $0x0  }
0x12: {  	s1 =	sld [smem:$0x3F94];
	s0 =	simm.s32 @p0 $0x1  }
0x13: {  	[smem:$0x3FAF] =	sst s0;
	s0 =	simm.s32 @!p1 $0x0  }
0x14: {  	s2 =	sld [smem:$0x3F93];
	s0 =	simm.s32 @p1 $0x1  }
0x15: {  	[smem:$0x3FB0] =	sst s0;
	s0 =	simm.s32 @!p2 $0x0  }
0x16: {  	s3 =	sld [smem:$0x3FDB];
	s0 =	simm.s32 @p2 $0x1  }
0x17: {  	s4 =	simm.s32 $0x1BF5;
	[smem:$0x3FB2] =	sst s0  }
0x18: {  	s0 =	sld [smem:$0x3F95];
	_ =	swait.ge [sflag:s4], $0x0  }
0x19: {  	s7 =	sld [smem:$0x3F96]  }
0x1a: {  	s8 =	sadd.s32 $0xFFFFE003, lr  }
0x1b: {  	s9 =	sadd.s32 $0xFFFFFEF7, lr;
	s5 =	simm.s32 $0xFFFFFFFF;
	p2 =	slt.u32 s8, $0xFFFFF086  }
0x1c: {  	p1 =	slt.u32 s9, $0xF7A;
	s5 =	simm.s32 @!p2 $0x0  }
0x1d: {  	s5 =	simm.s32 @p1 $0x1;
	p0 =	seq.s32 s7, s2  }
0x1e: {  	s7 =	smul.u32 @!p0 $0xF7A, s2;
	p2 =	seq.s32 @!p0 s5, $0x0  }
0x1f: {  	s9 =	smul.u32 $0xF7A, s1;
	s8 =	simm.s32 @!p0 $0x1BF5;
	p2 =	por !p2, p0  }
0x20: {  	[sflag:s8] =	ssyncset.s32 @!p0 $0xFFFFF086;
	s6 =	sadd.s32 @!p0 s3, s7;
	s7 =	simm.s32 @!p0 $0x108  }
0x21: {  	s3 =	sadd.s32 s3, s9;
	s6 =	sadd.s32 @!p0 $0x88, s6;
	s7 =	simm.s32 @p2 $0x1082  }
0x22: {  	[simem:s7], [sflag:s8] =	dma.local @!p0 [hbm:s6], $0xF7A  }
0x23: {  	s9 =	sor.u32 $0xD0000000, s2;
	s6 =	simm.s32 $0x108;
	_ =	swait.ge @!p0 [sflag:s8], $0x0  }
0x24: {  	s3 =	sadd.s32 $0x88, s3;
	s6 =	simm.s32 @!p1 $0x1082;
	[sflag:s4] =	ssyncset.s32 $0xFFFFF086  }
0x25: {  	[simem:s6], [sflag:s4] =	dma.local [hbm:s3], $0xF7A  }
0x26: {  	[smem:$0x3F96] =	sst s1;
	(tag) =	ssettag s2;
	_ =	strace s9  }
0x27: {  	s1 =	sld [smem:$0x3FA6]  }
0x28: {  	s2 =	sld [smem:$0x3FA7]  }
0x29: {  	s4 =	sld [smem:$0x3FA9]  }
0x2a: {  	p0 =	seq.s32 s5, $0x0;
	s5 =	sld [smem:$0x3FAA]  }
0x2b: {  	s6 =	sld [smem:$0x3FAB]  }
0x2c: {  	s7 =	sld [smem:$0x3FAC]  }
0x2d: {  	s3 =	simm.s32 $0x108;
	s8 =	sld [smem:$0x3FAD]  }
0x2e: {  	s3 =	simm.s32 @!p0 $0x1082;
	s9 =	sld [smem:$0x3FAE]  }
0x2f: {  	lr =	sadd.s32 s0, s3;
	s0 =	sld [smem:$0x3FA5]  }
0x30: {  	s3 =	sld [smem:$0x3FA8]  }
0x31: {  	[smem:$0x3FB1] =	sst s10  }
0x32: {  	s10 =	sld [smem:$0x3FAF];
	_ =	sdelay $0x3  }
0x33: {  	p0 =	seq.s32 s10, $0x1;
	s10 =	sld [smem:$0x3FB1];
	_ =	sdelay $0x3  }
0x34: {  	[smem:$0x3FB1] =	sst s10  }
0x35: {  	s10 =	sld [smem:$0x3FB0];
	_ =	sdelay $0x3  }
0x36: {  	p1 =	seq.s32 s10, $0x1;
	s10 =	sld [smem:$0x3FB1];
	_ =	sdelay $0x3  }
0x37: {  	[smem:$0x3FB1] =	sst s10  }
0x38: {  	s10 =	sld [smem:$0x3FB2]  }
0x39: {  	_ = 	snop;
	(pc) =	sbr.ind lr, $3  }
0x3a: {  	_ = 	snop  }
0x3b: {  	_ = 	snop  }
0x3c: {  	p2 =	seq.s32 s10, $0x1;
	s10 =	sld [smem:$0x3FB1]  }
0x3d: {  	_ =	shalt  }
0x3e: {  	_ =	shalt  }
0x3f: {  	_ =	shalt  }
0x40: {  	_ =	shalt  }
0x41: {  	_ =	shalt  }
0x42: {  	_ =	shalt  }
0x43: {  	_ =	shalt  }
0x44: {  	_ =	shalt  }
0x45: {  	_ =	shalt  }
0x46: {  	_ =	shalt  }
0x47: {  	_ =	shalt  }
0x48: {  	_ =	shalt  }
0x49: {  	_ =	shalt  }
0x4a: {  	_ =	shalt  }
0x4b: {  	_ =	shalt  }
0x4c: {  	_ =	shalt  }
0x4d: {  	_ =	shalt  }
0x4e: {  	_ =	shalt  }
0x4f: {  	_ =	shalt  }
0x50: {  	_ =	shalt  }
0x51: {  	_ =	shalt  }
0x52: {  	_ =	shalt  }
0x53: {  	_ =	shalt  }
0x54: {  	_ =	shalt  }
0x55: {  	_ =	shalt  }
0x56: {  	_ =	shalt  }
0x57: {  	_ =	shalt  }
0x58: {  	_ =	shalt  }
0x59: {  	_ =	shalt  }
0x5a: {  	_ =	shalt  }
0x5b: {  	_ =	shalt  }
0x5c: {  	_ =	shalt  }
0x5d: {  	_ =	shalt  }
0x5e: {  	_ =	shalt  }
0x5f: {  	_ =	shalt  }
0x60: {  	_ =	shalt  }
0x61: {  	_ =	shalt  }
0x62: {  	_ =	shalt  }
0x63: {  	_ =	shalt  }
0x64: {  	_ =	shalt  }
0x65: {  	_ =	shalt  }
0x66: {  	_ =	shalt  }
0x67: {  	_ =	shalt  }
0x68: {  	_ =	shalt  }
0x69: {  	_ =	shalt  }
0x6a: {  	_ =	shalt  }
0x6b: {  	_ =	shalt  }
0x6c: {  	_ =	shalt  }
0x6d: {  	_ =	shalt  }
0x6e: {  	_ =	shalt  }
0x6f: {  	_ =	shalt  }
0x70: {  	_ =	shalt  }
0x71: {  	_ =	shalt  }
0x72: {  	_ =	shalt  }
0x73: {  	_ =	shalt  }
0x74: {  	_ =	shalt  }
0x75: {  	_ =	shalt  }
0x76: {  	_ =	shalt  }
0x77: {  	_ =	shalt  }
0x78: {  	_ =	shalt  }
0x79: {  	_ =	shalt  }
0x7a: {  	_ =	shalt  }
0x7b: {  	_ =	shalt  }
0x7c: {  	_ =	shalt  }
0x7d: {  	_ =	shalt  }
0x7e: {  	_ =	shalt  }
0x7f: {  	_ =	shalt  }
0x80: {  	_ =	shalt  }
0x81: {  	_ =	shalt  }
0x82: {  	_ =	shalt  }
0x83: {  	_ =	shalt  }
0x84: {  	_ =	shalt  }
0x85: {  	_ =	shalt  }
0x86: {  	_ =	shalt  }
0x87: {  	_ =	shalt  }
.Lfunc_end0:
.L_simem_size_0:
called_computation_lowered:
.L_overlay_start_0:
0x88: {  	s2 =	sld [smem:$0x3FD9]  }
0x89: {  	s3 =	sld [smem:$0x3FFE];
	_ =	sdelay $0x1  }
0x8a: {  	s1 =	srdreg.scid  }
0x8b: {  	s0 =	sand.u32 $0x1, s1  }
0x8c: {  	s17 =	sshll.u32 s0, $0xA;
	s2 =	sadd.s32 s3, s2  }
0x8d: {  	s2 =	sadd.s32 s2, s17  }
0x8e: {  	[smem:$0x3FBD] =	sst s2  }
0x8f: {  	_ = 	snop  }
0x90: {  	s2 =	sld [smem:$0x3FC9]  }
0x91: {  	s18 =	sld [smem:$0x3FD0];
	(tm) =	ssettm $0x1  }
0x92: {  	s4 =	sld [smem:$0x3FFB];
	_ =	sdelay $0x3  }
0x93: {  	_ =	strace s4  }
0x94: {  	s4 =	sld [smem:$0x3FFC];
	_ =	sdelay $0x3  }
0x95: {  	_ =	strace s4  }
0x96: {  	s4 =	sld [smem:$0x3FFD];
	_ =	sdelay $0x3  }
0x97: {  	_ =	strace s4  }
0x98: {  	_ =	strace $0x8FFFFFFF  }
0x99: {  	s19 =	sld [smem:$0x3FDB];
	_ =	sdelay $0x1  }
0x9a: {  	s5 =	simm.s32 $_scs_section_size  }
0x9b: {  	s6 =	simm.s32 $_size__tile_overlayer_lowered;
	s7 =	simm.s32 $_tile_overlayer_lowered  }
0x9c: {  	s22 =	simm.s32 $0x1BFF;
	s21 =	sshll.u32 s7, $0x1;
	s4 =	sadd.s32 s5, s19  }
0x9d: {  	s8 =	simm.s32 $0x0;
	s20 =	sshll.u32 s6, $0x1;
	s6 =	sadd.s32 s21, s4  }
0x9e: {  	[timem:s8], [sflag:s22] =	dma.local [hbm:s6], s20  }
0x9f: {  	_ =	swait.ge [sflag:s22], s20  }
0xa0: {  	s5 =	ssub.s32 $0x0, s20;
	[sflag:s22] =	ssyncset.done $0x0  }
0xa1: {  	[sflag:s22] =	ssyncadd.s32 s5;
	_ =	sdelay $0x1  }
0xa2: {  	s23 =	simm.s32 $0x1B8B  }
0xa3: {  	_ =	swait.ge [sflag:s23], $0x1  }
0xa4: {  	[sflag:s23] =	ssyncset.done $0x0  }
0xa5: {  	s25 =	simm.s32 $0x1B8E;
	s24 =	sld [smem:$0x3FFE];
	[sflag:s23] =	ssyncadd.s32 $0xFFFFFFFF  }
0xa6: {  	s26 =	simm.s32 $execute0_lowered;
	[smem:$0x3FD2] =	sst s25  }
0xa7: {  	s6 =	sshll.u32 s26, $0x1;
	_ =	strace $0x80000046;
	[dreg:$0x1] =	wrdreg $0xFFFFFFFF  }
0xa8: {  	s28 =	simm.s32 $_size_execute0_lowered;
	s4 =	sadd.s32 s4, s6;
	[dreg:$0x0] =	wrdreg $0x0  }
0xa9: {  	s6 =	sshll.u32 s28, $0x1;
	[dreg:$0x2] =	wrdreg s4  }
0xaa: {  	[dreg:$0x3] =	wrdreg s6  }
0xab: {  	[dreg:$0x4] =	wrdreg $0xC0  }
0xac: {  	_ =	task [dreg:s8], $0x5FFFF  }
0xad: {  	[dreg:$0x1] =	wrdreg $0xFFFFFFFF  }
0xae: {  	[dreg:$0x0] =	wrdreg $0x60  }
0xaf: {  	[dreg:$0x2] =	wrdreg s2  }
0xb0: {  	[dreg:$0x3] =	wrdreg s18  }
0xb1: {  	[dreg:$0x4] =	wrdreg s24  }
0xb2: {  	[dreg:$0x5] =	wrdreg $0xA0000  }
0xb3: {  	[dreg:$0x6] =	wrdreg $0x9  }
0xb4: {  	_ =	task.clear_ibuf [dreg:s8], $0x7FFFF;
	_ =	strace $0x90000046  }
0xb5: {  	s29 =	simm.s32 $0x9;
	_ =	strace $0x80000048  }
0xb6: {  	_ =	swait.ge [sflag:s29], $0x1  }
0xb7: {  	[sflag:s29] =	ssyncadd.s32 $0xFFFFFFFF  }
0xb8: {  	_ =	strace $0x90000048  }
0xb9: {  	_ =	sfence  }
0xba: {  	s30 =	sld [smem:$0x0];
	_ =	sdelay $0x2  }
0xbb: {  	s31 =	sshll.u32 s1, $0xD;
	s1 =	sshrl.u32 s1, $0x2  }
0xbc: {  	s3 =	sand.u32 $0x4000, s31;
	s1 =	sadd.s32 s1, s30  }
0xbd: {  	s0 =	sor.u32 s3, s0;
	s1 =	sshll.u32 s1, $0x11  }
0xbe: {  	s0 =	sor.u32 s1, s0  }
0xbf: {  	s0 =	sadd.s32 $0x8F2B, s0  }
0xc0: {  	[sflag:s0] =	ssyncadd.remote.s32 $0x1  }
0xc1: {  	_ =	sfence.sel $0xFFFF  }
0xc2: {  	[dreg:$0x0] =	wrdreg $0xFFFFFFFF;
	(pc) =	sbr.abs _section_cstart, $3  }
0xc3: {  	[dreg:$0x1] =	wrdreg $0xFFFFFFFF  }
0xc4: {  	_ =	task.clear_ibuf [dreg:s8], $0x2FFFF;
	_ =	strace $0x9FFFFFFF  }
0xc5: {  	(tm) =	ssettm $0x7FFFFFFF  }
tec
execute0_lowered:
.L_overlay_start_1:
0x0: {  	(tag) =	ssettag $0x1  }
0x1: {  	s1 =	rddreg [dreg:$0x0]  }
0x2: {  	s28 =	rddreg [dreg:$0x1]  }
0x3: {  	s0 =	rddreg [dreg:$0x2]  }
0x4: {  	s3 =	rddreg [dreg:$0x3]  }
0x5: {  	s4 =	simm.s32 $0x0;
	s2 =	srdreg.scid;
	s9 =	stileid.u32  }
0x6: {  	s14 =	simm.s32 $0x100;
	s30 =	simm.s32 $0x400;
	s12 =	simm.s32 $0x700  }
0x7: {  	s11 =	simm.s32 $0xC00;
	s31 =	simm.s32 $0xE00;
	s13 =	simm.s32 $0x6000  }
0x8: {  	[smem:$0x7FF] =	sst s4;
	s2 =	sand.u32 $0x1, s2;
	s7 =	smul.u32 $0x4E000, s9  }
0x9: {  	s6 =	sadd.s32 $0x1600, s0;
	s10 =	sadd.s32 $0x138000, s3;
	s26 =	smul.u32 $0x2700, s9  }
0xa: {  	p0 =	sne.s32 s9, $0xF;
	s5 =	smul.u32 $0x27900, s2;
	_ =	strace $0x80000047  }
0xb: {  	s17 =	ssub.s32 $0x2, s2;
	s2 =	sshll.u32 s2, $0x4;
	[dreg:$0xa] =	wrdreg s10  }
0xc: {  	[dreg:$0x12] =	wrdreg s6;
	s10 =	simm.s32 $0xB00;
	s8 =	sshrl.u32 s17, $0x1  }
0xd: {  	s2 =	sor.u32 s9, s2;
	s7 =	sshrl.u32 s7, $0x2;
	s9 =	simm.s32 $0xA00  }
0xe: {  	s0 =	sadd.s32 s5, s0;
	s5 =	ssub.s32 s17, s8;
	s29 =	sadd.s32 s7, s3  }
0xf: {  	s18 =	smul.u32 $0x2800, s2;
	s7 =	sadd.s32 $0x4000, s29;
	[dreg:$0x5] =	wrdreg s29  }
0x10: {  	s2 =	smul.u32 $0x500, s2;
	s19 =	sadd.s32 $0x8000, s29;
	[dreg:$0x6] =	wrdreg s7  }
0x11: {  	s17 =	simm.s32 $0x200;
	s20 =	sadd.s32 $0xC000, s29;
	[dreg:$0x7] =	wrdreg s19  }
0x12: {  	s8 =	simm.s32 $0x800;
	s21 =	sadd.s32 $0x10000, s29;
	[dreg:$0x8] =	wrdreg s20  }
0x13: {  	s25 =	sadd.s32 $0xB600, s0;
	s5 =	smax.u32 s5, $0x1;
	[dreg:$0x9] =	wrdreg s21  }
0x14: {  	s22 =	sshrl.u32 s18, $0x3;
	s2 =	sadd.s32 s6, s2;
	[dreg:$0x10] =	wrdreg s5  }
0x15: {  	s23 =	sadd.s32 $0x800, s18;
	s24 =	sadd.s32 $0x1000, s18;
	[dreg:$0xf] =	wrdreg s25  }
0x16: {  	s19 =	simm.s32 $0x2000;
	s20 =	simm.s32 $0x5;
	[dreg:$0xc] =	wrdreg s2  }
0x17: {  	s21 =	simm.s32 $0x300;
	s0 =	sadd.s32 s26, s25;
	[dreg:$0xd] =	wrdreg s23  }
0x18: {  	s5 =	simm.s32 $0x600;
	s18 =	simm.s32 $0x80;
	[dreg:$0xe] =	wrdreg s24  }
0x19: {  	s6 =	simm.s32 $0x0;
	s7 =	sadd.s32 s28, s22;
	[dreg:$0x11] =	wrdreg s0  }
0x1a: {  	s0 =	simm.s32 $0x500;
	s22 =	simm.s32 $0xD00;
	s24 =	simm.s32 $0x1  }
0x1b: {  	v0 =	vimm.f32 $0.0e+00;
	s2 =	simm.s32 $0x2;
	[dreg:$0xb] =	wrdreg s7;
	s7 =	simm.s32 $0x900  }
.LBB2_1:
0x1c: {  	[dreg:$0x13] =	wrdreg s6;
	s16 =	simm.s32 $0x0;
	s26 =	simm.s32 $0x200  }
.LBB2_2:
0x1d: {  	p1 =	sne.s32 s26, $0xFE00;
	[tilespmem:s16+$0x2070] =	vst v0  }
0x1e: {  	[tilespmem:s16+$0x2000] =	vst v0  }
0x1f: {  	[tilespmem:s16+$0x2010] =	vst v0  }
.Ltmp0:
0x20: {  	[tilespmem:s16+$0x2020] =	vst v0;
	(pc) =	sbr.rel @p1 .LBB2_2-.Ltmp0, $4  }
0x21: {  	[tilespmem:s16+$0x2030] =	vst v0  }
0x22: {  	[tilespmem:s16+$0x2040] =	vst v0  }
0x23: {  	[tilespmem:s16+$0x2050] =	vst v0  }
0x24: {  	[tilespmem:s16+$0x2060] =	vst v0;
	s16 =	sshra.s32 s26, $0x2;
	s26 =	sadd.s32 $0x200, s26  }
0x25: {  	[tilespmem:s16+$0x2070] =	vst v0  }
0x26: {  	[tilespmem:s16+$0x2000] =	vst v0  }
0x27: {  	[tilespmem:s16+$0x2010] =	vst v0  }
0x28: {  	[tilespmem:s16+$0x2020] =	vst v0  }
0x29: {  	[tilespmem:s16+$0x2030] =	vst v0  }
0x2a: {  	[tilespmem:s16+$0x2040] =	vst v0  }
0x2b: {  	[tilespmem:s16+$0x2050] =	vst v0  }
0x2c: {  	[tilespmem:s16+$0x2060] =	vst v0  }
0x2d: {  	[spmem:s29] =	stream.linear.scatter [tilespmem:s19], [sflag:$0x5], $0x4000, $0x38;
	[tilespmem:$0x1DC80] =	vst v63  }
0x2e: {  	_ =	swait.ge [sflag:s20], $0x4000  }
0x2f: {  	[sflag:s20] =	ssyncset.done $0x0  }
0x30: {  	s23 =	rddreg [dreg:$0x6];
	[sflag:s20] =	ssyncadd.s32 $0xFFFFC000  }
0x31: {  	[spmem:s23] =	stream.linear.scatter [tilespmem:s19], [sflag:$0x5], $0x4000, $0x38;
	[tilespmem:$0x1DC80] =	vst v63  }
0x32: {  	_ =	swait.ge [sflag:s20], $0x4000  }
0x33: {  	[sflag:s20] =	ssyncset.done $0x0  }
0x34: {  	s25 =	rddreg [dreg:$0x7];
	[sflag:s20] =	ssyncadd.s32 $0xFFFFC000  }
0x35: {  	[spmem:s25] =	stream.linear.scatter [tilespmem:s19], [sflag:$0x5], $0x4000, $0x38;
	[tilespmem:$0x1DC80] =	vst v63  }
0x36: {  	_ =	swait.ge [sflag:s20], $0x4000  }
0x37: {  	[sflag:s20] =	ssyncset.done $0x0  }
0x38: {  	s26 =	rddreg [dreg:$0x8];
	[sflag:s20] =	ssyncadd.s32 $0xFFFFC000  }
0x39: {  	[spmem:s26] =	stream.linear.scatter [tilespmem:s19], [sflag:$0x5], $0x4000, $0x38;
	[tilespmem:$0x1DC80] =	vst v63  }
0x3a: {  	_ =	swait.ge [sflag:s20], $0x4000  }
0x3b: {  	[sflag:s20] =	ssyncset.done $0x0  }
0x3c: {  	s29 =	rddreg [dreg:$0x9];
	[sflag:s20] =	ssyncadd.s32 $0xFFFFC000  }
0x3d: {  	[spmem:s29] =	stream.linear.scatter [tilespmem:s19], [sflag:$0x5], $0x3800, $0x38;
	[tilespmem:$0x1DC80] =	vst v63  }
0x3e: {  	_ =	swait.ge [sflag:s20], $0x3800  }
0x3f: {  	[sflag:s20] =	ssyncset.done $0x0  }
0x40: {  	s16 =	simm.s32 @!p0 $0x2000;
	s25 =	rddreg [dreg:$0xa];
	[sflag:s20] =	ssyncadd.s32 $0xFFFFC800  }
0x41: {  	[spmem:s25] =	stream.linear.scatter @!p0 [tilespmem:s16], [sflag:$0x5], $0x800, $0x38;
	[tilespmem:$0x1DC80] =	vst v63  }
0x42: {  	s16 =	simm.s32 @!p0 $0x5  }
0x43: {  	_ =	swait.ge @!p0 [sflag:s16], $0x800  }
0x44: {  	[sflag:s16] =	ssyncset.done @!p0 $0x0  }
0x45: {  	[sflag:s16] =	ssyncadd.s32 @!p0 $0xFFFFF800  }
0x46: {  	[bflag:$0x0] =	sbarrier.arrive $0xFFFF  }
0x47: {  	s26 =	simm.s32 $0x0;
	s25 =	rddreg [dreg:$0xb]  }
0x48: {  	[tilespmem:s26], [sflag:$0x3] =	stream.linear.gather [hbm4b:s25+s26], $0x80, $0x38;
	[tilespmem:$0x1DC80] =	vst v63  }
0x49: {  	s6 =	sadd.s32 $0x10, s25  }
0x4a: {  	[tilespmem:s14], [sflag:$0x3] =	stream.linear.gather [hbm4b:s6+s26], $0x80, $0x38;
	[tilespmem:$0x1DC80] =	vst v63  }
0x4b: {  	s15 =	sadd.s32 $0x20, s25  }
0x4c: {  	[tilespmem:s17], [sflag:$0x3] =	stream.linear.gather [hbm4b:s15+s26], $0x80, $0x38;
	[tilespmem:$0x1DC80] =	vst v63  }
0x4d: {  	s23 =	sadd.s32 $0x30, s25  }
0x4e: {  	[tilespmem:s21], [sflag:$0x3] =	stream.linear.gather [hbm4b:s23+s26], $0x80, $0x38;
	[tilespmem:$0x1DC80] =	vst v63  }
0x4f: {  	s29 =	sadd.s32 $0x40, s25  }
0x50: {  	[tilespmem:s30], [sflag:$0x3] =	stream.linear.gather [hbm4b:s29+s26], $0x80, $0x38;
	[tilespmem:$0x1DC80] =	vst v63  }
0x51: {  	s30 =	sadd.s32 $0x50, s25  }
0x52: {  	[tilespmem:s0], [sflag:$0x3] =	stream.linear.gather [hbm4b:s30+s26], $0x80, $0x38;
	[tilespmem:$0x1DC80] =	vst v63  }
0x53: {  	s0 =	sadd.s32 $0x60, s25  }
0x54: {  	[tilespmem:s5], [sflag:$0x3] =	stream.linear.gather [hbm4b:s0+s26], $0x80, $0x38;
	[tilespmem:$0x1DC80] =	vst v63  }
0x55: {  	s5 =	sadd.s32 $0x70, s25  }
0x56: {  	[tilespmem:s12], [sflag:$0x3] =	stream.linear.gather [hbm4b:s5+s26], $0x80, $0x38;
	[tilespmem:$0x1DC80] =	vst v63  }
0x57: {  	s6 =	sadd.s32 $0x80, s25  }
0x58: {  	[tilespmem:s8], [sflag:$0x3] =	stream.linear.gather [hbm4b:s6+s26], $0x80, $0x38;
	[tilespmem:$0x1DC80] =	vst v63  }
0x59: {  	s12 =	sadd.s32 $0x90, s25  }
0x5a: {  	[tilespmem:s7], [sflag:$0x3] =	stream.linear.gather [hbm4b:s12+s26], $0x80, $0x38;
	[tilespmem:$0x1DC80] =	vst v63  }
0x5b: {  	s14 =	sadd.s32 $0xA0, s25  }
0x5c: {  	[tilespmem:s9], [sflag:$0x3] =	stream.linear.gather [hbm4b:s14+s26], $0x80, $0x38;
	[tilespmem:$0x1DC80] =	vst v63  }
0x5d: {  	s15 =	sadd.s32 $0xB0, s25  }
0x5e: {  	[tilespmem:s10], [sflag:$0x3] =	stream.linear.gather [hbm4b:s15+s26], $0x80, $0x38;
	[tilespmem:$0x1DC80] =	vst v63  }
0x5f: {  	s17 =	sadd.s32 $0xC0, s25  }
0x60: {  	[tilespmem:s11], [sflag:$0x3] =	stream.linear.gather [hbm4b:s17+s26], $0x80, $0x38;
	[tilespmem:$0x1DC80] =	vst v63  }
0x61: {  	s21 =	sadd.s32 $0xD0, s25  }
0x62: {  	[tilespmem:s22], [sflag:$0x3] =	stream.linear.gather [hbm4b:s21+s26], $0x80, $0x38;
	[tilespmem:$0x1DC80] =	vst v63  }
0x63: {  	s23 =	sadd.s32 $0xE0, s25  }
0x64: {  	[tilespmem:s31], [sflag:$0x3] =	stream.linear.gather [hbm4b:s23+s26], $0x80, $0x38;
	[tilespmem:$0x1DC80] =	vst v63  }
0x65: {  	s29 =	simm.s32 $0xF00;
	s25 =	sadd.s32 $0xF0, s25  }
0x66: {  	[tilespmem:s29], [sflag:$0x3] =	stream.linear.gather [hbm4b:s25+s26], $0x80, $0x38;
	[tilespmem:$0x1DC80] =	vst v63  }
0x67: {  	p1 =	por $0x1, $0x1;
	s30 =	rddreg [dreg:$0xc];
	s31 =	simm.s32 $0x1000  }
0x68: {  	[tilespmem:s31], [sflag:$0x3] =	stream.linear.gather [hbm4b:s30+s26], $0x800, $0x38;
	[tilespmem:$0x1DC80] =	vst v63  }
.LBB2_4:
0x69: {  	s0 =	rddreg [dreg:$0xd]  }
0x6a: {  	s16 =	sadd.s32 s26, s0  }
0x6b: {  	s16 =	sshrl.u32 s16, $0x3  }
0x6c: {  	s29 =	smov.u32 s28;
	s28 =	sadd.s32 s28, s16  }
0x6d: {  	[tilespmem:s18], [sflag:$0x4] =	stream.linear.gather [hbm4b:s28+s4], $0x80, $0x38;
	[tilespmem:$0x1DC80] =	vst v63  }
0x6e: {  	s15 =	simm.s32 $0x180;
	s25 =	sadd.s32 $0x10, s28  }
0x6f: {  	[tilespmem:s15], [sflag:$0x4] =	stream.linear.gather [hbm4b:s25+s4], $0x80, $0x38;
	[tilespmem:$0x1DC80] =	vst v63  }
0x70: {  	s21 =	simm.s32 $0x280;
	s17 =	sadd.s32 $0x20, s28  }
0x71: {  	[tilespmem:s21], [sflag:$0x4] =	stream.linear.gather [hbm4b:s17+s4], $0x80, $0x38;
	[tilespmem:$0x1DC80] =	vst v63  }
0x72: {  	s23 =	simm.s32 $0x380;
	s22 =	sadd.s32 $0x30, s28  }
0x73: {  	[tilespmem:s23], [sflag:$0x4] =	stream.linear.gather [hbm4b:s22+s4], $0x80, $0x38;
	[tilespmem:$0x1DC80] =	vst v63  }
0x74: {  	s5 =	simm.s32 $0x480;
	s0 =	sadd.s32 $0x40, s28  }
0x75: {  	[tilespmem:s5], [sflag:$0x4] =	stream.linear.gather [hbm4b:s0+s4], $0x80, $0x38;
	[tilespmem:$0x1DC80] =	vst v63  }
0x76: {  	s7 =	simm.s32 $0x580;
	s6 =	sadd.s32 $0x50, s28  }
0x77: {  	[tilespmem:s7], [sflag:$0x4] =	stream.linear.gather [hbm4b:s6+s4], $0x80, $0x38;
	[tilespmem:$0x1DC80] =	vst v63  }
0x78: {  	s9 =	simm.s32 $0x680;
	s8 =	sadd.s32 $0x60, s28  }
0x79: {  	[tilespmem:s9], [sflag:$0x4] =	stream.linear.gather [hbm4b:s8+s4], $0x80, $0x38;
	[tilespmem:$0x1DC80] =	vst v63  }
0x7a: {  	s12 =	simm.s32 $0x780;
	s10 =	sadd.s32 $0x70, s28  }
0x7b: {  	[tilespmem:s12], [sflag:$0x4] =	stream.linear.gather [hbm4b:s10+s4], $0x80, $0x38;
	[tilespmem:$0x1DC80] =	vst v63  }
0x7c: {  	s14 =	sadd.s32 $0x80, s28;
	s15 =	simm.s32 $0x880  }
0x7d: {  	[tilespmem:s15], [sflag:$0x4] =	stream.linear.gather [hbm4b:s14+s4], $0x80, $0x38;
	[tilespmem:$0x1DC80] =	vst v63  }
0x7e: {  	s17 =	sadd.s32 $0x90, s28;
	s21 =	simm.s32 $0x980  }
0x7f: {  	[tilespmem:s21], [sflag:$0x4] =	stream.linear.gather [hbm4b:s17+s4], $0x80, $0x38;
	[tilespmem:$0x1DC80] =	vst v63  }
0x80: {  	s22 =	sadd.s32 $0xA0, s28;
	s23 =	simm.s32 $0xA80  }
0x81: {  	[tilespmem:s23], [sflag:$0x4] =	stream.linear.gather [hbm4b:s22+s4], $0x80, $0x38;
	[tilespmem:$0x1DC80] =	vst v63  }
0x82: {  	s0 =	sadd.s32 $0xB0, s28;
	s5 =	simm.s32 $0xB80  }
0x83: {  	[tilespmem:s5], [sflag:$0x4] =	stream.linear.gather [hbm4b:s0+s4], $0x80, $0x38;
	[tilespmem:$0x1DC80] =	vst v63  }
0x84: {  	s6 =	sadd.s32 $0xC0, s28;
	s7 =	simm.s32 $0xC80  }
0x85: {  	[tilespmem:s7], [sflag:$0x4] =	stream.linear.gather [hbm4b:s6+s4], $0x80, $0x38;
	[tilespmem:$0x1DC80] =	vst v63  }
0x86: {  	s8 =	sadd.s32 $0xD0, s28;
	s9 =	simm.s32 $0xD80  }
0x87: {  	[tilespmem:s9], [sflag:$0x4] =	stream.linear.gather [hbm4b:s8+s4], $0x80, $0x38;
	[tilespmem:$0x1DC80] =	vst v63  }
0x88: {  	s10 =	sadd.s32 $0xE0, s28;
	s12 =	simm.s32 $0xE80  }
0x89: {  	[tilespmem:s12], [sflag:$0x4] =	stream.linear.gather [hbm4b:s10+s4], $0x80, $0x38;
	[tilespmem:$0x1DC80] =	vst v63  }
0x8a: {  	s14 =	sadd.s32 $0xF0, s28;
	s15 =	simm.s32 $0xF80;
	s23 =	rddreg [dreg:$0x12]  }
0x8b: {  	[tilespmem:s15], [sflag:$0x4] =	stream.linear.gather [hbm4b:s14+s4], $0x80, $0x38;
	[tilespmem:$0x1DC80] =	vst v63  }
0x8c: {  	s17 =	simm.s32 $0x1800;
	s21 =	simm.s32 $0x3;
	s16 =	sadd.s32 s23, s16  }
0x8d: {  	[tilespmem:s17], [sflag:$0x4] =	stream.linear.gather [hbm4b:s16+s4], $0x800, $0x38;
	[tilespmem:$0x1DC80] =	vst v63  }
0x8e: {  	_ =	swait.ge [sflag:s21], $0x800  }
0x8f: {  	[sflag:s21] =	ssyncset.done $0x0  }
0x90: {  	[sflag:s21] =	ssyncadd.s32 $0xFFFFF800  }
0x91: {  	_ =	swait.ge [sflag:s21], $0x800  }
0x92: {  	[sflag:s21] =	ssyncset.done $0x0  }
0x93: {  	[sflag:s21] =	ssyncadd.s32 $0xFFFFF800  }
0x94: {  	[tilespmem:s19], [sflag:$0x1] =	stream.indirect.gather [hbm4b:s1+s18], $0x80, s4, s18, $0xb8;
	[tilespmem:$0x1DC80] =	vst v63  }
0x95: {  	s16 =	simm.s32 $0x100  }
0x96: {  	[tilespmem:s13], [sflag:$0x2] =	stream.indirect.gather [hbm4b:s1+s18], $0x80, s16, s18, $0xb8;
	[tilespmem:$0x1DC80] =	vst v63  }
0x97: {  	_ =	swait.ge [sflag:s24], $0x4000  }
0x98: {  	[sflag:s24] =	ssyncset.done $0x0  }
0x99: {  	s22 =	simm.s32 $0x1000;
	[sflag:s24] =	ssyncadd.s32 $0xFFFFC000  }
0x9a: {  	[spmem:s3] =	stream.indirect.scatter.add.f32 [tilespmem:s19], [sflag:$0x5], $0x80, s22, s18, $0xb8;
	[tilespmem:$0x1DC80] =	vst v63  }
0x9b: {  	_ =	swait.ge [sflag:s20], $0x4000  }
0x9c: {  	[sflag:s20] =	ssyncset.done $0x0  }
0x9d: {  	s8 =	simm.s32 $0x200;
	[sflag:s20] =	ssyncadd.s32 $0xFFFFC000  }
0x9e: {  	[tilespmem:s19], [sflag:$0x1] =	stream.indirect.gather [hbm4b:s1+s18], $0x80, s8, s18, $0xb8;
	[tilespmem:$0x1DC80] =	vst v63  }
0x9f: {  	_ =	swait.ge [sflag:s2], $0x4000  }
0xa0: {  	[sflag:s2] =	ssyncset.done $0x0  }
0xa1: {  	s25 =	simm.s32 $0x1080;
	[sflag:s2] =	ssyncadd.s32 $0xFFFFC000  }
0xa2: {  	[spmem:s3] =	stream.indirect.scatter.add.f32 [tilespmem:s13], [sflag:$0x5], $0x80, s25, s18, $0xb8;
	[tilespmem:$0x1DC80] =	vst v63  }
0xa3: {  	_ =	swait.ge [sflag:s20], $0x4000  }
0xa4: {  	[sflag:s20] =	ssyncset.done $0x0  }
0xa5: {  	s15 =	simm.s32 $0x300;
	[sflag:s20] =	ssyncadd.s32 $0xFFFFC000  }
0xa6: {  	[tilespmem:s13], [sflag:$0x2] =	stream.indirect.gather [hbm4b:s1+s18], $0x80, s15, s18, $0xb8;
	[tilespmem:$0x1DC80] =	vst v63  }
0xa7: {  	_ =	swait.ge [sflag:s24], $0x4000  }
0xa8: {  	[sflag:s24] =	ssyncset.done $0x0  }
0xa9: {  	s5 =	simm.s32 $0x1100;
	[sflag:s24] =	ssyncadd.s32 $0xFFFFC000  }
0xaa: {  	[spmem:s3] =	stream.indirect.scatter.add.f32 [tilespmem:s19], [sflag:$0x5], $0x80, s5, s18, $0xb8;
	[tilespmem:$0x1DC80] =	vst v63  }
0xab: {  	_ =	swait.ge [sflag:s20], $0x4000  }
0xac: {  	[sflag:s20] =	ssyncset.done $0x0  }
0xad: {  	s22 =	simm.s32 $0x400;
	[sflag:s20] =	ssyncadd.s32 $0xFFFFC000  }
0xae: {  	[tilespmem:s19], [sflag:$0x1] =	stream.indirect.gather [hbm4b:s1+s18], $0x80, s22, s18, $0xb8;
	[tilespmem:$0x1DC80] =	vst v63  }
0xaf: {  	_ =	swait.ge [sflag:s2], $0x4000  }
0xb0: {  	[sflag:s2] =	ssyncset.done $0x0  }
0xb1: {  	s6 =	simm.s32 $0x1180;
	[sflag:s2] =	ssyncadd.s32 $0xFFFFC000  }
0xb2: {  	[spmem:s3] =	stream.indirect.scatter.add.f32 [tilespmem:s13], [sflag:$0x5], $0x80, s6, s18, $0xb8;
	[tilespmem:$0x1DC80] =	vst v63  }
0xb3: {  	_ =	swait.ge [sflag:s20], $0x4000  }
0xb4: {  	[sflag:s20] =	ssyncset.done $0x0  }
0xb5: {  	s6 =	simm.s32 $0x500;
	[sflag:s20] =	ssyncadd.s32 $0xFFFFC000  }
0xb6: {  	[tilespmem:s13], [sflag:$0x2] =	stream.indirect.gather [hbm4b:s1+s18], $0x80, s6, s18, $0xb8;
	[tilespmem:$0x1DC80] =	vst v63  }
0xb7: {  	_ =	swait.ge [sflag:s24], $0x4000  }
0xb8: {  	[sflag:s24] =	ssyncset.done $0x0  }
0xb9: {  	s7 =	simm.s32 $0x1200;
	[sflag:s24] =	ssyncadd.s32 $0xFFFFC000  }
0xba: {  	[spmem:s3] =	stream.indirect.scatter.add.f32 [tilespmem:s19], [sflag:$0x5], $0x80, s7, s18, $0xb8;
	[tilespmem:$0x1DC80] =	vst v63  }
0xbb: {  	_ =	swait.ge [sflag:s20], $0x4000  }
0xbc: {  	[sflag:s20] =	ssyncset.done $0x0  }
0xbd: {  	s7 =	simm.s32 $0x600;
	[sflag:s20] =	ssyncadd.s32 $0xFFFFC000  }
0xbe: {  	[tilespmem:s19], [sflag:$0x1] =	stream.indirect.gather [hbm4b:s1+s18], $0x80, s7, s18, $0xb8;
	[tilespmem:$0x1DC80] =	vst v63  }
0xbf: {  	_ =	swait.ge [sflag:s2], $0x4000  }
0xc0: {  	[sflag:s2] =	ssyncset.done $0x0  }
0xc1: {  	s9 =	simm.s32 $0x1280;
	[sflag:s2] =	ssyncadd.s32 $0xFFFFC000  }
0xc2: {  	[spmem:s3] =	stream.indirect.scatter.add.f32 [tilespmem:s13], [sflag:$0x5], $0x80, s9, s18, $0xb8;
	[tilespmem:$0x1DC80] =	vst v63  }
0xc3: {  	_ =	swait.ge [sflag:s20], $0x4000  }
0xc4: {  	[sflag:s20] =	ssyncset.done $0x0  }
0xc5: {  	s9 =	simm.s32 $0x700;
	[sflag:s20] =	ssyncadd.s32 $0xFFFFC000  }
0xc6: {  	[tilespmem:s13], [sflag:$0x2] =	stream.indirect.gather [hbm4b:s1+s18], $0x80, s9, s18, $0xb8;
	[tilespmem:$0x1DC80] =	vst v63  }
0xc7: {  	_ =	swait.ge [sflag:s24], $0x4000  }
0xc8: {  	[sflag:s24] =	ssyncset.done $0x0  }
0xc9: {  	s10 =	simm.s32 $0x1300;
	[sflag:s24] =	ssyncadd.s32 $0xFFFFC000  }
0xca: {  	[spmem:s3] =	stream.indirect.scatter.add.f32 [tilespmem:s19], [sflag:$0x5], $0x80, s10, s18, $0xb8;
	[tilespmem:$0x1DC80] =	vst v63  }
0xcb: {  	_ =	swait.ge [sflag:s20], $0x4000  }
0xcc: {  	[sflag:s20] =	ssyncset.done $0x0  }
0xcd: {  	s10 =	simm.s32 $0x800;
	[sflag:s20] =	ssyncadd.s32 $0xFFFFC000  }
0xce: {  	[tilespmem:s19], [sflag:$0x1] =	stream.indirect.gather [hbm4b:s1+s18], $0x80, s10, s18, $0xb8;
	[tilespmem:$0x1DC80] =	vst v63  }
0xcf: {  	_ =	swait.ge [sflag:s2], $0x4000  }
0xd0: {  	[sflag:s2] =	ssyncset.done $0x0  }
0xd1: {  	s12 =	simm.s32 $0x1380;
	[sflag:s2] =	ssyncadd.s32 $0xFFFFC000  }
0xd2: {  	[spmem:s3] =	stream.indirect.scatter.add.f32 [tilespmem:s13], [sflag:$0x5], $0x80, s12, s18, $0xb8;
	[tilespmem:$0x1DC80] =	vst v63  }
0xd3: {  	_ =	swait.ge [sflag:s20], $0x4000  }
0xd4: {  	[sflag:s20] =	ssyncset.done $0x0  }
0xd5: {  	s17 =	simm.s32 $0x900;
	[sflag:s20] =	ssyncadd.s32 $0xFFFFC000  }
0xd6: {  	[tilespmem:s13], [sflag:$0x2] =	stream.indirect.gather [hbm4b:s1+s18], $0x80, s17, s18, $0xb8;
	[tilespmem:$0x1DC80] =	vst v63  }
0xd7: {  	_ =	swait.ge [sflag:s24], $0x4000  }
0xd8: {  	[sflag:s24] =	ssyncset.done $0x0  }
0xd9: {  	s14 =	simm.s32 $0x1400;
	[sflag:s24] =	ssyncadd.s32 $0xFFFFC000  }
0xda: {  	[spmem:s3] =	stream.indirect.scatter.add.f32 [tilespmem:s19], [sflag:$0x5], $0x80, s14, s18, $0xb8;
	[tilespmem:$0x1DC80] =	vst v63  }
0xdb: {  	_ =	swait.ge [sflag:s20], $0x4000  }
0xdc: {  	[sflag:s20] =	ssyncset.done $0x0  }
0xdd: {  	s31 =	simm.s32 $0xA00;
	[sflag:s20] =	ssyncadd.s32 $0xFFFFC000  }
0xde: {  	[tilespmem:s19], [sflag:$0x1] =	stream.indirect.gather [hbm4b:s1+s18], $0x80, s31, s18, $0xb8;
	[tilespmem:$0x1DC80] =	vst v63  }
0xdf: {  	_ =	swait.ge [sflag:s2], $0x4000  }
0xe0: {  	[sflag:s2] =	ssyncset.done $0x0  }
0xe1: {  	s21 =	simm.s32 $0x1480;
	[sflag:s2] =	ssyncadd.s32 $0xFFFFC000  }
0xe2: {  	[spmem:s3] =	stream.indirect.scatter.add.f32 [tilespmem:s13], [sflag:$0x5], $0x80, s21, s18, $0xb8;
	[tilespmem:$0x1DC80] =	vst v63  }
0xe3: {  	_ =	swait.ge [sflag:s20], $0x4000  }
0xe4: {  	[sflag:s20] =	ssyncset.done $0x0  }
0xe5: {  	s14 =	simm.s32 $0xB00;
	[sflag:s20] =	ssyncadd.s32 $0xFFFFC000  }
0xe6: {  	[tilespmem:s13], [sflag:$0x2] =	stream.indirect.gather [hbm4b:s1+s18], $0x80, s14, s18, $0xb8;
	[tilespmem:$0x1DC80] =	vst v63  }
0xe7: {  	_ =	swait.ge [sflag:s24], $0x4000  }
0xe8: {  	[sflag:s24] =	ssyncset.done $0x0  }
0xe9: {  	s25 =	simm.s32 $0x1500;
	[sflag:s24] =	ssyncadd.s32 $0xFFFFC000  }
0xea: {  	[spmem:s3] =	stream.indirect.scatter.add.f32 [tilespmem:s19], [sflag:$0x5], $0x80, s25, s18, $0xb8;
	[tilespmem:$0x1DC80] =	vst v63  }
0xeb: {  	_ =	swait.ge [sflag:s20], $0x4000  }
0xec: {  	[sflag:s20] =	ssyncset.done $0x0  }
0xed: {  	s30 =	simm.s32 $0xC00;
	[sflag:s20] =	ssyncadd.s32 $0xFFFFC000  }
0xee: {  	[tilespmem:s19], [sflag:$0x1] =	stream.indirect.gather [hbm4b:s1+s18], $0x80, s30, s18, $0xb8;
	[tilespmem:$0x1DC80] =	vst v63  }
0xef: {  	_ =	swait.ge [sflag:s2], $0x4000  }
0xf0: {  	[sflag:s2] =	ssyncset.done $0x0  }
0xf1: {  	s5 =	simm.s32 $0x1580;
	[sflag:s2] =	ssyncadd.s32 $0xFFFFC000  }
0xf2: {  	[spmem:s3] =	stream.indirect.scatter.add.f32 [tilespmem:s13], [sflag:$0x5], $0x80, s5, s18, $0xb8;
	[tilespmem:$0x1DC80] =	vst v63  }
0xf3: {  	_ =	swait.ge [sflag:s20], $0x4000  }
0xf4: {  	[sflag:s20] =	ssyncset.done $0x0  }
0xf5: {  	s21 =	simm.s32 $0xD00;
	[sflag:s20] =	ssyncadd.s32 $0xFFFFC000  }
0xf6: {  	[tilespmem:s13], [sflag:$0x2] =	stream.indirect.gather [hbm4b:s1+s18], $0x80, s21, s18, $0xb8;
	[tilespmem:$0x1DC80] =	vst v63  }
0xf7: {  	_ =	swait.ge [sflag:s24], $0x4000  }
0xf8: {  	[sflag:s24] =	ssyncset.done $0x0  }
0xf9: {  	s12 =	simm.s32 $0x1600;
	[sflag:s24] =	ssyncadd.s32 $0xFFFFC000  }
0xfa: {  	[spmem:s3] =	stream.indirect.scatter.add.f32 [tilespmem:s19], [sflag:$0x5], $0x80, s12, s18, $0xb8;
	[tilespmem:$0x1DC80] =	vst v63  }
0xfb: {  	_ =	swait.ge [sflag:s20], $0x4000  }
0xfc: {  	[sflag:s20] =	ssyncset.done $0x0  }
0xfd: {  	s12 =	simm.s32 $0xE00;
	[sflag:s20] =	ssyncadd.s32 $0xFFFFC000  }
0xfe: {  	[tilespmem:s19], [sflag:$0x1] =	stream.indirect.gather [hbm4b:s1+s18], $0x80, s12, s18, $0xb8;
	[tilespmem:$0x1DC80] =	vst v63  }
0xff: {  	_ =	swait.ge [sflag:s2], $0x4000  }
0x100: {  	[sflag:s2] =	ssyncset.done $0x0  }
0x101: {  	s25 =	simm.s32 $0x1680;
	[sflag:s2] =	ssyncadd.s32 $0xFFFFC000  }
0x102: {  	[spmem:s3] =	stream.indirect.scatter.add.f32 [tilespmem:s13], [sflag:$0x5], $0x80, s25, s18, $0xb8;
	[tilespmem:$0x1DC80] =	vst v63  }
0x103: {  	_ =	swait.ge [sflag:s20], $0x4000  }
0x104: {  	[sflag:s20] =	ssyncset.done $0x0  }
0x105: {  	s11 =	simm.s32 $0xF00;
	[sflag:s20] =	ssyncadd.s32 $0xFFFFC000  }
0x106: {  	[tilespmem:s13], [sflag:$0x2] =	stream.indirect.gather [hbm4b:s1+s18], $0x80, s11, s18, $0xb8;
	[tilespmem:$0x1DC80] =	vst v63  }
0x107: {  	_ =	swait.ge [sflag:s24], $0x4000  }
0x108: {  	[sflag:s24] =	ssyncset.done $0x0  }
0x109: {  	s5 =	simm.s32 $0x1700;
	[sflag:s24] =	ssyncadd.s32 $0xFFFFC000  }
0x10a: {  	[spmem:s3] =	stream.indirect.scatter.add.f32 [tilespmem:s19], [sflag:$0x5], $0x80, s5, s18, $0xb8;
	[tilespmem:$0x1DC80] =	vst v63  }
0x10b: {  	_ =	swait.ge [sflag:s20], $0x4000  }
0x10c: {  	[sflag:s20] =	ssyncset.done $0x0  }
0x10d: {  	[sflag:s20] =	ssyncadd.s32 $0xFFFFC000  }
0x10e: {  	_ =	swait.ge [sflag:s2], $0x4000  }
0x10f: {  	[sflag:s2] =	ssyncset.done $0x0  }
0x110: {  	s0 =	simm.s32 $0x1780;
	[sflag:s2] =	ssyncadd.s32 $0xFFFFC000  }
0x111: {  	[spmem:s3] =	stream.indirect.scatter.add.f32 [tilespmem:s13], [sflag:$0x5], $0x80, s0, s18, $0xb8;
	[tilespmem:$0x1DC80] =	vst v63  }
0x112: {  	_ =	swait.ge [sflag:s20], $0x4000  }
0x113: {  	s5 =	rddreg [dreg:$0xe]  }
0x114: {  	s11 =	sadd.s32 s26, s5  }
0x115: {  	[sflag:s20] =	ssyncset.done $0x0;
	s25 =	sshrl.u32 s11, $0x3  }
0x116: {  	[sflag:s20] =	ssyncadd.s32 $0xFFFFC000;
	s26 =	sadd.s32 s29, s25  }
0x117: {  	[tilespmem:s4], [sflag:$0x3] =	stream.linear.gather [hbm4b:s26+s4], $0x80, $0x38;
	[tilespmem:$0x1DC80] =	vst v63  }
0x118: {  	s28 =	sadd.s32 $0x10, s26  }
0x119: {  	[tilespmem:s16], [sflag:$0x3] =	stream.linear.gather [hbm4b:s28+s4], $0x80, $0x38;
	[tilespmem:$0x1DC80] =	vst v63  }
0x11a: {  	s28 =	sadd.s32 $0x20, s26  }
0x11b: {  	[tilespmem:s8], [sflag:$0x3] =	stream.linear.gather [hbm4b:s28+s4], $0x80, $0x38;
	[tilespmem:$0x1DC80] =	vst v63  }
0x11c: {  	s28 =	sadd.s32 $0x30, s26  }
0x11d: {  	[tilespmem:s15], [sflag:$0x3] =	stream.linear.gather [hbm4b:s28+s4], $0x80, $0x38;
	[tilespmem:$0x1DC80] =	vst v63  }
0x11e: {  	s28 =	sadd.s32 $0x40, s26  }
0x11f: {  	[tilespmem:s22], [sflag:$0x3] =	stream.linear.gather [hbm4b:s28+s4], $0x80, $0x38;
	[tilespmem:$0x1DC80] =	vst v63  }
0x120: {  	s28 =	sadd.s32 $0x50, s26  }
0x121: {  	[tilespmem:s6], [sflag:$0x3] =	stream.linear.gather [hbm4b:s28+s4], $0x80, $0x38;
	[tilespmem:$0x1DC80] =	vst v63  }
0x122: {  	s28 =	sadd.s32 $0x60, s26  }
0x123: {  	[tilespmem:s7], [sflag:$0x3] =	stream.linear.gather [hbm4b:s28+s4], $0x80, $0x38;
	[tilespmem:$0x1DC80] =	vst v63  }
0x124: {  	s28 =	sadd.s32 $0x70, s26  }
0x125: {  	[tilespmem:s9], [sflag:$0x3] =	stream.linear.gather [hbm4b:s28+s4], $0x80, $0x38;
	[tilespmem:$0x1DC80] =	vst v63  }
0x126: {  	s28 =	sadd.s32 $0x80, s26  }
0x127: {  	[tilespmem:s10], [sflag:$0x3] =	stream.linear.gather [hbm4b:s28+s4], $0x80, $0x38;
	[tilespmem:$0x1DC80] =	vst v63  }
0x128: {  	s28 =	sadd.s32 $0x90, s26  }
0x129: {  	[tilespmem:s17], [sflag:$0x3] =	stream.linear.gather [hbm4b:s28+s4], $0x80, $0x38;
	[tilespmem:$0x1DC80] =	vst v63  }
0x12a: {  	s28 =	sadd.s32 $0xA0, s26  }
0x12b: {  	[tilespmem:s31], [sflag:$0x3] =	stream.linear.gather [hbm4b:s28+s4], $0x80, $0x38;
	[tilespmem:$0x1DC80] =	vst v63  }
0x12c: {  	s28 =	sadd.s32 $0xB0, s26  }
0x12d: {  	[tilespmem:s14], [sflag:$0x3] =	stream.linear.gather [hbm4b:s28+s4], $0x80, $0x38;
	[tilespmem:$0x1DC80] =	vst v63  }
0x12e: {  	s28 =	sadd.s32 $0xC0, s26  }
0x12f: {  	[tilespmem:s30], [sflag:$0x3] =	stream.linear.gather [hbm4b:s28+s4], $0x80, $0x38;
	[tilespmem:$0x1DC80] =	vst v63  }
0x130: {  	s28 =	sadd.s32 $0xD0, s26  }
0x131: {  	[tilespmem:s21], [sflag:$0x3] =	stream.linear.gather [hbm4b:s28+s4], $0x80, $0x38;
	[tilespmem:$0x1DC80] =	vst v63  }
0x132: {  	s28 =	sadd.s32 $0xE0, s26  }
0x133: {  	[tilespmem:s12], [sflag:$0x3] =	stream.linear.gather [hbm4b:s28+s4], $0x80, $0x38;
	[tilespmem:$0x1DC80] =	vst v63  }
0x134: {  	s26 =	sadd.s32 $0xF0, s26;
	s28 =	smov.u32 s29;
	s29 =	simm.s32 $0xF00  }
0x135: {  	[tilespmem:s29], [sflag:$0x3] =	stream.linear.gather [hbm4b:s26+s4], $0x80, $0x38;
	[tilespmem:$0x1DC80] =	vst v63  }
0x136: {  	s25 =	sadd.s32 s23, s25;
	s23 =	simm.s32 $0x1000  }
0x137: {  	[tilespmem:s23], [sflag:$0x3] =	stream.linear.gather [hbm4b:s25+s4], $0x800, $0x38;
	[tilespmem:$0x1DC80] =	vst v63  }
0x138: {  	s25 =	simm.s32 $0x4  }
0x139: {  	_ =	swait.ge [sflag:s25], $0x800  }
0x13a: {  	[sflag:s25] =	ssyncset.done $0x0  }
0x13b: {  	[sflag:s25] =	ssyncadd.s32 $0xFFFFF800  }
0x13c: {  	_ =	swait.ge [sflag:s25], $0x800  }
0x13d: {  	[sflag:s25] =	ssyncset.done $0x0  }
0x13e: {  	[sflag:s25] =	ssyncadd.s32 $0xFFFFF800  }
0x13f: {  	[tilespmem:s19], [sflag:$0x1] =	stream.indirect.gather [hbm4b:s1+s18], $0x80, s18, s18, $0xb8;
	[tilespmem:$0x1DC80] =	vst v63  }
0x140: {  	s26 =	simm.s32 $0x180  }
0x141: {  	[tilespmem:s13], [sflag:$0x2] =	stream.indirect.gather [hbm4b:s1+s18], $0x80, s26, s18, $0xb8;
	[tilespmem:$0x1DC80] =	vst v63  }
0x142: {  	_ =	swait.ge [sflag:s24], $0x4000  }
0x143: {  	[sflag:s24] =	ssyncset.done $0x0  }
0x144: {  	s12 =	simm.s32 $0x1800;
	[sflag:s24] =	ssyncadd.s32 $0xFFFFC000  }
0x145: {  	[spmem:s3] =	stream.indirect.scatter.add.f32 [tilespmem:s19], [sflag:$0x5], $0x80, s12, s18, $0xb8;
	[tilespmem:$0x1DC80] =	vst v63  }
0x146: {  	_ =	swait.ge [sflag:s20], $0x4000  }
0x147: {  	[sflag:s20] =	ssyncset.done $0x0  }
0x148: {  	s16 =	simm.s32 $0x280;
	[sflag:s20] =	ssyncadd.s32 $0xFFFFC000  }
0x149: {  	[tilespmem:s19], [sflag:$0x1] =	stream.indirect.gather [hbm4b:s1+s18], $0x80, s16, s18, $0xb8;
	[tilespmem:$0x1DC80] =	vst v63  }
0x14a: {  	_ =	swait.ge [sflag:s2], $0x4000  }
0x14b: {  	[sflag:s2] =	ssyncset.done $0x0  }
0x14c: {  	s23 =	simm.s32 $0x1880;
	[sflag:s2] =	ssyncadd.s32 $0xFFFFC000  }
0x14d: {  	[spmem:s3] =	stream.indirect.scatter.add.f32 [tilespmem:s13], [sflag:$0x5], $0x80, s23, s18, $0xb8;
	[tilespmem:$0x1DC80] =	vst v63  }
0x14e: {  	_ =	swait.ge [sflag:s20], $0x4000  }
0x14f: {  	[sflag:s20] =	ssyncset.done $0x0  }
0x150: {  	s25 =	simm.s32 $0x380;
	[sflag:s20] =	ssyncadd.s32 $0xFFFFC000  }
0x151: {  	[tilespmem:s13], [sflag:$0x2] =	stream.indirect.gather [hbm4b:s1+s18], $0x80, s25, s18, $0xb8;
	[tilespmem:$0x1DC80] =	vst v63  }
0x152: {  	_ =	swait.ge [sflag:s24], $0x4000  }
0x153: {  	[sflag:s24] =	ssyncset.done $0x0  }
0x154: {  	s26 =	simm.s32 $0x1900;
	[sflag:s24] =	ssyncadd.s32 $0xFFFFC000  }
0x155: {  	[spmem:s3] =	stream.indirect.scatter.add.f32 [tilespmem:s19], [sflag:$0x5], $0x80, s26, s18, $0xb8;
	[tilespmem:$0x1DC80] =	vst v63  }
0x156: {  	_ =	swait.ge [sflag:s20], $0x4000  }
0x157: {  	[sflag:s20] =	ssyncset.done $0x0  }
0x158: {  	s12 =	simm.s32 $0x480;
	[sflag:s20] =	ssyncadd.s32 $0xFFFFC000  }
0x159: {  	[tilespmem:s19], [sflag:$0x1] =	stream.indirect.gather [hbm4b:s1+s18], $0x80, s12, s18, $0xb8;
	[tilespmem:$0x1DC80] =	vst v63  }
0x15a: {  	_ =	swait.ge [sflag:s2], $0x4000  }
0x15b: {  	[sflag:s2] =	ssyncset.done $0x0  }
0x15c: {  	s16 =	simm.s32 $0x1980;
	[sflag:s2] =	ssyncadd.s32 $0xFFFFC000  }
0x15d: {  	[spmem:s3] =	stream.indirect.scatter.add.f32 [tilespmem:s13], [sflag:$0x5], $0x80, s16, s18, $0xb8;
	[tilespmem:$0x1DC80] =	vst v63  }
0x15e: {  	_ =	swait.ge [sflag:s20], $0x4000  }
0x15f: {  	[sflag:s20] =	ssyncset.done $0x0  }
0x160: {  	s23 =	simm.s32 $0x580;
	[sflag:s20] =	ssyncadd.s32 $0xFFFFC000  }
0x161: {  	[tilespmem:s13], [sflag:$0x2] =	stream.indirect.gather [hbm4b:s1+s18], $0x80, s23, s18, $0xb8;
	[tilespmem:$0x1DC80] =	vst v63  }
0x162: {  	_ =	swait.ge [sflag:s24], $0x4000  }
0x163: {  	[sflag:s24] =	ssyncset.done $0x0  }
0x164: {  	s25 =	simm.s32 $0x1A00;
	[sflag:s24] =	ssyncadd.s32 $0xFFFFC000  }
0x165: {  	[spmem:s3] =	stream.indirect.scatter.add.f32 [tilespmem:s19], [sflag:$0x5], $0x80, s25, s18, $0xb8;
	[tilespmem:$0x1DC80] =	vst v63  }
0x166: {  	_ =	swait.ge [sflag:s20], $0x4000  }
0x167: {  	[sflag:s20] =	ssyncset.done $0x0  }
0x168: {  	s26 =	simm.s32 $0x680;
	[sflag:s20] =	ssyncadd.s32 $0xFFFFC000  }
0x169: {  	[tilespmem:s19], [sflag:$0x1] =	stream.indirect.gather [hbm4b:s1+s18], $0x80, s26, s18, $0xb8;
	[tilespmem:$0x1DC80] =	vst v63  }
0x16a: {  	_ =	swait.ge [sflag:s2], $0x4000  }
0x16b: {  	[sflag:s2] =	ssyncset.done $0x0  }
0x16c: {  	s12 =	simm.s32 $0x1A80;
	[sflag:s2] =	ssyncadd.s32 $0xFFFFC000  }
0x16d: {  	[spmem:s3] =	stream.indirect.scatter.add.f32 [tilespmem:s13], [sflag:$0x5], $0x80, s12, s18, $0xb8;
	[tilespmem:$0x1DC80] =	vst v63  }
0x16e: {  	_ =	swait.ge [sflag:s20], $0x4000  }
0x16f: {  	[sflag:s20] =	ssyncset.done $0x0  }
0x170: {  	s16 =	simm.s32 $0x780;
	[sflag:s20] =	ssyncadd.s32 $0xFFFFC000  }
0x171: {  	[tilespmem:s13], [sflag:$0x2] =	stream.indirect.gather [hbm4b:s1+s18], $0x80, s16, s18, $0xb8;
	[tilespmem:$0x1DC80] =	vst v63  }
0x172: {  	_ =	swait.ge [sflag:s24], $0x4000  }
0x173: {  	[sflag:s24] =	ssyncset.done $0x0  }
0x174: {  	s23 =	simm.s32 $0x1B00;
	[sflag:s24] =	ssyncadd.s32 $0xFFFFC000  }
0x175: {  	[spmem:s3] =	stream.indirect.scatter.add.f32 [tilespmem:s19], [sflag:$0x5], $0x80, s23, s18, $0xb8;
	[tilespmem:$0x1DC80] =	vst v63  }
0x176: {  	_ =	swait.ge [sflag:s20], $0x4000  }
0x177: {  	[sflag:s20] =	ssyncset.done $0x0  }
0x178: {  	s25 =	simm.s32 $0x880;
	[sflag:s20] =	ssyncadd.s32 $0xFFFFC000  }
0x179: {  	[tilespmem:s19], [sflag:$0x1] =	stream.indirect.gather [hbm4b:s1+s18], $0x80, s25, s18, $0xb8;
	[tilespmem:$0x1DC80] =	vst v63  }
0x17a: {  	_ =	swait.ge [sflag:s2], $0x4000  }
0x17b: {  	[sflag:s2] =	ssyncset.done $0x0  }
0x17c: {  	s26 =	simm.s32 $0x1B80;
	[sflag:s2] =	ssyncadd.s32 $0xFFFFC000  }
0x17d: {  	[spmem:s3] =	stream.indirect.scatter.add.f32 [tilespmem:s13], [sflag:$0x5], $0x80, s26, s18, $0xb8;
	[tilespmem:$0x1DC80] =	vst v63  }
0x17e: {  	_ =	swait.ge [sflag:s20], $0x4000  }
0x17f: {  	[sflag:s20] =	ssyncset.done $0x0  }
0x180: {  	s12 =	simm.s32 $0x980;
	[sflag:s20] =	ssyncadd.s32 $0xFFFFC000  }
0x181: {  	[tilespmem:s13], [sflag:$0x2] =	stream.indirect.gather [hbm4b:s1+s18], $0x80, s12, s18, $0xb8;
	[tilespmem:$0x1DC80] =	vst v63  }
0x182: {  	_ =	swait.ge [sflag:s24], $0x4000  }
0x183: {  	[sflag:s24] =	ssyncset.done $0x0  }
0x184: {  	s16 =	simm.s32 $0x1C00;
	[sflag:s24] =	ssyncadd.s32 $0xFFFFC000  }
0x185: {  	[spmem:s3] =	stream.indirect.scatter.add.f32 [tilespmem:s19], [sflag:$0x5], $0x80, s16, s18, $0xb8;
	[tilespmem:$0x1DC80] =	vst v63  }
0x186: {  	_ =	swait.ge [sflag:s20], $0x4000  }
0x187: {  	[sflag:s20] =	ssyncset.done $0x0  }
0x188: {  	s23 =	simm.s32 $0xA80;
	[sflag:s20] =	ssyncadd.s32 $0xFFFFC000  }
0x189: {  	[tilespmem:s19], [sflag:$0x1] =	stream.indirect.gather [hbm4b:s1+s18], $0x80, s23, s18, $0xb8;
	[tilespmem:$0x1DC80] =	vst v63  }
0x18a: {  	_ =	swait.ge [sflag:s2], $0x4000  }
0x18b: {  	[sflag:s2] =	ssyncset.done $0x0  }
0x18c: {  	s25 =	simm.s32 $0x1C80;
	[sflag:s2] =	ssyncadd.s32 $0xFFFFC000  }
0x18d: {  	[spmem:s3] =	stream.indirect.scatter.add.f32 [tilespmem:s13], [sflag:$0x5], $0x80, s25, s18, $0xb8;
	[tilespmem:$0x1DC80] =	vst v63  }
0x18e: {  	_ =	swait.ge [sflag:s20], $0x4000  }
0x18f: {  	[sflag:s20] =	ssyncset.done $0x0  }
0x190: {  	s26 =	simm.s32 $0xB80;
	[sflag:s20] =	ssyncadd.s32 $0xFFFFC000  }
0x191: {  	[tilespmem:s13], [sflag:$0x2] =	stream.indirect.gather [hbm4b:s1+s18], $0x80, s26, s18, $0xb8;
	[tilespmem:$0x1DC80] =	vst v63  }
0x192: {  	_ =	swait.ge [sflag:s24], $0x4000  }
0x193: {  	[sflag:s24] =	ssyncset.done $0x0  }
0x194: {  	s12 =	simm.s32 $0x1D00;
	[sflag:s24] =	ssyncadd.s32 $0xFFFFC000  }
0x195: {  	[spmem:s3] =	stream.indirect.scatter.add.f32 [tilespmem:s19], [sflag:$0x5], $0x80, s12, s18, $0xb8;
	[tilespmem:$0x1DC80] =	vst v63  }
0x196: {  	_ =	swait.ge [sflag:s20], $0x4000  }
0x197: {  	[sflag:s20] =	ssyncset.done $0x0  }
0x198: {  	s16 =	simm.s32 $0xC80;
	[sflag:s20] =	ssyncadd.s32 $0xFFFFC000  }
0x199: {  	[tilespmem:s19], [sflag:$0x1] =	stream.indirect.gather [hbm4b:s1+s18], $0x80, s16, s18, $0xb8;
	[tilespmem:$0x1DC80] =	vst v63  }
0x19a: {  	_ =	swait.ge [sflag:s2], $0x4000  }
0x19b: {  	[sflag:s2] =	ssyncset.done $0x0  }
0x19c: {  	s23 =	simm.s32 $0x1D80;
	[sflag:s2] =	ssyncadd.s32 $0xFFFFC000  }
0x19d: {  	[spmem:s3] =	stream.indirect.scatter.add.f32 [tilespmem:s13], [sflag:$0x5], $0x80, s23, s18, $0xb8;
	[tilespmem:$0x1DC80] =	vst v63  }
0x19e: {  	_ =	swait.ge [sflag:s20], $0x4000  }
0x19f: {  	[sflag:s20] =	ssyncset.done $0x0  }
0x1a0: {  	s25 =	simm.s32 $0xD80;
	[sflag:s20] =	ssyncadd.s32 $0xFFFFC000  }
0x1a1: {  	[tilespmem:s13], [sflag:$0x2] =	stream.indirect.gather [hbm4b:s1+s18], $0x80, s25, s18, $0xb8;
	[tilespmem:$0x1DC80] =	vst v63  }
0x1a2: {  	_ =	swait.ge [sflag:s24], $0x4000  }
0x1a3: {  	[sflag:s24] =	ssyncset.done $0x0  }
0x1a4: {  	s26 =	simm.s32 $0x1E00;
	[sflag:s24] =	ssyncadd.s32 $0xFFFFC000  }
0x1a5: {  	[spmem:s3] =	stream.indirect.scatter.add.f32 [tilespmem:s19], [sflag:$0x5], $0x80, s26, s18, $0xb8;
	[tilespmem:$0x1DC80] =	vst v63  }
0x1a6: {  	_ =	swait.ge [sflag:s20], $0x4000  }
0x1a7: {  	[sflag:s20] =	ssyncset.done $0x0  }
0x1a8: {  	s12 =	simm.s32 $0xE80;
	[sflag:s20] =	ssyncadd.s32 $0xFFFFC000  }
0x1a9: {  	[tilespmem:s19], [sflag:$0x1] =	stream.indirect.gather [hbm4b:s1+s18], $0x80, s12, s18, $0xb8;
	[tilespmem:$0x1DC80] =	vst v63  }
0x1aa: {  	_ =	swait.ge [sflag:s2], $0x4000  }
0x1ab: {  	[sflag:s2] =	ssyncset.done $0x0  }
0x1ac: {  	s16 =	simm.s32 $0x1E80;
	[sflag:s2] =	ssyncadd.s32 $0xFFFFC000  }
0x1ad: {  	[spmem:s3] =	stream.indirect.scatter.add.f32 [tilespmem:s13], [sflag:$0x5], $0x80, s16, s18, $0xb8;
	[tilespmem:$0x1DC80] =	vst v63  }
0x1ae: {  	_ =	swait.ge [sflag:s20], $0x4000  }
0x1af: {  	[sflag:s20] =	ssyncset.done $0x0  }
0x1b0: {  	s23 =	simm.s32 $0xF80;
	[sflag:s20] =	ssyncadd.s32 $0xFFFFC000  }
0x1b1: {  	[tilespmem:s13], [sflag:$0x2] =	stream.indirect.gather [hbm4b:s1+s18], $0x80, s23, s18, $0xb8;
	[tilespmem:$0x1DC80] =	vst v63  }
0x1b2: {  	_ =	swait.ge [sflag:s24], $0x4000  }
0x1b3: {  	[sflag:s24] =	ssyncset.done $0x0  }
0x1b4: {  	p2 =	por p1, p1;
	s25 =	simm.s32 $0x1F00;
	[sflag:s24] =	ssyncadd.s32 $0xFFFFC000  }
0x1b5: {  	[spmem:s3] =	stream.indirect.scatter.add.f32 [tilespmem:s19], [sflag:$0x5], $0x80, s25, s18, $0xb8;
	[tilespmem:$0x1DC80] =	vst v63  }
0x1b6: {  	p1 =	por $0x0, $0x0;
	s0 =	simm.s32 $0x200;
	_ =	swait.ge [sflag:s20], $0x4000  }
0x1b7: {  	s5 =	simm.s32 $0x300;
	s11 =	simm.s32 $0x100;
	[sflag:s20] =	ssyncset.done $0x0  }
0x1b8: {  	s15 =	simm.s32 $0x400;
	s22 =	simm.s32 $0x500;
	[sflag:s20] =	ssyncadd.s32 $0xFFFFC000  }
0x1b9: {  	s6 =	simm.s32 $0x600;
	s7 =	simm.s32 $0x700;
	_ =	swait.ge [sflag:s2], $0x4000  }
0x1ba: {  	s9 =	simm.s32 $0x800;
	s10 =	simm.s32 $0x900;
	[sflag:s2] =	ssyncset.done $0x0  }
.Ltmp1:
0x1bb: {  	s26 =	simm.s32 $0x1F80;
	[sflag:s2] =	ssyncadd.s32 $0xFFFFC000;
	(pc) =	sbr.rel @p2 .LBB2_4-.Ltmp1, $4  }
0x1bc: {  	[spmem:s3] =	stream.indirect.scatter.add.f32 [tilespmem:s13], [sflag:$0x5], $0x80, s26, s18, $0xb8;
	[tilespmem:$0x1DC80] =	vst v63  }
0x1bd: {  	s17 =	simm.s32 $0xA00;
	s31 =	simm.s32 $0xB00;
	_ =	swait.ge [sflag:s20], $0x4000  }
0x1be: {  	s14 =	simm.s32 $0xC00;
	s30 =	simm.s32 $0xD00;
	[sflag:s20] =	ssyncset.done $0x0  }
0x1bf: {  	s21 =	simm.s32 $0xE00;
	s26 =	simm.s32 $0x1000;
	[sflag:s20] =	ssyncadd.s32 $0xFFFFC000  }
0x1c0: {  	s8 =	simm.s32 $0x3  }
0x1c1: {  	_ =	swait.ge [sflag:s8], $0x800  }
0x1c2: {  	[sflag:s8] =	ssyncset.done $0x0  }
0x1c3: {  	[sflag:s8] =	ssyncadd.s32 $0xFFFFF800  }
0x1c4: {  	_ =	swait.ge [sflag:s8], $0x800  }
0x1c5: {  	[sflag:s8] =	ssyncset.done $0x0  }
0x1c6: {  	[sflag:s8] =	ssyncadd.s32 $0xFFFFF800  }
0x1c7: {  	[tilespmem:s19], [sflag:$0x1] =	stream.indirect.gather [hbm4b:s1+s18], $0x80, s4, s18, $0xb8;
	[tilespmem:$0x1DC80] =	vst v63  }
0x1c8: {  	_ = 	snop  }
0x1c9: {  	[tilespmem:s13], [sflag:$0x2] =	stream.indirect.gather [hbm4b:s1+s18], $0x80, s11, s18, $0xb8;
	[tilespmem:$0x1DC80] =	vst v63  }
0x1ca: {  	_ =	swait.ge [sflag:s24], $0x4000  }
0x1cb: {  	[sflag:s24] =	ssyncset.done $0x0  }
0x1cc: {  	s16 =	simm.s32 $0x1000;
	[sflag:s24] =	ssyncadd.s32 $0xFFFFC000  }
0x1cd: {  	[spmem:s3] =	stream.indirect.scatter.add.f32 [tilespmem:s19], [sflag:$0x5], $0x80, s16, s18, $0xb8;
	[tilespmem:$0x1DC80] =	vst v63  }
0x1ce: {  	_ =	swait.ge [sflag:s20], $0x4000  }
0x1cf: {  	[sflag:s20] =	ssyncset.done $0x0  }
0x1d0: {  	[sflag:s20] =	ssyncadd.s32 $0xFFFFC000  }
0x1d1: {  	[tilespmem:s19], [sflag:$0x1] =	stream.indirect.gather [hbm4b:s1+s18], $0x80, s0, s18, $0xb8;
	[tilespmem:$0x1DC80] =	vst v63  }
0x1d2: {  	_ =	swait.ge [sflag:s2], $0x4000  }
0x1d3: {  	[sflag:s2] =	ssyncset.done $0x0  }
0x1d4: {  	s23 =	simm.s32 $0x1080;
	[sflag:s2] =	ssyncadd.s32 $0xFFFFC000  }
0x1d5: {  	[spmem:s3] =	stream.indirect.scatter.add.f32 [tilespmem:s13], [sflag:$0x5], $0x80, s23, s18, $0xb8;
	[tilespmem:$0x1DC80] =	vst v63  }
0x1d6: {  	_ =	swait.ge [sflag:s20], $0x4000  }
0x1d7: {  	[sflag:s20] =	ssyncset.done $0x0  }
0x1d8: {  	[sflag:s20] =	ssyncadd.s32 $0xFFFFC000  }
0x1d9: {  	[tilespmem:s13], [sflag:$0x2] =	stream.indirect.gather [hbm4b:s1+s18], $0x80, s5, s18, $0xb8;
	[tilespmem:$0x1DC80] =	vst v63  }
0x1da: {  	_ =	swait.ge [sflag:s24], $0x4000  }
0x1db: {  	[sflag:s24] =	ssyncset.done $0x0  }
0x1dc: {  	s25 =	simm.s32 $0x1100;
	[sflag:s24] =	ssyncadd.s32 $0xFFFFC000  }
0x1dd: {  	[spmem:s3] =	stream.indirect.scatter.add.f32 [tilespmem:s19], [sflag:$0x5], $0x80, s25, s18, $0xb8;
	[tilespmem:$0x1DC80] =	vst v63  }
0x1de: {  	_ =	swait.ge [sflag:s20], $0x4000  }
0x1df: {  	[sflag:s20] =	ssyncset.done $0x0  }
0x1e0: {  	[sflag:s20] =	ssyncadd.s32 $0xFFFFC000  }
0x1e1: {  	[tilespmem:s19], [sflag:$0x1] =	stream.indirect.gather [hbm4b:s1+s18], $0x80, s15, s18, $0xb8;
	[tilespmem:$0x1DC80] =	vst v63  }
0x1e2: {  	_ =	swait.ge [sflag:s2], $0x4000  }
0x1e3: {  	[sflag:s2] =	ssyncset.done $0x0  }
0x1e4: {  	s26 =	simm.s32 $0x1180;
	[sflag:s2] =	ssyncadd.s32 $0xFFFFC000  }
0x1e5: {  	[spmem:s3] =	stream.indirect.scatter.add.f32 [tilespmem:s13], [sflag:$0x5], $0x80, s26, s18, $0xb8;
	[tilespmem:$0x1DC80] =	vst v63  }
0x1e6: {  	_ =	swait.ge [sflag:s20], $0x4000  }
0x1e7: {  	[sflag:s20] =	ssyncset.done $0x0  }
0x1e8: {  	[sflag:s20] =	ssyncadd.s32 $0xFFFFC000  }
0x1e9: {  	[tilespmem:s13], [sflag:$0x2] =	stream.indirect.gather [hbm4b:s1+s18], $0x80, s22, s18, $0xb8;
	[tilespmem:$0x1DC80] =	vst v63  }
0x1ea: {  	_ =	swait.ge [sflag:s24], $0x4000  }
0x1eb: {  	[sflag:s24] =	ssyncset.done $0x0  }
0x1ec: {  	s0 =	simm.s32 $0x1200;
	[sflag:s24] =	ssyncadd.s32 $0xFFFFC000  }
0x1ed: {  	[spmem:s3] =	stream.indirect.scatter.add.f32 [tilespmem:s19], [sflag:$0x5], $0x80, s0, s18, $0xb8;
	[tilespmem:$0x1DC80] =	vst v63  }
0x1ee: {  	_ =	swait.ge [sflag:s20], $0x4000  }
0x1ef: {  	[sflag:s20] =	ssyncset.done $0x0  }
0x1f0: {  	[sflag:s20] =	ssyncadd.s32 $0xFFFFC000  }
0x1f1: {  	[tilespmem:s19], [sflag:$0x1] =	stream.indirect.gather [hbm4b:s1+s18], $0x80, s6, s18, $0xb8;
	[tilespmem:$0x1DC80] =	vst v63  }
0x1f2: {  	_ =	swait.ge [sflag:s2], $0x4000  }
0x1f3: {  	[sflag:s2] =	ssyncset.done $0x0  }
0x1f4: {  	s5 =	simm.s32 $0x1280;
	[sflag:s2] =	ssyncadd.s32 $0xFFFFC000  }
0x1f5: {  	[spmem:s3] =	stream.indirect.scatter.add.f32 [tilespmem:s13], [sflag:$0x5], $0x80, s5, s18, $0xb8;
	[tilespmem:$0x1DC80] =	vst v63  }
0x1f6: {  	_ =	swait.ge [sflag:s20], $0x4000  }
0x1f7: {  	[sflag:s20] =	ssyncset.done $0x0  }
0x1f8: {  	[sflag:s20] =	ssyncadd.s32 $0xFFFFC000  }
0x1f9: {  	[tilespmem:s13], [sflag:$0x2] =	stream.indirect.gather [hbm4b:s1+s18], $0x80, s7, s18, $0xb8;
	[tilespmem:$0x1DC80] =	vst v63  }
0x1fa: {  	_ =	swait.ge [sflag:s24], $0x4000  }
0x1fb: {  	[sflag:s24] =	ssyncset.done $0x0  }
0x1fc: {  	s8 =	simm.s32 $0x1300;
	[sflag:s24] =	ssyncadd.s32 $0xFFFFC000  }
0x1fd: {  	[spmem:s3] =	stream.indirect.scatter.add.f32 [tilespmem:s19], [sflag:$0x5], $0x80, s8, s18, $0xb8;
	[tilespmem:$0x1DC80] =	vst v63  }
0x1fe: {  	_ =	swait.ge [sflag:s20], $0x4000  }
0x1ff: {  	[sflag:s20] =	ssyncset.done $0x0  }
0x200: {  	[sflag:s20] =	ssyncadd.s32 $0xFFFFC000  }
0x201: {  	[tilespmem:s19], [sflag:$0x1] =	stream.indirect.gather [hbm4b:s1+s18], $0x80, s9, s18, $0xb8;
	[tilespmem:$0x1DC80] =	vst v63  }
0x202: {  	_ =	swait.ge [sflag:s2], $0x4000  }
0x203: {  	[sflag:s2] =	ssyncset.done $0x0  }
0x204: {  	s9 =	simm.s32 $0x1380;
	[sflag:s2] =	ssyncadd.s32 $0xFFFFC000  }
0x205: {  	[spmem:s3] =	stream.indirect.scatter.add.f32 [tilespmem:s13], [sflag:$0x5], $0x80, s9, s18, $0xb8;
	[tilespmem:$0x1DC80] =	vst v63  }
0x206: {  	_ =	swait.ge [sflag:s20], $0x4000  }
0x207: {  	[sflag:s20] =	ssyncset.done $0x0  }
0x208: {  	[sflag:s20] =	ssyncadd.s32 $0xFFFFC000  }
0x209: {  	[tilespmem:s13], [sflag:$0x2] =	stream.indirect.gather [hbm4b:s1+s18], $0x80, s10, s18, $0xb8;
	[tilespmem:$0x1DC80] =	vst v63  }
0x20a: {  	_ =	swait.ge [sflag:s24], $0x4000  }
0x20b: {  	[sflag:s24] =	ssyncset.done $0x0  }
0x20c: {  	s10 =	simm.s32 $0x1400;
	[sflag:s24] =	ssyncadd.s32 $0xFFFFC000  }
0x20d: {  	[spmem:s3] =	stream.indirect.scatter.add.f32 [tilespmem:s19], [sflag:$0x5], $0x80, s10, s18, $0xb8;
	[tilespmem:$0x1DC80] =	vst v63  }
0x20e: {  	_ =	swait.ge [sflag:s20], $0x4000  }
0x20f: {  	[sflag:s20] =	ssyncset.done $0x0  }
0x210: {  	[sflag:s20] =	ssyncadd.s32 $0xFFFFC000  }
0x211: {  	[tilespmem:s19], [sflag:$0x1] =	stream.indirect.gather [hbm4b:s1+s18], $0x80, s17, s18, $0xb8;
	[tilespmem:$0x1DC80] =	vst v63  }
0x212: {  	_ =	swait.ge [sflag:s2], $0x4000  }
0x213: {  	[sflag:s2] =	ssyncset.done $0x0  }
0x214: {  	s11 =	simm.s32 $0x1480;
	[sflag:s2] =	ssyncadd.s32 $0xFFFFC000  }
0x215: {  	[spmem:s3] =	stream.indirect.scatter.add.f32 [tilespmem:s13], [sflag:$0x5], $0x80, s11, s18, $0xb8;
	[tilespmem:$0x1DC80] =	vst v63  }
0x216: {  	_ =	swait.ge [sflag:s20], $0x4000  }
0x217: {  	[sflag:s20] =	ssyncset.done $0x0  }
0x218: {  	[sflag:s20] =	ssyncadd.s32 $0xFFFFC000  }
0x219: {  	[tilespmem:s13], [sflag:$0x2] =	stream.indirect.gather [hbm4b:s1+s18], $0x80, s31, s18, $0xb8;
	[tilespmem:$0x1DC80] =	vst v63  }
0x21a: {  	_ =	swait.ge [sflag:s24], $0x4000  }
0x21b: {  	[sflag:s24] =	ssyncset.done $0x0  }
0x21c: {  	s12 =	simm.s32 $0x1500;
	[sflag:s24] =	ssyncadd.s32 $0xFFFFC000  }
0x21d: {  	[spmem:s3] =	stream.indirect.scatter.add.f32 [tilespmem:s19], [sflag:$0x5], $0x80, s12, s18, $0xb8;
	[tilespmem:$0x1DC80] =	vst v63  }
0x21e: {  	_ =	swait.ge [sflag:s20], $0x4000  }
0x21f: {  	[sflag:s20] =	ssyncset.done $0x0  }
0x220: {  	[sflag:s20] =	ssyncadd.s32 $0xFFFFC000  }
0x221: {  	[tilespmem:s19], [sflag:$0x1] =	stream.indirect.gather [hbm4b:s1+s18], $0x80, s14, s18, $0xb8;
	[tilespmem:$0x1DC80] =	vst v63  }
0x222: {  	_ =	swait.ge [sflag:s2], $0x4000  }
0x223: {  	[sflag:s2] =	ssyncset.done $0x0  }
0x224: {  	s15 =	simm.s32 $0x1580;
	[sflag:s2] =	ssyncadd.s32 $0xFFFFC000  }
0x225: {  	[spmem:s3] =	stream.indirect.scatter.add.f32 [tilespmem:s13], [sflag:$0x5], $0x80, s15, s18, $0xb8;
	[tilespmem:$0x1DC80] =	vst v63  }
0x226: {  	_ =	swait.ge [sflag:s20], $0x4000  }
0x227: {  	[sflag:s20] =	ssyncset.done $0x0  }
0x228: {  	[sflag:s20] =	ssyncadd.s32 $0xFFFFC000  }
0x229: {  	[tilespmem:s13], [sflag:$0x2] =	stream.indirect.gather [hbm4b:s1+s18], $0x80, s30, s18, $0xb8;
	[tilespmem:$0x1DC80] =	vst v63  }
0x22a: {  	_ =	swait.ge [sflag:s24], $0x4000  }
0x22b: {  	[sflag:s24] =	ssyncset.done $0x0  }
0x22c: {  	s16 =	simm.s32 $0x1600;
	[sflag:s24] =	ssyncadd.s32 $0xFFFFC000  }
0x22d: {  	[spmem:s3] =	stream.indirect.scatter.add.f32 [tilespmem:s19], [sflag:$0x5], $0x80, s16, s18, $0xb8;
	[tilespmem:$0x1DC80] =	vst v63  }
0x22e: {  	_ =	swait.ge [sflag:s20], $0x4000  }
0x22f: {  	[sflag:s20] =	ssyncset.done $0x0  }
0x230: {  	[sflag:s20] =	ssyncadd.s32 $0xFFFFC000  }
0x231: {  	[tilespmem:s19], [sflag:$0x1] =	stream.indirect.gather [hbm4b:s1+s18], $0x80, s21, s18, $0xb8;
	[tilespmem:$0x1DC80] =	vst v63  }
0x232: {  	_ =	swait.ge [sflag:s2], $0x4000  }
0x233: {  	[sflag:s2] =	ssyncset.done $0x0  }
0x234: {  	s17 =	simm.s32 $0x1680;
	[sflag:s2] =	ssyncadd.s32 $0xFFFFC000  }
0x235: {  	[spmem:s3] =	stream.indirect.scatter.add.f32 [tilespmem:s13], [sflag:$0x5], $0x80, s17, s18, $0xb8;
	[tilespmem:$0x1DC80] =	vst v63  }
0x236: {  	_ =	swait.ge [sflag:s20], $0x4000  }
0x237: {  	[sflag:s20] =	ssyncset.done $0x0  }
0x238: {  	[sflag:s20] =	ssyncadd.s32 $0xFFFFC000  }
0x239: {  	[tilespmem:s13], [sflag:$0x2] =	stream.indirect.gather [hbm4b:s1+s18], $0x80, s29, s18, $0xb8;
	[tilespmem:$0x1DC80] =	vst v63  }
0x23a: {  	_ =	swait.ge [sflag:s24], $0x4000  }
0x23b: {  	[sflag:s24] =	ssyncset.done $0x0  }
0x23c: {  	s21 =	simm.s32 $0x1700;
	[sflag:s24] =	ssyncadd.s32 $0xFFFFC000  }
0x23d: {  	[spmem:s3] =	stream.indirect.scatter.add.f32 [tilespmem:s19], [sflag:$0x5], $0x80, s21, s18, $0xb8;
	[tilespmem:$0x1DC80] =	vst v63  }
0x23e: {  	_ =	swait.ge [sflag:s20], $0x4000  }
0x23f: {  	[sflag:s20] =	ssyncset.done $0x0  }
0x240: {  	[sflag:s20] =	ssyncadd.s32 $0xFFFFC000  }
0x241: {  	_ =	swait.ge [sflag:s2], $0x4000  }
0x242: {  	[sflag:s2] =	ssyncset.done $0x0  }
0x243: {  	s22 =	simm.s32 $0x1780;
	[sflag:s2] =	ssyncadd.s32 $0xFFFFC000  }
0x244: {  	[spmem:s3] =	stream.indirect.scatter.add.f32 [tilespmem:s13], [sflag:$0x5], $0x80, s22, s18, $0xb8;
	[tilespmem:$0x1DC80] =	vst v63  }
0x245: {  	_ =	swait.ge [sflag:s20], $0x4000  }
0x246: {  	[sflag:s20] =	ssyncset.done $0x0  }
0x247: {  	[sflag:s20] =	ssyncadd.s32 $0xFFFFC000  }
0x248: {  	s16 =	stileid.u32;
	[bflag:$0x0] =	sbarrier.arrive $0xFFFF  }
0x249: {  	s16 =	sshll.u32 s16, $0x6;
	s29 =	rddreg [dreg:$0x5]  }
0x24a: {  	s16 =	sor.u32 $0x1C05, s16;
	s23 =	rddreg [dreg:$0x11];
	s25 =	sshrl.u32 s29, $0x3  }
0x24b: {  	[hbm:s23], [sflag:s16] =	dma.local [spmem:s25], $0x2700  }
0x24c: {  	_ =	swait.ge [sflag:s20], $0x2700  }
0x24d: {  	s14 =	rddreg [dreg:$0xf]  }
0x24e: {  	[sflag:s20] =	ssyncset.done $0x0;
	s26 =	rddreg [dreg:$0xa]  }
0x24f: {  	[sflag:s20] =	ssyncadd.s32 $0xFFFFD900;
	s25 =	sadd.s32 @!p0 $0x27000, s14;
	s26 =	sshrl.u32 @!p0 s26, $0x3  }
0x250: {  	[hbm:s25], [sflag:s16] =	dma.local @!p0 [spmem:s26], $0x100  }
0x251: {  	s16 =	simm.s32 @!p0 $0x5  }
0x252: {  	_ =	swait.ge @!p0 [sflag:s16], $0x100  }
0x253: {  	s25 =	rddreg [dreg:$0x13]  }
0x254: {  	s26 =	rddreg [dreg:$0x10];
	s6 =	sadd.s32 $0x1, s25  }
0x255: {  	s0 =	simm.s32 $0x500;
	s5 =	simm.s32 $0x600;
	p1 =	sne.s32 s6, s26  }
.Ltmp2:
0x256: {  	s7 =	simm.s32 $0x900;
	s8 =	simm.s32 $0x800;
	(pc) =	sbr.rel @p1 .LBB2_1-.Ltmp2, $4  }
0x257: {  	s9 =	simm.s32 $0xA00;
	s10 =	simm.s32 $0xB00;
	s11 =	simm.s32 $0xC00  }
0x258: {  	s31 =	simm.s32 $0xE00;
	s12 =	simm.s32 $0x700;
	s30 =	simm.s32 $0x400  }
0x259: {  	s17 =	simm.s32 $0x200;
	s21 =	simm.s32 $0x300;
	[sflag:s16] =	ssyncset.done @!p0 $0x0  }
0x25a: {  	s22 =	simm.s32 $0xD00;
	s14 =	simm.s32 $0x100;
	[sflag:s16] =	ssyncadd.s32 @!p0 $0xFFFFFF00  }
0x25b: {  	_ =	sfence.sel $0x180000  }
0x25c: {  	[bflag:$0x0] =	sbarrier.arrive $0xFFFF  }
0x25d: {  	_ =	strace $0x90000047  }
0x25e: {  	s0 =	stileid.u32;
	[bflag:$0x2] =	sbarrier.arrive $0xFFFF  }
0x25f: {  	p0 =	sne.s32 s0, $0x0;
	s0 =	rddreg [dreg:$0x4]  }
0x260: {  	s0 =	sadd.s32 @!p0 $0x100000, s0  }
0x261: {  	[sflag:s0] =	ssyncadd.tile.s32 @!p0 $0x1;
	_ =	shalt  }
.Lfunc_end2:
_tile_overlayer_lowered:
.L_overlay_start_2:
0x262: {  	(tag) =	ssettag $0x2  }
0x263: {  	s0 =	rddreg [dreg:$0x0];
	s2 =	stileid.u32  }
0x264: {  	s1 =	rddreg [dreg:$0x1];
	p0 =	sne.s32 s2, $0x0  }
0x265: {  	s3 =	rddreg [dreg:$0x2];
	[bflag:$0x3] =	sbarrier.arrive $0xFFFF;
	s2 =	simm.s32 @!p0 $0x1C05  }
0x266: {  	[timem:s3], [sflag:s2] =	dma.local @!p0 [hbm:s0], s1  }
0x267: {  	s0 =	simm.s32 @!p0 $0x5  }
0x268: {  	_ =	swait.ge @!p0 [sflag:s0], s1  }
0x269: {  	s1 =	ssub.s32 @!p0 $0x0, s1;
	[sflag:s0] =	ssyncset.done @!p0 $0x0  }
0x26a: {  	[sflag:s0] =	ssyncadd.s32 @!p0 s1  }
0x26b: {  	[bflag:$0x3] =	sbarrier.arrive $0xFFFF  }
0x26c: {  	_ =	shalt  }

</sc_bundles>
